<compile_context>
chip_gen: v7x
topology: tpu7x:2x2x1
jax: 0.10.2.dev20260603
libtpu: 0.0.44.dev20260713+nightly
codegen_flags: <defaults>
</compile_context>

<pallas_src>
import functools

import jax
import jax.numpy as jnp
from jax import lax
from jax.experimental import pallas as pl
from jax.experimental.pallas import tpu as pltpu
from jax.experimental.pallas import tpu_sc as plsc

BATCH = 16384
ACTIONS = 16

_info = plsc.get_sparse_core_info()
_NC, _NS, _L = _info.num_cores, _info.num_subcores, _info.num_lanes
_NW = _NC * _NS
_B_PER_W = BATCH // _NW
_NGROUP = _B_PER_W // _L


def _sc_body(x_hbm, tab_hbm, out_hbm, idx_flat, blk0, blk1, blk2, outbuf,
             sem0, sem1, sem2):
    wid = lax.axis_index("s") * _NC + lax.axis_index("c")
    base = wid * _B_PER_W

    pltpu.sync_copy(x_hbm.at[pl.ds(base, _B_PER_W)], idx_flat)

    lane = lax.iota(jnp.int32, _L)

    def fire(g, blocks, sem):
        iv = idx_flat[pl.ds(g * _L, _L)]
        blk = iv >> 7
        for k in range(_L):
            pltpu.async_copy(
                tab_hbm.at[:, pl.ds(blk[k] * 128, 128)],
                blocks.at[:, pl.ds(k * 128, 128)],
                sem,
            )

    def compute(g, blocks, sem):
        pltpu.make_async_copy(
            tab_hbm.at[:, pl.ds(0, _L * 128)], blocks, sem
        ).wait()
        iv = idx_flat[pl.ds(g * _L, _L)]
        col = lane * 128 + (iv & 127)
        vs = [
            plsc.load_gather(blocks, [jnp.full((_L,), j, jnp.int32), col])
            for j in range(ACTIONS)
        ]
        m = vs[0]
        for j in range(1, ACTIONS):
            m = jnp.maximum(m, vs[j])
        es = [jnp.exp(v - m) for v in vs]
        s = es[0]
        for j in range(1, ACTIONS):
            s = s + es[j]
        r = 1.0 / s
        opos = g * _L + lane
        for j in range(ACTIONS):
            plsc.store_scatter(
                outbuf, [jnp.full((_L,), j, jnp.int32), opos], es[j] * r
            )

    bufs = ((blk0, sem0), (blk1, sem1), (blk2, sem2))

    fire(0, blk0, sem0)
    fire(1, blk1, sem1)

    def triple(p, carry):
        g = p * 3
        for q in range(3):
            compute(g + q, *bufs[q])
            fire(g + q + 2, *bufs[(q + 2) % 3])
        return carry

    lax.fori_loop(0, _NGROUP // 3, triple, 0)
    compute(30, blk0, sem0)
    compute(31, blk1, sem1)

    pltpu.sync_copy(outbuf, out_hbm.at[:, pl.ds(base, _B_PER_W)])


@jax.jit
def _run(x, table):
    tab_t = table.T
    mesh = plsc.VectorSubcoreMesh(core_axis_name="c", subcore_axis_name="s")
    kern = functools.partial(
        pl.kernel,
        out_type=jax.ShapeDtypeStruct((ACTIONS, BATCH), jnp.float32),
        mesh=mesh,
        scratch_types=[
            pltpu.VMEM((_B_PER_W,), jnp.int32),
            pltpu.VMEM((ACTIONS, _L * 128), jnp.float32),
            pltpu.VMEM((ACTIONS, _L * 128), jnp.float32),
            pltpu.VMEM((ACTIONS, _L * 128), jnp.float32),
            pltpu.VMEM((ACTIONS, _B_PER_W), jnp.float32),
            pltpu.SemaphoreType.DMA,
            pltpu.SemaphoreType.DMA,
            pltpu.SemaphoreType.DMA,
        ],
        compiler_params=pltpu.CompilerParams(needs_layout_passes=False),
    )(_sc_body)
    out = kern(x.astype(jnp.int32), tab_t)
    return out.T


def kernel(x, table):
    return _run(x, table)

# --- scband reference (transcript-rebuilt; emitter-appended) ---
"""Pipeline reference for scband-table-8160437862442 (READ-ONLY COPY).

The authoritative reference and input builder live on the scoring server;
editing this copy changes nothing except your own understanding.
"""

import jax, jax.numpy as jnp
import numpy as np

STATE_SIZE = 1000000
ACTION_SIZE = 16
BATCH = 16384


def setup_inputs(seed: int = 0) -> dict:
    key = jax.random.key(seed)
    k1, k2 = jax.random.split(key)
    x = jax.random.randint(k1, (BATCH,), 0, STATE_SIZE)
    # The original module initializes the table to zeros (from_pretrained zeros,
    # freeze=False, i.e. a learnable parameter). We materialize a small-random
    # table to represent a trained state and avoid a degenerate all-uniform output.
    table = jax.random.normal(k2, (STATE_SIZE, ACTION_SIZE), dtype=jnp.float32) * 0.01
    return {"x": x, "table": table}


def reference(x, table):
    # action_scores: embedding lookup  policy(x.long())
    scores = jnp.take(table, x, axis=0)  # [B, action_size]
    # softmax over actions -> Categorical probs (we return the probs tensor,
    # which fully parameterizes the Categorical distribution)
    action_probs = jax.nn.softmax(scores, axis=-1)
    return action_probs

if __name__ == "__main__":
    import jax
    _d = setup_inputs()
    print(jax.jit(kernel)(*tuple(_d.values())))

</pallas_src>

<mosaic_0001>
#map = affine_map<(d0, d1) -> (0)>
#map1 = affine_map<(d0, d1) -> (0, 0)>
module attributes {stable_mosaic.version = 14 : i64} {
  func.func @_sc_body(%arg0: i32, %arg1: i32, %arg2: memref<16384xi32, #tpu.memory_space<hbm>>, %arg3: memref<16x1000000xf32, #tpu.memory_space<hbm>>, %arg4: memref<16x16384xf32, #tpu.memory_space<hbm>>, %arg5: memref<512xi32, #tpu.memory_space<vmem>>, %arg6: memref<16x2048xf32, #tpu.memory_space<vmem>>, %arg7: memref<16x2048xf32, #tpu.memory_space<vmem>>, %arg8: memref<16x2048xf32, #tpu.memory_space<vmem>>, %arg9: memref<16x512xf32, #tpu.memory_space<vmem>>, %arg10: memref<!tpu.dma_semaphore, #tpu.memory_space<semaphore_mem>>, %arg11: memref<!tpu.dma_semaphore, #tpu.memory_space<semaphore_mem>>, %arg12: memref<!tpu.dma_semaphore, #tpu.memory_space<semaphore_mem>>) attributes {dimension_semantics = [#tpu.dimension_semantics<core_parallel>, #tpu.dimension_semantics<subcore_parallel>], iteration_bounds = array<i64: 2, 16>, scalar_prefetch = 0 : i64, scratch_operands = 8 : i64, tpu.core_type = #tpu.core_type<sc_vector_subcore>, window_params = [{transform_indices = #map}, {transform_indices = #map1}, {transform_indices = #map1}]} {
    %mul3A = arith.constant 2 : i32
    %mul3A_0 = arith.muli %arg1, %mul3A : i32
    %add3A = arith.addi %mul3A_0, %arg0 : i32
    %mul3A_1 = arith.constant 512 : i32
    %mul3A_2 = arith.muli %add3A, %mul3A_1 : i32
    "tpu.region"() ({
      %run_scoped3A = tpu.sem_alloc : memref<!tpu.dma_semaphore, #tpu.memory_space<semaphore_mem>>
      %dma_start3A_811 = tpu.memref_slice %arg2[%mul3A_2] : memref<16384xi32, #tpu.memory_space<hbm>> -> memref<512xi32, #tpu.memory_space<hbm>>
      %dma_start3A_812 = tpu.memref_slice %arg2[%mul3A_2] : memref<16384xi32, #tpu.memory_space<hbm>> -> memref<512xi32, #tpu.memory_space<hbm>>
      tpu.enqueue_dma source(%dma_start3A_812 : memref<512xi32, #tpu.memory_space<hbm>>) target(%arg5 : memref<512xi32, #tpu.memory_space<vmem>>) target_semaphore(%run_scoped3A : memref<!tpu.dma_semaphore, #tpu.memory_space<semaphore_mem>>)
      %dma_wait3A_813 = tpu.memref_slice %arg2[%mul3A_2] : memref<16384xi32, #tpu.memory_space<hbm>> -> memref<512xi32, #tpu.memory_space<hbm>>
      %dma_wait3A_814 = tpu.memref_slice %arg2[%mul3A_2] : memref<16384xi32, #tpu.memory_space<hbm>> -> memref<512xi32, #tpu.memory_space<hbm>>
      tpu.wait_dma2 semaphore(%run_scoped3A : memref<!tpu.dma_semaphore, #tpu.memory_space<semaphore_mem>>) src(%dma_wait3A_814 : memref<512xi32, #tpu.memory_space<hbm>>) dst(%arg5 : memref<512xi32, #tpu.memory_space<vmem>>)
      tpu.yield
    }) : () -> ()
    %iota3A = tpu.iota {dimensions = array<i32: 0>} : vector<16xi32>
    %get3A = arith.constant 0 : index
    %get3A_3 = tpu.vector_load %arg5[%get3A] {strides = array<i32>} : memref<512xi32, #tpu.memory_space<vmem>>, vector<16xi32>,
    %shift_right_arithmetic3A = arith.constant 7 : i32
    %shift_right_arithmetic3A_4 = vector.broadcast %shift_right_arithmetic3A : i32 to vector<16xi32>
    %shift_right_arithmetic3A_5 = arith.shrsi %get3A_3, %shift_right_arithmetic3A_4 : vector<16xi32>
    %slice3A = vector.extract_strided_slice %shift_right_arithmetic3A_5 {offsets = [0], sizes = [1], strides = [1]} : vector<16xi32> to vector<1xi32>
    %squeeze3A = vector.extract %slice3A[0] : i32 from vector<1xi32>
    %mul3A_6 = arith.constant 128 : i32
    %mul3A_7 = arith.muli %squeeze3A, %mul3A_6 : i32
    %dma_start3A = arith.constant 0 : i32
    %dma_start3A_8 = arith.constant 0 : i32
    %dma_start3A_9 = tpu.memref_slice %arg6[%dma_start3A, %dma_start3A_8] : memref<16x2048xf32, #tpu.memory_space<vmem>> -> memref<16x128xf32, #tpu.memory_space<vmem>>
    %dma_start3A_10 = arith.constant 0 : i32
    %dma_start3A_11 = tpu.memref_slice %arg3[%dma_start3A_10, %mul3A_7] : memref<16x1000000xf32, #tpu.memory_space<hbm>> -> memref<16x128xf32, #tpu.memory_space<hbm>>
    %dma_start3A_12 = arith.constant 0 : i32
    %dma_start3A_13 = arith.constant 0 : i32
    %dma_start3A_14 = tpu.memref_slice %arg6[%dma_start3A_12, %dma_start3A_13] : memref<16x2048xf32, #tpu.memory_space<vmem>> -> memref<16x128xf32, #tpu.memory_space<vmem>>
    %dma_start3A_15 = arith.constant 0 : i32
    %dma_start3A_16 = tpu.memref_slice %arg3[%dma_start3A_15, %mul3A_7] : memref<16x1000000xf32, #tpu.memory_space<hbm>> -> memref<16x128xf32, #tpu.memory_space<hbm>>
    tpu.enqueue_dma source(%dma_start3A_16 : memref<16x128xf32, #tpu.memory_space<hbm>>) target(%dma_start3A_14 : memref<16x128xf32, #tpu.memory_space<vmem>>) target_semaphore(%arg10 : memref<!tpu.dma_semaphore, #tpu.memory_space<semaphore_mem>>)
    %slice3A_17 = vector.extract_strided_slice %shift_right_arithmetic3A_5 {offsets = [1], sizes = [1], strides = [1]} : vector<16xi32> to vector<1xi32>
    %squeeze3A_18 = vector.extract %slice3A_17[0] : i32 from vector<1xi32>
    %mul3A_19 = arith.constant 128 : i32
    %mul3A_20 = arith.muli %squeeze3A_18, %mul3A_19 : i32
    %dma_start3A_21 = arith.constant 0 : i32
    %dma_start3A_22 = arith.constant 128 : i32
    %dma_start3A_23 = tpu.memref_slice %arg6[%dma_start3A_21, %dma_start3A_22] : memref<16x2048xf32, #tpu.memory_space<vmem>> -> memref<16x128xf32, #tpu.memory_space<vmem>>
    %dma_start3A_24 = arith.constant 0 : i32
    %dma_start3A_25 = tpu.memref_slice %arg3[%dma_start3A_24, %mul3A_20] : memref<16x1000000xf32, #tpu.memory_space<hbm>> -> memref<16x128xf32, #tpu.memory_space<hbm>>
    %dma_start3A_26 = arith.constant 0 : i32
    %dma_start3A_27 = arith.constant 128 : i32
    %dma_start3A_28 = tpu.memref_slice %arg6[%dma_start3A_26, %dma_start3A_27] : memref<16x2048xf32, #tpu.memory_space<vmem>> -> memref<16x128xf32, #tpu.memory_space<vmem>>
    %dma_start3A_29 = arith.constant 0 : i32
    %dma_start3A_30 = tpu.memref_slice %arg3[%dma_start3A_29, %mul3A_20] : memref<16x1000000xf32, #tpu.memory_space<hbm>> -> memref<16x128xf32, #tpu.memory_space<hbm>>
    tpu.enqueue_dma source(%dma_start3A_30 : memref<16x128xf32, #tpu.memory_space<hbm>>) target(%dma_start3A_28 : memref<16x128xf32, #tpu.memory_space<vmem>>) target_semaphore(%arg10 : memref<!tpu.dma_semaphore, #tpu.memory_space<semaphore_mem>>)
    %slice3A_31 = vector.extract_strided_slice %shift_right_arithmetic3A_5 {offsets = [2], sizes = [1], strides = [1]} : vector<16xi32> to vector<1xi32>
    %squeeze3A_32 = vector.extract %slice3A_31[0] : i32 from vector<1xi32>
    %mul3A_33 = arith.constant 128 : i32
    %mul3A_34 = arith.muli %squeeze3A_32, %mul3A_33 : i32
    %dma_start3A_35 = arith.constant 0 : i32
    %dma_start3A_36 = arith.constant 256 : i32
    %dma_start3A_37 = tpu.memref_slice %arg6[%dma_start3A_35, %dma_start3A_36] : memref<16x2048xf32, #tpu.memory_space<vmem>> -> memref<16x128xf32, #tpu.memory_space<vmem>>
    %dma_start3A_38 = arith.constant 0 : i32
    %dma_start3A_39 = tpu.memref_slice %arg3[%dma_start3A_38, %mul3A_34] : memref<16x1000000xf32, #tpu.memory_space<hbm>> -> memref<16x128xf32, #tpu.memory_space<hbm>>
    %dma_start3A_40 = arith.constant 0 : i32
    %dma_start3A_41 = arith.constant 256 : i32
    %dma_start3A_42 = tpu.memref_slice %arg6[%dma_start3A_40, %dma_start3A_41] : memref<16x2048xf32, #tpu.memory_space<vmem>> -> memref<16x128xf32, #tpu.memory_space<vmem>>
    %dma_start3A_43 = arith.constant 0 : i32
    %dma_start3A_44 = tpu.memref_slice %arg3[%dma_start3A_43, %mul3A_34] : memref<16x1000000xf32, #tpu.memory_space<hbm>> -> memref<16x128xf32, #tpu.memory_space<hbm>>
    tpu.enqueue_dma source(%dma_start3A_44 : memref<16x128xf32, #tpu.memory_space<hbm>>) target(%dma_start3A_42 : memref<16x128xf32, #tpu.memory_space<vmem>>) target_semaphore(%arg10 : memref<!tpu.dma_semaphore, #tpu.memory_space<semaphore_mem>>)
    %slice3A_45 = vector.extract_strided_slice %shift_right_arithmetic3A_5 {offsets = [3], sizes = [1], strides = [1]} : vector<16xi32> to vector<1xi32>
    %squeeze3A_46 = vector.extract %slice3A_45[0] : i32 from vector<1xi32>
    %mul3A_47 = arith.constant 128 : i32
    %mul3A_48 = arith.muli %squeeze3A_46, %mul3A_47 : i32
    %dma_start3A_49 = arith.constant 0 : i32
    %dma_start3A_50 = arith.constant 384 : i32
    %dma_start3A_51 = tpu.memref_slice %arg6[%dma_start3A_49, %dma_start3A_50] : memref<16x2048xf32, #tpu.memory_space<vmem>> -> memref<16x128xf32, #tpu.memory_space<vmem>>
    %dma_start3A_52 = arith.constant 0 : i32
    %dma_start3A_53 = tpu.memref_slice %arg3[%dma_start3A_52, %mul3A_48] : memref<16x1000000xf32, #tpu.memory_space<hbm>> -> memref<16x128xf32, #tpu.memory_space<hbm>>
    %dma_start3A_54 = arith.constant 0 : i32
    %dma_start3A_55 = arith.constant 384 : i32
    %dma_start3A_56 = tpu.memref_slice %arg6[%dma_start3A_54, %dma_start3A_55] : memref<16x2048xf32, #tpu.memory_space<vmem>> -> memref<16x128xf32, #tpu.memory_space<vmem>>
    %dma_start3A_57 = arith.constant 0 : i32
    %dma_start3A_58 = tpu.memref_slice %arg3[%dma_start3A_57, %mul3A_48] : memref<16x1000000xf32, #tpu.memory_space<hbm>> -> memref<16x128xf32, #tpu.memory_space<hbm>>
    tpu.enqueue_dma source(%dma_start3A_58 : memref<16x128xf32, #tpu.memory_space<hbm>>) target(%dma_start3A_56 : memref<16x128xf32, #tpu.memory_space<vmem>>) target_semaphore(%arg10 : memref<!tpu.dma_semaphore, #tpu.memory_space<semaphore_mem>>)
    %slice3A_59 = vector.extract_strided_slice %shift_right_arithmetic3A_5 {offsets = [4], sizes = [1], strides = [1]} : vector<16xi32> to vector<1xi32>
    %squeeze3A_60 = vector.extract %slice3A_59[0] : i32 from vector<1xi32>
    %mul3A_61 = arith.constant 128 : i32
    %mul3A_62 = arith.muli %squeeze3A_60, %mul3A_61 : i32
    %dma_start3A_63 = arith.constant 0 : i32
    %dma_start3A_64 = arith.constant 512 : i32
    %dma_start3A_65 = tpu.memref_slice %arg6[%dma_start3A_63, %dma_start3A_64] : memref<16x2048xf32, #tpu.memory_space<vmem>> -> memref<16x128xf32, #tpu.memory_space<vmem>>
    %dma_start3A_66 = arith.constant 0 : i32
    %dma_start3A_67 = tpu.memref_slice %arg3[%dma_start3A_66, %mul3A_62] : memref<16x1000000xf32, #tpu.memory_space<hbm>> -> memref<16x128xf32, #tpu.memory_space<hbm>>
    %dma_start3A_68 = arith.constant 0 : i32
    %dma_start3A_69 = arith.constant 512 : i32
    %dma_start3A_70 = tpu.memref_slice %arg6[%dma_start3A_68, %dma_start3A_69] : memref<16x2048xf32, #tpu.memory_space<vmem>> -> memref<16x128xf32, #tpu.memory_space<vmem>>
    %dma_start3A_71 = arith.constant 0 : i32
    %dma_start3A_72 = tpu.memref_slice %arg3[%dma_start3A_71, %mul3A_62] : memref<16x1000000xf32, #tpu.memory_space<hbm>> -> memref<16x128xf32, #tpu.memory_space<hbm>>
    tpu.enqueue_dma source(%dma_start3A_72 : memref<16x128xf32, #tpu.memory_space<hbm>>) target(%dma_start3A_70 : memref<16x128xf32, #tpu.memory_space<vmem>>) target_semaphore(%arg10 : memref<!tpu.dma_semaphore, #tpu.memory_space<semaphore_mem>>)
    %slice3A_73 = vector.extract_strided_slice %shift_right_arithmetic3A_5 {offsets = [5], sizes = [1], strides = [1]} : vector<16xi32> to vector<1xi32>
    %squeeze3A_74 = vector.extract %slice3A_73[0] : i32 from vector<1xi32>
    %mul3A_75 = arith.constant 128 : i32
    %mul3A_76 = arith.muli %squeeze3A_74, %mul3A_75 : i32
    %dma_start3A_77 = arith.constant 0 : i32
    %dma_start3A_78 = arith.constant 640 : i32
    %dma_start3A_79 = tpu.memref_slice %arg6[%dma_start3A_77, %dma_start3A_78] : memref<16x2048xf32, #tpu.memory_space<vmem>> -> memref<16x128xf32, #tpu.memory_space<vmem>>
    %dma_start3A_80 = arith.constant 0 : i32
    %dma_start3A_81 = tpu.memref_slice %arg3[%dma_start3A_80, %mul3A_76] : memref<16x1000000xf32, #tpu.memory_space<hbm>> -> memref<16x128xf32, #tpu.memory_space<hbm>>
    %dma_start3A_82 = arith.constant 0 : i32
    %dma_start3A_83 = arith.constant 640 : i32
    %dma_start3A_84 = tpu.memref_slice %arg6[%dma_start3A_82, %dma_start3A_83] : memref<16x2048xf32, #tpu.memory_space<vmem>> -> memref<16x128xf32, #tpu.memory_space<vmem>>
    %dma_start3A_85 = arith.constant 0 : i32
    %dma_start3A_86 = tpu.memref_slice %arg3[%dma_start3A_85, %mul3A_76] : memref<16x1000000xf32, #tpu.memory_space<hbm>> -> memref<16x128xf32, #tpu.memory_space<hbm>>
    tpu.enqueue_dma source(%dma_start3A_86 : memref<16x128xf32, #tpu.memory_space<hbm>>) target(%dma_start3A_84 : memref<16x128xf32, #tpu.memory_space<vmem>>) target_semaphore(%arg10 : memref<!tpu.dma_semaphore, #tpu.memory_space<semaphore_mem>>)
    %slice3A_87 = vector.extract_strided_slice %shift_right_arithmetic3A_5 {offsets = [6], sizes = [1], strides = [1]} : vector<16xi32> to vector<1xi32>
    %squeeze3A_88 = vector.extract %slice3A_87[0] : i32 from vector<1xi32>
    %mul3A_89 = arith.constant 128 : i32
    %mul3A_90 = arith.muli %squeeze3A_88, %mul3A_89 : i32
    %dma_start3A_91 = arith.constant 0 : i32
    %dma_start3A_92 = arith.constant 768 : i32
    %dma_start3A_93 = tpu.memref_slice %arg6[%dma_start3A_91, %dma_start3A_92] : memref<16x2048xf32, #tpu.memory_space<vmem>> -> memref<16x128xf32, #tpu.memory_space<vmem>>
    %dma_start3A_94 = arith.constant 0 : i32
    %dma_start3A_95 = tpu.memref_slice %arg3[%dma_start3A_94, %mul3A_90] : memref<16x1000000xf32, #tpu.memory_space<hbm>> -> memref<16x128xf32, #tpu.memory_space<hbm>>
    %dma_start3A_96 = arith.constant 0 : i32
    %dma_start3A_97 = arith.constant 768 : i32
    %dma_start3A_98 = tpu.memref_slice %arg6[%dma_start3A_96, %dma_start3A_97] : memref<16x2048xf32, #tpu.memory_space<vmem>> -> memref<16x128xf32, #tpu.memory_space<vmem>>
    %dma_start3A_99 = arith.constant 0 : i32
    %dma_start3A_100 = tpu.memref_slice %arg3[%dma_start3A_99, %mul3A_90] : memref<16x1000000xf32, #tpu.memory_space<hbm>> -> memref<16x128xf32, #tpu.memory_space<hbm>>
    tpu.enqueue_dma source(%dma_start3A_100 : memref<16x128xf32, #tpu.memory_space<hbm>>) target(%dma_start3A_98 : memref<16x128xf32, #tpu.memory_space<vmem>>) target_semaphore(%arg10 : memref<!tpu.dma_semaphore, #tpu.memory_space<semaphore_mem>>)
    %slice3A_101 = vector.extract_strided_slice %shift_right_arithmetic3A_5 {offsets = [7], sizes = [1], strides = [1]} : vector<16xi32> to vector<1xi32>
    %squeeze3A_102 = vector.extract %slice3A_101[0] : i32 from vector<1xi32>
    %mul3A_103 = arith.constant 128 : i32
    %mul3A_104 = arith.muli %squeeze3A_102, %mul3A_103 : i32
    %dma_start3A_105 = arith.constant 0 : i32
    %dma_start3A_106 = arith.constant 896 : i32
    %dma_start3A_107 = tpu.memref_slice %arg6[%dma_start3A_105, %dma_start3A_106] : memref<16x2048xf32, #tpu.memory_space<vmem>> -> memref<16x128xf32, #tpu.memory_space<vmem>>
    %dma_start3A_108 = arith.constant 0 : i32
    %dma_start3A_109 = tpu.memref_slice %arg3[%dma_start3A_108, %mul3A_104] : memref<16x1000000xf32, #tpu.memory_space<hbm>> -> memref<16x128xf32, #tpu.memory_space<hbm>>
    %dma_start3A_110 = arith.constant 0 : i32
    %dma_start3A_111 = arith.constant 896 : i32
    %dma_start3A_112 = tpu.memref_slice %arg6[%dma_start3A_110, %dma_start3A_111] : memref<16x2048xf32, #tpu.memory_space<vmem>> -> memref<16x128xf32, #tpu.memory_space<vmem>>
    %dma_start3A_113 = arith.constant 0 : i32
    %dma_start3A_114 = tpu.memref_slice %arg3[%dma_start3A_113, %mul3A_104] : memref<16x1000000xf32, #tpu.memory_space<hbm>> -> memref<16x128xf32, #tpu.memory_space<hbm>>
    tpu.enqueue_dma source(%dma_start3A_114 : memref<16x128xf32, #tpu.memory_space<hbm>>) target(%dma_start3A_112 : memref<16x128xf32, #tpu.memory_space<vmem>>) target_semaphore(%arg10 : memref<!tpu.dma_semaphore, #tpu.memory_space<semaphore_mem>>)
    %slice3A_115 = vector.extract_strided_slice %shift_right_arithmetic3A_5 {offsets = [8], sizes = [1], strides = [1]} : vector<16xi32> to vector<1xi32>
    %squeeze3A_116 = vector.extract %slice3A_115[0] : i32 from vector<1xi32>
    %mul3A_117 = arith.constant 128 : i32
    %mul3A_118 = arith.muli %squeeze3A_116, %mul3A_117 : i32
    %dma_start3A_119 = arith.constant 0 : i32
    %dma_start3A_120 = arith.constant 1024 : i32
    %dma_start3A_121 = tpu.memref_slice %arg6[%dma_start3A_119, %dma_start3A_120] : memref<16x2048xf32, #tpu.memory_space<vmem>> -> memref<16x128xf32, #tpu.memory_space<vmem>>
    %dma_start3A_122 = arith.constant 0 : i32
    %dma_start3A_123 = tpu.memref_slice %arg3[%dma_start3A_122, %mul3A_118] : memref<16x1000000xf32, #tpu.memory_space<hbm>> -> memref<16x128xf32, #tpu.memory_space<hbm>>
    %dma_start3A_124 = arith.constant 0 : i32
    %dma_start3A_125 = arith.constant 1024 : i32
    %dma_start3A_126 = tpu.memref_slice %arg6[%dma_start3A_124, %dma_start3A_125] : memref<16x2048xf32, #tpu.memory_space<vmem>> -> memref<16x128xf32, #tpu.memory_space<vmem>>
    %dma_start3A_127 = arith.constant 0 : i32
    %dma_start3A_128 = tpu.memref_slice %arg3[%dma_start3A_127, %mul3A_118] : memref<16x1000000xf32, #tpu.memory_space<hbm>> -> memref<16x128xf32, #tpu.memory_space<hbm>>
    tpu.enqueue_dma source(%dma_start3A_128 : memref<16x128xf32, #tpu.memory_space<hbm>>) target(%dma_start3A_126 : memref<16x128xf32, #tpu.memory_space<vmem>>) target_semaphore(%arg10 : memref<!tpu.dma_semaphore, #tpu.memory_space<semaphore_mem>>)
    %slice3A_129 = vector.extract_strided_slice %shift_right_arithmetic3A_5 {offsets = [9], sizes = [1], strides = [1]} : vector<16xi32> to vector<1xi32>
    %squeeze3A_130 = vector.extract %slice3A_129[0] : i32 from vector<1xi32>
    %mul3A_131 = arith.constant 128 : i32
    %mul3A_132 = arith.muli %squeeze3A_130, %mul3A_131 : i32
    %dma_start3A_133 = arith.constant 0 : i32
    %dma_start3A_134 = arith.constant 1152 : i32
    %dma_start3A_135 = tpu.memref_slice %arg6[%dma_start3A_133, %dma_start3A_134] : memref<16x2048xf32, #tpu.memory_space<vmem>> -> memref<16x128xf32, #tpu.memory_space<vmem>>
    %dma_start3A_136 = arith.constant 0 : i32
    %dma_start3A_137 = tpu.memref_slice %arg3[%dma_start3A_136, %mul3A_132] : memref<16x1000000xf32, #tpu.memory_space<hbm>> -> memref<16x128xf32, #tpu.memory_space<hbm>>
    %dma_start3A_138 = arith.constant 0 : i32
    %dma_start3A_139 = arith.constant 1152 : i32
    %dma_start3A_140 = tpu.memref_slice %arg6[%dma_start3A_138, %dma_start3A_139] : memref<16x2048xf32, #tpu.memory_space<vmem>> -> memref<16x128xf32, #tpu.memory_space<vmem>>
    %dma_start3A_141 = arith.constant 0 : i32
    %dma_start3A_142 = tpu.memref_slice %arg3[%dma_start3A_141, %mul3A_132] : memref<16x1000000xf32, #tpu.memory_space<hbm>> -> memref<16x128xf32, #tpu.memory_space<hbm>>
    tpu.enqueue_dma source(%dma_start3A_142 : memref<16x128xf32, #tpu.memory_space<hbm>>) target(%dma_start3A_140 : memref<16x128xf32, #tpu.memory_space<vmem>>) target_semaphore(%arg10 : memref<!tpu.dma_semaphore, #tpu.memory_space<semaphore_mem>>)
    %slice3A_143 = vector.extract_strided_slice %shift_right_arithmetic3A_5 {offsets = [10], sizes = [1], strides = [1]} : vector<16xi32> to vector<1xi32>
    %squeeze3A_144 = vector.extract %slice3A_143[0] : i32 from vector<1xi32>
    %mul3A_145 = arith.constant 128 : i32
    %mul3A_146 = arith.muli %squeeze3A_144, %mul3A_145 : i32
    %dma_start3A_147 = arith.constant 0 : i32
    %dma_start3A_148 = arith.constant 1280 : i32
    %dma_start3A_149 = tpu.memref_slice %arg6[%dma_start3A_147, %dma_start3A_148] : memref<16x2048xf32, #tpu.memory_space<vmem>> -> memref<16x128xf32, #tpu.memory_space<vmem>>
    %dma_start3A_150 = arith.constant 0 : i32
    %dma_start3A_151 = tpu.memref_slice %arg3[%dma_start3A_150, %mul3A_146] : memref<16x1000000xf32, #tpu.memory_space<hbm>> -> memref<16x128xf32, #tpu.memory_space<hbm>>
    %dma_start3A_152 = arith.constant 0 : i32
    %dma_start3A_153 = arith.constant 1280 : i32
    %dma_start3A_154 = tpu.memref_slice %arg6[%dma_start3A_152, %dma_start3A_153] : memref<16x2048xf32, #tpu.memory_space<vmem>> -> memref<16x128xf32, #tpu.memory_space<vmem>>
    %dma_start3A_155 = arith.constant 0 : i32
    %dma_start3A_156 = tpu.memref_slice %arg3[%dma_start3A_155, %mul3A_146] : memref<16x1000000xf32, #tpu.memory_space<hbm>> -> memref<16x128xf32, #tpu.memory_space<hbm>>
    tpu.enqueue_dma source(%dma_start3A_156 : memref<16x128xf32, #tpu.memory_space<hbm>>) target(%dma_start3A_154 : memref<16x128xf32, #tpu.memory_space<vmem>>) target_semaphore(%arg10 : memref<!tpu.dma_semaphore, #tpu.memory_space<semaphore_mem>>)
    %slice3A_157 = vector.extract_strided_slice %shift_right_arithmetic3A_5 {offsets = [11], sizes = [1], strides = [1]} : vector<16xi32> to vector<1xi32>
    %squeeze3A_158 = vector.extract %slice3A_157[0] : i32 from vector<1xi32>
    %mul3A_159 = arith.constant 128 : i32
    %mul3A_160 = arith.muli %squeeze3A_158, %mul3A_159 : i32
    %dma_start3A_161 = arith.constant 0 : i32
    %dma_start3A_162 = arith.constant 1408 : i32
    %dma_start3A_163 = tpu.memref_slice %arg6[%dma_start3A_161, %dma_start3A_162] : memref<16x2048xf32, #tpu.memory_space<vmem>> -> memref<16x128xf32, #tpu.memory_space<vmem>>
    %dma_start3A_164 = arith.constant 0 : i32
    %dma_start3A_165 = tpu.memref_slice %arg3[%dma_start3A_164, %mul3A_160] : memref<16x1000000xf32, #tpu.memory_space<hbm>> -> memref<16x128xf32, #tpu.memory_space<hbm>>
    %dma_start3A_166 = arith.constant 0 : i32
    %dma_start3A_167 = arith.constant 1408 : i32
    %dma_start3A_168 = tpu.memref_slice %arg6[%dma_start3A_166, %dma_start3A_167] : memref<16x2048xf32, #tpu.memory_space<vmem>> -> memref<16x128xf32, #tpu.memory_space<vmem>>
    %dma_start3A_169 = arith.constant 0 : i32
    %dma_start3A_170 = tpu.memref_slice %arg3[%dma_start3A_169, %mul3A_160] : memref<16x1000000xf32, #tpu.memory_space<hbm>> -> memref<16x128xf32, #tpu.memory_space<hbm>>
    tpu.enqueue_dma source(%dma_start3A_170 : memref<16x128xf32, #tpu.memory_space<hbm>>) target(%dma_start3A_168 : memref<16x128xf32, #tpu.memory_space<vmem>>) target_semaphore(%arg10 : memref<!tpu.dma_semaphore, #tpu.memory_space<semaphore_mem>>)
    %slice3A_171 = vector.extract_strided_slice %shift_right_arithmetic3A_5 {offsets = [12], sizes = [1], strides = [1]} : vector<16xi32> to vector<1xi32>
    %squeeze3A_172 = vector.extract %slice3A_171[0] : i32 from vector<1xi32>
    %mul3A_173 = arith.constant 128 : i32
    %mul3A_174 = arith.muli %squeeze3A_172, %mul3A_173 : i32
    %dma_start3A_175 = arith.constant 0 : i32
    %dma_start3A_176 = arith.constant 1536 : i32
    %dma_start3A_177 = tpu.memref_slice %arg6[%dma_start3A_175, %dma_start3A_176] : memref<16x2048xf32, #tpu.memory_space<vmem>> -> memref<16x128xf32, #tpu.memory_space<vmem>>
    %dma_start3A_178 = arith.constant 0 : i32
    %dma_start3A_179 = tpu.memref_slice %arg3[%dma_start3A_178, %mul3A_174] : memref<16x1000000xf32, #tpu.memory_space<hbm>> -> memref<16x128xf32, #tpu.memory_space<hbm>>
    %dma_start3A_180 = arith.constant 0 : i32
    %dma_start3A_181 = arith.constant 1536 : i32
    %dma_start3A_182 = tpu.memref_slice %arg6[%dma_start3A_180, %dma_start3A_181] : memref<16x2048xf32, #tpu.memory_space<vmem>> -> memref<16x128xf32, #tpu.memory_space<vmem>>
    %dma_start3A_183 = arith.constant 0 : i32
    %dma_start3A_184 = tpu.memref_slice %arg3[%dma_start3A_183, %mul3A_174] : memref<16x1000000xf32, #tpu.memory_space<hbm>> -> memref<16x128xf32, #tpu.memory_space<hbm>>
    tpu.enqueue_dma source(%dma_start3A_184 : memref<16x128xf32, #tpu.memory_space<hbm>>) target(%dma_start3A_182 : memref<16x128xf32, #tpu.memory_space<vmem>>) target_semaphore(%arg10 : memref<!tpu.dma_semaphore, #tpu.memory_space<semaphore_mem>>)
    %slice3A_185 = vector.extract_strided_slice %shift_right_arithmetic3A_5 {offsets = [13], sizes = [1], strides = [1]} : vector<16xi32> to vector<1xi32>
    %squeeze3A_186 = vector.extract %slice3A_185[0] : i32 from vector<1xi32>
    %mul3A_187 = arith.constant 128 : i32
    %mul3A_188 = arith.muli %squeeze3A_186, %mul3A_187 : i32
    %dma_start3A_189 = arith.constant 0 : i32
    %dma_start3A_190 = arith.constant 1664 : i32
    %dma_start3A_191 = tpu.memref_slice %arg6[%dma_start3A_189, %dma_start3A_190] : memref<16x2048xf32, #tpu.memory_space<vmem>> -> memref<16x128xf32, #tpu.memory_space<vmem>>
    %dma_start3A_192 = arith.constant 0 : i32
    %dma_start3A_193 = tpu.memref_slice %arg3[%dma_start3A_192, %mul3A_188] : memref<16x1000000xf32, #tpu.memory_space<hbm>> -> memref<16x128xf32, #tpu.memory_space<hbm>>
    %dma_start3A_194 = arith.constant 0 : i32
    %dma_start3A_195 = arith.constant 1664 : i32
    %dma_start3A_196 = tpu.memref_slice %arg6[%dma_start3A_194, %dma_start3A_195] : memref<16x2048xf32, #tpu.memory_space<vmem>> -> memref<16x128xf32, #tpu.memory_space<vmem>>
    %dma_start3A_197 = arith.constant 0 : i32
    %dma_start3A_198 = tpu.memref_slice %arg3[%dma_start3A_197, %mul3A_188] : memref<16x1000000xf32, #tpu.memory_space<hbm>> -> memref<16x128xf32, #tpu.memory_space<hbm>>
    tpu.enqueue_dma source(%dma_start3A_198 : memref<16x128xf32, #tpu.memory_space<hbm>>) target(%dma_start3A_196 : memref<16x128xf32, #tpu.memory_space<vmem>>) target_semaphore(%arg10 : memref<!tpu.dma_semaphore, #tpu.memory_space<semaphore_mem>>)
    %slice3A_199 = vector.extract_strided_slice %shift_right_arithmetic3A_5 {offsets = [14], sizes = [1], strides = [1]} : vector<16xi32> to vector<1xi32>
    %squeeze3A_200 = vector.extract %slice3A_199[0] : i32 from vector<1xi32>
    %mul3A_201 = arith.constant 128 : i32
    %mul3A_202 = arith.muli %squeeze3A_200, %mul3A_201 : i32
    %dma_start3A_203 = arith.constant 0 : i32
    %dma_start3A_204 = arith.constant 1792 : i32
    %dma_start3A_205 = tpu.memref_slice %arg6[%dma_start3A_203, %dma_start3A_204] : memref<16x2048xf32, #tpu.memory_space<vmem>> -> memref<16x128xf32, #tpu.memory_space<vmem>>
    %dma_start3A_206 = arith.constant 0 : i32
    %dma_start3A_207 = tpu.memref_slice %arg3[%dma_start3A_206, %mul3A_202] : memref<16x1000000xf32, #tpu.memory_space<hbm>> -> memref<16x128xf32, #tpu.memory_space<hbm>>
    %dma_start3A_208 = arith.constant 0 : i32
    %dma_start3A_209 = arith.constant 1792 : i32
    %dma_start3A_210 = tpu.memref_slice %arg6[%dma_start3A_208, %dma_start3A_209] : memref<16x2048xf32, #tpu.memory_space<vmem>> -> memref<16x128xf32, #tpu.memory_space<vmem>>
    %dma_start3A_211 = arith.constant 0 : i32
    %dma_start3A_212 = tpu.memref_slice %arg3[%dma_start3A_211, %mul3A_202] : memref<16x1000000xf32, #tpu.memory_space<hbm>> -> memref<16x128xf32, #tpu.memory_space<hbm>>
    tpu.enqueue_dma source(%dma_start3A_212 : memref<16x128xf32, #tpu.memory_space<hbm>>) target(%dma_start3A_210 : memref<16x128xf32, #tpu.memory_space<vmem>>) target_semaphore(%arg10 : memref<!tpu.dma_semaphore, #tpu.memory_space<semaphore_mem>>)
    %slice3A_213 = vector.extract_strided_slice %shift_right_arithmetic3A_5 {offsets = [15], sizes = [1], strides = [1]} : vector<16xi32> to vector<1xi32>
    %squeeze3A_214 = vector.extract %slice3A_213[0] : i32 from vector<1xi32>
    %mul3A_215 = arith.constant 128 : i32
    %mul3A_216 = arith.muli %squeeze3A_214, %mul3A_215 : i32
    %dma_start3A_217 = arith.constant 0 : i32
    %dma_start3A_218 = arith.constant 1920 : i32
    %dma_start3A_219 = tpu.memref_slice %arg6[%dma_start3A_217, %dma_start3A_218] : memref<16x2048xf32, #tpu.memory_space<vmem>> -> memref<16x128xf32, #tpu.memory_space<vmem>>
    %dma_start3A_220 = arith.constant 0 : i32
    %dma_start3A_221 = tpu.memref_slice %arg3[%dma_start3A_220, %mul3A_216] : memref<16x1000000xf32, #tpu.memory_space<hbm>> -> memref<16x128xf32, #tpu.memory_space<hbm>>
    %dma_start3A_222 = arith.constant 0 : i32
    %dma_start3A_223 = arith.constant 1920 : i32
    %dma_start3A_224 = tpu.memref_slice %arg6[%dma_start3A_222, %dma_start3A_223] : memref<16x2048xf32, #tpu.memory_space<vmem>> -> memref<16x128xf32, #tpu.memory_space<vmem>>
    %dma_start3A_225 = arith.constant 0 : i32
    %dma_start3A_226 = tpu.memref_slice %arg3[%dma_start3A_225, %mul3A_216] : memref<16x1000000xf32, #tpu.memory_space<hbm>> -> memref<16x128xf32, #tpu.memory_space<hbm>>
    tpu.enqueue_dma source(%dma_start3A_226 : memref<16x128xf32, #tpu.memory_space<hbm>>) target(%dma_start3A_224 : memref<16x128xf32, #tpu.memory_space<vmem>>) target_semaphore(%arg10 : memref<!tpu.dma_semaphore, #tpu.memory_space<semaphore_mem>>)
    %get3A_227 = arith.constant 16 : index
    %get3A_228 = tpu.vector_load %arg5[%get3A_227] {strides = array<i32>} : memref<512xi32, #tpu.memory_space<vmem>>, vector<16xi32>,
    %shift_right_arithmetic3A_229 = arith.constant 7 : i32
    %shift_right_arithmetic3A_230 = vector.broadcast %shift_right_arithmetic3A_229 : i32 to vector<16xi32>
    %shift_right_arithmetic3A_231 = arith.shrsi %get3A_228, %shift_right_arithmetic3A_230 : vector<16xi32>
    %slice3A_232 = vector.extract_strided_slice %shift_right_arithmetic3A_231 {offsets = [0], sizes = [1], strides = [1]} : vector<16xi32> to vector<1xi32>
    %squeeze3A_233 = vector.extract %slice3A_232[0] : i32 from vector<1xi32>
    %mul3A_234 = arith.constant 128 : i32
    %mul3A_235 = arith.muli %squeeze3A_233, %mul3A_234 : i32
    %dma_start3A_236 = arith.constant 0 : i32
    %dma_start3A_237 = arith.constant 0 : i32
    %dma_start3A_238 = tpu.memref_slice %arg7[%dma_start3A_236, %dma_start3A_237] : memref<16x2048xf32, #tpu.memory_space<vmem>> -> memref<16x128xf32, #tpu.memory_space<vmem>>
    %dma_start3A_239 = arith.constant 0 : i32
    %dma_start3A_240 = tpu.memref_slice %arg3[%dma_start3A_239, %mul3A_235] : memref<16x1000000xf32, #tpu.memory_space<hbm>> -> memref<16x128xf32, #tpu.memory_space<hbm>>
    %dma_start3A_241 = arith.constant 0 : i32
    %dma_start3A_242 = arith.constant 0 : i32
    %dma_start3A_243 = tpu.memref_slice %arg7[%dma_start3A_241, %dma_start3A_242] : memref<16x2048xf32, #tpu.memory_space<vmem>> -> memref<16x128xf32, #tpu.memory_space<vmem>>
    %dma_start3A_244 = arith.constant 0 : i32
    %dma_start3A_245 = tpu.memref_slice %arg3[%dma_start3A_244, %mul3A_235] : memref<16x1000000xf32, #tpu.memory_space<hbm>> -> memref<16x128xf32, #tpu.memory_space<hbm>>
    tpu.enqueue_dma source(%dma_start3A_245 : memref<16x128xf32, #tpu.memory_space<hbm>>) target(%dma_start3A_243 : memref<16x128xf32, #tpu.memory_space<vmem>>) target_semaphore(%arg11 : memref<!tpu.dma_semaphore, #tpu.memory_space<semaphore_mem>>)
    %slice3A_246 = vector.extract_strided_slice %shift_right_arithmetic3A_231 {offsets = [1], sizes = [1], strides = [1]} : vector<16xi32> to vector<1xi32>
    %squeeze3A_247 = vector.extract %slice3A_246[0] : i32 from vector<1xi32>
    %mul3A_248 = arith.constant 128 : i32
    %mul3A_249 = arith.muli %squeeze3A_247, %mul3A_248 : i32
    %dma_start3A_250 = arith.constant 0 : i32
    %dma_start3A_251 = arith.constant 128 : i32
    %dma_start3A_252 = tpu.memref_slice %arg7[%dma_start3A_250, %dma_start3A_251] : memref<16x2048xf32, #tpu.memory_space<vmem>> -> memref<16x128xf32, #tpu.memory_space<vmem>>
    %dma_start3A_253 = arith.constant 0 : i32
    %dma_start3A_254 = tpu.memref_slice %arg3[%dma_start3A_253, %mul3A_249] : memref<16x1000000xf32, #tpu.memory_space<hbm>> -> memref<16x128xf32, #tpu.memory_space<hbm>>
    %dma_start3A_255 = arith.constant 0 : i32
    %dma_start3A_256 = arith.constant 128 : i32
    %dma_start3A_257 = tpu.memref_slice %arg7[%dma_start3A_255, %dma_start3A_256] : memref<16x2048xf32, #tpu.memory_space<vmem>> -> memref<16x128xf32, #tpu.memory_space<vmem>>
    %dma_start3A_258 = arith.constant 0 : i32
    %dma_start3A_259 = tpu.memref_slice %arg3[%dma_start3A_258, %mul3A_249] : memref<16x1000000xf32, #tpu.memory_space<hbm>> -> memref<16x128xf32, #tpu.memory_space<hbm>>
    tpu.enqueue_dma source(%dma_start3A_259 : memref<16x128xf32, #tpu.memory_space<hbm>>) target(%dma_start3A_257 : memref<16x128xf32, #tpu.memory_space<vmem>>) target_semaphore(%arg11 : memref<!tpu.dma_semaphore, #tpu.memory_space<semaphore_mem>>)
    %slice3A_260 = vector.extract_strided_slice %shift_right_arithmetic3A_231 {offsets = [2], sizes = [1], strides = [1]} : vector<16xi32> to vector<1xi32>
    %squeeze3A_261 = vector.extract %slice3A_260[0] : i32 from vector<1xi32>
    %mul3A_262 = arith.constant 128 : i32
    %mul3A_263 = arith.muli %squeeze3A_261, %mul3A_262 : i32
    %dma_start3A_264 = arith.constant 0 : i32
    %dma_start3A_265 = arith.constant 256 : i32
    %dma_start3A_266 = tpu.memref_slice %arg7[%dma_start3A_264, %dma_start3A_265] : memref<16x2048xf32, #tpu.memory_space<vmem>> -> memref<16x128xf32, #tpu.memory_space<vmem>>
    %dma_start3A_267 = arith.constant 0 : i32
    %dma_start3A_268 = tpu.memref_slice %arg3[%dma_start3A_267, %mul3A_263] : memref<16x1000000xf32, #tpu.memory_space<hbm>> -> memref<16x128xf32, #tpu.memory_space<hbm>>
    %dma_start3A_269 = arith.constant 0 : i32
    %dma_start3A_270 = arith.constant 256 : i32
    %dma_start3A_271 = tpu.memref_slice %arg7[%dma_start3A_269, %dma_start3A_270] : memref<16x2048xf32, #tpu.memory_space<vmem>> -> memref<16x128xf32, #tpu.memory_space<vmem>>
    %dma_start3A_272 = arith.constant 0 : i32
    %dma_start3A_273 = tpu.memref_slice %arg3[%dma_start3A_272, %mul3A_263] : memref<16x1000000xf32, #tpu.memory_space<hbm>> -> memref<16x128xf32, #tpu.memory_space<hbm>>
    tpu.enqueue_dma source(%dma_start3A_273 : memref<16x128xf32, #tpu.memory_space<hbm>>) target(%dma_start3A_271 : memref<16x128xf32, #tpu.memory_space<vmem>>) target_semaphore(%arg11 : memref<!tpu.dma_semaphore, #tpu.memory_space<semaphore_mem>>)
    %slice3A_274 = vector.extract_strided_slice %shift_right_arithmetic3A_231 {offsets = [3], sizes = [1], strides = [1]} : vector<16xi32> to vector<1xi32>
    %squeeze3A_275 = vector.extract %slice3A_274[0] : i32 from vector<1xi32>
    %mul3A_276 = arith.constant 128 : i32
    %mul3A_277 = arith.muli %squeeze3A_275, %mul3A_276 : i32
    %dma_start3A_278 = arith.constant 0 : i32
    %dma_start3A_279 = arith.constant 384 : i32
    %dma_start3A_280 = tpu.memref_slice %arg7[%dma_start3A_278, %dma_start3A_279] : memref<16x2048xf32, #tpu.memory_space<vmem>> -> memref<16x128xf32, #tpu.memory_space<vmem>>
    %dma_start3A_281 = arith.constant 0 : i32
    %dma_start3A_282 = tpu.memref_slice %arg3[%dma_start3A_281, %mul3A_277] : memref<16x1000000xf32, #tpu.memory_space<hbm>> -> memref<16x128xf32, #tpu.memory_space<hbm>>
    %dma_start3A_283 = arith.constant 0 : i32
    %dma_start3A_284 = arith.constant 384 : i32
    %dma_start3A_285 = tpu.memref_slice %arg7[%dma_start3A_283, %dma_start3A_284] : memref<16x2048xf32, #tpu.memory_space<vmem>> -> memref<16x128xf32, #tpu.memory_space<vmem>>
    %dma_start3A_286 = arith.constant 0 : i32
    %dma_start3A_287 = tpu.memref_slice %arg3[%dma_start3A_286, %mul3A_277] : memref<16x1000000xf32, #tpu.memory_space<hbm>> -> memref<16x128xf32, #tpu.memory_space<hbm>>
    tpu.enqueue_dma source(%dma_start3A_287 : memref<16x128xf32, #tpu.memory_space<hbm>>) target(%dma_start3A_285 : memref<16x128xf32, #tpu.memory_space<vmem>>) target_semaphore(%arg11 : memref<!tpu.dma_semaphore, #tpu.memory_space<semaphore_mem>>)
    %slice3A_288 = vector.extract_strided_slice %shift_right_arithmetic3A_231 {offsets = [4], sizes = [1], strides = [1]} : vector<16xi32> to vector<1xi32>
    %squeeze3A_289 = vector.extract %slice3A_288[0] : i32 from vector<1xi32>
    %mul3A_290 = arith.constant 128 : i32
    %mul3A_291 = arith.muli %squeeze3A_289, %mul3A_290 : i32
    %dma_start3A_292 = arith.constant 0 : i32
    %dma_start3A_293 = arith.constant 512 : i32
    %dma_start3A_294 = tpu.memref_slice %arg7[%dma_start3A_292, %dma_start3A_293] : memref<16x2048xf32, #tpu.memory_space<vmem>> -> memref<16x128xf32, #tpu.memory_space<vmem>>
    %dma_start3A_295 = arith.constant 0 : i32
    %dma_start3A_296 = tpu.memref_slice %arg3[%dma_start3A_295, %mul3A_291] : memref<16x1000000xf32, #tpu.memory_space<hbm>> -> memref<16x128xf32, #tpu.memory_space<hbm>>
    %dma_start3A_297 = arith.constant 0 : i32
    %dma_start3A_298 = arith.constant 512 : i32
    %dma_start3A_299 = tpu.memref_slice %arg7[%dma_start3A_297, %dma_start3A_298] : memref<16x2048xf32, #tpu.memory_space<vmem>> -> memref<16x128xf32, #tpu.memory_space<vmem>>
    %dma_start3A_300 = arith.constant 0 : i32
    %dma_start3A_301 = tpu.memref_slice %arg3[%dma_start3A_300, %mul3A_291] : memref<16x1000000xf32, #tpu.memory_space<hbm>> -> memref<16x128xf32, #tpu.memory_space<hbm>>
    tpu.enqueue_dma source(%dma_start3A_301 : memref<16x128xf32, #tpu.memory_space<hbm>>) target(%dma_start3A_299 : memref<16x128xf32, #tpu.memory_space<vmem>>) target_semaphore(%arg11 : memref<!tpu.dma_semaphore, #tpu.memory_space<semaphore_mem>>)
    %slice3A_302 = vector.extract_strided_slice %shift_right_arithmetic3A_231 {offsets = [5], sizes = [1], strides = [1]} : vector<16xi32> to vector<1xi32>
    %squeeze3A_303 = vector.extract %slice3A_302[0] : i32 from vector<1xi32>
    %mul3A_304 = arith.constant 128 : i32
    %mul3A_305 = arith.muli %squeeze3A_303, %mul3A_304 : i32
    %dma_start3A_306 = arith.constant 0 : i32
    %dma_start3A_307 = arith.constant 640 : i32
    %dma_start3A_308 = tpu.memref_slice %arg7[%dma_start3A_306, %dma_start3A_307] : memref<16x2048xf32, #tpu.memory_space<vmem>> -> memref<16x128xf32, #tpu.memory_space<vmem>>
    %dma_start3A_309 = arith.constant 0 : i32
    %dma_start3A_310 = tpu.memref_slice %arg3[%dma_start3A_309, %mul3A_305] : memref<16x1000000xf32, #tpu.memory_space<hbm>> -> memref<16x128xf32, #tpu.memory_space<hbm>>
    %dma_start3A_311 = arith.constant 0 : i32
    %dma_start3A_312 = arith.constant 640 : i32
    %dma_start3A_313 = tpu.memref_slice %arg7[%dma_start3A_311, %dma_start3A_312] : memref<16x2048xf32, #tpu.memory_space<vmem>> -> memref<16x128xf32, #tpu.memory_space<vmem>>
    %dma_start3A_314 = arith.constant 0 : i32
    %dma_start3A_315 = tpu.memref_slice %arg3[%dma_start3A_314, %mul3A_305] : memref<16x1000000xf32, #tpu.memory_space<hbm>> -> memref<16x128xf32, #tpu.memory_space<hbm>>
    tpu.enqueue_dma source(%dma_start3A_315 : memref<16x128xf32, #tpu.memory_space<hbm>>) target(%dma_start3A_313 : memref<16x128xf32, #tpu.memory_space<vmem>>) target_semaphore(%arg11 : memref<!tpu.dma_semaphore, #tpu.memory_space<semaphore_mem>>)
    %slice3A_316 = vector.extract_strided_slice %shift_right_arithmetic3A_231 {offsets = [6], sizes = [1], strides = [1]} : vector<16xi32> to vector<1xi32>
    %squeeze3A_317 = vector.extract %slice3A_316[0] : i32 from vector<1xi32>
    %mul3A_318 = arith.constant 128 : i32
    %mul3A_319 = arith.muli %squeeze3A_317, %mul3A_318 : i32
    %dma_start3A_320 = arith.constant 0 : i32
    %dma_start3A_321 = arith.constant 768 : i32
    %dma_start3A_322 = tpu.memref_slice %arg7[%dma_start3A_320, %dma_start3A_321] : memref<16x2048xf32, #tpu.memory_space<vmem>> -> memref<16x128xf32, #tpu.memory_space<vmem>>
    %dma_start3A_323 = arith.constant 0 : i32
    %dma_start3A_324 = tpu.memref_slice %arg3[%dma_start3A_323, %mul3A_319] : memref<16x1000000xf32, #tpu.memory_space<hbm>> -> memref<16x128xf32, #tpu.memory_space<hbm>>
    %dma_start3A_325 = arith.constant 0 : i32
    %dma_start3A_326 = arith.constant 768 : i32
    %dma_start3A_327 = tpu.memref_slice %arg7[%dma_start3A_325, %dma_start3A_326] : memref<16x2048xf32, #tpu.memory_space<vmem>> -> memref<16x128xf32, #tpu.memory_space<vmem>>
    %dma_start3A_328 = arith.constant 0 : i32
    %dma_start3A_329 = tpu.memref_slice %arg3[%dma_start3A_328, %mul3A_319] : memref<16x1000000xf32, #tpu.memory_space<hbm>> -> memref<16x128xf32, #tpu.memory_space<hbm>>
    tpu.enqueue_dma source(%dma_start3A_329 : memref<16x128xf32, #tpu.memory_space<hbm>>) target(%dma_start3A_327 : memref<16x128xf32, #tpu.memory_space<vmem>>) target_semaphore(%arg11 : memref<!tpu.dma_semaphore, #tpu.memory_space<semaphore_mem>>)
    %slice3A_330 = vector.extract_strided_slice %shift_right_arithmetic3A_231 {offsets = [7], sizes = [1], strides = [1]} : vector<16xi32> to vector<1xi32>
    %squeeze3A_331 = vector.extract %slice3A_330[0] : i32 from vector<1xi32>
    %mul3A_332 = arith.constant 128 : i32
    %mul3A_333 = arith.muli %squeeze3A_331, %mul3A_332 : i32
    %dma_start3A_334 = arith.constant 0 : i32
    %dma_start3A_335 = arith.constant 896 : i32
    %dma_start3A_336 = tpu.memref_slice %arg7[%dma_start3A_334, %dma_start3A_335] : memref<16x2048xf32, #tpu.memory_space<vmem>> -> memref<16x128xf32, #tpu.memory_space<vmem>>
    %dma_start3A_337 = arith.constant 0 : i32
    %dma_start3A_338 = tpu.memref_slice %arg3[%dma_start3A_337, %mul3A_333] : memref<16x1000000xf32, #tpu.memory_space<hbm>> -> memref<16x128xf32, #tpu.memory_space<hbm>>
    %dma_start3A_339 = arith.constant 0 : i32
    %dma_start3A_340 = arith.constant 896 : i32
    %dma_start3A_341 = tpu.memref_slice %arg7[%dma_start3A_339, %dma_start3A_340] : memref<16x2048xf32, #tpu.memory_space<vmem>> -> memref<16x128xf32, #tpu.memory_space<vmem>>
    %dma_start3A_342 = arith.constant 0 : i32
    %dma_start3A_343 = tpu.memref_slice %arg3[%dma_start3A_342, %mul3A_333] : memref<16x1000000xf32, #tpu.memory_space<hbm>> -> memref<16x128xf32, #tpu.memory_space<hbm>>
    tpu.enqueue_dma source(%dma_start3A_343 : memref<16x128xf32, #tpu.memory_space<hbm>>) target(%dma_start3A_341 : memref<16x128xf32, #tpu.memory_space<vmem>>) target_semaphore(%arg11 : memref<!tpu.dma_semaphore, #tpu.memory_space<semaphore_mem>>)
    %slice3A_344 = vector.extract_strided_slice %shift_right_arithmetic3A_231 {offsets = [8], sizes = [1], strides = [1]} : vector<16xi32> to vector<1xi32>
    %squeeze3A_345 = vector.extract %slice3A_344[0] : i32 from vector<1xi32>
    %mul3A_346 = arith.constant 128 : i32
    %mul3A_347 = arith.muli %squeeze3A_345, %mul3A_346 : i32
    %dma_start3A_348 = arith.constant 0 : i32
    %dma_start3A_349 = arith.constant 1024 : i32
    %dma_start3A_350 = tpu.memref_slice %arg7[%dma_start3A_348, %dma_start3A_349] : memref<16x2048xf32, #tpu.memory_space<vmem>> -> memref<16x128xf32, #tpu.memory_space<vmem>>
    %dma_start3A_351 = arith.constant 0 : i32
    %dma_start3A_352 = tpu.memref_slice %arg3[%dma_start3A_351, %mul3A_347] : memref<16x1000000xf32, #tpu.memory_space<hbm>> -> memref<16x128xf32, #tpu.memory_space<hbm>>
    %dma_start3A_353 = arith.constant 0 : i32
    %dma_start3A_354 = arith.constant 1024 : i32
    %dma_start3A_355 = tpu.memref_slice %arg7[%dma_start3A_353, %dma_start3A_354] : memref<16x2048xf32, #tpu.memory_space<vmem>> -> memref<16x128xf32, #tpu.memory_space<vmem>>
    %dma_start3A_356 = arith.constant 0 : i32
    %dma_start3A_357 = tpu.memref_slice %arg3[%dma_start3A_356, %mul3A_347] : memref<16x1000000xf32, #tpu.memory_space<hbm>> -> memref<16x128xf32, #tpu.memory_space<hbm>>
    tpu.enqueue_dma source(%dma_start3A_357 : memref<16x128xf32, #tpu.memory_space<hbm>>) target(%dma_start3A_355 : memref<16x128xf32, #tpu.memory_space<vmem>>) target_semaphore(%arg11 : memref<!tpu.dma_semaphore, #tpu.memory_space<semaphore_mem>>)
    %slice3A_358 = vector.extract_strided_slice %shift_right_arithmetic3A_231 {offsets = [9], sizes = [1], strides = [1]} : vector<16xi32> to vector<1xi32>
    %squeeze3A_359 = vector.extract %slice3A_358[0] : i32 from vector<1xi32>
    %mul3A_360 = arith.constant 128 : i32
    %mul3A_361 = arith.muli %squeeze3A_359, %mul3A_360 : i32
    %dma_start3A_362 = arith.constant 0 : i32
    %dma_start3A_363 = arith.constant 1152 : i32
    %dma_start3A_364 = tpu.memref_slice %arg7[%dma_start3A_362, %dma_start3A_363] : memref<16x2048xf32, #tpu.memory_space<vmem>> -> memref<16x128xf32, #tpu.memory_space<vmem>>
    %dma_start3A_365 = arith.constant 0 : i32
    %dma_start3A_366 = tpu.memref_slice %arg3[%dma_start3A_365, %mul3A_361] : memref<16x1000000xf32, #tpu.memory_space<hbm>> -> memref<16x128xf32, #tpu.memory_space<hbm>>
    %dma_start3A_367 = arith.constant 0 : i32
    %dma_start3A_368 = arith.constant 1152 : i32
    %dma_start3A_369 = tpu.memref_slice %arg7[%dma_start3A_367, %dma_start3A_368] : memref<16x2048xf32, #tpu.memory_space<vmem>> -> memref<16x128xf32, #tpu.memory_space<vmem>>
    %dma_start3A_370 = arith.constant 0 : i32
    %dma_start3A_371 = tpu.memref_slice %arg3[%dma_start3A_370, %mul3A_361] : memref<16x1000000xf32, #tpu.memory_space<hbm>> -> memref<16x128xf32, #tpu.memory_space<hbm>>
    tpu.enqueue_dma source(%dma_start3A_371 : memref<16x128xf32, #tpu.memory_space<hbm>>) target(%dma_start3A_369 : memref<16x128xf32, #tpu.memory_space<vmem>>) target_semaphore(%arg11 : memref<!tpu.dma_semaphore, #tpu.memory_space<semaphore_mem>>)
    %slice3A_372 = vector.extract_strided_slice %shift_right_arithmetic3A_231 {offsets = [10], sizes = [1], strides = [1]} : vector<16xi32> to vector<1xi32>
    %squeeze3A_373 = vector.extract %slice3A_372[0] : i32 from vector<1xi32>
    %mul3A_374 = arith.constant 128 : i32
    %mul3A_375 = arith.muli %squeeze3A_373, %mul3A_374 : i32
    %dma_start3A_376 = arith.constant 0 : i32
    %dma_start3A_377 = arith.constant 1280 : i32
    %dma_start3A_378 = tpu.memref_slice %arg7[%dma_start3A_376, %dma_start3A_377] : memref<16x2048xf32, #tpu.memory_space<vmem>> -> memref<16x128xf32, #tpu.memory_space<vmem>>
    %dma_start3A_379 = arith.constant 0 : i32
    %dma_start3A_380 = tpu.memref_slice %arg3[%dma_start3A_379, %mul3A_375] : memref<16x1000000xf32, #tpu.memory_space<hbm>> -> memref<16x128xf32, #tpu.memory_space<hbm>>
    %dma_start3A_381 = arith.constant 0 : i32
    %dma_start3A_382 = arith.constant 1280 : i32
    %dma_start3A_383 = tpu.memref_slice %arg7[%dma_start3A_381, %dma_start3A_382] : memref<16x2048xf32, #tpu.memory_space<vmem>> -> memref<16x128xf32, #tpu.memory_space<vmem>>
    %dma_start3A_384 = arith.constant 0 : i32
    %dma_start3A_385 = tpu.memref_slice %arg3[%dma_start3A_384, %mul3A_375] : memref<16x1000000xf32, #tpu.memory_space<hbm>> -> memref<16x128xf32, #tpu.memory_space<hbm>>
    tpu.enqueue_dma source(%dma_start3A_385 : memref<16x128xf32, #tpu.memory_space<hbm>>) target(%dma_start3A_383 : memref<16x128xf32, #tpu.memory_space<vmem>>) target_semaphore(%arg11 : memref<!tpu.dma_semaphore, #tpu.memory_space<semaphore_mem>>)
    %slice3A_386 = vector.extract_strided_slice %shift_right_arithmetic3A_231 {offsets = [11], sizes = [1], strides = [1]} : vector<16xi32> to vector<1xi32>
    %squeeze3A_387 = vector.extract %slice3A_386[0] : i32 from vector<1xi32>
    %mul3A_388 = arith.constant 128 : i32
    %mul3A_389 = arith.muli %squeeze3A_387, %mul3A_388 : i32
    %dma_start3A_390 = arith.constant 0 : i32
    %dma_start3A_391 = arith.constant 1408 : i32
    %dma_start3A_392 = tpu.memref_slice %arg7[%dma_start3A_390, %dma_start3A_391] : memref<16x2048xf32, #tpu.memory_space<vmem>> -> memref<16x128xf32, #tpu.memory_space<vmem>>
    %dma_start3A_393 = arith.constant 0 : i32
    %dma_start3A_394 = tpu.memref_slice %arg3[%dma_start3A_393, %mul3A_389] : memref<16x1000000xf32, #tpu.memory_space<hbm>> -> memref<16x128xf32, #tpu.memory_space<hbm>>
    %dma_start3A_395 = arith.constant 0 : i32
    %dma_start3A_396 = arith.constant 1408 : i32
    %dma_start3A_397 = tpu.memref_slice %arg7[%dma_start3A_395, %dma_start3A_396] : memref<16x2048xf32, #tpu.memory_space<vmem>> -> memref<16x128xf32, #tpu.memory_space<vmem>>
    %dma_start3A_398 = arith.constant 0 : i32
    %dma_start3A_399 = tpu.memref_slice %arg3[%dma_start3A_398, %mul3A_389] : memref<16x1000000xf32, #tpu.memory_space<hbm>> -> memref<16x128xf32, #tpu.memory_space<hbm>>
    tpu.enqueue_dma source(%dma_start3A_399 : memref<16x128xf32, #tpu.memory_space<hbm>>) target(%dma_start3A_397 : memref<16x128xf32, #tpu.memory_space<vmem>>) target_semaphore(%arg11 : memref<!tpu.dma_semaphore, #tpu.memory_space<semaphore_mem>>)
    %slice3A_400 = vector.extract_strided_slice %shift_right_arithmetic3A_231 {offsets = [12], sizes = [1], strides = [1]} : vector<16xi32> to vector<1xi32>
    %squeeze3A_401 = vector.extract %slice3A_400[0] : i32 from vector<1xi32>
    %mul3A_402 = arith.constant 128 : i32
    %mul3A_403 = arith.muli %squeeze3A_401, %mul3A_402 : i32
    %dma_start3A_404 = arith.constant 0 : i32
    %dma_start3A_405 = arith.constant 1536 : i32
    %dma_start3A_406 = tpu.memref_slice %arg7[%dma_start3A_404, %dma_start3A_405] : memref<16x2048xf32, #tpu.memory_space<vmem>> -> memref<16x128xf32, #tpu.memory_space<vmem>>
    %dma_start3A_407 = arith.constant 0 : i32
    %dma_start3A_408 = tpu.memref_slice %arg3[%dma_start3A_407, %mul3A_403] : memref<16x1000000xf32, #tpu.memory_space<hbm>> -> memref<16x128xf32, #tpu.memory_space<hbm>>
    %dma_start3A_409 = arith.constant 0 : i32
    %dma_start3A_410 = arith.constant 1536 : i32
    %dma_start3A_411 = tpu.memref_slice %arg7[%dma_start3A_409, %dma_start3A_410] : memref<16x2048xf32, #tpu.memory_space<vmem>> -> memref<16x128xf32, #tpu.memory_space<vmem>>
    %dma_start3A_412 = arith.constant 0 : i32
    %dma_start3A_413 = tpu.memref_slice %arg3[%dma_start3A_412, %mul3A_403] : memref<16x1000000xf32, #tpu.memory_space<hbm>> -> memref<16x128xf32, #tpu.memory_space<hbm>>
    tpu.enqueue_dma source(%dma_start3A_413 : memref<16x128xf32, #tpu.memory_space<hbm>>) target(%dma_start3A_411 : memref<16x128xf32, #tpu.memory_space<vmem>>) target_semaphore(%arg11 : memref<!tpu.dma_semaphore, #tpu.memory_space<semaphore_mem>>)
    %slice3A_414 = vector.extract_strided_slice %shift_right_arithmetic3A_231 {offsets = [13], sizes = [1], strides = [1]} : vector<16xi32> to vector<1xi32>
    %squeeze3A_415 = vector.extract %slice3A_414[0] : i32 from vector<1xi32>
    %mul3A_416 = arith.constant 128 : i32
    %mul3A_417 = arith.muli %squeeze3A_415, %mul3A_416 : i32
    %dma_start3A_418 = arith.constant 0 : i32
    %dma_start3A_419 = arith.constant 1664 : i32
    %dma_start3A_420 = tpu.memref_slice %arg7[%dma_start3A_418, %dma_start3A_419] : memref<16x2048xf32, #tpu.memory_space<vmem>> -> memref<16x128xf32, #tpu.memory_space<vmem>>
    %dma_start3A_421 = arith.constant 0 : i32
    %dma_start3A_422 = tpu.memref_slice %arg3[%dma_start3A_421, %mul3A_417] : memref<16x1000000xf32, #tpu.memory_space<hbm>> -> memref<16x128xf32, #tpu.memory_space<hbm>>
    %dma_start3A_423 = arith.constant 0 : i32
    %dma_start3A_424 = arith.constant 1664 : i32
    %dma_start3A_425 = tpu.memref_slice %arg7[%dma_start3A_423, %dma_start3A_424] : memref<16x2048xf32, #tpu.memory_space<vmem>> -> memref<16x128xf32, #tpu.memory_space<vmem>>
    %dma_start3A_426 = arith.constant 0 : i32
    %dma_start3A_427 = tpu.memref_slice %arg3[%dma_start3A_426, %mul3A_417] : memref<16x1000000xf32, #tpu.memory_space<hbm>> -> memref<16x128xf32, #tpu.memory_space<hbm>>
    tpu.enqueue_dma source(%dma_start3A_427 : memref<16x128xf32, #tpu.memory_space<hbm>>) target(%dma_start3A_425 : memref<16x128xf32, #tpu.memory_space<vmem>>) target_semaphore(%arg11 : memref<!tpu.dma_semaphore, #tpu.memory_space<semaphore_mem>>)
    %slice3A_428 = vector.extract_strided_slice %shift_right_arithmetic3A_231 {offsets = [14], sizes = [1], strides = [1]} : vector<16xi32> to vector<1xi32>
    %squeeze3A_429 = vector.extract %slice3A_428[0] : i32 from vector<1xi32>
    %mul3A_430 = arith.constant 128 : i32
    %mul3A_431 = arith.muli %squeeze3A_429, %mul3A_430 : i32
    %dma_start3A_432 = arith.constant 0 : i32
    %dma_start3A_433 = arith.constant 1792 : i32
    %dma_start3A_434 = tpu.memref_slice %arg7[%dma_start3A_432, %dma_start3A_433] : memref<16x2048xf32, #tpu.memory_space<vmem>> -> memref<16x128xf32, #tpu.memory_space<vmem>>
    %dma_start3A_435 = arith.constant 0 : i32
    %dma_start3A_436 = tpu.memref_slice %arg3[%dma_start3A_435, %mul3A_431] : memref<16x1000000xf32, #tpu.memory_space<hbm>> -> memref<16x128xf32, #tpu.memory_space<hbm>>
    %dma_start3A_437 = arith.constant 0 : i32
    %dma_start3A_438 = arith.constant 1792 : i32
    %dma_start3A_439 = tpu.memref_slice %arg7[%dma_start3A_437, %dma_start3A_438] : memref<16x2048xf32, #tpu.memory_space<vmem>> -> memref<16x128xf32, #tpu.memory_space<vmem>>
    %dma_start3A_440 = arith.constant 0 : i32
    %dma_start3A_441 = tpu.memref_slice %arg3[%dma_start3A_440, %mul3A_431] : memref<16x1000000xf32, #tpu.memory_space<hbm>> -> memref<16x128xf32, #tpu.memory_space<hbm>>
    tpu.enqueue_dma source(%dma_start3A_441 : memref<16x128xf32, #tpu.memory_space<hbm>>) target(%dma_start3A_439 : memref<16x128xf32, #tpu.memory_space<vmem>>) target_semaphore(%arg11 : memref<!tpu.dma_semaphore, #tpu.memory_space<semaphore_mem>>)
    %slice3A_442 = vector.extract_strided_slice %shift_right_arithmetic3A_231 {offsets = [15], sizes = [1], strides = [1]} : vector<16xi32> to vector<1xi32>
    %squeeze3A_443 = vector.extract %slice3A_442[0] : i32 from vector<1xi32>
    %mul3A_444 = arith.constant 128 : i32
    %mul3A_445 = arith.muli %squeeze3A_443, %mul3A_444 : i32
    %dma_start3A_446 = arith.constant 0 : i32
    %dma_start3A_447 = arith.constant 1920 : i32
    %dma_start3A_448 = tpu.memref_slice %arg7[%dma_start3A_446, %dma_start3A_447] : memref<16x2048xf32, #tpu.memory_space<vmem>> -> memref<16x128xf32, #tpu.memory_space<vmem>>
    %dma_start3A_449 = arith.constant 0 : i32
    %dma_start3A_450 = tpu.memref_slice %arg3[%dma_start3A_449, %mul3A_445] : memref<16x1000000xf32, #tpu.memory_space<hbm>> -> memref<16x128xf32, #tpu.memory_space<hbm>>
    %dma_start3A_451 = arith.constant 0 : i32
    %dma_start3A_452 = arith.constant 1920 : i32
    %dma_start3A_453 = tpu.memref_slice %arg7[%dma_start3A_451, %dma_start3A_452] : memref<16x2048xf32, #tpu.memory_space<vmem>> -> memref<16x128xf32, #tpu.memory_space<vmem>>
    %dma_start3A_454 = arith.constant 0 : i32
    %dma_start3A_455 = tpu.memref_slice %arg3[%dma_start3A_454, %mul3A_445] : memref<16x1000000xf32, #tpu.memory_space<hbm>> -> memref<16x128xf32, #tpu.memory_space<hbm>>
    tpu.enqueue_dma source(%dma_start3A_455 : memref<16x128xf32, #tpu.memory_space<hbm>>) target(%dma_start3A_453 : memref<16x128xf32, #tpu.memory_space<vmem>>) target_semaphore(%arg11 : memref<!tpu.dma_semaphore, #tpu.memory_space<semaphore_mem>>)
    %scan3A = arith.constant 0 : i32
    %scan3A_456 = arith.constant 0 : i32
    %scan3A_457 = arith.constant 10 : i32
    %scan3A_458 = arith.addi %scan3A_456, %scan3A_457 : i32
    %scan3A_459 = arith.constant 1 : i32
    scf.for %scan3A_811 = %scan3A_456 to %scan3A_458 step %scan3A_459  : i32 {
      %mul3A_812 = arith.constant 3 : i32
      %mul3A_813 = arith.muli %scan3A_811, %mul3A_812 : i32
      %add3A_814 = arith.constant 0 : i32
      %add3A_815 = arith.addi %mul3A_813, %add3A_814 : i32
      %dma_wait3A_816 = arith.constant 0 : i32
      %dma_wait3A_817 = arith.constant 0 : i32
      %dma_wait3A_818 = tpu.memref_slice %arg3[%dma_wait3A_816, %dma_wait3A_817] : memref<16x1000000xf32, #tpu.memory_space<hbm>> -> memref<16x2048xf32, #tpu.memory_space<hbm>>
      %dma_wait3A_819 = arith.constant 0 : i32
      %dma_wait3A_820 = arith.constant 0 : i32
      %dma_wait3A_821 = tpu.memref_slice %arg3[%dma_wait3A_819, %dma_wait3A_820] : memref<16x1000000xf32, #tpu.memory_space<hbm>> -> memref<16x2048xf32, #tpu.memory_space<hbm>>
      tpu.wait_dma2 semaphore(%arg10 : memref<!tpu.dma_semaphore, #tpu.memory_space<semaphore_mem>>) src(%dma_wait3A_821 : memref<16x2048xf32, #tpu.memory_space<hbm>>) dst(%arg6 : memref<16x2048xf32, #tpu.memory_space<vmem>>)
      %mul3A_822 = arith.constant 16 : i32
      %mul3A_823 = arith.muli %add3A_815, %mul3A_822 : i32
      %get3A_824 = arith.index_cast %mul3A_823 : i32 to index
      %get3A_825 = tpu.vector_load %arg5[%get3A_824] {strides = array<i32>} : memref<512xi32, #tpu.memory_space<vmem>>, vector<16xi32>,
      %mul3A_826 = arith.constant 128 : i32
      %mul3A_827 = vector.broadcast %mul3A_826 : i32 to vector<16xi32>
      %mul3A_828 = arith.muli %iota3A, %mul3A_827 : vector<16xi32>
      %and3A_829 = arith.constant 127 : i32
      %and3A_830 = vector.broadcast %and3A_829 : i32 to vector<16xi32>
      %and3A_831 = arith.andi %get3A_825, %and3A_830 : vector<16xi32>
      %add3A_832 = arith.addi %mul3A_828, %and3A_831 : vector<16xi32>
      %broadcast_in_dim3A_833 = arith.constant 0 : i32
      %broadcast_in_dim3A_834 = vector.broadcast %broadcast_in_dim3A_833 : i32 to vector<16xi32>
      %gather3A_835 = tpu.vector_load_idx %arg6[%broadcast_in_dim3A_834, %add3A_832] : memref<16x2048xf32, #tpu.memory_space<vmem>>[vector<16xi32>, vector<16xi32>], vector<16xf32>,
      %broadcast_in_dim3A_836 = arith.constant 1 : i32
      %broadcast_in_dim3A_837 = vector.broadcast %broadcast_in_dim3A_836 : i32 to vector<16xi32>
      %gather3A_838 = tpu.vector_load_idx %arg6[%broadcast_in_dim3A_837, %add3A_832] : memref<16x2048xf32, #tpu.memory_space<vmem>>[vector<16xi32>, vector<16xi32>], vector<16xf32>,
      %broadcast_in_dim3A_839 = arith.constant 2 : i32
      %broadcast_in_dim3A_840 = vector.broadcast %broadcast_in_dim3A_839 : i32 to vector<16xi32>
      %gather3A_841 = tpu.vector_load_idx %arg6[%broadcast_in_dim3A_840, %add3A_832] : memref<16x2048xf32, #tpu.memory_space<vmem>>[vector<16xi32>, vector<16xi32>], vector<16xf32>,
      %broadcast_in_dim3A_842 = arith.constant 3 : i32
      %broadcast_in_dim3A_843 = vector.broadcast %broadcast_in_dim3A_842 : i32 to vector<16xi32>
      %gather3A_844 = tpu.vector_load_idx %arg6[%broadcast_in_dim3A_843, %add3A_832] : memref<16x2048xf32, #tpu.memory_space<vmem>>[vector<16xi32>, vector<16xi32>], vector<16xf32>,
      %broadcast_in_dim3A_845 = arith.constant 4 : i32
      %broadcast_in_dim3A_846 = vector.broadcast %broadcast_in_dim3A_845 : i32 to vector<16xi32>
      %gather3A_847 = tpu.vector_load_idx %arg6[%broadcast_in_dim3A_846, %add3A_832] : memref<16x2048xf32, #tpu.memory_space<vmem>>[vector<16xi32>, vector<16xi32>], vector<16xf32>,
      %broadcast_in_dim3A_848 = arith.constant 5 : i32
      %broadcast_in_dim3A_849 = vector.broadcast %broadcast_in_dim3A_848 : i32 to vector<16xi32>
      %gather3A_850 = tpu.vector_load_idx %arg6[%broadcast_in_dim3A_849, %add3A_832] : memref<16x2048xf32, #tpu.memory_space<vmem>>[vector<16xi32>, vector<16xi32>], vector<16xf32>,
      %broadcast_in_dim3A_851 = arith.constant 6 : i32
      %broadcast_in_dim3A_852 = vector.broadcast %broadcast_in_dim3A_851 : i32 to vector<16xi32>
      %gather3A_853 = tpu.vector_load_idx %arg6[%broadcast_in_dim3A_852, %add3A_832] : memref<16x2048xf32, #tpu.memory_space<vmem>>[vector<16xi32>, vector<16xi32>], vector<16xf32>,
      %broadcast_in_dim3A_854 = arith.constant 7 : i32
      %broadcast_in_dim3A_855 = vector.broadcast %broadcast_in_dim3A_854 : i32 to vector<16xi32>
      %gather3A_856 = tpu.vector_load_idx %arg6[%broadcast_in_dim3A_855, %add3A_832] : memref<16x2048xf32, #tpu.memory_space<vmem>>[vector<16xi32>, vector<16xi32>], vector<16xf32>,
      %broadcast_in_dim3A_857 = arith.constant 8 : i32
      %broadcast_in_dim3A_858 = vector.broadcast %broadcast_in_dim3A_857 : i32 to vector<16xi32>
      %gather3A_859 = tpu.vector_load_idx %arg6[%broadcast_in_dim3A_858, %add3A_832] : memref<16x2048xf32, #tpu.memory_space<vmem>>[vector<16xi32>, vector<16xi32>], vector<16xf32>,
      %broadcast_in_dim3A_860 = arith.constant 9 : i32
      %broadcast_in_dim3A_861 = vector.broadcast %broadcast_in_dim3A_860 : i32 to vector<16xi32>
      %gather3A_862 = tpu.vector_load_idx %arg6[%broadcast_in_dim3A_861, %add3A_832] : memref<16x2048xf32, #tpu.memory_space<vmem>>[vector<16xi32>, vector<16xi32>], vector<16xf32>,
      %broadcast_in_dim3A_863 = arith.constant 10 : i32
      %broadcast_in_dim3A_864 = vector.broadcast %broadcast_in_dim3A_863 : i32 to vector<16xi32>
      %gather3A_865 = tpu.vector_load_idx %arg6[%broadcast_in_dim3A_864, %add3A_832] : memref<16x2048xf32, #tpu.memory_space<vmem>>[vector<16xi32>, vector<16xi32>], vector<16xf32>,
      %broadcast_in_dim3A_866 = arith.constant 11 : i32
      %broadcast_in_dim3A_867 = vector.broadcast %broadcast_in_dim3A_866 : i32 to vector<16xi32>
      %gather3A_868 = tpu.vector_load_idx %arg6[%broadcast_in_dim3A_867, %add3A_832] : memref<16x2048xf32, #tpu.memory_space<vmem>>[vector<16xi32>, vector<16xi32>], vector<16xf32>,
      %broadcast_in_dim3A_869 = arith.constant 12 : i32
      %broadcast_in_dim3A_870 = vector.broadcast %broadcast_in_dim3A_869 : i32 to vector<16xi32>
      %gather3A_871 = tpu.vector_load_idx %arg6[%broadcast_in_dim3A_870, %add3A_832] : memref<16x2048xf32, #tpu.memory_space<vmem>>[vector<16xi32>, vector<16xi32>], vector<16xf32>,
      %broadcast_in_dim3A_872 = arith.constant 13 : i32
      %broadcast_in_dim3A_873 = vector.broadcast %broadcast_in_dim3A_872 : i32 to vector<16xi32>
      %gather3A_874 = tpu.vector_load_idx %arg6[%broadcast_in_dim3A_873, %add3A_832] : memref<16x2048xf32, #tpu.memory_space<vmem>>[vector<16xi32>, vector<16xi32>], vector<16xf32>,
      %broadcast_in_dim3A_875 = arith.constant 14 : i32
      %broadcast_in_dim3A_876 = vector.broadcast %broadcast_in_dim3A_875 : i32 to vector<16xi32>
      %gather3A_877 = tpu.vector_load_idx %arg6[%broadcast_in_dim3A_876, %add3A_832] : memref<16x2048xf32, #tpu.memory_space<vmem>>[vector<16xi32>, vector<16xi32>], vector<16xf32>,
      %broadcast_in_dim3A_878 = arith.constant 15 : i32
      %broadcast_in_dim3A_879 = vector.broadcast %broadcast_in_dim3A_878 : i32 to vector<16xi32>
      %gather3A_880 = tpu.vector_load_idx %arg6[%broadcast_in_dim3A_879, %add3A_832] : memref<16x2048xf32, #tpu.memory_space<vmem>>[vector<16xi32>, vector<16xi32>], vector<16xf32>,
      %max3A_881 = arith.maximumf %gather3A_835, %gather3A_838 : vector<16xf32>
      %max3A_882 = arith.maximumf %max3A_881, %gather3A_841 : vector<16xf32>
      %max3A_883 = arith.maximumf %max3A_882, %gather3A_844 : vector<16xf32>
      %max3A_884 = arith.maximumf %max3A_883, %gather3A_847 : vector<16xf32>
      %max3A_885 = arith.maximumf %max3A_884, %gather3A_850 : vector<16xf32>
      %max3A_886 = arith.maximumf %max3A_885, %gather3A_853 : vector<16xf32>
      %max3A_887 = arith.maximumf %max3A_886, %gather3A_856 : vector<16xf32>
      %max3A_888 = arith.maximumf %max3A_887, %gather3A_859 : vector<16xf32>
      %max3A_889 = arith.maximumf %max3A_888, %gather3A_862 : vector<16xf32>
      %max3A_890 = arith.maximumf %max3A_889, %gather3A_865 : vector<16xf32>
      %max3A_891 = arith.maximumf %max3A_890, %gather3A_868 : vector<16xf32>
      %max3A_892 = arith.maximumf %max3A_891, %gather3A_871 : vector<16xf32>
      %max3A_893 = arith.maximumf %max3A_892, %gather3A_874 : vector<16xf32>
      %max3A_894 = arith.maximumf %max3A_893, %gather3A_877 : vector<16xf32>
      %max3A_895 = arith.maximumf %max3A_894, %gather3A_880 : vector<16xf32>
      %sub3A_896 = arith.subf %gather3A_835, %max3A_895 : vector<16xf32>
      %exp3A_897 = math.exp %sub3A_896 : vector<16xf32>
      %sub3A_898 = arith.subf %gather3A_838, %max3A_895 : vector<16xf32>
      %exp3A_899 = math.exp %sub3A_898 : vector<16xf32>
      %sub3A_900 = arith.subf %gather3A_841, %max3A_895 : vector<16xf32>
      %exp3A_901 = math.exp %sub3A_900 : vector<16xf32>
      %sub3A_902 = arith.subf %gather3A_844, %max3A_895 : vector<16xf32>
      %exp3A_903 = math.exp %sub3A_902 : vector<16xf32>
      %sub3A_904 = arith.subf %gather3A_847, %max3A_895 : vector<16xf32>
      %exp3A_905 = math.exp %sub3A_904 : vector<16xf32>
      %sub3A_906 = arith.subf %gather3A_850, %max3A_895 : vector<16xf32>
      %exp3A_907 = math.exp %sub3A_906 : vector<16xf32>
      %sub3A_908 = arith.subf %gather3A_853, %max3A_895 : vector<16xf32>
      %exp3A_909 = math.exp %sub3A_908 : vector<16xf32>
      %sub3A_910 = arith.subf %gather3A_856, %max3A_895 : vector<16xf32>
      %exp3A_911 = math.exp %sub3A_910 : vector<16xf32>
      %sub3A_912 = arith.subf %gather3A_859, %max3A_895 : vector<16xf32>
      %exp3A_913 = math.exp %sub3A_912 : vector<16xf32>
      %sub3A_914 = arith.subf %gather3A_862, %max3A_895 : vector<16xf32>
      %exp3A_915 = math.exp %sub3A_914 : vector<16xf32>
      %sub3A_916 = arith.subf %gather3A_865, %max3A_895 : vector<16xf32>
      %exp3A_917 = math.exp %sub3A_916 : vector<16xf32>
      %sub3A_918 = arith.subf %gather3A_868, %max3A_895 : vector<16xf32>
      %exp3A_919 = math.exp %sub3A_918 : vector<16xf32>
      %sub3A_920 = arith.subf %gather3A_871, %max3A_895 : vector<16xf32>
      %exp3A_921 = math.exp %sub3A_920 : vector<16xf32>
      %sub3A_922 = arith.subf %gather3A_874, %max3A_895 : vector<16xf32>
      %exp3A_923 = math.exp %sub3A_922 : vector<16xf32>
      %sub3A_924 = arith.subf %gather3A_877, %max3A_895 : vector<16xf32>
      %exp3A_925 = math.exp %sub3A_924 : vector<16xf32>
      %sub3A_926 = arith.subf %gather3A_880, %max3A_895 : vector<16xf32>
      %exp3A_927 = math.exp %sub3A_926 : vector<16xf32>
      %add3A_928 = arith.addf %exp3A_897, %exp3A_899 : vector<16xf32>
      %add3A_929 = arith.addf %add3A_928, %exp3A_901 : vector<16xf32>
      %add3A_930 = arith.addf %add3A_929, %exp3A_903 : vector<16xf32>
      %add3A_931 = arith.addf %add3A_930, %exp3A_905 : vector<16xf32>
      %add3A_932 = arith.addf %add3A_931, %exp3A_907 : vector<16xf32>
      %add3A_933 = arith.addf %add3A_932, %exp3A_909 : vector<16xf32>
      %add3A_934 = arith.addf %add3A_933, %exp3A_911 : vector<16xf32>
      %add3A_935 = arith.addf %add3A_934, %exp3A_913 : vector<16xf32>
      %add3A_936 = arith.addf %add3A_935, %exp3A_915 : vector<16xf32>
      %add3A_937 = arith.addf %add3A_936, %exp3A_917 : vector<16xf32>
      %add3A_938 = arith.addf %add3A_937, %exp3A_919 : vector<16xf32>
      %add3A_939 = arith.addf %add3A_938, %exp3A_921 : vector<16xf32>
      %add3A_940 = arith.addf %add3A_939, %exp3A_923 : vector<16xf32>
      %add3A_941 = arith.addf %add3A_940, %exp3A_925 : vector<16xf32>
      %add3A_942 = arith.addf %add3A_941, %exp3A_927 : vector<16xf32>
      %div3A_943 = arith.constant 1.000000e+00 : f32
      %div3A_944 = vector.broadcast %div3A_943 : f32 to vector<16xf32>
      %div3A_945 = arith.divf %div3A_944, %add3A_942 : vector<16xf32>
      %mul3A_946 = arith.constant 16 : i32
      %mul3A_947 = arith.muli %add3A_815, %mul3A_946 : i32
      %add3A_948 = vector.broadcast %mul3A_947 : i32 to vector<16xi32>
      %add3A_949 = arith.addi %add3A_948, %iota3A : vector<16xi32>
      %broadcast_in_dim3A_950 = arith.constant 0 : i32
      %broadcast_in_dim3A_951 = vector.broadcast %broadcast_in_dim3A_950 : i32 to vector<16xi32>
      %mul3A_952 = arith.mulf %exp3A_897, %div3A_945 : vector<16xf32>
      tpu.vector_store_idx %arg9[%broadcast_in_dim3A_951, %add3A_949], %mul3A_952 : memref<16x512xf32, #tpu.memory_space<vmem>>[vector<16xi32>, vector<16xi32>], vector<16xf32>,
      %broadcast_in_dim3A_953 = arith.constant 1 : i32
      %broadcast_in_dim3A_954 = vector.broadcast %broadcast_in_dim3A_953 : i32 to vector<16xi32>
      %mul3A_955 = arith.mulf %exp3A_899, %div3A_945 : vector<16xf32>
      tpu.vector_store_idx %arg9[%broadcast_in_dim3A_954, %add3A_949], %mul3A_955 : memref<16x512xf32, #tpu.memory_space<vmem>>[vector<16xi32>, vector<16xi32>], vector<16xf32>,
      %broadcast_in_dim3A_956 = arith.constant 2 : i32
      %broadcast_in_dim3A_957 = vector.broadcast %broadcast_in_dim3A_956 : i32 to vector<16xi32>
      %mul3A_958 = arith.mulf %exp3A_901, %div3A_945 : vector<16xf32>
      tpu.vector_store_idx %arg9[%broadcast_in_dim3A_957, %add3A_949], %mul3A_958 : memref<16x512xf32, #tpu.memory_space<vmem>>[vector<16xi32>, vector<16xi32>], vector<16xf32>,
      %broadcast_in_dim3A_959 = arith.constant 3 : i32
      %broadcast_in_dim3A_960 = vector.broadcast %broadcast_in_dim3A_959 : i32 to vector<16xi32>
      %mul3A_961 = arith.mulf %exp3A_903, %div3A_945 : vector<16xf32>
      tpu.vector_store_idx %arg9[%broadcast_in_dim3A_960, %add3A_949], %mul3A_961 : memref<16x512xf32, #tpu.memory_space<vmem>>[vector<16xi32>, vector<16xi32>], vector<16xf32>,
      %broadcast_in_dim3A_962 = arith.constant 4 : i32
      %broadcast_in_dim3A_963 = vector.broadcast %broadcast_in_dim3A_962 : i32 to vector<16xi32>
      %mul3A_964 = arith.mulf %exp3A_905, %div3A_945 : vector<16xf32>
      tpu.vector_store_idx %arg9[%broadcast_in_dim3A_963, %add3A_949], %mul3A_964 : memref<16x512xf32, #tpu.memory_space<vmem>>[vector<16xi32>, vector<16xi32>], vector<16xf32>,
      %broadcast_in_dim3A_965 = arith.constant 5 : i32
      %broadcast_in_dim3A_966 = vector.broadcast %broadcast_in_dim3A_965 : i32 to vector<16xi32>
      %mul3A_967 = arith.mulf %exp3A_907, %div3A_945 : vector<16xf32>
      tpu.vector_store_idx %arg9[%broadcast_in_dim3A_966, %add3A_949], %mul3A_967 : memref<16x512xf32, #tpu.memory_space<vmem>>[vector<16xi32>, vector<16xi32>], vector<16xf32>,
      %broadcast_in_dim3A_968 = arith.constant 6 : i32
      %broadcast_in_dim3A_969 = vector.broadcast %broadcast_in_dim3A_968 : i32 to vector<16xi32>
      %mul3A_970 = arith.mulf %exp3A_909, %div3A_945 : vector<16xf32>
      tpu.vector_store_idx %arg9[%broadcast_in_dim3A_969, %add3A_949], %mul3A_970 : memref<16x512xf32, #tpu.memory_space<vmem>>[vector<16xi32>, vector<16xi32>], vector<16xf32>,
      %broadcast_in_dim3A_971 = arith.constant 7 : i32
      %broadcast_in_dim3A_972 = vector.broadcast %broadcast_in_dim3A_971 : i32 to vector<16xi32>
      %mul3A_973 = arith.mulf %exp3A_911, %div3A_945 : vector<16xf32>
      tpu.vector_store_idx %arg9[%broadcast_in_dim3A_972, %add3A_949], %mul3A_973 : memref<16x512xf32, #tpu.memory_space<vmem>>[vector<16xi32>, vector<16xi32>], vector<16xf32>,
      %broadcast_in_dim3A_974 = arith.constant 8 : i32
      %broadcast_in_dim3A_975 = vector.broadcast %broadcast_in_dim3A_974 : i32 to vector<16xi32>
      %mul3A_976 = arith.mulf %exp3A_913, %div3A_945 : vector<16xf32>
      tpu.vector_store_idx %arg9[%broadcast_in_dim3A_975, %add3A_949], %mul3A_976 : memref<16x512xf32, #tpu.memory_space<vmem>>[vector<16xi32>, vector<16xi32>], vector<16xf32>,
      %broadcast_in_dim3A_977 = arith.constant 9 : i32
      %broadcast_in_dim3A_978 = vector.broadcast %broadcast_in_dim3A_977 : i32 to vector<16xi32>
      %mul3A_979 = arith.mulf %exp3A_915, %div3A_945 : vector<16xf32>
      tpu.vector_store_idx %arg9[%broadcast_in_dim3A_978, %add3A_949], %mul3A_979 : memref<16x512xf32, #tpu.memory_space<vmem>>[vector<16xi32>, vector<16xi32>], vector<16xf32>,
      %broadcast_in_dim3A_980 = arith.constant 10 : i32
      %broadcast_in_dim3A_981 = vector.broadcast %broadcast_in_dim3A_980 : i32 to vector<16xi32>
      %mul3A_982 = arith.mulf %exp3A_917, %div3A_945 : vector<16xf32>
      tpu.vector_store_idx %arg9[%broadcast_in_dim3A_981, %add3A_949], %mul3A_982 : memref<16x512xf32, #tpu.memory_space<vmem>>[vector<16xi32>, vector<16xi32>], vector<16xf32>,
      %broadcast_in_dim3A_983 = arith.constant 11 : i32
      %broadcast_in_dim3A_984 = vector.broadcast %broadcast_in_dim3A_983 : i32 to vector<16xi32>
      %mul3A_985 = arith.mulf %exp3A_919, %div3A_945 : vector<16xf32>
      tpu.vector_store_idx %arg9[%broadcast_in_dim3A_984, %add3A_949], %mul3A_985 : memref<16x512xf32, #tpu.memory_space<vmem>>[vector<16xi32>, vector<16xi32>], vector<16xf32>,
      %broadcast_in_dim3A_986 = arith.constant 12 : i32
      %broadcast_in_dim3A_987 = vector.broadcast %broadcast_in_dim3A_986 : i32 to vector<16xi32>
      %mul3A_988 = arith.mulf %exp3A_921, %div3A_945 : vector<16xf32>
      tpu.vector_store_idx %arg9[%broadcast_in_dim3A_987, %add3A_949], %mul3A_988 : memref<16x512xf32, #tpu.memory_space<vmem>>[vector<16xi32>, vector<16xi32>], vector<16xf32>,
      %broadcast_in_dim3A_989 = arith.constant 13 : i32
      %broadcast_in_dim3A_990 = vector.broadcast %broadcast_in_dim3A_989 : i32 to vector<16xi32>
      %mul3A_991 = arith.mulf %exp3A_923, %div3A_945 : vector<16xf32>
      tpu.vector_store_idx %arg9[%broadcast_in_dim3A_990, %add3A_949], %mul3A_991 : memref<16x512xf32, #tpu.memory_space<vmem>>[vector<16xi32>, vector<16xi32>], vector<16xf32>,
      %broadcast_in_dim3A_992 = arith.constant 14 : i32
      %broadcast_in_dim3A_993 = vector.broadcast %broadcast_in_dim3A_992 : i32 to vector<16xi32>
      %mul3A_994 = arith.mulf %exp3A_925, %div3A_945 : vector<16xf32>
      tpu.vector_store_idx %arg9[%broadcast_in_dim3A_993, %add3A_949], %mul3A_994 : memref<16x512xf32, #tpu.memory_space<vmem>>[vector<16xi32>, vector<16xi32>], vector<16xf32>,
      %broadcast_in_dim3A_995 = arith.constant 15 : i32
      %broadcast_in_dim3A_996 = vector.broadcast %broadcast_in_dim3A_995 : i32 to vector<16xi32>
      %mul3A_997 = arith.mulf %exp3A_927, %div3A_945 : vector<16xf32>
      tpu.vector_store_idx %arg9[%broadcast_in_dim3A_996, %add3A_949], %mul3A_997 : memref<16x512xf32, #tpu.memory_space<vmem>>[vector<16xi32>, vector<16xi32>], vector<16xf32>,
      %add3A_998 = arith.constant 0 : i32
      %add3A_999 = arith.addi %mul3A_813, %add3A_998 : i32
      %add3A_1000 = arith.constant 2 : i32
      %add3A_1001 = arith.addi %add3A_999, %add3A_1000 : i32
      %mul3A_1002 = arith.constant 16 : i32
      %mul3A_1003 = arith.muli %add3A_1001, %mul3A_1002 : i32
      %get3A_1004 = arith.index_cast %mul3A_1003 : i32 to index
      %get3A_1005 = tpu.vector_load %arg5[%get3A_1004] {strides = array<i32>} : memref<512xi32, #tpu.memory_space<vmem>>, vector<16xi32>,
      %shift_right_arithmetic3A_1006 = arith.constant 7 : i32
      %shift_right_arithmetic3A_1007 = vector.broadcast %shift_right_arithmetic3A_1006 : i32 to vector<16xi32>
      %shift_right_arithmetic3A_1008 = arith.shrsi %get3A_1005, %shift_right_arithmetic3A_1007 : vector<16xi32>
      %slice3A_1009 = vector.extract_strided_slice %shift_right_arithmetic3A_1008 {offsets = [0], sizes = [1], strides = [1]} : vector<16xi32> to vector<1xi32>
      %squeeze3A_1010 = vector.extract %slice3A_1009[0] : i32 from vector<1xi32>
      %mul3A_1011 = arith.constant 128 : i32
      %mul3A_1012 = arith.muli %squeeze3A_1010, %mul3A_1011 : i32
      %dma_start3A_1013 = arith.constant 0 : i32
      %dma_start3A_1014 = arith.constant 0 : i32
      %dma_start3A_1015 = tpu.memref_slice %arg8[%dma_start3A_1013, %dma_start3A_1014] : memref<16x2048xf32, #tpu.memory_space<vmem>> -> memref<16x128xf32, #tpu.memory_space<vmem>>
      %dma_start3A_1016 = arith.constant 0 : i32
      %dma_start3A_1017 = tpu.memref_slice %arg3[%dma_start3A_1016, %mul3A_1012] : memref<16x1000000xf32, #tpu.memory_space<hbm>> -> memref<16x128xf32, #tpu.memory_space<hbm>>
      %dma_start3A_1018 = arith.constant 0 : i32
      %dma_start3A_1019 = arith.constant 0 : i32
      %dma_start3A_1020 = tpu.memref_slice %arg8[%dma_start3A_1018, %dma_start3A_1019] : memref<16x2048xf32, #tpu.memory_space<vmem>> -> memref<16x128xf32, #tpu.memory_space<vmem>>
      %dma_start3A_1021 = arith.constant 0 : i32
      %dma_start3A_1022 = tpu.memref_slice %arg3[%dma_start3A_1021, %mul3A_1012] : memref<16x1000000xf32, #tpu.memory_space<hbm>> -> memref<16x128xf32, #tpu.memory_space<hbm>>
      tpu.enqueue_dma source(%dma_start3A_1022 : memref<16x128xf32, #tpu.memory_space<hbm>>) target(%dma_start3A_1020 : memref<16x128xf32, #tpu.memory_space<vmem>>) target_semaphore(%arg12 : memref<!tpu.dma_semaphore, #tpu.memory_space<semaphore_mem>>)
      %slice3A_1023 = vector.extract_strided_slice %shift_right_arithmetic3A_1008 {offsets = [1], sizes = [1], strides = [1]} : vector<16xi32> to vector<1xi32>
      %squeeze3A_1024 = vector.extract %slice3A_1023[0] : i32 from vector<1xi32>
      %mul3A_1025 = arith.constant 128 : i32
      %mul3A_1026 = arith.muli %squeeze3A_1024, %mul3A_1025 : i32
      %dma_start3A_1027 = arith.constant 0 : i32
      %dma_start3A_1028 = arith.constant 128 : i32
      %dma_start3A_1029 = tpu.memref_slice %arg8[%dma_start3A_1027, %dma_start3A_1028] : memref<16x2048xf32, #tpu.memory_space<vmem>> -> memref<16x128xf32, #tpu.memory_space<vmem>>
      %dma_start3A_1030 = arith.constant 0 : i32
      %dma_start3A_1031 = tpu.memref_slice %arg3[%dma_start3A_1030, %mul3A_1026] : memref<16x1000000xf32, #tpu.memory_space<hbm>> -> memref<16x128xf32, #tpu.memory_space<hbm>>
      %dma_start3A_1032 = arith.constant 0 : i32
      %dma_start3A_1033 = arith.constant 128 : i32
      %dma_start3A_1034 = tpu.memref_slice %arg8[%dma_start3A_1032, %dma_start3A_1033] : memref<16x2048xf32, #tpu.memory_space<vmem>> -> memref<16x128xf32, #tpu.memory_space<vmem>>
      %dma_start3A_1035 = arith.constant 0 : i32
      %dma_start3A_1036 = tpu.memref_slice %arg3[%dma_start3A_1035, %mul3A_1026] : memref<16x1000000xf32, #tpu.memory_space<hbm>> -> memref<16x128xf32, #tpu.memory_space<hbm>>
      tpu.enqueue_dma source(%dma_start3A_1036 : memref<16x128xf32, #tpu.memory_space<hbm>>) target(%dma_start3A_1034 : memref<16x128xf32, #tpu.memory_space<vmem>>) target_semaphore(%arg12 : memref<!tpu.dma_semaphore, #tpu.memory_space<semaphore_mem>>)
      %slice3A_1037 = vector.extract_strided_slice %shift_right_arithmetic3A_1008 {offsets = [2], sizes = [1], strides = [1]} : vector<16xi32> to vector<1xi32>
      %squeeze3A_1038 = vector.extract %slice3A_1037[0] : i32 from vector<1xi32>
      %mul3A_1039 = arith.constant 128 : i32
      %mul3A_1040 = arith.muli %squeeze3A_1038, %mul3A_1039 : i32
      %dma_start3A_1041 = arith.constant 0 : i32
      %dma_start3A_1042 = arith.constant 256 : i32
      %dma_start3A_1043 = tpu.memref_slice %arg8[%dma_start3A_1041, %dma_start3A_1042] : memref<16x2048xf32, #tpu.memory_space<vmem>> -> memref<16x128xf32, #tpu.memory_space<vmem>>
      %dma_start3A_1044 = arith.constant 0 : i32
      %dma_start3A_1045 = tpu.memref_slice %arg3[%dma_start3A_1044, %mul3A_1040] : memref<16x1000000xf32, #tpu.memory_space<hbm>> -> memref<16x128xf32, #tpu.memory_space<hbm>>
      %dma_start3A_1046 = arith.constant 0 : i32
      %dma_start3A_1047 = arith.constant 256 : i32
      %dma_start3A_1048 = tpu.memref_slice %arg8[%dma_start3A_1046, %dma_start3A_1047] : memref<16x2048xf32, #tpu.memory_space<vmem>> -> memref<16x128xf32, #tpu.memory_space<vmem>>
      %dma_start3A_1049 = arith.constant 0 : i32
      %dma_start3A_1050 = tpu.memref_slice %arg3[%dma_start3A_1049, %mul3A_1040] : memref<16x1000000xf32, #tpu.memory_space<hbm>> -> memref<16x128xf32, #tpu.memory_space<hbm>>
      tpu.enqueue_dma source(%dma_start3A_1050 : memref<16x128xf32, #tpu.memory_space<hbm>>) target(%dma_start3A_1048 : memref<16x128xf32, #tpu.memory_space<vmem>>) target_semaphore(%arg12 : memref<!tpu.dma_semaphore, #tpu.memory_space<semaphore_mem>>)
      %slice3A_1051 = vector.extract_strided_slice %shift_right_arithmetic3A_1008 {offsets = [3], sizes = [1], strides = [1]} : vector<16xi32> to vector<1xi32>
      %squeeze3A_1052 = vector.extract %slice3A_1051[0] : i32 from vector<1xi32>
      %mul3A_1053 = arith.constant 128 : i32
      %mul3A_1054 = arith.muli %squeeze3A_1052, %mul3A_1053 : i32
      %dma_start3A_1055 = arith.constant 0 : i32
      %dma_start3A_1056 = arith.constant 384 : i32
      %dma_start3A_1057 = tpu.memref_slice %arg8[%dma_start3A_1055, %dma_start3A_1056] : memref<16x2048xf32, #tpu.memory_space<vmem>> -> memref<16x128xf32, #tpu.memory_space<vmem>>
      %dma_start3A_1058 = arith.constant 0 : i32
      %dma_start3A_1059 = tpu.memref_slice %arg3[%dma_start3A_1058, %mul3A_1054] : memref<16x1000000xf32, #tpu.memory_space<hbm>> -> memref<16x128xf32, #tpu.memory_space<hbm>>
      %dma_start3A_1060 = arith.constant 0 : i32
      %dma_start3A_1061 = arith.constant 384 : i32
      %dma_start3A_1062 = tpu.memref_slice %arg8[%dma_start3A_1060, %dma_start3A_1061] : memref<16x2048xf32, #tpu.memory_space<vmem>> -> memref<16x128xf32, #tpu.memory_space<vmem>>
      %dma_start3A_1063 = arith.constant 0 : i32
      %dma_start3A_1064 = tpu.memref_slice %arg3[%dma_start3A_1063, %mul3A_1054] : memref<16x1000000xf32, #tpu.memory_space<hbm>> -> memref<16x128xf32, #tpu.memory_space<hbm>>
      tpu.enqueue_dma source(%dma_start3A_1064 : memref<16x128xf32, #tpu.memory_space<hbm>>) target(%dma_start3A_1062 : memref<16x128xf32, #tpu.memory_space<vmem>>) target_semaphore(%arg12 : memref<!tpu.dma_semaphore, #tpu.memory_space<semaphore_mem>>)
      %slice3A_1065 = vector.extract_strided_slice %shift_right_arithmetic3A_1008 {offsets = [4], sizes = [1], strides = [1]} : vector<16xi32> to vector<1xi32>
      %squeeze3A_1066 = vector.extract %slice3A_1065[0] : i32 from vector<1xi32>
      %mul3A_1067 = arith.constant 128 : i32
      %mul3A_1068 = arith.muli %squeeze3A_1066, %mul3A_1067 : i32
      %dma_start3A_1069 = arith.constant 0 : i32
      %dma_start3A_1070 = arith.constant 512 : i32
      %dma_start3A_1071 = tpu.memref_slice %arg8[%dma_start3A_1069, %dma_start3A_1070] : memref<16x2048xf32, #tpu.memory_space<vmem>> -> memref<16x128xf32, #tpu.memory_space<vmem>>
      %dma_start3A_1072 = arith.constant 0 : i32
      %dma_start3A_1073 = tpu.memref_slice %arg3[%dma_start3A_1072, %mul3A_1068] : memref<16x1000000xf32, #tpu.memory_space<hbm>> -> memref<16x128xf32, #tpu.memory_space<hbm>>
      %dma_start3A_1074 = arith.constant 0 : i32
      %dma_start3A_1075 = arith.constant 512 : i32
      %dma_start3A_1076 = tpu.memref_slice %arg8[%dma_start3A_1074, %dma_start3A_1075] : memref<16x2048xf32, #tpu.memory_space<vmem>> -> memref<16x128xf32, #tpu.memory_space<vmem>>
      %dma_start3A_1077 = arith.constant 0 : i32
      %dma_start3A_1078 = tpu.memref_slice %arg3[%dma_start3A_1077, %mul3A_1068] : memref<16x1000000xf32, #tpu.memory_space<hbm>> -> memref<16x128xf32, #tpu.memory_space<hbm>>
      tpu.enqueue_dma source(%dma_start3A_1078 : memref<16x128xf32, #tpu.memory_space<hbm>>) target(%dma_start3A_1076 : memref<16x128xf32, #tpu.memory_space<vmem>>) target_semaphore(%arg12 : memref<!tpu.dma_semaphore, #tpu.memory_space<semaphore_mem>>)
      %slice3A_1079 = vector.extract_strided_slice %shift_right_arithmetic3A_1008 {offsets = [5], sizes = [1], strides = [1]} : vector<16xi32> to vector<1xi32>
      %squeeze3A_1080 = vector.extract %slice3A_1079[0] : i32 from vector<1xi32>
      %mul3A_1081 = arith.constant 128 : i32
      %mul3A_1082 = arith.muli %squeeze3A_1080, %mul3A_1081 : i32
      %dma_start3A_1083 = arith.constant 0 : i32
      %dma_start3A_1084 = arith.constant 640 : i32
      %dma_start3A_1085 = tpu.memref_slice %arg8[%dma_start3A_1083, %dma_start3A_1084] : memref<16x2048xf32, #tpu.memory_space<vmem>> -> memref<16x128xf32, #tpu.memory_space<vmem>>
      %dma_start3A_1086 = arith.constant 0 : i32
      %dma_start3A_1087 = tpu.memref_slice %arg3[%dma_start3A_1086, %mul3A_1082] : memref<16x1000000xf32, #tpu.memory_space<hbm>> -> memref<16x128xf32, #tpu.memory_space<hbm>>
      %dma_start3A_1088 = arith.constant 0 : i32
      %dma_start3A_1089 = arith.constant 640 : i32
      %dma_start3A_1090 = tpu.memref_slice %arg8[%dma_start3A_1088, %dma_start3A_1089] : memref<16x2048xf32, #tpu.memory_space<vmem>> -> memref<16x128xf32, #tpu.memory_space<vmem>>
      %dma_start3A_1091 = arith.constant 0 : i32
      %dma_start3A_1092 = tpu.memref_slice %arg3[%dma_start3A_1091, %mul3A_1082] : memref<16x1000000xf32, #tpu.memory_space<hbm>> -> memref<16x128xf32, #tpu.memory_space<hbm>>
      tpu.enqueue_dma source(%dma_start3A_1092 : memref<16x128xf32, #tpu.memory_space<hbm>>) target(%dma_start3A_1090 : memref<16x128xf32, #tpu.memory_space<vmem>>) target_semaphore(%arg12 : memref<!tpu.dma_semaphore, #tpu.memory_space<semaphore_mem>>)
      %slice3A_1093 = vector.extract_strided_slice %shift_right_arithmetic3A_1008 {offsets = [6], sizes = [1], strides = [1]} : vector<16xi32> to vector<1xi32>
      %squeeze3A_1094 = vector.extract %slice3A_1093[0] : i32 from vector<1xi32>
      %mul3A_1095 = arith.constant 128 : i32
      %mul3A_1096 = arith.muli %squeeze3A_1094, %mul3A_1095 : i32
      %dma_start3A_1097 = arith.constant 0 : i32
      %dma_start3A_1098 = arith.constant 768 : i32
      %dma_start3A_1099 = tpu.memref_slice %arg8[%dma_start3A_1097, %dma_start3A_1098] : memref<16x2048xf32, #tpu.memory_space<vmem>> -> memref<16x128xf32, #tpu.memory_space<vmem>>
      %dma_start3A_1100 = arith.constant 0 : i32
      %dma_start3A_1101 = tpu.memref_slice %arg3[%dma_start3A_1100, %mul3A_1096] : memref<16x1000000xf32, #tpu.memory_space<hbm>> -> memref<16x128xf32, #tpu.memory_space<hbm>>
      %dma_start3A_1102 = arith.constant 0 : i32
      %dma_start3A_1103 = arith.constant 768 : i32
      %dma_start3A_1104 = tpu.memref_slice %arg8[%dma_start3A_1102, %dma_start3A_1103] : memref<16x2048xf32, #tpu.memory_space<vmem>> -> memref<16x128xf32, #tpu.memory_space<vmem>>
      %dma_start3A_1105 = arith.constant 0 : i32
      %dma_start3A_1106 = tpu.memref_slice %arg3[%dma_start3A_1105, %mul3A_1096] : memref<16x1000000xf32, #tpu.memory_space<hbm>> -> memref<16x128xf32, #tpu.memory_space<hbm>>
      tpu.enqueue_dma source(%dma_start3A_1106 : memref<16x128xf32, #tpu.memory_space<hbm>>) target(%dma_start3A_1104 : memref<16x128xf32, #tpu.memory_space<vmem>>) target_semaphore(%arg12 : memref<!tpu.dma_semaphore, #tpu.memory_space<semaphore_mem>>)
      %slice3A_1107 = vector.extract_strided_slice %shift_right_arithmetic3A_1008 {offsets = [7], sizes = [1], strides = [1]} : vector<16xi32> to vector<1xi32>
      %squeeze3A_1108 = vector.extract %slice3A_1107[0] : i32 from vector<1xi32>
      %mul3A_1109 = arith.constant 128 : i32
      %mul3A_1110 = arith.muli %squeeze3A_1108, %mul3A_1109 : i32
      %dma_start3A_1111 = arith.constant 0 : i32
      %dma_start3A_1112 = arith.constant 896 : i32
      %dma_start3A_1113 = tpu.memref_slice %arg8[%dma_start3A_1111, %dma_start3A_1112] : memref<16x2048xf32, #tpu.memory_space<vmem>> -> memref<16x128xf32, #tpu.memory_space<vmem>>
      %dma_start3A_1114 = arith.constant 0 : i32
      %dma_start3A_1115 = tpu.memref_slice %arg3[%dma_start3A_1114, %mul3A_1110] : memref<16x1000000xf32, #tpu.memory_space<hbm>> -> memref<16x128xf32, #tpu.memory_space<hbm>>
      %dma_start3A_1116 = arith.constant 0 : i32
      %dma_start3A_1117 = arith.constant 896 : i32
      %dma_start3A_1118 = tpu.memref_slice %arg8[%dma_start3A_1116, %dma_start3A_1117] : memref<16x2048xf32, #tpu.memory_space<vmem>> -> memref<16x128xf32, #tpu.memory_space<vmem>>
      %dma_start3A_1119 = arith.constant 0 : i32
      %dma_start3A_1120 = tpu.memref_slice %arg3[%dma_start3A_1119, %mul3A_1110] : memref<16x1000000xf32, #tpu.memory_space<hbm>> -> memref<16x128xf32, #tpu.memory_space<hbm>>
      tpu.enqueue_dma source(%dma_start3A_1120 : memref<16x128xf32, #tpu.memory_space<hbm>>) target(%dma_start3A_1118 : memref<16x128xf32, #tpu.memory_space<vmem>>) target_semaphore(%arg12 : memref<!tpu.dma_semaphore, #tpu.memory_space<semaphore_mem>>)
      %slice3A_1121 = vector.extract_strided_slice %shift_right_arithmetic3A_1008 {offsets = [8], sizes = [1], strides = [1]} : vector<16xi32> to vector<1xi32>
      %squeeze3A_1122 = vector.extract %slice3A_1121[0] : i32 from vector<1xi32>
      %mul3A_1123 = arith.constant 128 : i32
      %mul3A_1124 = arith.muli %squeeze3A_1122, %mul3A_1123 : i32
      %dma_start3A_1125 = arith.constant 0 : i32
      %dma_start3A_1126 = arith.constant 1024 : i32
      %dma_start3A_1127 = tpu.memref_slice %arg8[%dma_start3A_1125, %dma_start3A_1126] : memref<16x2048xf32, #tpu.memory_space<vmem>> -> memref<16x128xf32, #tpu.memory_space<vmem>>
      %dma_start3A_1128 = arith.constant 0 : i32
      %dma_start3A_1129 = tpu.memref_slice %arg3[%dma_start3A_1128, %mul3A_1124] : memref<16x1000000xf32, #tpu.memory_space<hbm>> -> memref<16x128xf32, #tpu.memory_space<hbm>>
      %dma_start3A_1130 = arith.constant 0 : i32
      %dma_start3A_1131 = arith.constant 1024 : i32
      %dma_start3A_1132 = tpu.memref_slice %arg8[%dma_start3A_1130, %dma_start3A_1131] : memref<16x2048xf32, #tpu.memory_space<vmem>> -> memref<16x128xf32, #tpu.memory_space<vmem>>
      %dma_start3A_1133 = arith.constant 0 : i32
      %dma_start3A_1134 = tpu.memref_slice %arg3[%dma_start3A_1133, %mul3A_1124] : memref<16x1000000xf32, #tpu.memory_space<hbm>> -> memref<16x128xf32, #tpu.memory_space<hbm>>
      tpu.enqueue_dma source(%dma_start3A_1134 : memref<16x128xf32, #tpu.memory_space<hbm>>) target(%dma_start3A_1132 : memref<16x128xf32, #tpu.memory_space<vmem>>) target_semaphore(%arg12 : memref<!tpu.dma_semaphore, #tpu.memory_space<semaphore_mem>>)
      %slice3A_1135 = vector.extract_strided_slice %shift_right_arithmetic3A_1008 {offsets = [9], sizes = [1], strides = [1]} : vector<16xi32> to vector<1xi32>
      %squeeze3A_1136 = vector.extract %slice3A_1135[0] : i32 from vector<1xi32>
      %mul3A_1137 = arith.constant 128 : i32
      %mul3A_1138 = arith.muli %squeeze3A_1136, %mul3A_1137 : i32
      %dma_start3A_1139 = arith.constant 0 : i32
      %dma_start3A_1140 = arith.constant 1152 : i32
      %dma_start3A_1141 = tpu.memref_slice %arg8[%dma_start3A_1139, %dma_start3A_1140] : memref<16x2048xf32, #tpu.memory_space<vmem>> -> memref<16x128xf32, #tpu.memory_space<vmem>>
      %dma_start3A_1142 = arith.constant 0 : i32
      %dma_start3A_1143 = tpu.memref_slice %arg3[%dma_start3A_1142, %mul3A_1138] : memref<16x1000000xf32, #tpu.memory_space<hbm>> -> memref<16x128xf32, #tpu.memory_space<hbm>>
      %dma_start3A_1144 = arith.constant 0 : i32
      %dma_start3A_1145 = arith.constant 1152 : i32
      %dma_start3A_1146 = tpu.memref_slice %arg8[%dma_start3A_1144, %dma_start3A_1145] : memref<16x2048xf32, #tpu.memory_space<vmem>> -> memref<16x128xf32, #tpu.memory_space<vmem>>
      %dma_start3A_1147 = arith.constant 0 : i32
      %dma_start3A_1148 = tpu.memref_slice %arg3[%dma_start3A_1147, %mul3A_1138] : memref<16x1000000xf32, #tpu.memory_space<hbm>> -> memref<16x128xf32, #tpu.memory_space<hbm>>
      tpu.enqueue_dma source(%dma_start3A_1148 : memref<16x128xf32, #tpu.memory_space<hbm>>) target(%dma_start3A_1146 : memref<16x128xf32, #tpu.memory_space<vmem>>) target_semaphore(%arg12 : memref<!tpu.dma_semaphore, #tpu.memory_space<semaphore_mem>>)
      %slice3A_1149 = vector.extract_strided_slice %shift_right_arithmetic3A_1008 {offsets = [10], sizes = [1], strides = [1]} : vector<16xi32> to vector<1xi32>
      %squeeze3A_1150 = vector.extract %slice3A_1149[0] : i32 from vector<1xi32>
      %mul3A_1151 = arith.constant 128 : i32
      %mul3A_1152 = arith.muli %squeeze3A_1150, %mul3A_1151 : i32
      %dma_start3A_1153 = arith.constant 0 : i32
      %dma_start3A_1154 = arith.constant 1280 : i32
      %dma_start3A_1155 = tpu.memref_slice %arg8[%dma_start3A_1153, %dma_start3A_1154] : memref<16x2048xf32, #tpu.memory_space<vmem>> -> memref<16x128xf32, #tpu.memory_space<vmem>>
      %dma_start3A_1156 = arith.constant 0 : i32
      %dma_start3A_1157 = tpu.memref_slice %arg3[%dma_start3A_1156, %mul3A_1152] : memref<16x1000000xf32, #tpu.memory_space<hbm>> -> memref<16x128xf32, #tpu.memory_space<hbm>>
      %dma_start3A_1158 = arith.constant 0 : i32
      %dma_start3A_1159 = arith.constant 1280 : i32
      %dma_start3A_1160 = tpu.memref_slice %arg8[%dma_start3A_1158, %dma_start3A_1159] : memref<16x2048xf32, #tpu.memory_space<vmem>> -> memref<16x128xf32, #tpu.memory_space<vmem>>
      %dma_start3A_1161 = arith.constant 0 : i32
      %dma_start3A_1162 = tpu.memref_slice %arg3[%dma_start3A_1161, %mul3A_1152] : memref<16x1000000xf32, #tpu.memory_space<hbm>> -> memref<16x128xf32, #tpu.memory_space<hbm>>
      tpu.enqueue_dma source(%dma_start3A_1162 : memref<16x128xf32, #tpu.memory_space<hbm>>) target(%dma_start3A_1160 : memref<16x128xf32, #tpu.memory_space<vmem>>) target_semaphore(%arg12 : memref<!tpu.dma_semaphore, #tpu.memory_space<semaphore_mem>>)
      %slice3A_1163 = vector.extract_strided_slice %shift_right_arithmetic3A_1008 {offsets = [11], sizes = [1], strides = [1]} : vector<16xi32> to vector<1xi32>
      %squeeze3A_1164 = vector.extract %slice3A_1163[0] : i32 from vector<1xi32>
      %mul3A_1165 = arith.constant 128 : i32
      %mul3A_1166 = arith.muli %squeeze3A_1164, %mul3A_1165 : i32
      %dma_start3A_1167 = arith.constant 0 : i32
      %dma_start3A_1168 = arith.constant 1408 : i32
      %dma_start3A_1169 = tpu.memref_slice %arg8[%dma_start3A_1167, %dma_start3A_1168] : memref<16x2048xf32, #tpu.memory_space<vmem>> -> memref<16x128xf32, #tpu.memory_space<vmem>>
      %dma_start3A_1170 = arith.constant 0 : i32
      %dma_start3A_1171 = tpu.memref_slice %arg3[%dma_start3A_1170, %mul3A_1166] : memref<16x1000000xf32, #tpu.memory_space<hbm>> -> memref<16x128xf32, #tpu.memory_space<hbm>>
      %dma_start3A_1172 = arith.constant 0 : i32
      %dma_start3A_1173 = arith.constant 1408 : i32
      %dma_start3A_1174 = tpu.memref_slice %arg8[%dma_start3A_1172, %dma_start3A_1173] : memref<16x2048xf32, #tpu.memory_space<vmem>> -> memref<16x128xf32, #tpu.memory_space<vmem>>
      %dma_start3A_1175 = arith.constant 0 : i32
      %dma_start3A_1176 = tpu.memref_slice %arg3[%dma_start3A_1175, %mul3A_1166] : memref<16x1000000xf32, #tpu.memory_space<hbm>> -> memref<16x128xf32, #tpu.memory_space<hbm>>
      tpu.enqueue_dma source(%dma_start3A_1176 : memref<16x128xf32, #tpu.memory_space<hbm>>) target(%dma_start3A_1174 : memref<16x128xf32, #tpu.memory_space<vmem>>) target_semaphore(%arg12 : memref<!tpu.dma_semaphore, #tpu.memory_space<semaphore_mem>>)
      %slice3A_1177 = vector.extract_strided_slice %shift_right_arithmetic3A_1008 {offsets = [12], sizes = [1], strides = [1]} : vector<16xi32> to vector<1xi32>
      %squeeze3A_1178 = vector.extract %slice3A_1177[0] : i32 from vector<1xi32>
      %mul3A_1179 = arith.constant 128 : i32
      %mul3A_1180 = arith.muli %squeeze3A_1178, %mul3A_1179 : i32
      %dma_start3A_1181 = arith.constant 0 : i32
      %dma_start3A_1182 = arith.constant 1536 : i32
      %dma_start3A_1183 = tpu.memref_slice %arg8[%dma_start3A_1181, %dma_start3A_1182] : memref<16x2048xf32, #tpu.memory_space<vmem>> -> memref<16x128xf32, #tpu.memory_space<vmem>>
      %dma_start3A_1184 = arith.constant 0 : i32
      %dma_start3A_1185 = tpu.memref_slice %arg3[%dma_start3A_1184, %mul3A_1180] : memref<16x1000000xf32, #tpu.memory_space<hbm>> -> memref<16x128xf32, #tpu.memory_space<hbm>>
      %dma_start3A_1186 = arith.constant 0 : i32
      %dma_start3A_1187 = arith.constant 1536 : i32
      %dma_start3A_1188 = tpu.memref_slice %arg8[%dma_start3A_1186, %dma_start3A_1187] : memref<16x2048xf32, #tpu.memory_space<vmem>> -> memref<16x128xf32, #tpu.memory_space<vmem>>
      %dma_start3A_1189 = arith.constant 0 : i32
      %dma_start3A_1190 = tpu.memref_slice %arg3[%dma_start3A_1189, %mul3A_1180] : memref<16x1000000xf32, #tpu.memory_space<hbm>> -> memref<16x128xf32, #tpu.memory_space<hbm>>
      tpu.enqueue_dma source(%dma_start3A_1190 : memref<16x128xf32, #tpu.memory_space<hbm>>) target(%dma_start3A_1188 : memref<16x128xf32, #tpu.memory_space<vmem>>) target_semaphore(%arg12 : memref<!tpu.dma_semaphore, #tpu.memory_space<semaphore_mem>>)
      %slice3A_1191 = vector.extract_strided_slice %shift_right_arithmetic3A_1008 {offsets = [13], sizes = [1], strides = [1]} : vector<16xi32> to vector<1xi32>
      %squeeze3A_1192 = vector.extract %slice3A_1191[0] : i32 from vector<1xi32>
      %mul3A_1193 = arith.constant 128 : i32
      %mul3A_1194 = arith.muli %squeeze3A_1192, %mul3A_1193 : i32
      %dma_start3A_1195 = arith.constant 0 : i32
      %dma_start3A_1196 = arith.constant 1664 : i32
      %dma_start3A_1197 = tpu.memref_slice %arg8[%dma_start3A_1195, %dma_start3A_1196] : memref<16x2048xf32, #tpu.memory_space<vmem>> -> memref<16x128xf32, #tpu.memory_space<vmem>>
      %dma_start3A_1198 = arith.constant 0 : i32
      %dma_start3A_1199 = tpu.memref_slice %arg3[%dma_start3A_1198, %mul3A_1194] : memref<16x1000000xf32, #tpu.memory_space<hbm>> -> memref<16x128xf32, #tpu.memory_space<hbm>>
      %dma_start3A_1200 = arith.constant 0 : i32
      %dma_start3A_1201 = arith.constant 1664 : i32
      %dma_start3A_1202 = tpu.memref_slice %arg8[%dma_start3A_1200, %dma_start3A_1201] : memref<16x2048xf32, #tpu.memory_space<vmem>> -> memref<16x128xf32, #tpu.memory_space<vmem>>
      %dma_start3A_1203 = arith.constant 0 : i32
      %dma_start3A_1204 = tpu.memref_slice %arg3[%dma_start3A_1203, %mul3A_1194] : memref<16x1000000xf32, #tpu.memory_space<hbm>> -> memref<16x128xf32, #tpu.memory_space<hbm>>
      tpu.enqueue_dma source(%dma_start3A_1204 : memref<16x128xf32, #tpu.memory_space<hbm>>) target(%dma_start3A_1202 : memref<16x128xf32, #tpu.memory_space<vmem>>) target_semaphore(%arg12 : memref<!tpu.dma_semaphore, #tpu.memory_space<semaphore_mem>>)
      %slice3A_1205 = vector.extract_strided_slice %shift_right_arithmetic3A_1008 {offsets = [14], sizes = [1], strides = [1]} : vector<16xi32> to vector<1xi32>
      %squeeze3A_1206 = vector.extract %slice3A_1205[0] : i32 from vector<1xi32>
      %mul3A_1207 = arith.constant 128 : i32
      %mul3A_1208 = arith.muli %squeeze3A_1206, %mul3A_1207 : i32
      %dma_start3A_1209 = arith.constant 0 : i32
      %dma_start3A_1210 = arith.constant 1792 : i32
      %dma_start3A_1211 = tpu.memref_slice %arg8[%dma_start3A_1209, %dma_start3A_1210] : memref<16x2048xf32, #tpu.memory_space<vmem>> -> memref<16x128xf32, #tpu.memory_space<vmem>>
      %dma_start3A_1212 = arith.constant 0 : i32
      %dma_start3A_1213 = tpu.memref_slice %arg3[%dma_start3A_1212, %mul3A_1208] : memref<16x1000000xf32, #tpu.memory_space<hbm>> -> memref<16x128xf32, #tpu.memory_space<hbm>>
      %dma_start3A_1214 = arith.constant 0 : i32
      %dma_start3A_1215 = arith.constant 1792 : i32
      %dma_start3A_1216 = tpu.memref_slice %arg8[%dma_start3A_1214, %dma_start3A_1215] : memref<16x2048xf32, #tpu.memory_space<vmem>> -> memref<16x128xf32, #tpu.memory_space<vmem>>
      %dma_start3A_1217 = arith.constant 0 : i32
      %dma_start3A_1218 = tpu.memref_slice %arg3[%dma_start3A_1217, %mul3A_1208] : memref<16x1000000xf32, #tpu.memory_space<hbm>> -> memref<16x128xf32, #tpu.memory_space<hbm>>
      tpu.enqueue_dma source(%dma_start3A_1218 : memref<16x128xf32, #tpu.memory_space<hbm>>) target(%dma_start3A_1216 : memref<16x128xf32, #tpu.memory_space<vmem>>) target_semaphore(%arg12 : memref<!tpu.dma_semaphore, #tpu.memory_space<semaphore_mem>>)
      %slice3A_1219 = vector.extract_strided_slice %shift_right_arithmetic3A_1008 {offsets = [15], sizes = [1], strides = [1]} : vector<16xi32> to vector<1xi32>
      %squeeze3A_1220 = vector.extract %slice3A_1219[0] : i32 from vector<1xi32>
      %mul3A_1221 = arith.constant 128 : i32
      %mul3A_1222 = arith.muli %squeeze3A_1220, %mul3A_1221 : i32
      %dma_start3A_1223 = arith.constant 0 : i32
      %dma_start3A_1224 = arith.constant 1920 : i32
      %dma_start3A_1225 = tpu.memref_slice %arg8[%dma_start3A_1223, %dma_start3A_1224] : memref<16x2048xf32, #tpu.memory_space<vmem>> -> memref<16x128xf32, #tpu.memory_space<vmem>>
      %dma_start3A_1226 = arith.constant 0 : i32
      %dma_start3A_1227 = tpu.memref_slice %arg3[%dma_start3A_1226, %mul3A_1222] : memref<16x1000000xf32, #tpu.memory_space<hbm>> -> memref<16x128xf32, #tpu.memory_space<hbm>>
      %dma_start3A_1228 = arith.constant 0 : i32
      %dma_start3A_1229 = arith.constant 1920 : i32
      %dma_start3A_1230 = tpu.memref_slice %arg8[%dma_start3A_1228, %dma_start3A_1229] : memref<16x2048xf32, #tpu.memory_space<vmem>> -> memref<16x128xf32, #tpu.memory_space<vmem>>
      %dma_start3A_1231 = arith.constant 0 : i32
      %dma_start3A_1232 = tpu.memref_slice %arg3[%dma_start3A_1231, %mul3A_1222] : memref<16x1000000xf32, #tpu.memory_space<hbm>> -> memref<16x128xf32, #tpu.memory_space<hbm>>
      tpu.enqueue_dma source(%dma_start3A_1232 : memref<16x128xf32, #tpu.memory_space<hbm>>) target(%dma_start3A_1230 : memref<16x128xf32, #tpu.memory_space<vmem>>) target_semaphore(%arg12 : memref<!tpu.dma_semaphore, #tpu.memory_space<semaphore_mem>>)
      %add3A_1233 = arith.constant 1 : i32
      %add3A_1234 = arith.addi %mul3A_813, %add3A_1233 : i32
      %dma_wait3A_1235 = arith.constant 0 : i32
      %dma_wait3A_1236 = arith.constant 0 : i32
      %dma_wait3A_1237 = tpu.memref_slice %arg3[%dma_wait3A_1235, %dma_wait3A_1236] : memref<16x1000000xf32, #tpu.memory_space<hbm>> -> memref<16x2048xf32, #tpu.memory_space<hbm>>
      %dma_wait3A_1238 = arith.constant 0 : i32
      %dma_wait3A_1239 = arith.constant 0 : i32
      %dma_wait3A_1240 = tpu.memref_slice %arg3[%dma_wait3A_1238, %dma_wait3A_1239] : memref<16x1000000xf32, #tpu.memory_space<hbm>> -> memref<16x2048xf32, #tpu.memory_space<hbm>>
      tpu.wait_dma2 semaphore(%arg11 : memref<!tpu.dma_semaphore, #tpu.memory_space<semaphore_mem>>) src(%dma_wait3A_1240 : memref<16x2048xf32, #tpu.memory_space<hbm>>) dst(%arg7 : memref<16x2048xf32, #tpu.memory_space<vmem>>)
      %mul3A_1241 = arith.constant 16 : i32
      %mul3A_1242 = arith.muli %add3A_1234, %mul3A_1241 : i32
      %get3A_1243 = arith.index_cast %mul3A_1242 : i32 to index
      %get3A_1244 = tpu.vector_load %arg5[%get3A_1243] {strides = array<i32>} : memref<512xi32, #tpu.memory_space<vmem>>, vector<16xi32>,
      %mul3A_1245 = arith.constant 128 : i32
      %mul3A_1246 = vector.broadcast %mul3A_1245 : i32 to vector<16xi32>
      %mul3A_1247 = arith.muli %iota3A, %mul3A_1246 : vector<16xi32>
      %and3A_1248 = arith.constant 127 : i32
      %and3A_1249 = vector.broadcast %and3A_1248 : i32 to vector<16xi32>
      %and3A_1250 = arith.andi %get3A_1244, %and3A_1249 : vector<16xi32>
      %add3A_1251 = arith.addi %mul3A_1247, %and3A_1250 : vector<16xi32>
      %broadcast_in_dim3A_1252 = arith.constant 0 : i32
      %broadcast_in_dim3A_1253 = vector.broadcast %broadcast_in_dim3A_1252 : i32 to vector<16xi32>
      %gather3A_1254 = tpu.vector_load_idx %arg7[%broadcast_in_dim3A_1253, %add3A_1251] : memref<16x2048xf32, #tpu.memory_space<vmem>>[vector<16xi32>, vector<16xi32>], vector<16xf32>,
      %broadcast_in_dim3A_1255 = arith.constant 1 : i32
      %broadcast_in_dim3A_1256 = vector.broadcast %broadcast_in_dim3A_1255 : i32 to vector<16xi32>
      %gather3A_1257 = tpu.vector_load_idx %arg7[%broadcast_in_dim3A_1256, %add3A_1251] : memref<16x2048xf32, #tpu.memory_space<vmem>>[vector<16xi32>, vector<16xi32>], vector<16xf32>,
      %broadcast_in_dim3A_1258 = arith.constant 2 : i32
      %broadcast_in_dim3A_1259 = vector.broadcast %broadcast_in_dim3A_1258 : i32 to vector<16xi32>
      %gather3A_1260 = tpu.vector_load_idx %arg7[%broadcast_in_dim3A_1259, %add3A_1251] : memref<16x2048xf32, #tpu.memory_space<vmem>>[vector<16xi32>, vector<16xi32>], vector<16xf32>,
      %broadcast_in_dim3A_1261 = arith.constant 3 : i32
      %broadcast_in_dim3A_1262 = vector.broadcast %broadcast_in_dim3A_1261 : i32 to vector<16xi32>
      %gather3A_1263 = tpu.vector_load_idx %arg7[%broadcast_in_dim3A_1262, %add3A_1251] : memref<16x2048xf32, #tpu.memory_space<vmem>>[vector<16xi32>, vector<16xi32>], vector<16xf32>,
      %broadcast_in_dim3A_1264 = arith.constant 4 : i32
      %broadcast_in_dim3A_1265 = vector.broadcast %broadcast_in_dim3A_1264 : i32 to vector<16xi32>
      %gather3A_1266 = tpu.vector_load_idx %arg7[%broadcast_in_dim3A_1265, %add3A_1251] : memref<16x2048xf32, #tpu.memory_space<vmem>>[vector<16xi32>, vector<16xi32>], vector<16xf32>,
      %broadcast_in_dim3A_1267 = arith.constant 5 : i32
      %broadcast_in_dim3A_1268 = vector.broadcast %broadcast_in_dim3A_1267 : i32 to vector<16xi32>
      %gather3A_1269 = tpu.vector_load_idx %arg7[%broadcast_in_dim3A_1268, %add3A_1251] : memref<16x2048xf32, #tpu.memory_space<vmem>>[vector<16xi32>, vector<16xi32>], vector<16xf32>,
      %broadcast_in_dim3A_1270 = arith.constant 6 : i32
      %broadcast_in_dim3A_1271 = vector.broadcast %broadcast_in_dim3A_1270 : i32 to vector<16xi32>
      %gather3A_1272 = tpu.vector_load_idx %arg7[%broadcast_in_dim3A_1271, %add3A_1251] : memref<16x2048xf32, #tpu.memory_space<vmem>>[vector<16xi32>, vector<16xi32>], vector<16xf32>,
      %broadcast_in_dim3A_1273 = arith.constant 7 : i32
      %broadcast_in_dim3A_1274 = vector.broadcast %broadcast_in_dim3A_1273 : i32 to vector<16xi32>
      %gather3A_1275 = tpu.vector_load_idx %arg7[%broadcast_in_dim3A_1274, %add3A_1251] : memref<16x2048xf32, #tpu.memory_space<vmem>>[vector<16xi32>, vector<16xi32>], vector<16xf32>,
      %broadcast_in_dim3A_1276 = arith.constant 8 : i32
      %broadcast_in_dim3A_1277 = vector.broadcast %broadcast_in_dim3A_1276 : i32 to vector<16xi32>
      %gather3A_1278 = tpu.vector_load_idx %arg7[%broadcast_in_dim3A_1277, %add3A_1251] : memref<16x2048xf32, #tpu.memory_space<vmem>>[vector<16xi32>, vector<16xi32>], vector<16xf32>,
      %broadcast_in_dim3A_1279 = arith.constant 9 : i32
      %broadcast_in_dim3A_1280 = vector.broadcast %broadcast_in_dim3A_1279 : i32 to vector<16xi32>
      %gather3A_1281 = tpu.vector_load_idx %arg7[%broadcast_in_dim3A_1280, %add3A_1251] : memref<16x2048xf32, #tpu.memory_space<vmem>>[vector<16xi32>, vector<16xi32>], vector<16xf32>,
      %broadcast_in_dim3A_1282 = arith.constant 10 : i32
      %broadcast_in_dim3A_1283 = vector.broadcast %broadcast_in_dim3A_1282 : i32 to vector<16xi32>
      %gather3A_1284 = tpu.vector_load_idx %arg7[%broadcast_in_dim3A_1283, %add3A_1251] : memref<16x2048xf32, #tpu.memory_space<vmem>>[vector<16xi32>, vector<16xi32>], vector<16xf32>,
      %broadcast_in_dim3A_1285 = arith.constant 11 : i32
      %broadcast_in_dim3A_1286 = vector.broadcast %broadcast_in_dim3A_1285 : i32 to vector<16xi32>
      %gather3A_1287 = tpu.vector_load_idx %arg7[%broadcast_in_dim3A_1286, %add3A_1251] : memref<16x2048xf32, #tpu.memory_space<vmem>>[vector<16xi32>, vector<16xi32>], vector<16xf32>,
      %broadcast_in_dim3A_1288 = arith.constant 12 : i32
      %broadcast_in_dim3A_1289 = vector.broadcast %broadcast_in_dim3A_1288 : i32 to vector<16xi32>
      %gather3A_1290 = tpu.vector_load_idx %arg7[%broadcast_in_dim3A_1289, %add3A_1251] : memref<16x2048xf32, #tpu.memory_space<vmem>>[vector<16xi32>, vector<16xi32>], vector<16xf32>,
      %broadcast_in_dim3A_1291 = arith.constant 13 : i32
      %broadcast_in_dim3A_1292 = vector.broadcast %broadcast_in_dim3A_1291 : i32 to vector<16xi32>
      %gather3A_1293 = tpu.vector_load_idx %arg7[%broadcast_in_dim3A_1292, %add3A_1251] : memref<16x2048xf32, #tpu.memory_space<vmem>>[vector<16xi32>, vector<16xi32>], vector<16xf32>,
      %broadcast_in_dim3A_1294 = arith.constant 14 : i32
      %broadcast_in_dim3A_1295 = vector.broadcast %broadcast_in_dim3A_1294 : i32 to vector<16xi32>
      %gather3A_1296 = tpu.vector_load_idx %arg7[%broadcast_in_dim3A_1295, %add3A_1251] : memref<16x2048xf32, #tpu.memory_space<vmem>>[vector<16xi32>, vector<16xi32>], vector<16xf32>,
      %broadcast_in_dim3A_1297 = arith.constant 15 : i32
      %broadcast_in_dim3A_1298 = vector.broadcast %broadcast_in_dim3A_1297 : i32 to vector<16xi32>
      %gather3A_1299 = tpu.vector_load_idx %arg7[%broadcast_in_dim3A_1298, %add3A_1251] : memref<16x2048xf32, #tpu.memory_space<vmem>>[vector<16xi32>, vector<16xi32>], vector<16xf32>,
      %max3A_1300 = arith.maximumf %gather3A_1254, %gather3A_1257 : vector<16xf32>
      %max3A_1301 = arith.maximumf %max3A_1300, %gather3A_1260 : vector<16xf32>
      %max3A_1302 = arith.maximumf %max3A_1301, %gather3A_1263 : vector<16xf32>
      %max3A_1303 = arith.maximumf %max3A_1302, %gather3A_1266 : vector<16xf32>
      %max3A_1304 = arith.maximumf %max3A_1303, %gather3A_1269 : vector<16xf32>
      %max3A_1305 = arith.maximumf %max3A_1304, %gather3A_1272 : vector<16xf32>
      %max3A_1306 = arith.maximumf %max3A_1305, %gather3A_1275 : vector<16xf32>
      %max3A_1307 = arith.maximumf %max3A_1306, %gather3A_1278 : vector<16xf32>
      %max3A_1308 = arith.maximumf %max3A_1307, %gather3A_1281 : vector<16xf32>
      %max3A_1309 = arith.maximumf %max3A_1308, %gather3A_1284 : vector<16xf32>
      %max3A_1310 = arith.maximumf %max3A_1309, %gather3A_1287 : vector<16xf32>
      %max3A_1311 = arith.maximumf %max3A_1310, %gather3A_1290 : vector<16xf32>
      %max3A_1312 = arith.maximumf %max3A_1311, %gather3A_1293 : vector<16xf32>
      %max3A_1313 = arith.maximumf %max3A_1312, %gather3A_1296 : vector<16xf32>
      %max3A_1314 = arith.maximumf %max3A_1313, %gather3A_1299 : vector<16xf32>
      %sub3A_1315 = arith.subf %gather3A_1254, %max3A_1314 : vector<16xf32>
      %exp3A_1316 = math.exp %sub3A_1315 : vector<16xf32>
      %sub3A_1317 = arith.subf %gather3A_1257, %max3A_1314 : vector<16xf32>
      %exp3A_1318 = math.exp %sub3A_1317 : vector<16xf32>
      %sub3A_1319 = arith.subf %gather3A_1260, %max3A_1314 : vector<16xf32>
      %exp3A_1320 = math.exp %sub3A_1319 : vector<16xf32>
      %sub3A_1321 = arith.subf %gather3A_1263, %max3A_1314 : vector<16xf32>
      %exp3A_1322 = math.exp %sub3A_1321 : vector<16xf32>
      %sub3A_1323 = arith.subf %gather3A_1266, %max3A_1314 : vector<16xf32>
      %exp3A_1324 = math.exp %sub3A_1323 : vector<16xf32>
      %sub3A_1325 = arith.subf %gather3A_1269, %max3A_1314 : vector<16xf32>
      %exp3A_1326 = math.exp %sub3A_1325 : vector<16xf32>
      %sub3A_1327 = arith.subf %gather3A_1272, %max3A_1314 : vector<16xf32>
      %exp3A_1328 = math.exp %sub3A_1327 : vector<16xf32>
      %sub3A_1329 = arith.subf %gather3A_1275, %max3A_1314 : vector<16xf32>
      %exp3A_1330 = math.exp %sub3A_1329 : vector<16xf32>
      %sub3A_1331 = arith.subf %gather3A_1278, %max3A_1314 : vector<16xf32>
      %exp3A_1332 = math.exp %sub3A_1331 : vector<16xf32>
      %sub3A_1333 = arith.subf %gather3A_1281, %max3A_1314 : vector<16xf32>
      %exp3A_1334 = math.exp %sub3A_1333 : vector<16xf32>
      %sub3A_1335 = arith.subf %gather3A_1284, %max3A_1314 : vector<16xf32>
      %exp3A_1336 = math.exp %sub3A_1335 : vector<16xf32>
      %sub3A_1337 = arith.subf %gather3A_1287, %max3A_1314 : vector<16xf32>
      %exp3A_1338 = math.exp %sub3A_1337 : vector<16xf32>
      %sub3A_1339 = arith.subf %gather3A_1290, %max3A_1314 : vector<16xf32>
      %exp3A_1340 = math.exp %sub3A_1339 : vector<16xf32>
      %sub3A_1341 = arith.subf %gather3A_1293, %max3A_1314 : vector<16xf32>
      %exp3A_1342 = math.exp %sub3A_1341 : vector<16xf32>
      %sub3A_1343 = arith.subf %gather3A_1296, %max3A_1314 : vector<16xf32>
      %exp3A_1344 = math.exp %sub3A_1343 : vector<16xf32>
      %sub3A_1345 = arith.subf %gather3A_1299, %max3A_1314 : vector<16xf32>
      %exp3A_1346 = math.exp %sub3A_1345 : vector<16xf32>
      %add3A_1347 = arith.addf %exp3A_1316, %exp3A_1318 : vector<16xf32>
      %add3A_1348 = arith.addf %add3A_1347, %exp3A_1320 : vector<16xf32>
      %add3A_1349 = arith.addf %add3A_1348, %exp3A_1322 : vector<16xf32>
      %add3A_1350 = arith.addf %add3A_1349, %exp3A_1324 : vector<16xf32>
      %add3A_1351 = arith.addf %add3A_1350, %exp3A_1326 : vector<16xf32>
      %add3A_1352 = arith.addf %add3A_1351, %exp3A_1328 : vector<16xf32>
      %add3A_1353 = arith.addf %add3A_1352, %exp3A_1330 : vector<16xf32>
      %add3A_1354 = arith.addf %add3A_1353, %exp3A_1332 : vector<16xf32>
      %add3A_1355 = arith.addf %add3A_1354, %exp3A_1334 : vector<16xf32>
      %add3A_1356 = arith.addf %add3A_1355, %exp3A_1336 : vector<16xf32>
      %add3A_1357 = arith.addf %add3A_1356, %exp3A_1338 : vector<16xf32>
      %add3A_1358 = arith.addf %add3A_1357, %exp3A_1340 : vector<16xf32>
      %add3A_1359 = arith.addf %add3A_1358, %exp3A_1342 : vector<16xf32>
      %add3A_1360 = arith.addf %add3A_1359, %exp3A_1344 : vector<16xf32>
      %add3A_1361 = arith.addf %add3A_1360, %exp3A_1346 : vector<16xf32>
      %div3A_1362 = arith.constant 1.000000e+00 : f32
      %div3A_1363 = vector.broadcast %div3A_1362 : f32 to vector<16xf32>
      %div3A_1364 = arith.divf %div3A_1363, %add3A_1361 : vector<16xf32>
      %mul3A_1365 = arith.constant 16 : i32
      %mul3A_1366 = arith.muli %add3A_1234, %mul3A_1365 : i32
      %add3A_1367 = vector.broadcast %mul3A_1366 : i32 to vector<16xi32>
      %add3A_1368 = arith.addi %add3A_1367, %iota3A : vector<16xi32>
      %broadcast_in_dim3A_1369 = arith.constant 0 : i32
      %broadcast_in_dim3A_1370 = vector.broadcast %broadcast_in_dim3A_1369 : i32 to vector<16xi32>
      %mul3A_1371 = arith.mulf %exp3A_1316, %div3A_1364 : vector<16xf32>
      tpu.vector_store_idx %arg9[%broadcast_in_dim3A_1370, %add3A_1368], %mul3A_1371 : memref<16x512xf32, #tpu.memory_space<vmem>>[vector<16xi32>, vector<16xi32>], vector<16xf32>,
      %broadcast_in_dim3A_1372 = arith.constant 1 : i32
      %broadcast_in_dim3A_1373 = vector.broadcast %broadcast_in_dim3A_1372 : i32 to vector<16xi32>
      %mul3A_1374 = arith.mulf %exp3A_1318, %div3A_1364 : vector<16xf32>
      tpu.vector_store_idx %arg9[%broadcast_in_dim3A_1373, %add3A_1368], %mul3A_1374 : memref<16x512xf32, #tpu.memory_space<vmem>>[vector<16xi32>, vector<16xi32>], vector<16xf32>,
      %broadcast_in_dim3A_1375 = arith.constant 2 : i32
      %broadcast_in_dim3A_1376 = vector.broadcast %broadcast_in_dim3A_1375 : i32 to vector<16xi32>
      %mul3A_1377 = arith.mulf %exp3A_1320, %div3A_1364 : vector<16xf32>
      tpu.vector_store_idx %arg9[%broadcast_in_dim3A_1376, %add3A_1368], %mul3A_1377 : memref<16x512xf32, #tpu.memory_space<vmem>>[vector<16xi32>, vector<16xi32>], vector<16xf32>,
      %broadcast_in_dim3A_1378 = arith.constant 3 : i32
      %broadcast_in_dim3A_1379 = vector.broadcast %broadcast_in_dim3A_1378 : i32 to vector<16xi32>
      %mul3A_1380 = arith.mulf %exp3A_1322, %div3A_1364 : vector<16xf32>
      tpu.vector_store_idx %arg9[%broadcast_in_dim3A_1379, %add3A_1368], %mul3A_1380 : memref<16x512xf32, #tpu.memory_space<vmem>>[vector<16xi32>, vector<16xi32>], vector<16xf32>,
      %broadcast_in_dim3A_1381 = arith.constant 4 : i32
      %broadcast_in_dim3A_1382 = vector.broadcast %broadcast_in_dim3A_1381 : i32 to vector<16xi32>
      %mul3A_1383 = arith.mulf %exp3A_1324, %div3A_1364 : vector<16xf32>
      tpu.vector_store_idx %arg9[%broadcast_in_dim3A_1382, %add3A_1368], %mul3A_1383 : memref<16x512xf32, #tpu.memory_space<vmem>>[vector<16xi32>, vector<16xi32>], vector<16xf32>,
      %broadcast_in_dim3A_1384 = arith.constant 5 : i32
      %broadcast_in_dim3A_1385 = vector.broadcast %broadcast_in_dim3A_1384 : i32 to vector<16xi32>
      %mul3A_1386 = arith.mulf %exp3A_1326, %div3A_1364 : vector<16xf32>
      tpu.vector_store_idx %arg9[%broadcast_in_dim3A_1385, %add3A_1368], %mul3A_1386 : memref<16x512xf32, #tpu.memory_space<vmem>>[vector<16xi32>, vector<16xi32>], vector<16xf32>,
      %broadcast_in_dim3A_1387 = arith.constant 6 : i32
      %broadcast_in_dim3A_1388 = vector.broadcast %broadcast_in_dim3A_1387 : i32 to vector<16xi32>
      %mul3A_1389 = arith.mulf %exp3A_1328, %div3A_1364 : vector<16xf32>
      tpu.vector_store_idx %arg9[%broadcast_in_dim3A_1388, %add3A_1368], %mul3A_1389 : memref<16x512xf32, #tpu.memory_space<vmem>>[vector<16xi32>, vector<16xi32>], vector<16xf32>,
      %broadcast_in_dim3A_1390 = arith.constant 7 : i32
      %broadcast_in_dim3A_1391 = vector.broadcast %broadcast_in_dim3A_1390 : i32 to vector<16xi32>
      %mul3A_1392 = arith.mulf %exp3A_1330, %div3A_1364 : vector<16xf32>
      tpu.vector_store_idx %arg9[%broadcast_in_dim3A_1391, %add3A_1368], %mul3A_1392 : memref<16x512xf32, #tpu.memory_space<vmem>>[vector<16xi32>, vector<16xi32>], vector<16xf32>,
      %broadcast_in_dim3A_1393 = arith.constant 8 : i32
      %broadcast_in_dim3A_1394 = vector.broadcast %broadcast_in_dim3A_1393 : i32 to vector<16xi32>
      %mul3A_1395 = arith.mulf %exp3A_1332, %div3A_1364 : vector<16xf32>
      tpu.vector_store_idx %arg9[%broadcast_in_dim3A_1394, %add3A_1368], %mul3A_1395 : memref<16x512xf32, #tpu.memory_space<vmem>>[vector<16xi32>, vector<16xi32>], vector<16xf32>,
      %broadcast_in_dim3A_1396 = arith.constant 9 : i32
      %broadcast_in_dim3A_1397 = vector.broadcast %broadcast_in_dim3A_1396 : i32 to vector<16xi32>
      %mul3A_1398 = arith.mulf %exp3A_1334, %div3A_1364 : vector<16xf32>
      tpu.vector_store_idx %arg9[%broadcast_in_dim3A_1397, %add3A_1368], %mul3A_1398 : memref<16x512xf32, #tpu.memory_space<vmem>>[vector<16xi32>, vector<16xi32>], vector<16xf32>,
      %broadcast_in_dim3A_1399 = arith.constant 10 : i32
      %broadcast_in_dim3A_1400 = vector.broadcast %broadcast_in_dim3A_1399 : i32 to vector<16xi32>
      %mul3A_1401 = arith.mulf %exp3A_1336, %div3A_1364 : vector<16xf32>
      tpu.vector_store_idx %arg9[%broadcast_in_dim3A_1400, %add3A_1368], %mul3A_1401 : memref<16x512xf32, #tpu.memory_space<vmem>>[vector<16xi32>, vector<16xi32>], vector<16xf32>,
      %broadcast_in_dim3A_1402 = arith.constant 11 : i32
      %broadcast_in_dim3A_1403 = vector.broadcast %broadcast_in_dim3A_1402 : i32 to vector<16xi32>
      %mul3A_1404 = arith.mulf %exp3A_1338, %div3A_1364 : vector<16xf32>
      tpu.vector_store_idx %arg9[%broadcast_in_dim3A_1403, %add3A_1368], %mul3A_1404 : memref<16x512xf32, #tpu.memory_space<vmem>>[vector<16xi32>, vector<16xi32>], vector<16xf32>,
      %broadcast_in_dim3A_1405 = arith.constant 12 : i32
      %broadcast_in_dim3A_1406 = vector.broadcast %broadcast_in_dim3A_1405 : i32 to vector<16xi32>
      %mul3A_1407 = arith.mulf %exp3A_1340, %div3A_1364 : vector<16xf32>
      tpu.vector_store_idx %arg9[%broadcast_in_dim3A_1406, %add3A_1368], %mul3A_1407 : memref<16x512xf32, #tpu.memory_space<vmem>>[vector<16xi32>, vector<16xi32>], vector<16xf32>,
      %broadcast_in_dim3A_1408 = arith.constant 13 : i32
      %broadcast_in_dim3A_1409 = vector.broadcast %broadcast_in_dim3A_1408 : i32 to vector<16xi32>
      %mul3A_1410 = arith.mulf %exp3A_1342, %div3A_1364 : vector<16xf32>
      tpu.vector_store_idx %arg9[%broadcast_in_dim3A_1409, %add3A_1368], %mul3A_1410 : memref<16x512xf32, #tpu.memory_space<vmem>>[vector<16xi32>, vector<16xi32>], vector<16xf32>,
      %broadcast_in_dim3A_1411 = arith.constant 14 : i32
      %broadcast_in_dim3A_1412 = vector.broadcast %broadcast_in_dim3A_1411 : i32 to vector<16xi32>
      %mul3A_1413 = arith.mulf %exp3A_1344, %div3A_1364 : vector<16xf32>
      tpu.vector_store_idx %arg9[%broadcast_in_dim3A_1412, %add3A_1368], %mul3A_1413 : memref<16x512xf32, #tpu.memory_space<vmem>>[vector<16xi32>, vector<16xi32>], vector<16xf32>,
      %broadcast_in_dim3A_1414 = arith.constant 15 : i32
      %broadcast_in_dim3A_1415 = vector.broadcast %broadcast_in_dim3A_1414 : i32 to vector<16xi32>
      %mul3A_1416 = arith.mulf %exp3A_1346, %div3A_1364 : vector<16xf32>
      tpu.vector_store_idx %arg9[%broadcast_in_dim3A_1415, %add3A_1368], %mul3A_1416 : memref<16x512xf32, #tpu.memory_space<vmem>>[vector<16xi32>, vector<16xi32>], vector<16xf32>,
      %add3A_1417 = arith.constant 1 : i32
      %add3A_1418 = arith.addi %mul3A_813, %add3A_1417 : i32
      %add3A_1419 = arith.constant 2 : i32
      %add3A_1420 = arith.addi %add3A_1418, %add3A_1419 : i32
      %mul3A_1421 = arith.constant 16 : i32
      %mul3A_1422 = arith.muli %add3A_1420, %mul3A_1421 : i32
      %get3A_1423 = arith.index_cast %mul3A_1422 : i32 to index
      %get3A_1424 = tpu.vector_load %arg5[%get3A_1423] {strides = array<i32>} : memref<512xi32, #tpu.memory_space<vmem>>, vector<16xi32>,
      %shift_right_arithmetic3A_1425 = arith.constant 7 : i32
      %shift_right_arithmetic3A_1426 = vector.broadcast %shift_right_arithmetic3A_1425 : i32 to vector<16xi32>
      %shift_right_arithmetic3A_1427 = arith.shrsi %get3A_1424, %shift_right_arithmetic3A_1426 : vector<16xi32>
      %slice3A_1428 = vector.extract_strided_slice %shift_right_arithmetic3A_1427 {offsets = [0], sizes = [1], strides = [1]} : vector<16xi32> to vector<1xi32>
      %squeeze3A_1429 = vector.extract %slice3A_1428[0] : i32 from vector<1xi32>
      %mul3A_1430 = arith.constant 128 : i32
      %mul3A_1431 = arith.muli %squeeze3A_1429, %mul3A_1430 : i32
      %dma_start3A_1432 = arith.constant 0 : i32
      %dma_start3A_1433 = arith.constant 0 : i32
      %dma_start3A_1434 = tpu.memref_slice %arg6[%dma_start3A_1432, %dma_start3A_1433] : memref<16x2048xf32, #tpu.memory_space<vmem>> -> memref<16x128xf32, #tpu.memory_space<vmem>>
      %dma_start3A_1435 = arith.constant 0 : i32
      %dma_start3A_1436 = tpu.memref_slice %arg3[%dma_start3A_1435, %mul3A_1431] : memref<16x1000000xf32, #tpu.memory_space<hbm>> -> memref<16x128xf32, #tpu.memory_space<hbm>>
      %dma_start3A_1437 = arith.constant 0 : i32
      %dma_start3A_1438 = arith.constant 0 : i32
      %dma_start3A_1439 = tpu.memref_slice %arg6[%dma_start3A_1437, %dma_start3A_1438] : memref<16x2048xf32, #tpu.memory_space<vmem>> -> memref<16x128xf32, #tpu.memory_space<vmem>>
      %dma_start3A_1440 = arith.constant 0 : i32
      %dma_start3A_1441 = tpu.memref_slice %arg3[%dma_start3A_1440, %mul3A_1431] : memref<16x1000000xf32, #tpu.memory_space<hbm>> -> memref<16x128xf32, #tpu.memory_space<hbm>>
      tpu.enqueue_dma source(%dma_start3A_1441 : memref<16x128xf32, #tpu.memory_space<hbm>>) target(%dma_start3A_1439 : memref<16x128xf32, #tpu.memory_space<vmem>>) target_semaphore(%arg10 : memref<!tpu.dma_semaphore, #tpu.memory_space<semaphore_mem>>)
      %slice3A_1442 = vector.extract_strided_slice %shift_right_arithmetic3A_1427 {offsets = [1], sizes = [1], strides = [1]} : vector<16xi32> to vector<1xi32>
      %squeeze3A_1443 = vector.extract %slice3A_1442[0] : i32 from vector<1xi32>
      %mul3A_1444 = arith.constant 128 : i32
      %mul3A_1445 = arith.muli %squeeze3A_1443, %mul3A_1444 : i32
      %dma_start3A_1446 = arith.constant 0 : i32
      %dma_start3A_1447 = arith.constant 128 : i32
      %dma_start3A_1448 = tpu.memref_slice %arg6[%dma_start3A_1446, %dma_start3A_1447] : memref<16x2048xf32, #tpu.memory_space<vmem>> -> memref<16x128xf32, #tpu.memory_space<vmem>>
      %dma_start3A_1449 = arith.constant 0 : i32
      %dma_start3A_1450 = tpu.memref_slice %arg3[%dma_start3A_1449, %mul3A_1445] : memref<16x1000000xf32, #tpu.memory_space<hbm>> -> memref<16x128xf32, #tpu.memory_space<hbm>>
      %dma_start3A_1451 = arith.constant 0 : i32
      %dma_start3A_1452 = arith.constant 128 : i32
      %dma_start3A_1453 = tpu.memref_slice %arg6[%dma_start3A_1451, %dma_start3A_1452] : memref<16x2048xf32, #tpu.memory_space<vmem>> -> memref<16x128xf32, #tpu.memory_space<vmem>>
      %dma_start3A_1454 = arith.constant 0 : i32
      %dma_start3A_1455 = tpu.memref_slice %arg3[%dma_start3A_1454, %mul3A_1445] : memref<16x1000000xf32, #tpu.memory_space<hbm>> -> memref<16x128xf32, #tpu.memory_space<hbm>>
      tpu.enqueue_dma source(%dma_start3A_1455 : memref<16x128xf32, #tpu.memory_space<hbm>>) target(%dma_start3A_1453 : memref<16x128xf32, #tpu.memory_space<vmem>>) target_semaphore(%arg10 : memref<!tpu.dma_semaphore, #tpu.memory_space<semaphore_mem>>)
      %slice3A_1456 = vector.extract_strided_slice %shift_right_arithmetic3A_1427 {offsets = [2], sizes = [1], strides = [1]} : vector<16xi32> to vector<1xi32>
      %squeeze3A_1457 = vector.extract %slice3A_1456[0] : i32 from vector<1xi32>
      %mul3A_1458 = arith.constant 128 : i32
      %mul3A_1459 = arith.muli %squeeze3A_1457, %mul3A_1458 : i32
      %dma_start3A_1460 = arith.constant 0 : i32
      %dma_start3A_1461 = arith.constant 256 : i32
      %dma_start3A_1462 = tpu.memref_slice %arg6[%dma_start3A_1460, %dma_start3A_1461] : memref<16x2048xf32, #tpu.memory_space<vmem>> -> memref<16x128xf32, #tpu.memory_space<vmem>>
      %dma_start3A_1463 = arith.constant 0 : i32
      %dma_start3A_1464 = tpu.memref_slice %arg3[%dma_start3A_1463, %mul3A_1459] : memref<16x1000000xf32, #tpu.memory_space<hbm>> -> memref<16x128xf32, #tpu.memory_space<hbm>>
      %dma_start3A_1465 = arith.constant 0 : i32
      %dma_start3A_1466 = arith.constant 256 : i32
      %dma_start3A_1467 = tpu.memref_slice %arg6[%dma_start3A_1465, %dma_start3A_1466] : memref<16x2048xf32, #tpu.memory_space<vmem>> -> memref<16x128xf32, #tpu.memory_space<vmem>>
      %dma_start3A_1468 = arith.constant 0 : i32
      %dma_start3A_1469 = tpu.memref_slice %arg3[%dma_start3A_1468, %mul3A_1459] : memref<16x1000000xf32, #tpu.memory_space<hbm>> -> memref<16x128xf32, #tpu.memory_space<hbm>>
      tpu.enqueue_dma source(%dma_start3A_1469 : memref<16x128xf32, #tpu.memory_space<hbm>>) target(%dma_start3A_1467 : memref<16x128xf32, #tpu.memory_space<vmem>>) target_semaphore(%arg10 : memref<!tpu.dma_semaphore, #tpu.memory_space<semaphore_mem>>)
      %slice3A_1470 = vector.extract_strided_slice %shift_right_arithmetic3A_1427 {offsets = [3], sizes = [1], strides = [1]} : vector<16xi32> to vector<1xi32>
      %squeeze3A_1471 = vector.extract %slice3A_1470[0] : i32 from vector<1xi32>
      %mul3A_1472 = arith.constant 128 : i32
      %mul3A_1473 = arith.muli %squeeze3A_1471, %mul3A_1472 : i32
      %dma_start3A_1474 = arith.constant 0 : i32
      %dma_start3A_1475 = arith.constant 384 : i32
      %dma_start3A_1476 = tpu.memref_slice %arg6[%dma_start3A_1474, %dma_start3A_1475] : memref<16x2048xf32, #tpu.memory_space<vmem>> -> memref<16x128xf32, #tpu.memory_space<vmem>>
      %dma_start3A_1477 = arith.constant 0 : i32
      %dma_start3A_1478 = tpu.memref_slice %arg3[%dma_start3A_1477, %mul3A_1473] : memref<16x1000000xf32, #tpu.memory_space<hbm>> -> memref<16x128xf32, #tpu.memory_space<hbm>>
      %dma_start3A_1479 = arith.constant 0 : i32
      %dma_start3A_1480 = arith.constant 384 : i32
      %dma_start3A_1481 = tpu.memref_slice %arg6[%dma_start3A_1479, %dma_start3A_1480] : memref<16x2048xf32, #tpu.memory_space<vmem>> -> memref<16x128xf32, #tpu.memory_space<vmem>>
      %dma_start3A_1482 = arith.constant 0 : i32
      %dma_start3A_1483 = tpu.memref_slice %arg3[%dma_start3A_1482, %mul3A_1473] : memref<16x1000000xf32, #tpu.memory_space<hbm>> -> memref<16x128xf32, #tpu.memory_space<hbm>>
      tpu.enqueue_dma source(%dma_start3A_1483 : memref<16x128xf32, #tpu.memory_space<hbm>>) target(%dma_start3A_1481 : memref<16x128xf32, #tpu.memory_space<vmem>>) target_semaphore(%arg10 : memref<!tpu.dma_semaphore, #tpu.memory_space<semaphore_mem>>)
      %slice3A_1484 = vector.extract_strided_slice %shift_right_arithmetic3A_1427 {offsets = [4], sizes = [1], strides = [1]} : vector<16xi32> to vector<1xi32>
      %squeeze3A_1485 = vector.extract %slice3A_1484[0] : i32 from vector<1xi32>
      %mul3A_1486 = arith.constant 128 : i32
      %mul3A_1487 = arith.muli %squeeze3A_1485, %mul3A_1486 : i32
      %dma_start3A_1488 = arith.constant 0 : i32
      %dma_start3A_1489 = arith.constant 512 : i32
      %dma_start3A_1490 = tpu.memref_slice %arg6[%dma_start3A_1488, %dma_start3A_1489] : memref<16x2048xf32, #tpu.memory_space<vmem>> -> memref<16x128xf32, #tpu.memory_space<vmem>>
      %dma_start3A_1491 = arith.constant 0 : i32
      %dma_start3A_1492 = tpu.memref_slice %arg3[%dma_start3A_1491, %mul3A_1487] : memref<16x1000000xf32, #tpu.memory_space<hbm>> -> memref<16x128xf32, #tpu.memory_space<hbm>>
      %dma_start3A_1493 = arith.constant 0 : i32
      %dma_start3A_1494 = arith.constant 512 : i32
      %dma_start3A_1495 = tpu.memref_slice %arg6[%dma_start3A_1493, %dma_start3A_1494] : memref<16x2048xf32, #tpu.memory_space<vmem>> -> memref<16x128xf32, #tpu.memory_space<vmem>>
      %dma_start3A_1496 = arith.constant 0 : i32
      %dma_start3A_1497 = tpu.memref_slice %arg3[%dma_start3A_1496, %mul3A_1487] : memref<16x1000000xf32, #tpu.memory_space<hbm>> -> memref<16x128xf32, #tpu.memory_space<hbm>>
      tpu.enqueue_dma source(%dma_start3A_1497 : memref<16x128xf32, #tpu.memory_space<hbm>>) target(%dma_start3A_1495 : memref<16x128xf32, #tpu.memory_space<vmem>>) target_semaphore(%arg10 : memref<!tpu.dma_semaphore, #tpu.memory_space<semaphore_mem>>)
      %slice3A_1498 = vector.extract_strided_slice %shift_right_arithmetic3A_1427 {offsets = [5], sizes = [1], strides = [1]} : vector<16xi32> to vector<1xi32>
      %squeeze3A_1499 = vector.extract %slice3A_1498[0] : i32 from vector<1xi32>
      %mul3A_1500 = arith.constant 128 : i32
      %mul3A_1501 = arith.muli %squeeze3A_1499, %mul3A_1500 : i32
      %dma_start3A_1502 = arith.constant 0 : i32
      %dma_start3A_1503 = arith.constant 640 : i32
      %dma_start3A_1504 = tpu.memref_slice %arg6[%dma_start3A_1502, %dma_start3A_1503] : memref<16x2048xf32, #tpu.memory_space<vmem>> -> memref<16x128xf32, #tpu.memory_space<vmem>>
      %dma_start3A_1505 = arith.constant 0 : i32
      %dma_start3A_1506 = tpu.memref_slice %arg3[%dma_start3A_1505, %mul3A_1501] : memref<16x1000000xf32, #tpu.memory_space<hbm>> -> memref<16x128xf32, #tpu.memory_space<hbm>>
      %dma_start3A_1507 = arith.constant 0 : i32
      %dma_start3A_1508 = arith.constant 640 : i32
      %dma_start3A_1509 = tpu.memref_slice %arg6[%dma_start3A_1507, %dma_start3A_1508] : memref<16x2048xf32, #tpu.memory_space<vmem>> -> memref<16x128xf32, #tpu.memory_space<vmem>>
      %dma_start3A_1510 = arith.constant 0 : i32
      %dma_start3A_1511 = tpu.memref_slice %arg3[%dma_start3A_1510, %mul3A_1501] : memref<16x1000000xf32, #tpu.memory_space<hbm>> -> memref<16x128xf32, #tpu.memory_space<hbm>>
      tpu.enqueue_dma source(%dma_start3A_1511 : memref<16x128xf32, #tpu.memory_space<hbm>>) target(%dma_start3A_1509 : memref<16x128xf32, #tpu.memory_space<vmem>>) target_semaphore(%arg10 : memref<!tpu.dma_semaphore, #tpu.memory_space<semaphore_mem>>)
      %slice3A_1512 = vector.extract_strided_slice %shift_right_arithmetic3A_1427 {offsets = [6], sizes = [1], strides = [1]} : vector<16xi32> to vector<1xi32>
      %squeeze3A_1513 = vector.extract %slice3A_1512[0] : i32 from vector<1xi32>
      %mul3A_1514 = arith.constant 128 : i32
      %mul3A_1515 = arith.muli %squeeze3A_1513, %mul3A_1514 : i32
      %dma_start3A_1516 = arith.constant 0 : i32
      %dma_start3A_1517 = arith.constant 768 : i32
      %dma_start3A_1518 = tpu.memref_slice %arg6[%dma_start3A_1516, %dma_start3A_1517] : memref<16x2048xf32, #tpu.memory_space<vmem>> -> memref<16x128xf32, #tpu.memory_space<vmem>>
      %dma_start3A_1519 = arith.constant 0 : i32
      %dma_start3A_1520 = tpu.memref_slice %arg3[%dma_start3A_1519, %mul3A_1515] : memref<16x1000000xf32, #tpu.memory_space<hbm>> -> memref<16x128xf32, #tpu.memory_space<hbm>>
      %dma_start3A_1521 = arith.constant 0 : i32
      %dma_start3A_1522 = arith.constant 768 : i32
      %dma_start3A_1523 = tpu.memref_slice %arg6[%dma_start3A_1521, %dma_start3A_1522] : memref<16x2048xf32, #tpu.memory_space<vmem>> -> memref<16x128xf32, #tpu.memory_space<vmem>>
      %dma_start3A_1524 = arith.constant 0 : i32
      %dma_start3A_1525 = tpu.memref_slice %arg3[%dma_start3A_1524, %mul3A_1515] : memref<16x1000000xf32, #tpu.memory_space<hbm>> -> memref<16x128xf32, #tpu.memory_space<hbm>>
      tpu.enqueue_dma source(%dma_start3A_1525 : memref<16x128xf32, #tpu.memory_space<hbm>>) target(%dma_start3A_1523 : memref<16x128xf32, #tpu.memory_space<vmem>>) target_semaphore(%arg10 : memref<!tpu.dma_semaphore, #tpu.memory_space<semaphore_mem>>)
      %slice3A_1526 = vector.extract_strided_slice %shift_right_arithmetic3A_1427 {offsets = [7], sizes = [1], strides = [1]} : vector<16xi32> to vector<1xi32>
      %squeeze3A_1527 = vector.extract %slice3A_1526[0] : i32 from vector<1xi32>
      %mul3A_1528 = arith.constant 128 : i32
      %mul3A_1529 = arith.muli %squeeze3A_1527, %mul3A_1528 : i32
      %dma_start3A_1530 = arith.constant 0 : i32
      %dma_start3A_1531 = arith.constant 896 : i32
      %dma_start3A_1532 = tpu.memref_slice %arg6[%dma_start3A_1530, %dma_start3A_1531] : memref<16x2048xf32, #tpu.memory_space<vmem>> -> memref<16x128xf32, #tpu.memory_space<vmem>>
      %dma_start3A_1533 = arith.constant 0 : i32
      %dma_start3A_1534 = tpu.memref_slice %arg3[%dma_start3A_1533, %mul3A_1529] : memref<16x1000000xf32, #tpu.memory_space<hbm>> -> memref<16x128xf32, #tpu.memory_space<hbm>>
      %dma_start3A_1535 = arith.constant 0 : i32
      %dma_start3A_1536 = arith.constant 896 : i32
      %dma_start3A_1537 = tpu.memref_slice %arg6[%dma_start3A_1535, %dma_start3A_1536] : memref<16x2048xf32, #tpu.memory_space<vmem>> -> memref<16x128xf32, #tpu.memory_space<vmem>>
      %dma_start3A_1538 = arith.constant 0 : i32
      %dma_start3A_1539 = tpu.memref_slice %arg3[%dma_start3A_1538, %mul3A_1529] : memref<16x1000000xf32, #tpu.memory_space<hbm>> -> memref<16x128xf32, #tpu.memory_space<hbm>>
      tpu.enqueue_dma source(%dma_start3A_1539 : memref<16x128xf32, #tpu.memory_space<hbm>>) target(%dma_start3A_1537 : memref<16x128xf32, #tpu.memory_space<vmem>>) target_semaphore(%arg10 : memref<!tpu.dma_semaphore, #tpu.memory_space<semaphore_mem>>)
      %slice3A_1540 = vector.extract_strided_slice %shift_right_arithmetic3A_1427 {offsets = [8], sizes = [1], strides = [1]} : vector<16xi32> to vector<1xi32>
      %squeeze3A_1541 = vector.extract %slice3A_1540[0] : i32 from vector<1xi32>
      %mul3A_1542 = arith.constant 128 : i32
      %mul3A_1543 = arith.muli %squeeze3A_1541, %mul3A_1542 : i32
      %dma_start3A_1544 = arith.constant 0 : i32
      %dma_start3A_1545 = arith.constant 1024 : i32
      %dma_start3A_1546 = tpu.memref_slice %arg6[%dma_start3A_1544, %dma_start3A_1545] : memref<16x2048xf32, #tpu.memory_space<vmem>> -> memref<16x128xf32, #tpu.memory_space<vmem>>
      %dma_start3A_1547 = arith.constant 0 : i32
      %dma_start3A_1548 = tpu.memref_slice %arg3[%dma_start3A_1547, %mul3A_1543] : memref<16x1000000xf32, #tpu.memory_space<hbm>> -> memref<16x128xf32, #tpu.memory_space<hbm>>
      %dma_start3A_1549 = arith.constant 0 : i32
      %dma_start3A_1550 = arith.constant 1024 : i32
      %dma_start3A_1551 = tpu.memref_slice %arg6[%dma_start3A_1549, %dma_start3A_1550] : memref<16x2048xf32, #tpu.memory_space<vmem>> -> memref<16x128xf32, #tpu.memory_space<vmem>>
      %dma_start3A_1552 = arith.constant 0 : i32
      %dma_start3A_1553 = tpu.memref_slice %arg3[%dma_start3A_1552, %mul3A_1543] : memref<16x1000000xf32, #tpu.memory_space<hbm>> -> memref<16x128xf32, #tpu.memory_space<hbm>>
      tpu.enqueue_dma source(%dma_start3A_1553 : memref<16x128xf32, #tpu.memory_space<hbm>>) target(%dma_start3A_1551 : memref<16x128xf32, #tpu.memory_space<vmem>>) target_semaphore(%arg10 : memref<!tpu.dma_semaphore, #tpu.memory_space<semaphore_mem>>)
      %slice3A_1554 = vector.extract_strided_slice %shift_right_arithmetic3A_1427 {offsets = [9], sizes = [1], strides = [1]} : vector<16xi32> to vector<1xi32>
      %squeeze3A_1555 = vector.extract %slice3A_1554[0] : i32 from vector<1xi32>
      %mul3A_1556 = arith.constant 128 : i32
      %mul3A_1557 = arith.muli %squeeze3A_1555, %mul3A_1556 : i32
      %dma_start3A_1558 = arith.constant 0 : i32
      %dma_start3A_1559 = arith.constant 1152 : i32
      %dma_start3A_1560 = tpu.memref_slice %arg6[%dma_start3A_1558, %dma_start3A_1559] : memref<16x2048xf32, #tpu.memory_space<vmem>> -> memref<16x128xf32, #tpu.memory_space<vmem>>
      %dma_start3A_1561 = arith.constant 0 : i32
      %dma_start3A_1562 = tpu.memref_slice %arg3[%dma_start3A_1561, %mul3A_1557] : memref<16x1000000xf32, #tpu.memory_space<hbm>> -> memref<16x128xf32, #tpu.memory_space<hbm>>
      %dma_start3A_1563 = arith.constant 0 : i32
      %dma_start3A_1564 = arith.constant 1152 : i32
      %dma_start3A_1565 = tpu.memref_slice %arg6[%dma_start3A_1563, %dma_start3A_1564] : memref<16x2048xf32, #tpu.memory_space<vmem>> -> memref<16x128xf32, #tpu.memory_space<vmem>>
      %dma_start3A_1566 = arith.constant 0 : i32
      %dma_start3A_1567 = tpu.memref_slice %arg3[%dma_start3A_1566, %mul3A_1557] : memref<16x1000000xf32, #tpu.memory_space<hbm>> -> memref<16x128xf32, #tpu.memory_space<hbm>>
      tpu.enqueue_dma source(%dma_start3A_1567 : memref<16x128xf32, #tpu.memory_space<hbm>>) target(%dma_start3A_1565 : memref<16x128xf32, #tpu.memory_space<vmem>>) target_semaphore(%arg10 : memref<!tpu.dma_semaphore, #tpu.memory_space<semaphore_mem>>)
      %slice3A_1568 = vector.extract_strided_slice %shift_right_arithmetic3A_1427 {offsets = [10], sizes = [1], strides = [1]} : vector<16xi32> to vector<1xi32>
      %squeeze3A_1569 = vector.extract %slice3A_1568[0] : i32 from vector<1xi32>
      %mul3A_1570 = arith.constant 128 : i32
      %mul3A_1571 = arith.muli %squeeze3A_1569, %mul3A_1570 : i32
      %dma_start3A_1572 = arith.constant 0 : i32
      %dma_start3A_1573 = arith.constant 1280 : i32
      %dma_start3A_1574 = tpu.memref_slice %arg6[%dma_start3A_1572, %dma_start3A_1573] : memref<16x2048xf32, #tpu.memory_space<vmem>> -> memref<16x128xf32, #tpu.memory_space<vmem>>
      %dma_start3A_1575 = arith.constant 0 : i32
      %dma_start3A_1576 = tpu.memref_slice %arg3[%dma_start3A_1575, %mul3A_1571] : memref<16x1000000xf32, #tpu.memory_space<hbm>> -> memref<16x128xf32, #tpu.memory_space<hbm>>
      %dma_start3A_1577 = arith.constant 0 : i32
      %dma_start3A_1578 = arith.constant 1280 : i32
      %dma_start3A_1579 = tpu.memref_slice %arg6[%dma_start3A_1577, %dma_start3A_1578] : memref<16x2048xf32, #tpu.memory_space<vmem>> -> memref<16x128xf32, #tpu.memory_space<vmem>>
      %dma_start3A_1580 = arith.constant 0 : i32
      %dma_start3A_1581 = tpu.memref_slice %arg3[%dma_start3A_1580, %mul3A_1571] : memref<16x1000000xf32, #tpu.memory_space<hbm>> -> memref<16x128xf32, #tpu.memory_space<hbm>>
      tpu.enqueue_dma source(%dma_start3A_1581 : memref<16x128xf32, #tpu.memory_space<hbm>>) target(%dma_start3A_1579 : memref<16x128xf32, #tpu.memory_space<vmem>>) target_semaphore(%arg10 : memref<!tpu.dma_semaphore, #tpu.memory_space<semaphore_mem>>)
      %slice3A_1582 = vector.extract_strided_slice %shift_right_arithmetic3A_1427 {offsets = [11], sizes = [1], strides = [1]} : vector<16xi32> to vector<1xi32>
      %squeeze3A_1583 = vector.extract %slice3A_1582[0] : i32 from vector<1xi32>
      %mul3A_1584 = arith.constant 128 : i32
      %mul3A_1585 = arith.muli %squeeze3A_1583, %mul3A_1584 : i32
      %dma_start3A_1586 = arith.constant 0 : i32
      %dma_start3A_1587 = arith.constant 1408 : i32
      %dma_start3A_1588 = tpu.memref_slice %arg6[%dma_start3A_1586, %dma_start3A_1587] : memref<16x2048xf32, #tpu.memory_space<vmem>> -> memref<16x128xf32, #tpu.memory_space<vmem>>
      %dma_start3A_1589 = arith.constant 0 : i32
      %dma_start3A_1590 = tpu.memref_slice %arg3[%dma_start3A_1589, %mul3A_1585] : memref<16x1000000xf32, #tpu.memory_space<hbm>> -> memref<16x128xf32, #tpu.memory_space<hbm>>
      %dma_start3A_1591 = arith.constant 0 : i32
      %dma_start3A_1592 = arith.constant 1408 : i32
      %dma_start3A_1593 = tpu.memref_slice %arg6[%dma_start3A_1591, %dma_start3A_1592] : memref<16x2048xf32, #tpu.memory_space<vmem>> -> memref<16x128xf32, #tpu.memory_space<vmem>>
      %dma_start3A_1594 = arith.constant 0 : i32
      %dma_start3A_1595 = tpu.memref_slice %arg3[%dma_start3A_1594, %mul3A_1585] : memref<16x1000000xf32, #tpu.memory_space<hbm>> -> memref<16x128xf32, #tpu.memory_space<hbm>>
      tpu.enqueue_dma source(%dma_start3A_1595 : memref<16x128xf32, #tpu.memory_space<hbm>>) target(%dma_start3A_1593 : memref<16x128xf32, #tpu.memory_space<vmem>>) target_semaphore(%arg10 : memref<!tpu.dma_semaphore, #tpu.memory_space<semaphore_mem>>)
      %slice3A_1596 = vector.extract_strided_slice %shift_right_arithmetic3A_1427 {offsets = [12], sizes = [1], strides = [1]} : vector<16xi32> to vector<1xi32>
      %squeeze3A_1597 = vector.extract %slice3A_1596[0] : i32 from vector<1xi32>
      %mul3A_1598 = arith.constant 128 : i32
      %mul3A_1599 = arith.muli %squeeze3A_1597, %mul3A_1598 : i32
      %dma_start3A_1600 = arith.constant 0 : i32
      %dma_start3A_1601 = arith.constant 1536 : i32
      %dma_start3A_1602 = tpu.memref_slice %arg6[%dma_start3A_1600, %dma_start3A_1601] : memref<16x2048xf32, #tpu.memory_space<vmem>> -> memref<16x128xf32, #tpu.memory_space<vmem>>
      %dma_start3A_1603 = arith.constant 0 : i32
      %dma_start3A_1604 = tpu.memref_slice %arg3[%dma_start3A_1603, %mul3A_1599] : memref<16x1000000xf32, #tpu.memory_space<hbm>> -> memref<16x128xf32, #tpu.memory_space<hbm>>
      %dma_start3A_1605 = arith.constant 0 : i32
      %dma_start3A_1606 = arith.constant 1536 : i32
      %dma_start3A_1607 = tpu.memref_slice %arg6[%dma_start3A_1605, %dma_start3A_1606] : memref<16x2048xf32, #tpu.memory_space<vmem>> -> memref<16x128xf32, #tpu.memory_space<vmem>>
      %dma_start3A_1608 = arith.constant 0 : i32
      %dma_start3A_1609 = tpu.memref_slice %arg3[%dma_start3A_1608, %mul3A_1599] : memref<16x1000000xf32, #tpu.memory_space<hbm>> -> memref<16x128xf32, #tpu.memory_space<hbm>>
      tpu.enqueue_dma source(%dma_start3A_1609 : memref<16x128xf32, #tpu.memory_space<hbm>>) target(%dma_start3A_1607 : memref<16x128xf32, #tpu.memory_space<vmem>>) target_semaphore(%arg10 : memref<!tpu.dma_semaphore, #tpu.memory_space<semaphore_mem>>)
      %slice3A_1610 = vector.extract_strided_slice %shift_right_arithmetic3A_1427 {offsets = [13], sizes = [1], strides = [1]} : vector<16xi32> to vector<1xi32>
      %squeeze3A_1611 = vector.extract %slice3A_1610[0] : i32 from vector<1xi32>
      %mul3A_1612 = arith.constant 128 : i32
      %mul3A_1613 = arith.muli %squeeze3A_1611, %mul3A_1612 : i32
      %dma_start3A_1614 = arith.constant 0 : i32
      %dma_start3A_1615 = arith.constant 1664 : i32
      %dma_start3A_1616 = tpu.memref_slice %arg6[%dma_start3A_1614, %dma_start3A_1615] : memref<16x2048xf32, #tpu.memory_space<vmem>> -> memref<16x128xf32, #tpu.memory_space<vmem>>
      %dma_start3A_1617 = arith.constant 0 : i32
      %dma_start3A_1618 = tpu.memref_slice %arg3[%dma_start3A_1617, %mul3A_1613] : memref<16x1000000xf32, #tpu.memory_space<hbm>> -> memref<16x128xf32, #tpu.memory_space<hbm>>
      %dma_start3A_1619 = arith.constant 0 : i32
      %dma_start3A_1620 = arith.constant 1664 : i32
      %dma_start3A_1621 = tpu.memref_slice %arg6[%dma_start3A_1619, %dma_start3A_1620] : memref<16x2048xf32, #tpu.memory_space<vmem>> -> memref<16x128xf32, #tpu.memory_space<vmem>>
      %dma_start3A_1622 = arith.constant 0 : i32
      %dma_start3A_1623 = tpu.memref_slice %arg3[%dma_start3A_1622, %mul3A_1613] : memref<16x1000000xf32, #tpu.memory_space<hbm>> -> memref<16x128xf32, #tpu.memory_space<hbm>>
      tpu.enqueue_dma source(%dma_start3A_1623 : memref<16x128xf32, #tpu.memory_space<hbm>>) target(%dma_start3A_1621 : memref<16x128xf32, #tpu.memory_space<vmem>>) target_semaphore(%arg10 : memref<!tpu.dma_semaphore, #tpu.memory_space<semaphore_mem>>)
      %slice3A_1624 = vector.extract_strided_slice %shift_right_arithmetic3A_1427 {offsets = [14], sizes = [1], strides = [1]} : vector<16xi32> to vector<1xi32>
      %squeeze3A_1625 = vector.extract %slice3A_1624[0] : i32 from vector<1xi32>
      %mul3A_1626 = arith.constant 128 : i32
      %mul3A_1627 = arith.muli %squeeze3A_1625, %mul3A_1626 : i32
      %dma_start3A_1628 = arith.constant 0 : i32
      %dma_start3A_1629 = arith.constant 1792 : i32
      %dma_start3A_1630 = tpu.memref_slice %arg6[%dma_start3A_1628, %dma_start3A_1629] : memref<16x2048xf32, #tpu.memory_space<vmem>> -> memref<16x128xf32, #tpu.memory_space<vmem>>
      %dma_start3A_1631 = arith.constant 0 : i32
      %dma_start3A_1632 = tpu.memref_slice %arg3[%dma_start3A_1631, %mul3A_1627] : memref<16x1000000xf32, #tpu.memory_space<hbm>> -> memref<16x128xf32, #tpu.memory_space<hbm>>
      %dma_start3A_1633 = arith.constant 0 : i32
      %dma_start3A_1634 = arith.constant 1792 : i32
      %dma_start3A_1635 = tpu.memref_slice %arg6[%dma_start3A_1633, %dma_start3A_1634] : memref<16x2048xf32, #tpu.memory_space<vmem>> -> memref<16x128xf32, #tpu.memory_space<vmem>>
      %dma_start3A_1636 = arith.constant 0 : i32
      %dma_start3A_1637 = tpu.memref_slice %arg3[%dma_start3A_1636, %mul3A_1627] : memref<16x1000000xf32, #tpu.memory_space<hbm>> -> memref<16x128xf32, #tpu.memory_space<hbm>>
      tpu.enqueue_dma source(%dma_start3A_1637 : memref<16x128xf32, #tpu.memory_space<hbm>>) target(%dma_start3A_1635 : memref<16x128xf32, #tpu.memory_space<vmem>>) target_semaphore(%arg10 : memref<!tpu.dma_semaphore, #tpu.memory_space<semaphore_mem>>)
      %slice3A_1638 = vector.extract_strided_slice %shift_right_arithmetic3A_1427 {offsets = [15], sizes = [1], strides = [1]} : vector<16xi32> to vector<1xi32>
      %squeeze3A_1639 = vector.extract %slice3A_1638[0] : i32 from vector<1xi32>
      %mul3A_1640 = arith.constant 128 : i32
      %mul3A_1641 = arith.muli %squeeze3A_1639, %mul3A_1640 : i32
      %dma_start3A_1642 = arith.constant 0 : i32
      %dma_start3A_1643 = arith.constant 1920 : i32
      %dma_start3A_1644 = tpu.memref_slice %arg6[%dma_start3A_1642, %dma_start3A_1643] : memref<16x2048xf32, #tpu.memory_space<vmem>> -> memref<16x128xf32, #tpu.memory_space<vmem>>
      %dma_start3A_1645 = arith.constant 0 : i32
      %dma_start3A_1646 = tpu.memref_slice %arg3[%dma_start3A_1645, %mul3A_1641] : memref<16x1000000xf32, #tpu.memory_space<hbm>> -> memref<16x128xf32, #tpu.memory_space<hbm>>
      %dma_start3A_1647 = arith.constant 0 : i32
      %dma_start3A_1648 = arith.constant 1920 : i32
      %dma_start3A_1649 = tpu.memref_slice %arg6[%dma_start3A_1647, %dma_start3A_1648] : memref<16x2048xf32, #tpu.memory_space<vmem>> -> memref<16x128xf32, #tpu.memory_space<vmem>>
      %dma_start3A_1650 = arith.constant 0 : i32
      %dma_start3A_1651 = tpu.memref_slice %arg3[%dma_start3A_1650, %mul3A_1641] : memref<16x1000000xf32, #tpu.memory_space<hbm>> -> memref<16x128xf32, #tpu.memory_space<hbm>>
      tpu.enqueue_dma source(%dma_start3A_1651 : memref<16x128xf32, #tpu.memory_space<hbm>>) target(%dma_start3A_1649 : memref<16x128xf32, #tpu.memory_space<vmem>>) target_semaphore(%arg10 : memref<!tpu.dma_semaphore, #tpu.memory_space<semaphore_mem>>)
      %add3A_1652 = arith.constant 2 : i32
      %add3A_1653 = arith.addi %mul3A_813, %add3A_1652 : i32
      %dma_wait3A_1654 = arith.constant 0 : i32
      %dma_wait3A_1655 = arith.constant 0 : i32
      %dma_wait3A_1656 = tpu.memref_slice %arg3[%dma_wait3A_1654, %dma_wait3A_1655] : memref<16x1000000xf32, #tpu.memory_space<hbm>> -> memref<16x2048xf32, #tpu.memory_space<hbm>>
      %dma_wait3A_1657 = arith.constant 0 : i32
      %dma_wait3A_1658 = arith.constant 0 : i32
      %dma_wait3A_1659 = tpu.memref_slice %arg3[%dma_wait3A_1657, %dma_wait3A_1658] : memref<16x1000000xf32, #tpu.memory_space<hbm>> -> memref<16x2048xf32, #tpu.memory_space<hbm>>
      tpu.wait_dma2 semaphore(%arg12 : memref<!tpu.dma_semaphore, #tpu.memory_space<semaphore_mem>>) src(%dma_wait3A_1659 : memref<16x2048xf32, #tpu.memory_space<hbm>>) dst(%arg8 : memref<16x2048xf32, #tpu.memory_space<vmem>>)
      %mul3A_1660 = arith.constant 16 : i32
      %mul3A_1661 = arith.muli %add3A_1653, %mul3A_1660 : i32
      %get3A_1662 = arith.index_cast %mul3A_1661 : i32 to index
      %get3A_1663 = tpu.vector_load %arg5[%get3A_1662] {strides = array<i32>} : memref<512xi32, #tpu.memory_space<vmem>>, vector<16xi32>,
      %mul3A_1664 = arith.constant 128 : i32
      %mul3A_1665 = vector.broadcast %mul3A_1664 : i32 to vector<16xi32>
      %mul3A_1666 = arith.muli %iota3A, %mul3A_1665 : vector<16xi32>
      %and3A_1667 = arith.constant 127 : i32
      %and3A_1668 = vector.broadcast %and3A_1667 : i32 to vector<16xi32>
      %and3A_1669 = arith.andi %get3A_1663, %and3A_1668 : vector<16xi32>
      %add3A_1670 = arith.addi %mul3A_1666, %and3A_1669 : vector<16xi32>
      %broadcast_in_dim3A_1671 = arith.constant 0 : i32
      %broadcast_in_dim3A_1672 = vector.broadcast %broadcast_in_dim3A_1671 : i32 to vector<16xi32>
      %gather3A_1673 = tpu.vector_load_idx %arg8[%broadcast_in_dim3A_1672, %add3A_1670] : memref<16x2048xf32, #tpu.memory_space<vmem>>[vector<16xi32>, vector<16xi32>], vector<16xf32>,
      %broadcast_in_dim3A_1674 = arith.constant 1 : i32
      %broadcast_in_dim3A_1675 = vector.broadcast %broadcast_in_dim3A_1674 : i32 to vector<16xi32>
      %gather3A_1676 = tpu.vector_load_idx %arg8[%broadcast_in_dim3A_1675, %add3A_1670] : memref<16x2048xf32, #tpu.memory_space<vmem>>[vector<16xi32>, vector<16xi32>], vector<16xf32>,
      %broadcast_in_dim3A_1677 = arith.constant 2 : i32
      %broadcast_in_dim3A_1678 = vector.broadcast %broadcast_in_dim3A_1677 : i32 to vector<16xi32>
      %gather3A_1679 = tpu.vector_load_idx %arg8[%broadcast_in_dim3A_1678, %add3A_1670] : memref<16x2048xf32, #tpu.memory_space<vmem>>[vector<16xi32>, vector<16xi32>], vector<16xf32>,
      %broadcast_in_dim3A_1680 = arith.constant 3 : i32
      %broadcast_in_dim3A_1681 = vector.broadcast %broadcast_in_dim3A_1680 : i32 to vector<16xi32>
      %gather3A_1682 = tpu.vector_load_idx %arg8[%broadcast_in_dim3A_1681, %add3A_1670] : memref<16x2048xf32, #tpu.memory_space<vmem>>[vector<16xi32>, vector<16xi32>], vector<16xf32>,
      %broadcast_in_dim3A_1683 = arith.constant 4 : i32
      %broadcast_in_dim3A_1684 = vector.broadcast %broadcast_in_dim3A_1683 : i32 to vector<16xi32>
      %gather3A_1685 = tpu.vector_load_idx %arg8[%broadcast_in_dim3A_1684, %add3A_1670] : memref<16x2048xf32, #tpu.memory_space<vmem>>[vector<16xi32>, vector<16xi32>], vector<16xf32>,
      %broadcast_in_dim3A_1686 = arith.constant 5 : i32
      %broadcast_in_dim3A_1687 = vector.broadcast %broadcast_in_dim3A_1686 : i32 to vector<16xi32>
      %gather3A_1688 = tpu.vector_load_idx %arg8[%broadcast_in_dim3A_1687, %add3A_1670] : memref<16x2048xf32, #tpu.memory_space<vmem>>[vector<16xi32>, vector<16xi32>], vector<16xf32>,
      %broadcast_in_dim3A_1689 = arith.constant 6 : i32
      %broadcast_in_dim3A_1690 = vector.broadcast %broadcast_in_dim3A_1689 : i32 to vector<16xi32>
      %gather3A_1691 = tpu.vector_load_idx %arg8[%broadcast_in_dim3A_1690, %add3A_1670] : memref<16x2048xf32, #tpu.memory_space<vmem>>[vector<16xi32>, vector<16xi32>], vector<16xf32>,
      %broadcast_in_dim3A_1692 = arith.constant 7 : i32
      %broadcast_in_dim3A_1693 = vector.broadcast %broadcast_in_dim3A_1692 : i32 to vector<16xi32>
      %gather3A_1694 = tpu.vector_load_idx %arg8[%broadcast_in_dim3A_1693, %add3A_1670] : memref<16x2048xf32, #tpu.memory_space<vmem>>[vector<16xi32>, vector<16xi32>], vector<16xf32>,
      %broadcast_in_dim3A_1695 = arith.constant 8 : i32
      %broadcast_in_dim3A_1696 = vector.broadcast %broadcast_in_dim3A_1695 : i32 to vector<16xi32>
      %gather3A_1697 = tpu.vector_load_idx %arg8[%broadcast_in_dim3A_1696, %add3A_1670] : memref<16x2048xf32, #tpu.memory_space<vmem>>[vector<16xi32>, vector<16xi32>], vector<16xf32>,
      %broadcast_in_dim3A_1698 = arith.constant 9 : i32
      %broadcast_in_dim3A_1699 = vector.broadcast %broadcast_in_dim3A_1698 : i32 to vector<16xi32>
      %gather3A_1700 = tpu.vector_load_idx %arg8[%broadcast_in_dim3A_1699, %add3A_1670] : memref<16x2048xf32, #tpu.memory_space<vmem>>[vector<16xi32>, vector<16xi32>], vector<16xf32>,
      %broadcast_in_dim3A_1701 = arith.constant 10 : i32
      %broadcast_in_dim3A_1702 = vector.broadcast %broadcast_in_dim3A_1701 : i32 to vector<16xi32>
      %gather3A_1703 = tpu.vector_load_idx %arg8[%broadcast_in_dim3A_1702, %add3A_1670] : memref<16x2048xf32, #tpu.memory_space<vmem>>[vector<16xi32>, vector<16xi32>], vector<16xf32>,
      %broadcast_in_dim3A_1704 = arith.constant 11 : i32
      %broadcast_in_dim3A_1705 = vector.broadcast %broadcast_in_dim3A_1704 : i32 to vector<16xi32>
      %gather3A_1706 = tpu.vector_load_idx %arg8[%broadcast_in_dim3A_1705, %add3A_1670] : memref<16x2048xf32, #tpu.memory_space<vmem>>[vector<16xi32>, vector<16xi32>], vector<16xf32>,
      %broadcast_in_dim3A_1707 = arith.constant 12 : i32
      %broadcast_in_dim3A_1708 = vector.broadcast %broadcast_in_dim3A_1707 : i32 to vector<16xi32>
      %gather3A_1709 = tpu.vector_load_idx %arg8[%broadcast_in_dim3A_1708, %add3A_1670] : memref<16x2048xf32, #tpu.memory_space<vmem>>[vector<16xi32>, vector<16xi32>], vector<16xf32>,
      %broadcast_in_dim3A_1710 = arith.constant 13 : i32
      %broadcast_in_dim3A_1711 = vector.broadcast %broadcast_in_dim3A_1710 : i32 to vector<16xi32>
      %gather3A_1712 = tpu.vector_load_idx %arg8[%broadcast_in_dim3A_1711, %add3A_1670] : memref<16x2048xf32, #tpu.memory_space<vmem>>[vector<16xi32>, vector<16xi32>], vector<16xf32>,
      %broadcast_in_dim3A_1713 = arith.constant 14 : i32
      %broadcast_in_dim3A_1714 = vector.broadcast %broadcast_in_dim3A_1713 : i32 to vector<16xi32>
      %gather3A_1715 = tpu.vector_load_idx %arg8[%broadcast_in_dim3A_1714, %add3A_1670] : memref<16x2048xf32, #tpu.memory_space<vmem>>[vector<16xi32>, vector<16xi32>], vector<16xf32>,
      %broadcast_in_dim3A_1716 = arith.constant 15 : i32
      %broadcast_in_dim3A_1717 = vector.broadcast %broadcast_in_dim3A_1716 : i32 to vector<16xi32>
      %gather3A_1718 = tpu.vector_load_idx %arg8[%broadcast_in_dim3A_1717, %add3A_1670] : memref<16x2048xf32, #tpu.memory_space<vmem>>[vector<16xi32>, vector<16xi32>], vector<16xf32>,
      %max3A_1719 = arith.maximumf %gather3A_1673, %gather3A_1676 : vector<16xf32>
      %max3A_1720 = arith.maximumf %max3A_1719, %gather3A_1679 : vector<16xf32>
      %max3A_1721 = arith.maximumf %max3A_1720, %gather3A_1682 : vector<16xf32>
      %max3A_1722 = arith.maximumf %max3A_1721, %gather3A_1685 : vector<16xf32>
      %max3A_1723 = arith.maximumf %max3A_1722, %gather3A_1688 : vector<16xf32>
      %max3A_1724 = arith.maximumf %max3A_1723, %gather3A_1691 : vector<16xf32>
      %max3A_1725 = arith.maximumf %max3A_1724, %gather3A_1694 : vector<16xf32>
      %max3A_1726 = arith.maximumf %max3A_1725, %gather3A_1697 : vector<16xf32>
      %max3A_1727 = arith.maximumf %max3A_1726, %gather3A_1700 : vector<16xf32>
      %max3A_1728 = arith.maximumf %max3A_1727, %gather3A_1703 : vector<16xf32>
      %max3A_1729 = arith.maximumf %max3A_1728, %gather3A_1706 : vector<16xf32>
      %max3A_1730 = arith.maximumf %max3A_1729, %gather3A_1709 : vector<16xf32>
      %max3A_1731 = arith.maximumf %max3A_1730, %gather3A_1712 : vector<16xf32>
      %max3A_1732 = arith.maximumf %max3A_1731, %gather3A_1715 : vector<16xf32>
      %max3A_1733 = arith.maximumf %max3A_1732, %gather3A_1718 : vector<16xf32>
      %sub3A_1734 = arith.subf %gather3A_1673, %max3A_1733 : vector<16xf32>
      %exp3A_1735 = math.exp %sub3A_1734 : vector<16xf32>
      %sub3A_1736 = arith.subf %gather3A_1676, %max3A_1733 : vector<16xf32>
      %exp3A_1737 = math.exp %sub3A_1736 : vector<16xf32>
      %sub3A_1738 = arith.subf %gather3A_1679, %max3A_1733 : vector<16xf32>
      %exp3A_1739 = math.exp %sub3A_1738 : vector<16xf32>
      %sub3A_1740 = arith.subf %gather3A_1682, %max3A_1733 : vector<16xf32>
      %exp3A_1741 = math.exp %sub3A_1740 : vector<16xf32>
      %sub3A_1742 = arith.subf %gather3A_1685, %max3A_1733 : vector<16xf32>
      %exp3A_1743 = math.exp %sub3A_1742 : vector<16xf32>
      %sub3A_1744 = arith.subf %gather3A_1688, %max3A_1733 : vector<16xf32>
      %exp3A_1745 = math.exp %sub3A_1744 : vector<16xf32>
      %sub3A_1746 = arith.subf %gather3A_1691, %max3A_1733 : vector<16xf32>
      %exp3A_1747 = math.exp %sub3A_1746 : vector<16xf32>
      %sub3A_1748 = arith.subf %gather3A_1694, %max3A_1733 : vector<16xf32>
      %exp3A_1749 = math.exp %sub3A_1748 : vector<16xf32>
      %sub3A_1750 = arith.subf %gather3A_1697, %max3A_1733 : vector<16xf32>
      %exp3A_1751 = math.exp %sub3A_1750 : vector<16xf32>
      %sub3A_1752 = arith.subf %gather3A_1700, %max3A_1733 : vector<16xf32>
      %exp3A_1753 = math.exp %sub3A_1752 : vector<16xf32>
      %sub3A_1754 = arith.subf %gather3A_1703, %max3A_1733 : vector<16xf32>
      %exp3A_1755 = math.exp %sub3A_1754 : vector<16xf32>
      %sub3A_1756 = arith.subf %gather3A_1706, %max3A_1733 : vector<16xf32>
      %exp3A_1757 = math.exp %sub3A_1756 : vector<16xf32>
      %sub3A_1758 = arith.subf %gather3A_1709, %max3A_1733 : vector<16xf32>
      %exp3A_1759 = math.exp %sub3A_1758 : vector<16xf32>
      %sub3A_1760 = arith.subf %gather3A_1712, %max3A_1733 : vector<16xf32>
      %exp3A_1761 = math.exp %sub3A_1760 : vector<16xf32>
      %sub3A_1762 = arith.subf %gather3A_1715, %max3A_1733 : vector<16xf32>
      %exp3A_1763 = math.exp %sub3A_1762 : vector<16xf32>
      %sub3A_1764 = arith.subf %gather3A_1718, %max3A_1733 : vector<16xf32>
      %exp3A_1765 = math.exp %sub3A_1764 : vector<16xf32>
      %add3A_1766 = arith.addf %exp3A_1735, %exp3A_1737 : vector<16xf32>
      %add3A_1767 = arith.addf %add3A_1766, %exp3A_1739 : vector<16xf32>
      %add3A_1768 = arith.addf %add3A_1767, %exp3A_1741 : vector<16xf32>
      %add3A_1769 = arith.addf %add3A_1768, %exp3A_1743 : vector<16xf32>
      %add3A_1770 = arith.addf %add3A_1769, %exp3A_1745 : vector<16xf32>
      %add3A_1771 = arith.addf %add3A_1770, %exp3A_1747 : vector<16xf32>
      %add3A_1772 = arith.addf %add3A_1771, %exp3A_1749 : vector<16xf32>
      %add3A_1773 = arith.addf %add3A_1772, %exp3A_1751 : vector<16xf32>
      %add3A_1774 = arith.addf %add3A_1773, %exp3A_1753 : vector<16xf32>
      %add3A_1775 = arith.addf %add3A_1774, %exp3A_1755 : vector<16xf32>
      %add3A_1776 = arith.addf %add3A_1775, %exp3A_1757 : vector<16xf32>
      %add3A_1777 = arith.addf %add3A_1776, %exp3A_1759 : vector<16xf32>
      %add3A_1778 = arith.addf %add3A_1777, %exp3A_1761 : vector<16xf32>
      %add3A_1779 = arith.addf %add3A_1778, %exp3A_1763 : vector<16xf32>
      %add3A_1780 = arith.addf %add3A_1779, %exp3A_1765 : vector<16xf32>
      %div3A_1781 = arith.constant 1.000000e+00 : f32
      %div3A_1782 = vector.broadcast %div3A_1781 : f32 to vector<16xf32>
      %div3A_1783 = arith.divf %div3A_1782, %add3A_1780 : vector<16xf32>
      %mul3A_1784 = arith.constant 16 : i32
      %mul3A_1785 = arith.muli %add3A_1653, %mul3A_1784 : i32
      %add3A_1786 = vector.broadcast %mul3A_1785 : i32 to vector<16xi32>
      %add3A_1787 = arith.addi %add3A_1786, %iota3A : vector<16xi32>
      %broadcast_in_dim3A_1788 = arith.constant 0 : i32
      %broadcast_in_dim3A_1789 = vector.broadcast %broadcast_in_dim3A_1788 : i32 to vector<16xi32>
      %mul3A_1790 = arith.mulf %exp3A_1735, %div3A_1783 : vector<16xf32>
      tpu.vector_store_idx %arg9[%broadcast_in_dim3A_1789, %add3A_1787], %mul3A_1790 : memref<16x512xf32, #tpu.memory_space<vmem>>[vector<16xi32>, vector<16xi32>], vector<16xf32>,
      %broadcast_in_dim3A_1791 = arith.constant 1 : i32
      %broadcast_in_dim3A_1792 = vector.broadcast %broadcast_in_dim3A_1791 : i32 to vector<16xi32>
      %mul3A_1793 = arith.mulf %exp3A_1737, %div3A_1783 : vector<16xf32>
      tpu.vector_store_idx %arg9[%broadcast_in_dim3A_1792, %add3A_1787], %mul3A_1793 : memref<16x512xf32, #tpu.memory_space<vmem>>[vector<16xi32>, vector<16xi32>], vector<16xf32>,
      %broadcast_in_dim3A_1794 = arith.constant 2 : i32
      %broadcast_in_dim3A_1795 = vector.broadcast %broadcast_in_dim3A_1794 : i32 to vector<16xi32>
      %mul3A_1796 = arith.mulf %exp3A_1739, %div3A_1783 : vector<16xf32>
      tpu.vector_store_idx %arg9[%broadcast_in_dim3A_1795, %add3A_1787], %mul3A_1796 : memref<16x512xf32, #tpu.memory_space<vmem>>[vector<16xi32>, vector<16xi32>], vector<16xf32>,
      %broadcast_in_dim3A_1797 = arith.constant 3 : i32
      %broadcast_in_dim3A_1798 = vector.broadcast %broadcast_in_dim3A_1797 : i32 to vector<16xi32>
      %mul3A_1799 = arith.mulf %exp3A_1741, %div3A_1783 : vector<16xf32>
      tpu.vector_store_idx %arg9[%broadcast_in_dim3A_1798, %add3A_1787], %mul3A_1799 : memref<16x512xf32, #tpu.memory_space<vmem>>[vector<16xi32>, vector<16xi32>], vector<16xf32>,
      %broadcast_in_dim3A_1800 = arith.constant 4 : i32
      %broadcast_in_dim3A_1801 = vector.broadcast %broadcast_in_dim3A_1800 : i32 to vector<16xi32>
      %mul3A_1802 = arith.mulf %exp3A_1743, %div3A_1783 : vector<16xf32>
      tpu.vector_store_idx %arg9[%broadcast_in_dim3A_1801, %add3A_1787], %mul3A_1802 : memref<16x512xf32, #tpu.memory_space<vmem>>[vector<16xi32>, vector<16xi32>], vector<16xf32>,
      %broadcast_in_dim3A_1803 = arith.constant 5 : i32
      %broadcast_in_dim3A_1804 = vector.broadcast %broadcast_in_dim3A_1803 : i32 to vector<16xi32>
      %mul3A_1805 = arith.mulf %exp3A_1745, %div3A_1783 : vector<16xf32>
      tpu.vector_store_idx %arg9[%broadcast_in_dim3A_1804, %add3A_1787], %mul3A_1805 : memref<16x512xf32, #tpu.memory_space<vmem>>[vector<16xi32>, vector<16xi32>], vector<16xf32>,
      %broadcast_in_dim3A_1806 = arith.constant 6 : i32
      %broadcast_in_dim3A_1807 = vector.broadcast %broadcast_in_dim3A_1806 : i32 to vector<16xi32>
      %mul3A_1808 = arith.mulf %exp3A_1747, %div3A_1783 : vector<16xf32>
      tpu.vector_store_idx %arg9[%broadcast_in_dim3A_1807, %add3A_1787], %mul3A_1808 : memref<16x512xf32, #tpu.memory_space<vmem>>[vector<16xi32>, vector<16xi32>], vector<16xf32>,
      %broadcast_in_dim3A_1809 = arith.constant 7 : i32
      %broadcast_in_dim3A_1810 = vector.broadcast %broadcast_in_dim3A_1809 : i32 to vector<16xi32>
      %mul3A_1811 = arith.mulf %exp3A_1749, %div3A_1783 : vector<16xf32>
      tpu.vector_store_idx %arg9[%broadcast_in_dim3A_1810, %add3A_1787], %mul3A_1811 : memref<16x512xf32, #tpu.memory_space<vmem>>[vector<16xi32>, vector<16xi32>], vector<16xf32>,
      %broadcast_in_dim3A_1812 = arith.constant 8 : i32
      %broadcast_in_dim3A_1813 = vector.broadcast %broadcast_in_dim3A_1812 : i32 to vector<16xi32>
      %mul3A_1814 = arith.mulf %exp3A_1751, %div3A_1783 : vector<16xf32>
      tpu.vector_store_idx %arg9[%broadcast_in_dim3A_1813, %add3A_1787], %mul3A_1814 : memref<16x512xf32, #tpu.memory_space<vmem>>[vector<16xi32>, vector<16xi32>], vector<16xf32>,
      %broadcast_in_dim3A_1815 = arith.constant 9 : i32
      %broadcast_in_dim3A_1816 = vector.broadcast %broadcast_in_dim3A_1815 : i32 to vector<16xi32>
      %mul3A_1817 = arith.mulf %exp3A_1753, %div3A_1783 : vector<16xf32>
      tpu.vector_store_idx %arg9[%broadcast_in_dim3A_1816, %add3A_1787], %mul3A_1817 : memref<16x512xf32, #tpu.memory_space<vmem>>[vector<16xi32>, vector<16xi32>], vector<16xf32>,
      %broadcast_in_dim3A_1818 = arith.constant 10 : i32
      %broadcast_in_dim3A_1819 = vector.broadcast %broadcast_in_dim3A_1818 : i32 to vector<16xi32>
      %mul3A_1820 = arith.mulf %exp3A_1755, %div3A_1783 : vector<16xf32>
      tpu.vector_store_idx %arg9[%broadcast_in_dim3A_1819, %add3A_1787], %mul3A_1820 : memref<16x512xf32, #tpu.memory_space<vmem>>[vector<16xi32>, vector<16xi32>], vector<16xf32>,
      %broadcast_in_dim3A_1821 = arith.constant 11 : i32
      %broadcast_in_dim3A_1822 = vector.broadcast %broadcast_in_dim3A_1821 : i32 to vector<16xi32>
      %mul3A_1823 = arith.mulf %exp3A_1757, %div3A_1783 : vector<16xf32>
      tpu.vector_store_idx %arg9[%broadcast_in_dim3A_1822, %add3A_1787], %mul3A_1823 : memref<16x512xf32, #tpu.memory_space<vmem>>[vector<16xi32>, vector<16xi32>], vector<16xf32>,
      %broadcast_in_dim3A_1824 = arith.constant 12 : i32
      %broadcast_in_dim3A_1825 = vector.broadcast %broadcast_in_dim3A_1824 : i32 to vector<16xi32>
      %mul3A_1826 = arith.mulf %exp3A_1759, %div3A_1783 : vector<16xf32>
      tpu.vector_store_idx %arg9[%broadcast_in_dim3A_1825, %add3A_1787], %mul3A_1826 : memref<16x512xf32, #tpu.memory_space<vmem>>[vector<16xi32>, vector<16xi32>], vector<16xf32>,
      %broadcast_in_dim3A_1827 = arith.constant 13 : i32
      %broadcast_in_dim3A_1828 = vector.broadcast %broadcast_in_dim3A_1827 : i32 to vector<16xi32>
      %mul3A_1829 = arith.mulf %exp3A_1761, %div3A_1783 : vector<16xf32>
      tpu.vector_store_idx %arg9[%broadcast_in_dim3A_1828, %add3A_1787], %mul3A_1829 : memref<16x512xf32, #tpu.memory_space<vmem>>[vector<16xi32>, vector<16xi32>], vector<16xf32>,
      %broadcast_in_dim3A_1830 = arith.constant 14 : i32
      %broadcast_in_dim3A_1831 = vector.broadcast %broadcast_in_dim3A_1830 : i32 to vector<16xi32>
      %mul3A_1832 = arith.mulf %exp3A_1763, %div3A_1783 : vector<16xf32>
      tpu.vector_store_idx %arg9[%broadcast_in_dim3A_1831, %add3A_1787], %mul3A_1832 : memref<16x512xf32, #tpu.memory_space<vmem>>[vector<16xi32>, vector<16xi32>], vector<16xf32>,
      %broadcast_in_dim3A_1833 = arith.constant 15 : i32
      %broadcast_in_dim3A_1834 = vector.broadcast %broadcast_in_dim3A_1833 : i32 to vector<16xi32>
      %mul3A_1835 = arith.mulf %exp3A_1765, %div3A_1783 : vector<16xf32>
      tpu.vector_store_idx %arg9[%broadcast_in_dim3A_1834, %add3A_1787], %mul3A_1835 : memref<16x512xf32, #tpu.memory_space<vmem>>[vector<16xi32>, vector<16xi32>], vector<16xf32>,
      %add3A_1836 = arith.constant 2 : i32
      %add3A_1837 = arith.addi %mul3A_813, %add3A_1836 : i32
      %add3A_1838 = arith.constant 2 : i32
      %add3A_1839 = arith.addi %add3A_1837, %add3A_1838 : i32
      %mul3A_1840 = arith.constant 16 : i32
      %mul3A_1841 = arith.muli %add3A_1839, %mul3A_1840 : i32
      %get3A_1842 = arith.index_cast %mul3A_1841 : i32 to index
      %get3A_1843 = tpu.vector_load %arg5[%get3A_1842] {strides = array<i32>} : memref<512xi32, #tpu.memory_space<vmem>>, vector<16xi32>,
      %shift_right_arithmetic3A_1844 = arith.constant 7 : i32
      %shift_right_arithmetic3A_1845 = vector.broadcast %shift_right_arithmetic3A_1844 : i32 to vector<16xi32>
      %shift_right_arithmetic3A_1846 = arith.shrsi %get3A_1843, %shift_right_arithmetic3A_1845 : vector<16xi32>
      %slice3A_1847 = vector.extract_strided_slice %shift_right_arithmetic3A_1846 {offsets = [0], sizes = [1], strides = [1]} : vector<16xi32> to vector<1xi32>
      %squeeze3A_1848 = vector.extract %slice3A_1847[0] : i32 from vector<1xi32>
      %mul3A_1849 = arith.constant 128 : i32
      %mul3A_1850 = arith.muli %squeeze3A_1848, %mul3A_1849 : i32
      %dma_start3A_1851 = arith.constant 0 : i32
      %dma_start3A_1852 = arith.constant 0 : i32
      %dma_start3A_1853 = tpu.memref_slice %arg7[%dma_start3A_1851, %dma_start3A_1852] : memref<16x2048xf32, #tpu.memory_space<vmem>> -> memref<16x128xf32, #tpu.memory_space<vmem>>
      %dma_start3A_1854 = arith.constant 0 : i32
      %dma_start3A_1855 = tpu.memref_slice %arg3[%dma_start3A_1854, %mul3A_1850] : memref<16x1000000xf32, #tpu.memory_space<hbm>> -> memref<16x128xf32, #tpu.memory_space<hbm>>
      %dma_start3A_1856 = arith.constant 0 : i32
      %dma_start3A_1857 = arith.constant 0 : i32
      %dma_start3A_1858 = tpu.memref_slice %arg7[%dma_start3A_1856, %dma_start3A_1857] : memref<16x2048xf32, #tpu.memory_space<vmem>> -> memref<16x128xf32, #tpu.memory_space<vmem>>
      %dma_start3A_1859 = arith.constant 0 : i32
      %dma_start3A_1860 = tpu.memref_slice %arg3[%dma_start3A_1859, %mul3A_1850] : memref<16x1000000xf32, #tpu.memory_space<hbm>> -> memref<16x128xf32, #tpu.memory_space<hbm>>
      tpu.enqueue_dma source(%dma_start3A_1860 : memref<16x128xf32, #tpu.memory_space<hbm>>) target(%dma_start3A_1858 : memref<16x128xf32, #tpu.memory_space<vmem>>) target_semaphore(%arg11 : memref<!tpu.dma_semaphore, #tpu.memory_space<semaphore_mem>>)
      %slice3A_1861 = vector.extract_strided_slice %shift_right_arithmetic3A_1846 {offsets = [1], sizes = [1], strides = [1]} : vector<16xi32> to vector<1xi32>
      %squeeze3A_1862 = vector.extract %slice3A_1861[0] : i32 from vector<1xi32>
      %mul3A_1863 = arith.constant 128 : i32
      %mul3A_1864 = arith.muli %squeeze3A_1862, %mul3A_1863 : i32
      %dma_start3A_1865 = arith.constant 0 : i32
      %dma_start3A_1866 = arith.constant 128 : i32
      %dma_start3A_1867 = tpu.memref_slice %arg7[%dma_start3A_1865, %dma_start3A_1866] : memref<16x2048xf32, #tpu.memory_space<vmem>> -> memref<16x128xf32, #tpu.memory_space<vmem>>
      %dma_start3A_1868 = arith.constant 0 : i32
      %dma_start3A_1869 = tpu.memref_slice %arg3[%dma_start3A_1868, %mul3A_1864] : memref<16x1000000xf32, #tpu.memory_space<hbm>> -> memref<16x128xf32, #tpu.memory_space<hbm>>
      %dma_start3A_1870 = arith.constant 0 : i32
      %dma_start3A_1871 = arith.constant 128 : i32
      %dma_start3A_1872 = tpu.memref_slice %arg7[%dma_start3A_1870, %dma_start3A_1871] : memref<16x2048xf32, #tpu.memory_space<vmem>> -> memref<16x128xf32, #tpu.memory_space<vmem>>
      %dma_start3A_1873 = arith.constant 0 : i32
      %dma_start3A_1874 = tpu.memref_slice %arg3[%dma_start3A_1873, %mul3A_1864] : memref<16x1000000xf32, #tpu.memory_space<hbm>> -> memref<16x128xf32, #tpu.memory_space<hbm>>
      tpu.enqueue_dma source(%dma_start3A_1874 : memref<16x128xf32, #tpu.memory_space<hbm>>) target(%dma_start3A_1872 : memref<16x128xf32, #tpu.memory_space<vmem>>) target_semaphore(%arg11 : memref<!tpu.dma_semaphore, #tpu.memory_space<semaphore_mem>>)
      %slice3A_1875 = vector.extract_strided_slice %shift_right_arithmetic3A_1846 {offsets = [2], sizes = [1], strides = [1]} : vector<16xi32> to vector<1xi32>
      %squeeze3A_1876 = vector.extract %slice3A_1875[0] : i32 from vector<1xi32>
      %mul3A_1877 = arith.constant 128 : i32
      %mul3A_1878 = arith.muli %squeeze3A_1876, %mul3A_1877 : i32
      %dma_start3A_1879 = arith.constant 0 : i32
      %dma_start3A_1880 = arith.constant 256 : i32
      %dma_start3A_1881 = tpu.memref_slice %arg7[%dma_start3A_1879, %dma_start3A_1880] : memref<16x2048xf32, #tpu.memory_space<vmem>> -> memref<16x128xf32, #tpu.memory_space<vmem>>
      %dma_start3A_1882 = arith.constant 0 : i32
      %dma_start3A_1883 = tpu.memref_slice %arg3[%dma_start3A_1882, %mul3A_1878] : memref<16x1000000xf32, #tpu.memory_space<hbm>> -> memref<16x128xf32, #tpu.memory_space<hbm>>
      %dma_start3A_1884 = arith.constant 0 : i32
      %dma_start3A_1885 = arith.constant 256 : i32
      %dma_start3A_1886 = tpu.memref_slice %arg7[%dma_start3A_1884, %dma_start3A_1885] : memref<16x2048xf32, #tpu.memory_space<vmem>> -> memref<16x128xf32, #tpu.memory_space<vmem>>
      %dma_start3A_1887 = arith.constant 0 : i32
      %dma_start3A_1888 = tpu.memref_slice %arg3[%dma_start3A_1887, %mul3A_1878] : memref<16x1000000xf32, #tpu.memory_space<hbm>> -> memref<16x128xf32, #tpu.memory_space<hbm>>
      tpu.enqueue_dma source(%dma_start3A_1888 : memref<16x128xf32, #tpu.memory_space<hbm>>) target(%dma_start3A_1886 : memref<16x128xf32, #tpu.memory_space<vmem>>) target_semaphore(%arg11 : memref<!tpu.dma_semaphore, #tpu.memory_space<semaphore_mem>>)
      %slice3A_1889 = vector.extract_strided_slice %shift_right_arithmetic3A_1846 {offsets = [3], sizes = [1], strides = [1]} : vector<16xi32> to vector<1xi32>
      %squeeze3A_1890 = vector.extract %slice3A_1889[0] : i32 from vector<1xi32>
      %mul3A_1891 = arith.constant 128 : i32
      %mul3A_1892 = arith.muli %squeeze3A_1890, %mul3A_1891 : i32
      %dma_start3A_1893 = arith.constant 0 : i32
      %dma_start3A_1894 = arith.constant 384 : i32
      %dma_start3A_1895 = tpu.memref_slice %arg7[%dma_start3A_1893, %dma_start3A_1894] : memref<16x2048xf32, #tpu.memory_space<vmem>> -> memref<16x128xf32, #tpu.memory_space<vmem>>
      %dma_start3A_1896 = arith.constant 0 : i32
      %dma_start3A_1897 = tpu.memref_slice %arg3[%dma_start3A_1896, %mul3A_1892] : memref<16x1000000xf32, #tpu.memory_space<hbm>> -> memref<16x128xf32, #tpu.memory_space<hbm>>
      %dma_start3A_1898 = arith.constant 0 : i32
      %dma_start3A_1899 = arith.constant 384 : i32
      %dma_start3A_1900 = tpu.memref_slice %arg7[%dma_start3A_1898, %dma_start3A_1899] : memref<16x2048xf32, #tpu.memory_space<vmem>> -> memref<16x128xf32, #tpu.memory_space<vmem>>
      %dma_start3A_1901 = arith.constant 0 : i32
      %dma_start3A_1902 = tpu.memref_slice %arg3[%dma_start3A_1901, %mul3A_1892] : memref<16x1000000xf32, #tpu.memory_space<hbm>> -> memref<16x128xf32, #tpu.memory_space<hbm>>
      tpu.enqueue_dma source(%dma_start3A_1902 : memref<16x128xf32, #tpu.memory_space<hbm>>) target(%dma_start3A_1900 : memref<16x128xf32, #tpu.memory_space<vmem>>) target_semaphore(%arg11 : memref<!tpu.dma_semaphore, #tpu.memory_space<semaphore_mem>>)
      %slice3A_1903 = vector.extract_strided_slice %shift_right_arithmetic3A_1846 {offsets = [4], sizes = [1], strides = [1]} : vector<16xi32> to vector<1xi32>
      %squeeze3A_1904 = vector.extract %slice3A_1903[0] : i32 from vector<1xi32>
      %mul3A_1905 = arith.constant 128 : i32
      %mul3A_1906 = arith.muli %squeeze3A_1904, %mul3A_1905 : i32
      %dma_start3A_1907 = arith.constant 0 : i32
      %dma_start3A_1908 = arith.constant 512 : i32
      %dma_start3A_1909 = tpu.memref_slice %arg7[%dma_start3A_1907, %dma_start3A_1908] : memref<16x2048xf32, #tpu.memory_space<vmem>> -> memref<16x128xf32, #tpu.memory_space<vmem>>
      %dma_start3A_1910 = arith.constant 0 : i32
      %dma_start3A_1911 = tpu.memref_slice %arg3[%dma_start3A_1910, %mul3A_1906] : memref<16x1000000xf32, #tpu.memory_space<hbm>> -> memref<16x128xf32, #tpu.memory_space<hbm>>
      %dma_start3A_1912 = arith.constant 0 : i32
      %dma_start3A_1913 = arith.constant 512 : i32
      %dma_start3A_1914 = tpu.memref_slice %arg7[%dma_start3A_1912, %dma_start3A_1913] : memref<16x2048xf32, #tpu.memory_space<vmem>> -> memref<16x128xf32, #tpu.memory_space<vmem>>
      %dma_start3A_1915 = arith.constant 0 : i32
      %dma_start3A_1916 = tpu.memref_slice %arg3[%dma_start3A_1915, %mul3A_1906] : memref<16x1000000xf32, #tpu.memory_space<hbm>> -> memref<16x128xf32, #tpu.memory_space<hbm>>
      tpu.enqueue_dma source(%dma_start3A_1916 : memref<16x128xf32, #tpu.memory_space<hbm>>) target(%dma_start3A_1914 : memref<16x128xf32, #tpu.memory_space<vmem>>) target_semaphore(%arg11 : memref<!tpu.dma_semaphore, #tpu.memory_space<semaphore_mem>>)
      %slice3A_1917 = vector.extract_strided_slice %shift_right_arithmetic3A_1846 {offsets = [5], sizes = [1], strides = [1]} : vector<16xi32> to vector<1xi32>
      %squeeze3A_1918 = vector.extract %slice3A_1917[0] : i32 from vector<1xi32>
      %mul3A_1919 = arith.constant 128 : i32
      %mul3A_1920 = arith.muli %squeeze3A_1918, %mul3A_1919 : i32
      %dma_start3A_1921 = arith.constant 0 : i32
      %dma_start3A_1922 = arith.constant 640 : i32
      %dma_start3A_1923 = tpu.memref_slice %arg7[%dma_start3A_1921, %dma_start3A_1922] : memref<16x2048xf32, #tpu.memory_space<vmem>> -> memref<16x128xf32, #tpu.memory_space<vmem>>
      %dma_start3A_1924 = arith.constant 0 : i32
      %dma_start3A_1925 = tpu.memref_slice %arg3[%dma_start3A_1924, %mul3A_1920] : memref<16x1000000xf32, #tpu.memory_space<hbm>> -> memref<16x128xf32, #tpu.memory_space<hbm>>
      %dma_start3A_1926 = arith.constant 0 : i32
      %dma_start3A_1927 = arith.constant 640 : i32
      %dma_start3A_1928 = tpu.memref_slice %arg7[%dma_start3A_1926, %dma_start3A_1927] : memref<16x2048xf32, #tpu.memory_space<vmem>> -> memref<16x128xf32, #tpu.memory_space<vmem>>
      %dma_start3A_1929 = arith.constant 0 : i32
      %dma_start3A_1930 = tpu.memref_slice %arg3[%dma_start3A_1929, %mul3A_1920] : memref<16x1000000xf32, #tpu.memory_space<hbm>> -> memref<16x128xf32, #tpu.memory_space<hbm>>
      tpu.enqueue_dma source(%dma_start3A_1930 : memref<16x128xf32, #tpu.memory_space<hbm>>) target(%dma_start3A_1928 : memref<16x128xf32, #tpu.memory_space<vmem>>) target_semaphore(%arg11 : memref<!tpu.dma_semaphore, #tpu.memory_space<semaphore_mem>>)
      %slice3A_1931 = vector.extract_strided_slice %shift_right_arithmetic3A_1846 {offsets = [6], sizes = [1], strides = [1]} : vector<16xi32> to vector<1xi32>
      %squeeze3A_1932 = vector.extract %slice3A_1931[0] : i32 from vector<1xi32>
      %mul3A_1933 = arith.constant 128 : i32
      %mul3A_1934 = arith.muli %squeeze3A_1932, %mul3A_1933 : i32
      %dma_start3A_1935 = arith.constant 0 : i32
      %dma_start3A_1936 = arith.constant 768 : i32
      %dma_start3A_1937 = tpu.memref_slice %arg7[%dma_start3A_1935, %dma_start3A_1936] : memref<16x2048xf32, #tpu.memory_space<vmem>> -> memref<16x128xf32, #tpu.memory_space<vmem>>
      %dma_start3A_1938 = arith.constant 0 : i32
      %dma_start3A_1939 = tpu.memref_slice %arg3[%dma_start3A_1938, %mul3A_1934] : memref<16x1000000xf32, #tpu.memory_space<hbm>> -> memref<16x128xf32, #tpu.memory_space<hbm>>
      %dma_start3A_1940 = arith.constant 0 : i32
      %dma_start3A_1941 = arith.constant 768 : i32
      %dma_start3A_1942 = tpu.memref_slice %arg7[%dma_start3A_1940, %dma_start3A_1941] : memref<16x2048xf32, #tpu.memory_space<vmem>> -> memref<16x128xf32, #tpu.memory_space<vmem>>
      %dma_start3A_1943 = arith.constant 0 : i32
      %dma_start3A_1944 = tpu.memref_slice %arg3[%dma_start3A_1943, %mul3A_1934] : memref<16x1000000xf32, #tpu.memory_space<hbm>> -> memref<16x128xf32, #tpu.memory_space<hbm>>
      tpu.enqueue_dma source(%dma_start3A_1944 : memref<16x128xf32, #tpu.memory_space<hbm>>) target(%dma_start3A_1942 : memref<16x128xf32, #tpu.memory_space<vmem>>) target_semaphore(%arg11 : memref<!tpu.dma_semaphore, #tpu.memory_space<semaphore_mem>>)
      %slice3A_1945 = vector.extract_strided_slice %shift_right_arithmetic3A_1846 {offsets = [7], sizes = [1], strides = [1]} : vector<16xi32> to vector<1xi32>
      %squeeze3A_1946 = vector.extract %slice3A_1945[0] : i32 from vector<1xi32>
      %mul3A_1947 = arith.constant 128 : i32
      %mul3A_1948 = arith.muli %squeeze3A_1946, %mul3A_1947 : i32
      %dma_start3A_1949 = arith.constant 0 : i32
      %dma_start3A_1950 = arith.constant 896 : i32
      %dma_start3A_1951 = tpu.memref_slice %arg7[%dma_start3A_1949, %dma_start3A_1950] : memref<16x2048xf32, #tpu.memory_space<vmem>> -> memref<16x128xf32, #tpu.memory_space<vmem>>
      %dma_start3A_1952 = arith.constant 0 : i32
      %dma_start3A_1953 = tpu.memref_slice %arg3[%dma_start3A_1952, %mul3A_1948] : memref<16x1000000xf32, #tpu.memory_space<hbm>> -> memref<16x128xf32, #tpu.memory_space<hbm>>
      %dma_start3A_1954 = arith.constant 0 : i32
      %dma_start3A_1955 = arith.constant 896 : i32
      %dma_start3A_1956 = tpu.memref_slice %arg7[%dma_start3A_1954, %dma_start3A_1955] : memref<16x2048xf32, #tpu.memory_space<vmem>> -> memref<16x128xf32, #tpu.memory_space<vmem>>
      %dma_start3A_1957 = arith.constant 0 : i32
      %dma_start3A_1958 = tpu.memref_slice %arg3[%dma_start3A_1957, %mul3A_1948] : memref<16x1000000xf32, #tpu.memory_space<hbm>> -> memref<16x128xf32, #tpu.memory_space<hbm>>
      tpu.enqueue_dma source(%dma_start3A_1958 : memref<16x128xf32, #tpu.memory_space<hbm>>) target(%dma_start3A_1956 : memref<16x128xf32, #tpu.memory_space<vmem>>) target_semaphore(%arg11 : memref<!tpu.dma_semaphore, #tpu.memory_space<semaphore_mem>>)
      %slice3A_1959 = vector.extract_strided_slice %shift_right_arithmetic3A_1846 {offsets = [8], sizes = [1], strides = [1]} : vector<16xi32> to vector<1xi32>
      %squeeze3A_1960 = vector.extract %slice3A_1959[0] : i32 from vector<1xi32>
      %mul3A_1961 = arith.constant 128 : i32
      %mul3A_1962 = arith.muli %squeeze3A_1960, %mul3A_1961 : i32
      %dma_start3A_1963 = arith.constant 0 : i32
      %dma_start3A_1964 = arith.constant 1024 : i32
      %dma_start3A_1965 = tpu.memref_slice %arg7[%dma_start3A_1963, %dma_start3A_1964] : memref<16x2048xf32, #tpu.memory_space<vmem>> -> memref<16x128xf32, #tpu.memory_space<vmem>>
      %dma_start3A_1966 = arith.constant 0 : i32
      %dma_start3A_1967 = tpu.memref_slice %arg3[%dma_start3A_1966, %mul3A_1962] : memref<16x1000000xf32, #tpu.memory_space<hbm>> -> memref<16x128xf32, #tpu.memory_space<hbm>>
      %dma_start3A_1968 = arith.constant 0 : i32
      %dma_start3A_1969 = arith.constant 1024 : i32
      %dma_start3A_1970 = tpu.memref_slice %arg7[%dma_start3A_1968, %dma_start3A_1969] : memref<16x2048xf32, #tpu.memory_space<vmem>> -> memref<16x128xf32, #tpu.memory_space<vmem>>
      %dma_start3A_1971 = arith.constant 0 : i32
      %dma_start3A_1972 = tpu.memref_slice %arg3[%dma_start3A_1971, %mul3A_1962] : memref<16x1000000xf32, #tpu.memory_space<hbm>> -> memref<16x128xf32, #tpu.memory_space<hbm>>
      tpu.enqueue_dma source(%dma_start3A_1972 : memref<16x128xf32, #tpu.memory_space<hbm>>) target(%dma_start3A_1970 : memref<16x128xf32, #tpu.memory_space<vmem>>) target_semaphore(%arg11 : memref<!tpu.dma_semaphore, #tpu.memory_space<semaphore_mem>>)
      %slice3A_1973 = vector.extract_strided_slice %shift_right_arithmetic3A_1846 {offsets = [9], sizes = [1], strides = [1]} : vector<16xi32> to vector<1xi32>
      %squeeze3A_1974 = vector.extract %slice3A_1973[0] : i32 from vector<1xi32>
      %mul3A_1975 = arith.constant 128 : i32
      %mul3A_1976 = arith.muli %squeeze3A_1974, %mul3A_1975 : i32
      %dma_start3A_1977 = arith.constant 0 : i32
      %dma_start3A_1978 = arith.constant 1152 : i32
      %dma_start3A_1979 = tpu.memref_slice %arg7[%dma_start3A_1977, %dma_start3A_1978] : memref<16x2048xf32, #tpu.memory_space<vmem>> -> memref<16x128xf32, #tpu.memory_space<vmem>>
      %dma_start3A_1980 = arith.constant 0 : i32
      %dma_start3A_1981 = tpu.memref_slice %arg3[%dma_start3A_1980, %mul3A_1976] : memref<16x1000000xf32, #tpu.memory_space<hbm>> -> memref<16x128xf32, #tpu.memory_space<hbm>>
      %dma_start3A_1982 = arith.constant 0 : i32
      %dma_start3A_1983 = arith.constant 1152 : i32
      %dma_start3A_1984 = tpu.memref_slice %arg7[%dma_start3A_1982, %dma_start3A_1983] : memref<16x2048xf32, #tpu.memory_space<vmem>> -> memref<16x128xf32, #tpu.memory_space<vmem>>
      %dma_start3A_1985 = arith.constant 0 : i32
      %dma_start3A_1986 = tpu.memref_slice %arg3[%dma_start3A_1985, %mul3A_1976] : memref<16x1000000xf32, #tpu.memory_space<hbm>> -> memref<16x128xf32, #tpu.memory_space<hbm>>
      tpu.enqueue_dma source(%dma_start3A_1986 : memref<16x128xf32, #tpu.memory_space<hbm>>) target(%dma_start3A_1984 : memref<16x128xf32, #tpu.memory_space<vmem>>) target_semaphore(%arg11 : memref<!tpu.dma_semaphore, #tpu.memory_space<semaphore_mem>>)
      %slice3A_1987 = vector.extract_strided_slice %shift_right_arithmetic3A_1846 {offsets = [10], sizes = [1], strides = [1]} : vector<16xi32> to vector<1xi32>
      %squeeze3A_1988 = vector.extract %slice3A_1987[0] : i32 from vector<1xi32>
      %mul3A_1989 = arith.constant 128 : i32
      %mul3A_1990 = arith.muli %squeeze3A_1988, %mul3A_1989 : i32
      %dma_start3A_1991 = arith.constant 0 : i32
      %dma_start3A_1992 = arith.constant 1280 : i32
      %dma_start3A_1993 = tpu.memref_slice %arg7[%dma_start3A_1991, %dma_start3A_1992] : memref<16x2048xf32, #tpu.memory_space<vmem>> -> memref<16x128xf32, #tpu.memory_space<vmem>>
      %dma_start3A_1994 = arith.constant 0 : i32
      %dma_start3A_1995 = tpu.memref_slice %arg3[%dma_start3A_1994, %mul3A_1990] : memref<16x1000000xf32, #tpu.memory_space<hbm>> -> memref<16x128xf32, #tpu.memory_space<hbm>>
      %dma_start3A_1996 = arith.constant 0 : i32
      %dma_start3A_1997 = arith.constant 1280 : i32
      %dma_start3A_1998 = tpu.memref_slice %arg7[%dma_start3A_1996, %dma_start3A_1997] : memref<16x2048xf32, #tpu.memory_space<vmem>> -> memref<16x128xf32, #tpu.memory_space<vmem>>
      %dma_start3A_1999 = arith.constant 0 : i32
      %dma_start3A_2000 = tpu.memref_slice %arg3[%dma_start3A_1999, %mul3A_1990] : memref<16x1000000xf32, #tpu.memory_space<hbm>> -> memref<16x128xf32, #tpu.memory_space<hbm>>
      tpu.enqueue_dma source(%dma_start3A_2000 : memref<16x128xf32, #tpu.memory_space<hbm>>) target(%dma_start3A_1998 : memref<16x128xf32, #tpu.memory_space<vmem>>) target_semaphore(%arg11 : memref<!tpu.dma_semaphore, #tpu.memory_space<semaphore_mem>>)
      %slice3A_2001 = vector.extract_strided_slice %shift_right_arithmetic3A_1846 {offsets = [11], sizes = [1], strides = [1]} : vector<16xi32> to vector<1xi32>
      %squeeze3A_2002 = vector.extract %slice3A_2001[0] : i32 from vector<1xi32>
      %mul3A_2003 = arith.constant 128 : i32
      %mul3A_2004 = arith.muli %squeeze3A_2002, %mul3A_2003 : i32
      %dma_start3A_2005 = arith.constant 0 : i32
      %dma_start3A_2006 = arith.constant 1408 : i32
      %dma_start3A_2007 = tpu.memref_slice %arg7[%dma_start3A_2005, %dma_start3A_2006] : memref<16x2048xf32, #tpu.memory_space<vmem>> -> memref<16x128xf32, #tpu.memory_space<vmem>>
      %dma_start3A_2008 = arith.constant 0 : i32
      %dma_start3A_2009 = tpu.memref_slice %arg3[%dma_start3A_2008, %mul3A_2004] : memref<16x1000000xf32, #tpu.memory_space<hbm>> -> memref<16x128xf32, #tpu.memory_space<hbm>>
      %dma_start3A_2010 = arith.constant 0 : i32
      %dma_start3A_2011 = arith.constant 1408 : i32
      %dma_start3A_2012 = tpu.memref_slice %arg7[%dma_start3A_2010, %dma_start3A_2011] : memref<16x2048xf32, #tpu.memory_space<vmem>> -> memref<16x128xf32, #tpu.memory_space<vmem>>
      %dma_start3A_2013 = arith.constant 0 : i32
      %dma_start3A_2014 = tpu.memref_slice %arg3[%dma_start3A_2013, %mul3A_2004] : memref<16x1000000xf32, #tpu.memory_space<hbm>> -> memref<16x128xf32, #tpu.memory_space<hbm>>
      tpu.enqueue_dma source(%dma_start3A_2014 : memref<16x128xf32, #tpu.memory_space<hbm>>) target(%dma_start3A_2012 : memref<16x128xf32, #tpu.memory_space<vmem>>) target_semaphore(%arg11 : memref<!tpu.dma_semaphore, #tpu.memory_space<semaphore_mem>>)
      %slice3A_2015 = vector.extract_strided_slice %shift_right_arithmetic3A_1846 {offsets = [12], sizes = [1], strides = [1]} : vector<16xi32> to vector<1xi32>
      %squeeze3A_2016 = vector.extract %slice3A_2015[0] : i32 from vector<1xi32>
      %mul3A_2017 = arith.constant 128 : i32
      %mul3A_2018 = arith.muli %squeeze3A_2016, %mul3A_2017 : i32
      %dma_start3A_2019 = arith.constant 0 : i32
      %dma_start3A_2020 = arith.constant 1536 : i32
      %dma_start3A_2021 = tpu.memref_slice %arg7[%dma_start3A_2019, %dma_start3A_2020] : memref<16x2048xf32, #tpu.memory_space<vmem>> -> memref<16x128xf32, #tpu.memory_space<vmem>>
      %dma_start3A_2022 = arith.constant 0 : i32
      %dma_start3A_2023 = tpu.memref_slice %arg3[%dma_start3A_2022, %mul3A_2018] : memref<16x1000000xf32, #tpu.memory_space<hbm>> -> memref<16x128xf32, #tpu.memory_space<hbm>>
      %dma_start3A_2024 = arith.constant 0 : i32
      %dma_start3A_2025 = arith.constant 1536 : i32
      %dma_start3A_2026 = tpu.memref_slice %arg7[%dma_start3A_2024, %dma_start3A_2025] : memref<16x2048xf32, #tpu.memory_space<vmem>> -> memref<16x128xf32, #tpu.memory_space<vmem>>
      %dma_start3A_2027 = arith.constant 0 : i32
      %dma_start3A_2028 = tpu.memref_slice %arg3[%dma_start3A_2027, %mul3A_2018] : memref<16x1000000xf32, #tpu.memory_space<hbm>> -> memref<16x128xf32, #tpu.memory_space<hbm>>
      tpu.enqueue_dma source(%dma_start3A_2028 : memref<16x128xf32, #tpu.memory_space<hbm>>) target(%dma_start3A_2026 : memref<16x128xf32, #tpu.memory_space<vmem>>) target_semaphore(%arg11 : memref<!tpu.dma_semaphore, #tpu.memory_space<semaphore_mem>>)
      %slice3A_2029 = vector.extract_strided_slice %shift_right_arithmetic3A_1846 {offsets = [13], sizes = [1], strides = [1]} : vector<16xi32> to vector<1xi32>
      %squeeze3A_2030 = vector.extract %slice3A_2029[0] : i32 from vector<1xi32>
      %mul3A_2031 = arith.constant 128 : i32
      %mul3A_2032 = arith.muli %squeeze3A_2030, %mul3A_2031 : i32
      %dma_start3A_2033 = arith.constant 0 : i32
      %dma_start3A_2034 = arith.constant 1664 : i32
      %dma_start3A_2035 = tpu.memref_slice %arg7[%dma_start3A_2033, %dma_start3A_2034] : memref<16x2048xf32, #tpu.memory_space<vmem>> -> memref<16x128xf32, #tpu.memory_space<vmem>>
      %dma_start3A_2036 = arith.constant 0 : i32
      %dma_start3A_2037 = tpu.memref_slice %arg3[%dma_start3A_2036, %mul3A_2032] : memref<16x1000000xf32, #tpu.memory_space<hbm>> -> memref<16x128xf32, #tpu.memory_space<hbm>>
      %dma_start3A_2038 = arith.constant 0 : i32
      %dma_start3A_2039 = arith.constant 1664 : i32
      %dma_start3A_2040 = tpu.memref_slice %arg7[%dma_start3A_2038, %dma_start3A_2039] : memref<16x2048xf32, #tpu.memory_space<vmem>> -> memref<16x128xf32, #tpu.memory_space<vmem>>
      %dma_start3A_2041 = arith.constant 0 : i32
      %dma_start3A_2042 = tpu.memref_slice %arg3[%dma_start3A_2041, %mul3A_2032] : memref<16x1000000xf32, #tpu.memory_space<hbm>> -> memref<16x128xf32, #tpu.memory_space<hbm>>
      tpu.enqueue_dma source(%dma_start3A_2042 : memref<16x128xf32, #tpu.memory_space<hbm>>) target(%dma_start3A_2040 : memref<16x128xf32, #tpu.memory_space<vmem>>) target_semaphore(%arg11 : memref<!tpu.dma_semaphore, #tpu.memory_space<semaphore_mem>>)
      %slice3A_2043 = vector.extract_strided_slice %shift_right_arithmetic3A_1846 {offsets = [14], sizes = [1], strides = [1]} : vector<16xi32> to vector<1xi32>
      %squeeze3A_2044 = vector.extract %slice3A_2043[0] : i32 from vector<1xi32>
      %mul3A_2045 = arith.constant 128 : i32
      %mul3A_2046 = arith.muli %squeeze3A_2044, %mul3A_2045 : i32
      %dma_start3A_2047 = arith.constant 0 : i32
      %dma_start3A_2048 = arith.constant 1792 : i32
      %dma_start3A_2049 = tpu.memref_slice %arg7[%dma_start3A_2047, %dma_start3A_2048] : memref<16x2048xf32, #tpu.memory_space<vmem>> -> memref<16x128xf32, #tpu.memory_space<vmem>>
      %dma_start3A_2050 = arith.constant 0 : i32
      %dma_start3A_2051 = tpu.memref_slice %arg3[%dma_start3A_2050, %mul3A_2046] : memref<16x1000000xf32, #tpu.memory_space<hbm>> -> memref<16x128xf32, #tpu.memory_space<hbm>>
      %dma_start3A_2052 = arith.constant 0 : i32
      %dma_start3A_2053 = arith.constant 1792 : i32
      %dma_start3A_2054 = tpu.memref_slice %arg7[%dma_start3A_2052, %dma_start3A_2053] : memref<16x2048xf32, #tpu.memory_space<vmem>> -> memref<16x128xf32, #tpu.memory_space<vmem>>
      %dma_start3A_2055 = arith.constant 0 : i32
      %dma_start3A_2056 = tpu.memref_slice %arg3[%dma_start3A_2055, %mul3A_2046] : memref<16x1000000xf32, #tpu.memory_space<hbm>> -> memref<16x128xf32, #tpu.memory_space<hbm>>
      tpu.enqueue_dma source(%dma_start3A_2056 : memref<16x128xf32, #tpu.memory_space<hbm>>) target(%dma_start3A_2054 : memref<16x128xf32, #tpu.memory_space<vmem>>) target_semaphore(%arg11 : memref<!tpu.dma_semaphore, #tpu.memory_space<semaphore_mem>>)
      %slice3A_2057 = vector.extract_strided_slice %shift_right_arithmetic3A_1846 {offsets = [15], sizes = [1], strides = [1]} : vector<16xi32> to vector<1xi32>
      %squeeze3A_2058 = vector.extract %slice3A_2057[0] : i32 from vector<1xi32>
      %mul3A_2059 = arith.constant 128 : i32
      %mul3A_2060 = arith.muli %squeeze3A_2058, %mul3A_2059 : i32
      %dma_start3A_2061 = arith.constant 0 : i32
      %dma_start3A_2062 = arith.constant 1920 : i32
      %dma_start3A_2063 = tpu.memref_slice %arg7[%dma_start3A_2061, %dma_start3A_2062] : memref<16x2048xf32, #tpu.memory_space<vmem>> -> memref<16x128xf32, #tpu.memory_space<vmem>>
      %dma_start3A_2064 = arith.constant 0 : i32
      %dma_start3A_2065 = tpu.memref_slice %arg3[%dma_start3A_2064, %mul3A_2060] : memref<16x1000000xf32, #tpu.memory_space<hbm>> -> memref<16x128xf32, #tpu.memory_space<hbm>>
      %dma_start3A_2066 = arith.constant 0 : i32
      %dma_start3A_2067 = arith.constant 1920 : i32
      %dma_start3A_2068 = tpu.memref_slice %arg7[%dma_start3A_2066, %dma_start3A_2067] : memref<16x2048xf32, #tpu.memory_space<vmem>> -> memref<16x128xf32, #tpu.memory_space<vmem>>
      %dma_start3A_2069 = arith.constant 0 : i32
      %dma_start3A_2070 = tpu.memref_slice %arg3[%dma_start3A_2069, %mul3A_2060] : memref<16x1000000xf32, #tpu.memory_space<hbm>> -> memref<16x128xf32, #tpu.memory_space<hbm>>
      tpu.enqueue_dma source(%dma_start3A_2070 : memref<16x128xf32, #tpu.memory_space<hbm>>) target(%dma_start3A_2068 : memref<16x128xf32, #tpu.memory_space<vmem>>) target_semaphore(%arg11 : memref<!tpu.dma_semaphore, #tpu.memory_space<semaphore_mem>>)
    }
    %scan3A_460 = arith.constant 10 : i32
    %dma_wait3A = arith.constant 0 : i32
    %dma_wait3A_461 = arith.constant 0 : i32
    %dma_wait3A_462 = tpu.memref_slice %arg3[%dma_wait3A, %dma_wait3A_461] : memref<16x1000000xf32, #tpu.memory_space<hbm>> -> memref<16x2048xf32, #tpu.memory_space<hbm>>
    %dma_wait3A_463 = arith.constant 0 : i32
    %dma_wait3A_464 = arith.constant 0 : i32
    %dma_wait3A_465 = tpu.memref_slice %arg3[%dma_wait3A_463, %dma_wait3A_464] : memref<16x1000000xf32, #tpu.memory_space<hbm>> -> memref<16x2048xf32, #tpu.memory_space<hbm>>
    tpu.wait_dma2 semaphore(%arg10 : memref<!tpu.dma_semaphore, #tpu.memory_space<semaphore_mem>>) src(%dma_wait3A_465 : memref<16x2048xf32, #tpu.memory_space<hbm>>) dst(%arg6 : memref<16x2048xf32, #tpu.memory_space<vmem>>)
    %get3A_466 = arith.constant 480 : index
    %get3A_467 = tpu.vector_load %arg5[%get3A_466] {strides = array<i32>} : memref<512xi32, #tpu.memory_space<vmem>>, vector<16xi32>,
    %mul3A_468 = arith.constant 128 : i32
    %mul3A_469 = vector.broadcast %mul3A_468 : i32 to vector<16xi32>
    %mul3A_470 = arith.muli %iota3A, %mul3A_469 : vector<16xi32>
    %and3A = arith.constant 127 : i32
    %and3A_471 = vector.broadcast %and3A : i32 to vector<16xi32>
    %and3A_472 = arith.andi %get3A_467, %and3A_471 : vector<16xi32>
    %add3A_473 = arith.addi %mul3A_470, %and3A_472 : vector<16xi32>
    %broadcast_in_dim3A = arith.constant 0 : i32
    %broadcast_in_dim3A_474 = vector.broadcast %broadcast_in_dim3A : i32 to vector<16xi32>
    %gather3A = tpu.vector_load_idx %arg6[%broadcast_in_dim3A_474, %add3A_473] : memref<16x2048xf32, #tpu.memory_space<vmem>>[vector<16xi32>, vector<16xi32>], vector<16xf32>,
    %broadcast_in_dim3A_475 = arith.constant 1 : i32
    %broadcast_in_dim3A_476 = vector.broadcast %broadcast_in_dim3A_475 : i32 to vector<16xi32>
    %gather3A_477 = tpu.vector_load_idx %arg6[%broadcast_in_dim3A_476, %add3A_473] : memref<16x2048xf32, #tpu.memory_space<vmem>>[vector<16xi32>, vector<16xi32>], vector<16xf32>,
    %broadcast_in_dim3A_478 = arith.constant 2 : i32
    %broadcast_in_dim3A_479 = vector.broadcast %broadcast_in_dim3A_478 : i32 to vector<16xi32>
    %gather3A_480 = tpu.vector_load_idx %arg6[%broadcast_in_dim3A_479, %add3A_473] : memref<16x2048xf32, #tpu.memory_space<vmem>>[vector<16xi32>, vector<16xi32>], vector<16xf32>,
    %broadcast_in_dim3A_481 = arith.constant 3 : i32
    %broadcast_in_dim3A_482 = vector.broadcast %broadcast_in_dim3A_481 : i32 to vector<16xi32>
    %gather3A_483 = tpu.vector_load_idx %arg6[%broadcast_in_dim3A_482, %add3A_473] : memref<16x2048xf32, #tpu.memory_space<vmem>>[vector<16xi32>, vector<16xi32>], vector<16xf32>,
    %broadcast_in_dim3A_484 = arith.constant 4 : i32
    %broadcast_in_dim3A_485 = vector.broadcast %broadcast_in_dim3A_484 : i32 to vector<16xi32>
    %gather3A_486 = tpu.vector_load_idx %arg6[%broadcast_in_dim3A_485, %add3A_473] : memref<16x2048xf32, #tpu.memory_space<vmem>>[vector<16xi32>, vector<16xi32>], vector<16xf32>,
    %broadcast_in_dim3A_487 = arith.constant 5 : i32
    %broadcast_in_dim3A_488 = vector.broadcast %broadcast_in_dim3A_487 : i32 to vector<16xi32>
    %gather3A_489 = tpu.vector_load_idx %arg6[%broadcast_in_dim3A_488, %add3A_473] : memref<16x2048xf32, #tpu.memory_space<vmem>>[vector<16xi32>, vector<16xi32>], vector<16xf32>,
    %broadcast_in_dim3A_490 = arith.constant 6 : i32
    %broadcast_in_dim3A_491 = vector.broadcast %broadcast_in_dim3A_490 : i32 to vector<16xi32>
    %gather3A_492 = tpu.vector_load_idx %arg6[%broadcast_in_dim3A_491, %add3A_473] : memref<16x2048xf32, #tpu.memory_space<vmem>>[vector<16xi32>, vector<16xi32>], vector<16xf32>,
    %broadcast_in_dim3A_493 = arith.constant 7 : i32
    %broadcast_in_dim3A_494 = vector.broadcast %broadcast_in_dim3A_493 : i32 to vector<16xi32>
    %gather3A_495 = tpu.vector_load_idx %arg6[%broadcast_in_dim3A_494, %add3A_473] : memref<16x2048xf32, #tpu.memory_space<vmem>>[vector<16xi32>, vector<16xi32>], vector<16xf32>,
    %broadcast_in_dim3A_496 = arith.constant 8 : i32
    %broadcast_in_dim3A_497 = vector.broadcast %broadcast_in_dim3A_496 : i32 to vector<16xi32>
    %gather3A_498 = tpu.vector_load_idx %arg6[%broadcast_in_dim3A_497, %add3A_473] : memref<16x2048xf32, #tpu.memory_space<vmem>>[vector<16xi32>, vector<16xi32>], vector<16xf32>,
    %broadcast_in_dim3A_499 = arith.constant 9 : i32
    %broadcast_in_dim3A_500 = vector.broadcast %broadcast_in_dim3A_499 : i32 to vector<16xi32>
    %gather3A_501 = tpu.vector_load_idx %arg6[%broadcast_in_dim3A_500, %add3A_473] : memref<16x2048xf32, #tpu.memory_space<vmem>>[vector<16xi32>, vector<16xi32>], vector<16xf32>,
    %broadcast_in_dim3A_502 = arith.constant 10 : i32
    %broadcast_in_dim3A_503 = vector.broadcast %broadcast_in_dim3A_502 : i32 to vector<16xi32>
    %gather3A_504 = tpu.vector_load_idx %arg6[%broadcast_in_dim3A_503, %add3A_473] : memref<16x2048xf32, #tpu.memory_space<vmem>>[vector<16xi32>, vector<16xi32>], vector<16xf32>,
    %broadcast_in_dim3A_505 = arith.constant 11 : i32
    %broadcast_in_dim3A_506 = vector.broadcast %broadcast_in_dim3A_505 : i32 to vector<16xi32>
    %gather3A_507 = tpu.vector_load_idx %arg6[%broadcast_in_dim3A_506, %add3A_473] : memref<16x2048xf32, #tpu.memory_space<vmem>>[vector<16xi32>, vector<16xi32>], vector<16xf32>,
    %broadcast_in_dim3A_508 = arith.constant 12 : i32
    %broadcast_in_dim3A_509 = vector.broadcast %broadcast_in_dim3A_508 : i32 to vector<16xi32>
    %gather3A_510 = tpu.vector_load_idx %arg6[%broadcast_in_dim3A_509, %add3A_473] : memref<16x2048xf32, #tpu.memory_space<vmem>>[vector<16xi32>, vector<16xi32>], vector<16xf32>,
    %broadcast_in_dim3A_511 = arith.constant 13 : i32
    %broadcast_in_dim3A_512 = vector.broadcast %broadcast_in_dim3A_511 : i32 to vector<16xi32>
    %gather3A_513 = tpu.vector_load_idx %arg6[%broadcast_in_dim3A_512, %add3A_473] : memref<16x2048xf32, #tpu.memory_space<vmem>>[vector<16xi32>, vector<16xi32>], vector<16xf32>,
    %broadcast_in_dim3A_514 = arith.constant 14 : i32
    %broadcast_in_dim3A_515 = vector.broadcast %broadcast_in_dim3A_514 : i32 to vector<16xi32>
    %gather3A_516 = tpu.vector_load_idx %arg6[%broadcast_in_dim3A_515, %add3A_473] : memref<16x2048xf32, #tpu.memory_space<vmem>>[vector<16xi32>, vector<16xi32>], vector<16xf32>,
    %broadcast_in_dim3A_517 = arith.constant 15 : i32
    %broadcast_in_dim3A_518 = vector.broadcast %broadcast_in_dim3A_517 : i32 to vector<16xi32>
    %gather3A_519 = tpu.vector_load_idx %arg6[%broadcast_in_dim3A_518, %add3A_473] : memref<16x2048xf32, #tpu.memory_space<vmem>>[vector<16xi32>, vector<16xi32>], vector<16xf32>,
    %max3A = arith.maximumf %gather3A, %gather3A_477 : vector<16xf32>
    %max3A_520 = arith.maximumf %max3A, %gather3A_480 : vector<16xf32>
    %max3A_521 = arith.maximumf %max3A_520, %gather3A_483 : vector<16xf32>
    %max3A_522 = arith.maximumf %max3A_521, %gather3A_486 : vector<16xf32>
    %max3A_523 = arith.maximumf %max3A_522, %gather3A_489 : vector<16xf32>
    %max3A_524 = arith.maximumf %max3A_523, %gather3A_492 : vector<16xf32>
    %max3A_525 = arith.maximumf %max3A_524, %gather3A_495 : vector<16xf32>
    %max3A_526 = arith.maximumf %max3A_525, %gather3A_498 : vector<16xf32>
    %max3A_527 = arith.maximumf %max3A_526, %gather3A_501 : vector<16xf32>
    %max3A_528 = arith.maximumf %max3A_527, %gather3A_504 : vector<16xf32>
    %max3A_529 = arith.maximumf %max3A_528, %gather3A_507 : vector<16xf32>
    %max3A_530 = arith.maximumf %max3A_529, %gather3A_510 : vector<16xf32>
    %max3A_531 = arith.maximumf %max3A_530, %gather3A_513 : vector<16xf32>
    %max3A_532 = arith.maximumf %max3A_531, %gather3A_516 : vector<16xf32>
    %max3A_533 = arith.maximumf %max3A_532, %gather3A_519 : vector<16xf32>
    %sub3A = arith.subf %gather3A, %max3A_533 : vector<16xf32>
    %exp3A = math.exp %sub3A : vector<16xf32>
    %sub3A_534 = arith.subf %gather3A_477, %max3A_533 : vector<16xf32>
    %exp3A_535 = math.exp %sub3A_534 : vector<16xf32>
    %sub3A_536 = arith.subf %gather3A_480, %max3A_533 : vector<16xf32>
    %exp3A_537 = math.exp %sub3A_536 : vector<16xf32>
    %sub3A_538 = arith.subf %gather3A_483, %max3A_533 : vector<16xf32>
    %exp3A_539 = math.exp %sub3A_538 : vector<16xf32>
    %sub3A_540 = arith.subf %gather3A_486, %max3A_533 : vector<16xf32>
    %exp3A_541 = math.exp %sub3A_540 : vector<16xf32>
    %sub3A_542 = arith.subf %gather3A_489, %max3A_533 : vector<16xf32>
    %exp3A_543 = math.exp %sub3A_542 : vector<16xf32>
    %sub3A_544 = arith.subf %gather3A_492, %max3A_533 : vector<16xf32>
    %exp3A_545 = math.exp %sub3A_544 : vector<16xf32>
    %sub3A_546 = arith.subf %gather3A_495, %max3A_533 : vector<16xf32>
    %exp3A_547 = math.exp %sub3A_546 : vector<16xf32>
    %sub3A_548 = arith.subf %gather3A_498, %max3A_533 : vector<16xf32>
    %exp3A_549 = math.exp %sub3A_548 : vector<16xf32>
    %sub3A_550 = arith.subf %gather3A_501, %max3A_533 : vector<16xf32>
    %exp3A_551 = math.exp %sub3A_550 : vector<16xf32>
    %sub3A_552 = arith.subf %gather3A_504, %max3A_533 : vector<16xf32>
    %exp3A_553 = math.exp %sub3A_552 : vector<16xf32>
    %sub3A_554 = arith.subf %gather3A_507, %max3A_533 : vector<16xf32>
    %exp3A_555 = math.exp %sub3A_554 : vector<16xf32>
    %sub3A_556 = arith.subf %gather3A_510, %max3A_533 : vector<16xf32>
    %exp3A_557 = math.exp %sub3A_556 : vector<16xf32>
    %sub3A_558 = arith.subf %gather3A_513, %max3A_533 : vector<16xf32>
    %exp3A_559 = math.exp %sub3A_558 : vector<16xf32>
    %sub3A_560 = arith.subf %gather3A_516, %max3A_533 : vector<16xf32>
    %exp3A_561 = math.exp %sub3A_560 : vector<16xf32>
    %sub3A_562 = arith.subf %gather3A_519, %max3A_533 : vector<16xf32>
    %exp3A_563 = math.exp %sub3A_562 : vector<16xf32>
    %add3A_564 = arith.addf %exp3A, %exp3A_535 : vector<16xf32>
    %add3A_565 = arith.addf %add3A_564, %exp3A_537 : vector<16xf32>
    %add3A_566 = arith.addf %add3A_565, %exp3A_539 : vector<16xf32>
    %add3A_567 = arith.addf %add3A_566, %exp3A_541 : vector<16xf32>
    %add3A_568 = arith.addf %add3A_567, %exp3A_543 : vector<16xf32>
    %add3A_569 = arith.addf %add3A_568, %exp3A_545 : vector<16xf32>
    %add3A_570 = arith.addf %add3A_569, %exp3A_547 : vector<16xf32>
    %add3A_571 = arith.addf %add3A_570, %exp3A_549 : vector<16xf32>
    %add3A_572 = arith.addf %add3A_571, %exp3A_551 : vector<16xf32>
    %add3A_573 = arith.addf %add3A_572, %exp3A_553 : vector<16xf32>
    %add3A_574 = arith.addf %add3A_573, %exp3A_555 : vector<16xf32>
    %add3A_575 = arith.addf %add3A_574, %exp3A_557 : vector<16xf32>
    %add3A_576 = arith.addf %add3A_575, %exp3A_559 : vector<16xf32>
    %add3A_577 = arith.addf %add3A_576, %exp3A_561 : vector<16xf32>
    %add3A_578 = arith.addf %add3A_577, %exp3A_563 : vector<16xf32>
    %div3A = arith.constant 1.000000e+00 : f32
    %div3A_579 = vector.broadcast %div3A : f32 to vector<16xf32>
    %div3A_580 = arith.divf %div3A_579, %add3A_578 : vector<16xf32>
    %add3A_581 = arith.constant 480 : i32
    %add3A_582 = vector.broadcast %add3A_581 : i32 to vector<16xi32>
    %add3A_583 = arith.addi %add3A_582, %iota3A : vector<16xi32>
    %broadcast_in_dim3A_584 = arith.constant 0 : i32
    %broadcast_in_dim3A_585 = vector.broadcast %broadcast_in_dim3A_584 : i32 to vector<16xi32>
    %mul3A_586 = arith.mulf %exp3A, %div3A_580 : vector<16xf32>
    tpu.vector_store_idx %arg9[%broadcast_in_dim3A_585, %add3A_583], %mul3A_586 : memref<16x512xf32, #tpu.memory_space<vmem>>[vector<16xi32>, vector<16xi32>], vector<16xf32>,
    %broadcast_in_dim3A_587 = arith.constant 1 : i32
    %broadcast_in_dim3A_588 = vector.broadcast %broadcast_in_dim3A_587 : i32 to vector<16xi32>
    %mul3A_589 = arith.mulf %exp3A_535, %div3A_580 : vector<16xf32>
    tpu.vector_store_idx %arg9[%broadcast_in_dim3A_588, %add3A_583], %mul3A_589 : memref<16x512xf32, #tpu.memory_space<vmem>>[vector<16xi32>, vector<16xi32>], vector<16xf32>,
    %broadcast_in_dim3A_590 = arith.constant 2 : i32
    %broadcast_in_dim3A_591 = vector.broadcast %broadcast_in_dim3A_590 : i32 to vector<16xi32>
    %mul3A_592 = arith.mulf %exp3A_537, %div3A_580 : vector<16xf32>
    tpu.vector_store_idx %arg9[%broadcast_in_dim3A_591, %add3A_583], %mul3A_592 : memref<16x512xf32, #tpu.memory_space<vmem>>[vector<16xi32>, vector<16xi32>], vector<16xf32>,
    %broadcast_in_dim3A_593 = arith.constant 3 : i32
    %broadcast_in_dim3A_594 = vector.broadcast %broadcast_in_dim3A_593 : i32 to vector<16xi32>
    %mul3A_595 = arith.mulf %exp3A_539, %div3A_580 : vector<16xf32>
    tpu.vector_store_idx %arg9[%broadcast_in_dim3A_594, %add3A_583], %mul3A_595 : memref<16x512xf32, #tpu.memory_space<vmem>>[vector<16xi32>, vector<16xi32>], vector<16xf32>,
    %broadcast_in_dim3A_596 = arith.constant 4 : i32
    %broadcast_in_dim3A_597 = vector.broadcast %broadcast_in_dim3A_596 : i32 to vector<16xi32>
    %mul3A_598 = arith.mulf %exp3A_541, %div3A_580 : vector<16xf32>
    tpu.vector_store_idx %arg9[%broadcast_in_dim3A_597, %add3A_583], %mul3A_598 : memref<16x512xf32, #tpu.memory_space<vmem>>[vector<16xi32>, vector<16xi32>], vector<16xf32>,
    %broadcast_in_dim3A_599 = arith.constant 5 : i32
    %broadcast_in_dim3A_600 = vector.broadcast %broadcast_in_dim3A_599 : i32 to vector<16xi32>
    %mul3A_601 = arith.mulf %exp3A_543, %div3A_580 : vector<16xf32>
    tpu.vector_store_idx %arg9[%broadcast_in_dim3A_600, %add3A_583], %mul3A_601 : memref<16x512xf32, #tpu.memory_space<vmem>>[vector<16xi32>, vector<16xi32>], vector<16xf32>,
    %broadcast_in_dim3A_602 = arith.constant 6 : i32
    %broadcast_in_dim3A_603 = vector.broadcast %broadcast_in_dim3A_602 : i32 to vector<16xi32>
    %mul3A_604 = arith.mulf %exp3A_545, %div3A_580 : vector<16xf32>
    tpu.vector_store_idx %arg9[%broadcast_in_dim3A_603, %add3A_583], %mul3A_604 : memref<16x512xf32, #tpu.memory_space<vmem>>[vector<16xi32>, vector<16xi32>], vector<16xf32>,
    %broadcast_in_dim3A_605 = arith.constant 7 : i32
    %broadcast_in_dim3A_606 = vector.broadcast %broadcast_in_dim3A_605 : i32 to vector<16xi32>
    %mul3A_607 = arith.mulf %exp3A_547, %div3A_580 : vector<16xf32>
    tpu.vector_store_idx %arg9[%broadcast_in_dim3A_606, %add3A_583], %mul3A_607 : memref<16x512xf32, #tpu.memory_space<vmem>>[vector<16xi32>, vector<16xi32>], vector<16xf32>,
    %broadcast_in_dim3A_608 = arith.constant 8 : i32
    %broadcast_in_dim3A_609 = vector.broadcast %broadcast_in_dim3A_608 : i32 to vector<16xi32>
    %mul3A_610 = arith.mulf %exp3A_549, %div3A_580 : vector<16xf32>
    tpu.vector_store_idx %arg9[%broadcast_in_dim3A_609, %add3A_583], %mul3A_610 : memref<16x512xf32, #tpu.memory_space<vmem>>[vector<16xi32>, vector<16xi32>], vector<16xf32>,
    %broadcast_in_dim3A_611 = arith.constant 9 : i32
    %broadcast_in_dim3A_612 = vector.broadcast %broadcast_in_dim3A_611 : i32 to vector<16xi32>
    %mul3A_613 = arith.mulf %exp3A_551, %div3A_580 : vector<16xf32>
    tpu.vector_store_idx %arg9[%broadcast_in_dim3A_612, %add3A_583], %mul3A_613 : memref<16x512xf32, #tpu.memory_space<vmem>>[vector<16xi32>, vector<16xi32>], vector<16xf32>,
    %broadcast_in_dim3A_614 = arith.constant 10 : i32
    %broadcast_in_dim3A_615 = vector.broadcast %broadcast_in_dim3A_614 : i32 to vector<16xi32>
    %mul3A_616 = arith.mulf %exp3A_553, %div3A_580 : vector<16xf32>
    tpu.vector_store_idx %arg9[%broadcast_in_dim3A_615, %add3A_583], %mul3A_616 : memref<16x512xf32, #tpu.memory_space<vmem>>[vector<16xi32>, vector<16xi32>], vector<16xf32>,
    %broadcast_in_dim3A_617 = arith.constant 11 : i32
    %broadcast_in_dim3A_618 = vector.broadcast %broadcast_in_dim3A_617 : i32 to vector<16xi32>
    %mul3A_619 = arith.mulf %exp3A_555, %div3A_580 : vector<16xf32>
    tpu.vector_store_idx %arg9[%broadcast_in_dim3A_618, %add3A_583], %mul3A_619 : memref<16x512xf32, #tpu.memory_space<vmem>>[vector<16xi32>, vector<16xi32>], vector<16xf32>,
    %broadcast_in_dim3A_620 = arith.constant 12 : i32
    %broadcast_in_dim3A_621 = vector.broadcast %broadcast_in_dim3A_620 : i32 to vector<16xi32>
    %mul3A_622 = arith.mulf %exp3A_557, %div3A_580 : vector<16xf32>
    tpu.vector_store_idx %arg9[%broadcast_in_dim3A_621, %add3A_583], %mul3A_622 : memref<16x512xf32, #tpu.memory_space<vmem>>[vector<16xi32>, vector<16xi32>], vector<16xf32>,
    %broadcast_in_dim3A_623 = arith.constant 13 : i32
    %broadcast_in_dim3A_624 = vector.broadcast %broadcast_in_dim3A_623 : i32 to vector<16xi32>
    %mul3A_625 = arith.mulf %exp3A_559, %div3A_580 : vector<16xf32>
    tpu.vector_store_idx %arg9[%broadcast_in_dim3A_624, %add3A_583], %mul3A_625 : memref<16x512xf32, #tpu.memory_space<vmem>>[vector<16xi32>, vector<16xi32>], vector<16xf32>,
    %broadcast_in_dim3A_626 = arith.constant 14 : i32
    %broadcast_in_dim3A_627 = vector.broadcast %broadcast_in_dim3A_626 : i32 to vector<16xi32>
    %mul3A_628 = arith.mulf %exp3A_561, %div3A_580 : vector<16xf32>
    tpu.vector_store_idx %arg9[%broadcast_in_dim3A_627, %add3A_583], %mul3A_628 : memref<16x512xf32, #tpu.memory_space<vmem>>[vector<16xi32>, vector<16xi32>], vector<16xf32>,
    %broadcast_in_dim3A_629 = arith.constant 15 : i32
    %broadcast_in_dim3A_630 = vector.broadcast %broadcast_in_dim3A_629 : i32 to vector<16xi32>
    %mul3A_631 = arith.mulf %exp3A_563, %div3A_580 : vector<16xf32>
    tpu.vector_store_idx %arg9[%broadcast_in_dim3A_630, %add3A_583], %mul3A_631 : memref<16x512xf32, #tpu.memory_space<vmem>>[vector<16xi32>, vector<16xi32>], vector<16xf32>,
    %dma_wait3A_632 = arith.constant 0 : i32
    %dma_wait3A_633 = arith.constant 0 : i32
    %dma_wait3A_634 = tpu.memref_slice %arg3[%dma_wait3A_632, %dma_wait3A_633] : memref<16x1000000xf32, #tpu.memory_space<hbm>> -> memref<16x2048xf32, #tpu.memory_space<hbm>>
    %dma_wait3A_635 = arith.constant 0 : i32
    %dma_wait3A_636 = arith.constant 0 : i32
    %dma_wait3A_637 = tpu.memref_slice %arg3[%dma_wait3A_635, %dma_wait3A_636] : memref<16x1000000xf32, #tpu.memory_space<hbm>> -> memref<16x2048xf32, #tpu.memory_space<hbm>>
    tpu.wait_dma2 semaphore(%arg11 : memref<!tpu.dma_semaphore, #tpu.memory_space<semaphore_mem>>) src(%dma_wait3A_637 : memref<16x2048xf32, #tpu.memory_space<hbm>>) dst(%arg7 : memref<16x2048xf32, #tpu.memory_space<vmem>>)
    %get3A_638 = arith.constant 496 : index
    %get3A_639 = tpu.vector_load %arg5[%get3A_638] {strides = array<i32>} : memref<512xi32, #tpu.memory_space<vmem>>, vector<16xi32>,
    %mul3A_640 = arith.constant 128 : i32
    %mul3A_641 = vector.broadcast %mul3A_640 : i32 to vector<16xi32>
    %mul3A_642 = arith.muli %iota3A, %mul3A_641 : vector<16xi32>
    %and3A_643 = arith.constant 127 : i32
    %and3A_644 = vector.broadcast %and3A_643 : i32 to vector<16xi32>
    %and3A_645 = arith.andi %get3A_639, %and3A_644 : vector<16xi32>
    %add3A_646 = arith.addi %mul3A_642, %and3A_645 : vector<16xi32>
    %broadcast_in_dim3A_647 = arith.constant 0 : i32
    %broadcast_in_dim3A_648 = vector.broadcast %broadcast_in_dim3A_647 : i32 to vector<16xi32>
    %gather3A_649 = tpu.vector_load_idx %arg7[%broadcast_in_dim3A_648, %add3A_646] : memref<16x2048xf32, #tpu.memory_space<vmem>>[vector<16xi32>, vector<16xi32>], vector<16xf32>,
    %broadcast_in_dim3A_650 = arith.constant 1 : i32
    %broadcast_in_dim3A_651 = vector.broadcast %broadcast_in_dim3A_650 : i32 to vector<16xi32>
    %gather3A_652 = tpu.vector_load_idx %arg7[%broadcast_in_dim3A_651, %add3A_646] : memref<16x2048xf32, #tpu.memory_space<vmem>>[vector<16xi32>, vector<16xi32>], vector<16xf32>,
    %broadcast_in_dim3A_653 = arith.constant 2 : i32
    %broadcast_in_dim3A_654 = vector.broadcast %broadcast_in_dim3A_653 : i32 to vector<16xi32>
    %gather3A_655 = tpu.vector_load_idx %arg7[%broadcast_in_dim3A_654, %add3A_646] : memref<16x2048xf32, #tpu.memory_space<vmem>>[vector<16xi32>, vector<16xi32>], vector<16xf32>,
    %broadcast_in_dim3A_656 = arith.constant 3 : i32
    %broadcast_in_dim3A_657 = vector.broadcast %broadcast_in_dim3A_656 : i32 to vector<16xi32>
    %gather3A_658 = tpu.vector_load_idx %arg7[%broadcast_in_dim3A_657, %add3A_646] : memref<16x2048xf32, #tpu.memory_space<vmem>>[vector<16xi32>, vector<16xi32>], vector<16xf32>,
    %broadcast_in_dim3A_659 = arith.constant 4 : i32
    %broadcast_in_dim3A_660 = vector.broadcast %broadcast_in_dim3A_659 : i32 to vector<16xi32>
    %gather3A_661 = tpu.vector_load_idx %arg7[%broadcast_in_dim3A_660, %add3A_646] : memref<16x2048xf32, #tpu.memory_space<vmem>>[vector<16xi32>, vector<16xi32>], vector<16xf32>,
    %broadcast_in_dim3A_662 = arith.constant 5 : i32
    %broadcast_in_dim3A_663 = vector.broadcast %broadcast_in_dim3A_662 : i32 to vector<16xi32>
    %gather3A_664 = tpu.vector_load_idx %arg7[%broadcast_in_dim3A_663, %add3A_646] : memref<16x2048xf32, #tpu.memory_space<vmem>>[vector<16xi32>, vector<16xi32>], vector<16xf32>,
    %broadcast_in_dim3A_665 = arith.constant 6 : i32
    %broadcast_in_dim3A_666 = vector.broadcast %broadcast_in_dim3A_665 : i32 to vector<16xi32>
    %gather3A_667 = tpu.vector_load_idx %arg7[%broadcast_in_dim3A_666, %add3A_646] : memref<16x2048xf32, #tpu.memory_space<vmem>>[vector<16xi32>, vector<16xi32>], vector<16xf32>,
    %broadcast_in_dim3A_668 = arith.constant 7 : i32
    %broadcast_in_dim3A_669 = vector.broadcast %broadcast_in_dim3A_668 : i32 to vector<16xi32>
    %gather3A_670 = tpu.vector_load_idx %arg7[%broadcast_in_dim3A_669, %add3A_646] : memref<16x2048xf32, #tpu.memory_space<vmem>>[vector<16xi32>, vector<16xi32>], vector<16xf32>,
    %broadcast_in_dim3A_671 = arith.constant 8 : i32
    %broadcast_in_dim3A_672 = vector.broadcast %broadcast_in_dim3A_671 : i32 to vector<16xi32>
    %gather3A_673 = tpu.vector_load_idx %arg7[%broadcast_in_dim3A_672, %add3A_646] : memref<16x2048xf32, #tpu.memory_space<vmem>>[vector<16xi32>, vector<16xi32>], vector<16xf32>,
    %broadcast_in_dim3A_674 = arith.constant 9 : i32
    %broadcast_in_dim3A_675 = vector.broadcast %broadcast_in_dim3A_674 : i32 to vector<16xi32>
    %gather3A_676 = tpu.vector_load_idx %arg7[%broadcast_in_dim3A_675, %add3A_646] : memref<16x2048xf32, #tpu.memory_space<vmem>>[vector<16xi32>, vector<16xi32>], vector<16xf32>,
    %broadcast_in_dim3A_677 = arith.constant 10 : i32
    %broadcast_in_dim3A_678 = vector.broadcast %broadcast_in_dim3A_677 : i32 to vector<16xi32>
    %gather3A_679 = tpu.vector_load_idx %arg7[%broadcast_in_dim3A_678, %add3A_646] : memref<16x2048xf32, #tpu.memory_space<vmem>>[vector<16xi32>, vector<16xi32>], vector<16xf32>,
    %broadcast_in_dim3A_680 = arith.constant 11 : i32
    %broadcast_in_dim3A_681 = vector.broadcast %broadcast_in_dim3A_680 : i32 to vector<16xi32>
    %gather3A_682 = tpu.vector_load_idx %arg7[%broadcast_in_dim3A_681, %add3A_646] : memref<16x2048xf32, #tpu.memory_space<vmem>>[vector<16xi32>, vector<16xi32>], vector<16xf32>,
    %broadcast_in_dim3A_683 = arith.constant 12 : i32
    %broadcast_in_dim3A_684 = vector.broadcast %broadcast_in_dim3A_683 : i32 to vector<16xi32>
    %gather3A_685 = tpu.vector_load_idx %arg7[%broadcast_in_dim3A_684, %add3A_646] : memref<16x2048xf32, #tpu.memory_space<vmem>>[vector<16xi32>, vector<16xi32>], vector<16xf32>,
    %broadcast_in_dim3A_686 = arith.constant 13 : i32
    %broadcast_in_dim3A_687 = vector.broadcast %broadcast_in_dim3A_686 : i32 to vector<16xi32>
    %gather3A_688 = tpu.vector_load_idx %arg7[%broadcast_in_dim3A_687, %add3A_646] : memref<16x2048xf32, #tpu.memory_space<vmem>>[vector<16xi32>, vector<16xi32>], vector<16xf32>,
    %broadcast_in_dim3A_689 = arith.constant 14 : i32
    %broadcast_in_dim3A_690 = vector.broadcast %broadcast_in_dim3A_689 : i32 to vector<16xi32>
    %gather3A_691 = tpu.vector_load_idx %arg7[%broadcast_in_dim3A_690, %add3A_646] : memref<16x2048xf32, #tpu.memory_space<vmem>>[vector<16xi32>, vector<16xi32>], vector<16xf32>,
    %broadcast_in_dim3A_692 = arith.constant 15 : i32
    %broadcast_in_dim3A_693 = vector.broadcast %broadcast_in_dim3A_692 : i32 to vector<16xi32>
    %gather3A_694 = tpu.vector_load_idx %arg7[%broadcast_in_dim3A_693, %add3A_646] : memref<16x2048xf32, #tpu.memory_space<vmem>>[vector<16xi32>, vector<16xi32>], vector<16xf32>,
    %max3A_695 = arith.maximumf %gather3A_649, %gather3A_652 : vector<16xf32>
    %max3A_696 = arith.maximumf %max3A_695, %gather3A_655 : vector<16xf32>
    %max3A_697 = arith.maximumf %max3A_696, %gather3A_658 : vector<16xf32>
    %max3A_698 = arith.maximumf %max3A_697, %gather3A_661 : vector<16xf32>
    %max3A_699 = arith.maximumf %max3A_698, %gather3A_664 : vector<16xf32>
    %max3A_700 = arith.maximumf %max3A_699, %gather3A_667 : vector<16xf32>
    %max3A_701 = arith.maximumf %max3A_700, %gather3A_670 : vector<16xf32>
    %max3A_702 = arith.maximumf %max3A_701, %gather3A_673 : vector<16xf32>
    %max3A_703 = arith.maximumf %max3A_702, %gather3A_676 : vector<16xf32>
    %max3A_704 = arith.maximumf %max3A_703, %gather3A_679 : vector<16xf32>
    %max3A_705 = arith.maximumf %max3A_704, %gather3A_682 : vector<16xf32>
    %max3A_706 = arith.maximumf %max3A_705, %gather3A_685 : vector<16xf32>
    %max3A_707 = arith.maximumf %max3A_706, %gather3A_688 : vector<16xf32>
    %max3A_708 = arith.maximumf %max3A_707, %gather3A_691 : vector<16xf32>
    %max3A_709 = arith.maximumf %max3A_708, %gather3A_694 : vector<16xf32>
    %sub3A_710 = arith.subf %gather3A_649, %max3A_709 : vector<16xf32>
    %exp3A_711 = math.exp %sub3A_710 : vector<16xf32>
    %sub3A_712 = arith.subf %gather3A_652, %max3A_709 : vector<16xf32>
    %exp3A_713 = math.exp %sub3A_712 : vector<16xf32>
    %sub3A_714 = arith.subf %gather3A_655, %max3A_709 : vector<16xf32>
    %exp3A_715 = math.exp %sub3A_714 : vector<16xf32>
    %sub3A_716 = arith.subf %gather3A_658, %max3A_709 : vector<16xf32>
    %exp3A_717 = math.exp %sub3A_716 : vector<16xf32>
    %sub3A_718 = arith.subf %gather3A_661, %max3A_709 : vector<16xf32>
    %exp3A_719 = math.exp %sub3A_718 : vector<16xf32>
    %sub3A_720 = arith.subf %gather3A_664, %max3A_709 : vector<16xf32>
    %exp3A_721 = math.exp %sub3A_720 : vector<16xf32>
    %sub3A_722 = arith.subf %gather3A_667, %max3A_709 : vector<16xf32>
    %exp3A_723 = math.exp %sub3A_722 : vector<16xf32>
    %sub3A_724 = arith.subf %gather3A_670, %max3A_709 : vector<16xf32>
    %exp3A_725 = math.exp %sub3A_724 : vector<16xf32>
    %sub3A_726 = arith.subf %gather3A_673, %max3A_709 : vector<16xf32>
    %exp3A_727 = math.exp %sub3A_726 : vector<16xf32>
    %sub3A_728 = arith.subf %gather3A_676, %max3A_709 : vector<16xf32>
    %exp3A_729 = math.exp %sub3A_728 : vector<16xf32>
    %sub3A_730 = arith.subf %gather3A_679, %max3A_709 : vector<16xf32>
    %exp3A_731 = math.exp %sub3A_730 : vector<16xf32>
    %sub3A_732 = arith.subf %gather3A_682, %max3A_709 : vector<16xf32>
    %exp3A_733 = math.exp %sub3A_732 : vector<16xf32>
    %sub3A_734 = arith.subf %gather3A_685, %max3A_709 : vector<16xf32>
    %exp3A_735 = math.exp %sub3A_734 : vector<16xf32>
    %sub3A_736 = arith.subf %gather3A_688, %max3A_709 : vector<16xf32>
    %exp3A_737 = math.exp %sub3A_736 : vector<16xf32>
    %sub3A_738 = arith.subf %gather3A_691, %max3A_709 : vector<16xf32>
    %exp3A_739 = math.exp %sub3A_738 : vector<16xf32>
    %sub3A_740 = arith.subf %gather3A_694, %max3A_709 : vector<16xf32>
    %exp3A_741 = math.exp %sub3A_740 : vector<16xf32>
    %add3A_742 = arith.addf %exp3A_711, %exp3A_713 : vector<16xf32>
    %add3A_743 = arith.addf %add3A_742, %exp3A_715 : vector<16xf32>
    %add3A_744 = arith.addf %add3A_743, %exp3A_717 : vector<16xf32>
    %add3A_745 = arith.addf %add3A_744, %exp3A_719 : vector<16xf32>
    %add3A_746 = arith.addf %add3A_745, %exp3A_721 : vector<16xf32>
    %add3A_747 = arith.addf %add3A_746, %exp3A_723 : vector<16xf32>
    %add3A_748 = arith.addf %add3A_747, %exp3A_725 : vector<16xf32>
    %add3A_749 = arith.addf %add3A_748, %exp3A_727 : vector<16xf32>
    %add3A_750 = arith.addf %add3A_749, %exp3A_729 : vector<16xf32>
    %add3A_751 = arith.addf %add3A_750, %exp3A_731 : vector<16xf32>
    %add3A_752 = arith.addf %add3A_751, %exp3A_733 : vector<16xf32>
    %add3A_753 = arith.addf %add3A_752, %exp3A_735 : vector<16xf32>
    %add3A_754 = arith.addf %add3A_753, %exp3A_737 : vector<16xf32>
    %add3A_755 = arith.addf %add3A_754, %exp3A_739 : vector<16xf32>
    %add3A_756 = arith.addf %add3A_755, %exp3A_741 : vector<16xf32>
    %div3A_757 = arith.constant 1.000000e+00 : f32
    %div3A_758 = vector.broadcast %div3A_757 : f32 to vector<16xf32>
    %div3A_759 = arith.divf %div3A_758, %add3A_756 : vector<16xf32>
    %add3A_760 = arith.constant 496 : i32
    %add3A_761 = vector.broadcast %add3A_760 : i32 to vector<16xi32>
    %add3A_762 = arith.addi %add3A_761, %iota3A : vector<16xi32>
    %broadcast_in_dim3A_763 = arith.constant 0 : i32
    %broadcast_in_dim3A_764 = vector.broadcast %broadcast_in_dim3A_763 : i32 to vector<16xi32>
    %mul3A_765 = arith.mulf %exp3A_711, %div3A_759 : vector<16xf32>
    tpu.vector_store_idx %arg9[%broadcast_in_dim3A_764, %add3A_762], %mul3A_765 : memref<16x512xf32, #tpu.memory_space<vmem>>[vector<16xi32>, vector<16xi32>], vector<16xf32>,
    %broadcast_in_dim3A_766 = arith.constant 1 : i32
    %broadcast_in_dim3A_767 = vector.broadcast %broadcast_in_dim3A_766 : i32 to vector<16xi32>
    %mul3A_768 = arith.mulf %exp3A_713, %div3A_759 : vector<16xf32>
    tpu.vector_store_idx %arg9[%broadcast_in_dim3A_767, %add3A_762], %mul3A_768 : memref<16x512xf32, #tpu.memory_space<vmem>>[vector<16xi32>, vector<16xi32>], vector<16xf32>,
    %broadcast_in_dim3A_769 = arith.constant 2 : i32
    %broadcast_in_dim3A_770 = vector.broadcast %broadcast_in_dim3A_769 : i32 to vector<16xi32>
    %mul3A_771 = arith.mulf %exp3A_715, %div3A_759 : vector<16xf32>
    tpu.vector_store_idx %arg9[%broadcast_in_dim3A_770, %add3A_762], %mul3A_771 : memref<16x512xf32, #tpu.memory_space<vmem>>[vector<16xi32>, vector<16xi32>], vector<16xf32>,
    %broadcast_in_dim3A_772 = arith.constant 3 : i32
    %broadcast_in_dim3A_773 = vector.broadcast %broadcast_in_dim3A_772 : i32 to vector<16xi32>
    %mul3A_774 = arith.mulf %exp3A_717, %div3A_759 : vector<16xf32>
    tpu.vector_store_idx %arg9[%broadcast_in_dim3A_773, %add3A_762], %mul3A_774 : memref<16x512xf32, #tpu.memory_space<vmem>>[vector<16xi32>, vector<16xi32>], vector<16xf32>,
    %broadcast_in_dim3A_775 = arith.constant 4 : i32
    %broadcast_in_dim3A_776 = vector.broadcast %broadcast_in_dim3A_775 : i32 to vector<16xi32>
    %mul3A_777 = arith.mulf %exp3A_719, %div3A_759 : vector<16xf32>
    tpu.vector_store_idx %arg9[%broadcast_in_dim3A_776, %add3A_762], %mul3A_777 : memref<16x512xf32, #tpu.memory_space<vmem>>[vector<16xi32>, vector<16xi32>], vector<16xf32>,
    %broadcast_in_dim3A_778 = arith.constant 5 : i32
    %broadcast_in_dim3A_779 = vector.broadcast %broadcast_in_dim3A_778 : i32 to vector<16xi32>
    %mul3A_780 = arith.mulf %exp3A_721, %div3A_759 : vector<16xf32>
    tpu.vector_store_idx %arg9[%broadcast_in_dim3A_779, %add3A_762], %mul3A_780 : memref<16x512xf32, #tpu.memory_space<vmem>>[vector<16xi32>, vector<16xi32>], vector<16xf32>,
    %broadcast_in_dim3A_781 = arith.constant 6 : i32
    %broadcast_in_dim3A_782 = vector.broadcast %broadcast_in_dim3A_781 : i32 to vector<16xi32>
    %mul3A_783 = arith.mulf %exp3A_723, %div3A_759 : vector<16xf32>
    tpu.vector_store_idx %arg9[%broadcast_in_dim3A_782, %add3A_762], %mul3A_783 : memref<16x512xf32, #tpu.memory_space<vmem>>[vector<16xi32>, vector<16xi32>], vector<16xf32>,
    %broadcast_in_dim3A_784 = arith.constant 7 : i32
    %broadcast_in_dim3A_785 = vector.broadcast %broadcast_in_dim3A_784 : i32 to vector<16xi32>
    %mul3A_786 = arith.mulf %exp3A_725, %div3A_759 : vector<16xf32>
    tpu.vector_store_idx %arg9[%broadcast_in_dim3A_785, %add3A_762], %mul3A_786 : memref<16x512xf32, #tpu.memory_space<vmem>>[vector<16xi32>, vector<16xi32>], vector<16xf32>,
    %broadcast_in_dim3A_787 = arith.constant 8 : i32
    %broadcast_in_dim3A_788 = vector.broadcast %broadcast_in_dim3A_787 : i32 to vector<16xi32>
    %mul3A_789 = arith.mulf %exp3A_727, %div3A_759 : vector<16xf32>
    tpu.vector_store_idx %arg9[%broadcast_in_dim3A_788, %add3A_762], %mul3A_789 : memref<16x512xf32, #tpu.memory_space<vmem>>[vector<16xi32>, vector<16xi32>], vector<16xf32>,
    %broadcast_in_dim3A_790 = arith.constant 9 : i32
    %broadcast_in_dim3A_791 = vector.broadcast %broadcast_in_dim3A_790 : i32 to vector<16xi32>
    %mul3A_792 = arith.mulf %exp3A_729, %div3A_759 : vector<16xf32>
    tpu.vector_store_idx %arg9[%broadcast_in_dim3A_791, %add3A_762], %mul3A_792 : memref<16x512xf32, #tpu.memory_space<vmem>>[vector<16xi32>, vector<16xi32>], vector<16xf32>,
    %broadcast_in_dim3A_793 = arith.constant 10 : i32
    %broadcast_in_dim3A_794 = vector.broadcast %broadcast_in_dim3A_793 : i32 to vector<16xi32>
    %mul3A_795 = arith.mulf %exp3A_731, %div3A_759 : vector<16xf32>
    tpu.vector_store_idx %arg9[%broadcast_in_dim3A_794, %add3A_762], %mul3A_795 : memref<16x512xf32, #tpu.memory_space<vmem>>[vector<16xi32>, vector<16xi32>], vector<16xf32>,
    %broadcast_in_dim3A_796 = arith.constant 11 : i32
    %broadcast_in_dim3A_797 = vector.broadcast %broadcast_in_dim3A_796 : i32 to vector<16xi32>
    %mul3A_798 = arith.mulf %exp3A_733, %div3A_759 : vector<16xf32>
    tpu.vector_store_idx %arg9[%broadcast_in_dim3A_797, %add3A_762], %mul3A_798 : memref<16x512xf32, #tpu.memory_space<vmem>>[vector<16xi32>, vector<16xi32>], vector<16xf32>,
    %broadcast_in_dim3A_799 = arith.constant 12 : i32
    %broadcast_in_dim3A_800 = vector.broadcast %broadcast_in_dim3A_799 : i32 to vector<16xi32>
    %mul3A_801 = arith.mulf %exp3A_735, %div3A_759 : vector<16xf32>
    tpu.vector_store_idx %arg9[%broadcast_in_dim3A_800, %add3A_762], %mul3A_801 : memref<16x512xf32, #tpu.memory_space<vmem>>[vector<16xi32>, vector<16xi32>], vector<16xf32>,
    %broadcast_in_dim3A_802 = arith.constant 13 : i32
    %broadcast_in_dim3A_803 = vector.broadcast %broadcast_in_dim3A_802 : i32 to vector<16xi32>
    %mul3A_804 = arith.mulf %exp3A_737, %div3A_759 : vector<16xf32>
    tpu.vector_store_idx %arg9[%broadcast_in_dim3A_803, %add3A_762], %mul3A_804 : memref<16x512xf32, #tpu.memory_space<vmem>>[vector<16xi32>, vector<16xi32>], vector<16xf32>,
    %broadcast_in_dim3A_805 = arith.constant 14 : i32
    %broadcast_in_dim3A_806 = vector.broadcast %broadcast_in_dim3A_805 : i32 to vector<16xi32>
    %mul3A_807 = arith.mulf %exp3A_739, %div3A_759 : vector<16xf32>
    tpu.vector_store_idx %arg9[%broadcast_in_dim3A_806, %add3A_762], %mul3A_807 : memref<16x512xf32, #tpu.memory_space<vmem>>[vector<16xi32>, vector<16xi32>], vector<16xf32>,
    %broadcast_in_dim3A_808 = arith.constant 15 : i32
    %broadcast_in_dim3A_809 = vector.broadcast %broadcast_in_dim3A_808 : i32 to vector<16xi32>
    %mul3A_810 = arith.mulf %exp3A_741, %div3A_759 : vector<16xf32>
    tpu.vector_store_idx %arg9[%broadcast_in_dim3A_809, %add3A_762], %mul3A_810 : memref<16x512xf32, #tpu.memory_space<vmem>>[vector<16xi32>, vector<16xi32>], vector<16xf32>,
    "tpu.region"() ({
      %run_scoped3A = tpu.sem_alloc : memref<!tpu.dma_semaphore, #tpu.memory_space<semaphore_mem>>
      %dma_start3A_811 = arith.constant 0 : i32
      %dma_start3A_812 = tpu.memref_slice %arg4[%dma_start3A_811, %mul3A_2] : memref<16x16384xf32, #tpu.memory_space<hbm>> -> memref<16x512xf32, #tpu.memory_space<hbm>>
      %dma_start3A_813 = arith.constant 0 : i32
      %dma_start3A_814 = tpu.memref_slice %arg4[%dma_start3A_813, %mul3A_2] : memref<16x16384xf32, #tpu.memory_space<hbm>> -> memref<16x512xf32, #tpu.memory_space<hbm>>
      tpu.enqueue_dma source(%arg9 : memref<16x512xf32, #tpu.memory_space<vmem>>) target(%dma_start3A_814 : memref<16x512xf32, #tpu.memory_space<hbm>>) target_semaphore(%run_scoped3A : memref<!tpu.dma_semaphore, #tpu.memory_space<semaphore_mem>>)
      %dma_wait3A_815 = arith.constant 0 : i32
      %dma_wait3A_816 = tpu.memref_slice %arg4[%dma_wait3A_815, %mul3A_2] : memref<16x16384xf32, #tpu.memory_space<hbm>> -> memref<16x512xf32, #tpu.memory_space<hbm>>
      %dma_wait3A_817 = arith.constant 0 : i32
      %dma_wait3A_818 = tpu.memref_slice %arg4[%dma_wait3A_817, %mul3A_2] : memref<16x16384xf32, #tpu.memory_space<hbm>> -> memref<16x512xf32, #tpu.memory_space<hbm>>
      tpu.wait_dma2 semaphore(%run_scoped3A : memref<!tpu.dma_semaphore, #tpu.memory_space<semaphore_mem>>) src(%arg9 : memref<16x512xf32, #tpu.memory_space<vmem>>) dst(%dma_wait3A_818 : memref<16x512xf32, #tpu.memory_space<hbm>>)
      tpu.yield
    }) : () -> ()
    return
  }
}

</mosaic_0001>

<sc_bundles>
// kernel: _run.3.cloned.1.call-start
scs
__scs_entry_jumppad:
0x0: {  	(pc) =	sbr.rel $0x88, $3  }
0x1: {  	(tag) =	ssettag $0x0;
	lr =	simm.s32 $0x1  }
0x2: {  	[smem:$0x3F9F] =	sst lr;
	_ =	strace $0xD0000000  }
0x3: {  	_ = 	snop  }
0x4: {  	_ = 	snop  }
0x5: {  	_ = 	snop  }
0x6: {  	_ = 	snop  }
0x7: {  	_ = 	snop  }
__scs_overlays_trampoline_lowered:
0x8: {  	[smem:$0x3FAE] =	sst s0  }
0x9: {  	[smem:$0x3FAF] =	sst s1  }
0xa: {  	[smem:$0x3FB0] =	sst s2  }
0xb: {  	[smem:$0x3FB1] =	sst s3  }
0xc: {  	[smem:$0x3FB2] =	sst s4  }
0xd: {  	[smem:$0x3FB3] =	sst s5  }
0xe: {  	[smem:$0x3FB4] =	sst s6  }
0xf: {  	[smem:$0x3FB5] =	sst s7  }
0x10: {  	[smem:$0x3FB6] =	sst s8  }
0x11: {  	[smem:$0x3FB7] =	sst s9;
	s0 =	simm.s32 @!p0 $0x0  }
0x12: {  	s1 =	sld [smem:$0x3F9D];
	s0 =	simm.s32 @p0 $0x1  }
0x13: {  	[smem:$0x3FB8] =	sst s0;
	s0 =	simm.s32 @!p1 $0x0  }
0x14: {  	s2 =	sld [smem:$0x3F9C];
	s0 =	simm.s32 @p1 $0x1  }
0x15: {  	[smem:$0x3FB9] =	sst s0;
	s0 =	simm.s32 @!p2 $0x0  }
0x16: {  	s3 =	sld [smem:$0x3FDB];
	s0 =	simm.s32 @p2 $0x1  }
0x17: {  	s4 =	simm.s32 $0x1BF5;
	[smem:$0x3FBB] =	sst s0  }
0x18: {  	s0 =	sld [smem:$0x3F9E];
	_ =	swait.ge [sflag:s4], $0x0  }
0x19: {  	s7 =	sld [smem:$0x3F9F]  }
0x1a: {  	s8 =	sadd.s32 $0xFFFFE003, lr  }
0x1b: {  	s9 =	sadd.s32 $0xFFFFFEF7, lr;
	s5 =	simm.s32 $0xFFFFFFFF;
	p2 =	slt.u32 s8, $0xFFFFF086  }
0x1c: {  	p1 =	slt.u32 s9, $0xF7A;
	s5 =	simm.s32 @!p2 $0x0  }
0x1d: {  	s5 =	simm.s32 @p1 $0x1;
	p0 =	seq.s32 s7, s2  }
0x1e: {  	s7 =	smul.u32 @!p0 $0xF7A, s2;
	p2 =	seq.s32 @!p0 s5, $0x0  }
0x1f: {  	s9 =	smul.u32 $0xF7A, s1;
	s8 =	simm.s32 @!p0 $0x1BF5;
	p2 =	por !p2, p0  }
0x20: {  	[sflag:s8] =	ssyncset.s32 @!p0 $0xFFFFF086;
	s6 =	sadd.s32 @!p0 s3, s7;
	s7 =	simm.s32 @!p0 $0x108  }
0x21: {  	s3 =	sadd.s32 s3, s9;
	s6 =	sadd.s32 @!p0 $0x88, s6;
	s7 =	simm.s32 @p2 $0x1082  }
0x22: {  	[simem:s7], [sflag:s8] =	dma.local @!p0 [hbm:s6], $0xF7A  }
0x23: {  	s9 =	sor.u32 $0xD0000000, s2;
	s6 =	simm.s32 $0x108;
	_ =	swait.ge @!p0 [sflag:s8], $0x0  }
0x24: {  	s3 =	sadd.s32 $0x88, s3;
	s6 =	simm.s32 @!p1 $0x1082;
	[sflag:s4] =	ssyncset.s32 $0xFFFFF086  }
0x25: {  	[simem:s6], [sflag:s4] =	dma.local [hbm:s3], $0xF7A  }
0x26: {  	[smem:$0x3F9F] =	sst s1;
	(tag) =	ssettag s2;
	_ =	strace s9  }
0x27: {  	s1 =	sld [smem:$0x3FAF]  }
0x28: {  	s2 =	sld [smem:$0x3FB0]  }
0x29: {  	s4 =	sld [smem:$0x3FB2]  }
0x2a: {  	p0 =	seq.s32 s5, $0x0;
	s5 =	sld [smem:$0x3FB3]  }
0x2b: {  	s6 =	sld [smem:$0x3FB4]  }
0x2c: {  	s7 =	sld [smem:$0x3FB5]  }
0x2d: {  	s3 =	simm.s32 $0x108;
	s8 =	sld [smem:$0x3FB6]  }
0x2e: {  	s3 =	simm.s32 @!p0 $0x1082;
	s9 =	sld [smem:$0x3FB7]  }
0x2f: {  	lr =	sadd.s32 s0, s3;
	s0 =	sld [smem:$0x3FAE]  }
0x30: {  	s3 =	sld [smem:$0x3FB1]  }
0x31: {  	[smem:$0x3FBA] =	sst s10  }
0x32: {  	s10 =	sld [smem:$0x3FB8];
	_ =	sdelay $0x3  }
0x33: {  	p0 =	seq.s32 s10, $0x1;
	s10 =	sld [smem:$0x3FBA];
	_ =	sdelay $0x3  }
0x34: {  	[smem:$0x3FBA] =	sst s10  }
0x35: {  	s10 =	sld [smem:$0x3FB9];
	_ =	sdelay $0x3  }
0x36: {  	p1 =	seq.s32 s10, $0x1;
	s10 =	sld [smem:$0x3FBA];
	_ =	sdelay $0x3  }
0x37: {  	[smem:$0x3FBA] =	sst s10  }
0x38: {  	s10 =	sld [smem:$0x3FBB]  }
0x39: {  	_ = 	snop;
	(pc) =	sbr.ind lr, $3  }
0x3a: {  	_ = 	snop  }
0x3b: {  	_ = 	snop  }
0x3c: {  	p2 =	seq.s32 s10, $0x1;
	s10 =	sld [smem:$0x3FBA]  }
0x3d: {  	_ =	shalt  }
0x3e: {  	_ =	shalt  }
0x3f: {  	_ =	shalt  }
0x40: {  	_ =	shalt  }
0x41: {  	_ =	shalt  }
0x42: {  	_ =	shalt  }
0x43: {  	_ =	shalt  }
0x44: {  	_ =	shalt  }
0x45: {  	_ =	shalt  }
0x46: {  	_ =	shalt  }
0x47: {  	_ =	shalt  }
0x48: {  	_ =	shalt  }
0x49: {  	_ =	shalt  }
0x4a: {  	_ =	shalt  }
0x4b: {  	_ =	shalt  }
0x4c: {  	_ =	shalt  }
0x4d: {  	_ =	shalt  }
0x4e: {  	_ =	shalt  }
0x4f: {  	_ =	shalt  }
0x50: {  	_ =	shalt  }
0x51: {  	_ =	shalt  }
0x52: {  	_ =	shalt  }
0x53: {  	_ =	shalt  }
0x54: {  	_ =	shalt  }
0x55: {  	_ =	shalt  }
0x56: {  	_ =	shalt  }
0x57: {  	_ =	shalt  }
0x58: {  	_ =	shalt  }
0x59: {  	_ =	shalt  }
0x5a: {  	_ =	shalt  }
0x5b: {  	_ =	shalt  }
0x5c: {  	_ =	shalt  }
0x5d: {  	_ =	shalt  }
0x5e: {  	_ =	shalt  }
0x5f: {  	_ =	shalt  }
0x60: {  	_ =	shalt  }
0x61: {  	_ =	shalt  }
0x62: {  	_ =	shalt  }
0x63: {  	_ =	shalt  }
0x64: {  	_ =	shalt  }
0x65: {  	_ =	shalt  }
0x66: {  	_ =	shalt  }
0x67: {  	_ =	shalt  }
0x68: {  	_ =	shalt  }
0x69: {  	_ =	shalt  }
0x6a: {  	_ =	shalt  }
0x6b: {  	_ =	shalt  }
0x6c: {  	_ =	shalt  }
0x6d: {  	_ =	shalt  }
0x6e: {  	_ =	shalt  }
0x6f: {  	_ =	shalt  }
0x70: {  	_ =	shalt  }
0x71: {  	_ =	shalt  }
0x72: {  	_ =	shalt  }
0x73: {  	_ =	shalt  }
0x74: {  	_ =	shalt  }
0x75: {  	_ =	shalt  }
0x76: {  	_ =	shalt  }
0x77: {  	_ =	shalt  }
0x78: {  	_ =	shalt  }
0x79: {  	_ =	shalt  }
0x7a: {  	_ =	shalt  }
0x7b: {  	_ =	shalt  }
0x7c: {  	_ =	shalt  }
0x7d: {  	_ =	shalt  }
0x7e: {  	_ =	shalt  }
0x7f: {  	_ =	shalt  }
0x80: {  	_ =	shalt  }
0x81: {  	_ =	shalt  }
0x82: {  	_ =	shalt  }
0x83: {  	_ =	shalt  }
0x84: {  	_ =	shalt  }
0x85: {  	_ =	shalt  }
0x86: {  	_ =	shalt  }
0x87: {  	_ =	shalt  }
.Lfunc_end0:
.L_simem_size_0:
called_computation_lowered:
.L_overlay_start_0:
0x88: {  	s2 =	sld [smem:$0x3FD9]  }
0x89: {  	s3 =	sld [smem:$0x3FFE];
	_ =	sdelay $0x1  }
0x8a: {  	s1 =	srdreg.scid  }
0x8b: {  	s0 =	sand.u32 $0x1, s1  }
0x8c: {  	s18 =	sshll.u32 s0, $0xA;
	s2 =	sadd.s32 s3, s2  }
0x8d: {  	s2 =	sadd.s32 s2, s18  }
0x8e: {  	[smem:$0x3FC6] =	sst s2  }
0x8f: {  	_ = 	snop  }
0x90: {  	s2 =	sld [smem:$0x3FC9]  }
0x91: {  	s19 =	sld [smem:$0x3FC8]  }
0x92: {  	s4 =	sld [smem:$0x3FD0];
	(tm) =	ssettm $0x1  }
0x93: {  	s5 =	sld [smem:$0x3FFB];
	_ =	sdelay $0x3  }
0x94: {  	_ =	strace s5  }
0x95: {  	s5 =	sld [smem:$0x3FFC];
	_ =	sdelay $0x3  }
0x96: {  	_ =	strace s5  }
0x97: {  	s5 =	sld [smem:$0x3FFD];
	_ =	sdelay $0x3  }
0x98: {  	_ =	strace s5  }
0x99: {  	_ =	strace $0x8FFFFFFF  }
0x9a: {  	s20 =	sld [smem:$0x3FDB];
	_ =	sdelay $0x1  }
0x9b: {  	s6 =	simm.s32 $_scs_section_size  }
0x9c: {  	s7 =	simm.s32 $_size__tile_overlayer_lowered;
	s8 =	simm.s32 $_tile_overlayer_lowered  }
0x9d: {  	s23 =	simm.s32 $0x1BFF;
	s22 =	sshll.u32 s8, $0x1;
	s5 =	sadd.s32 s6, s20  }
0x9e: {  	s9 =	simm.s32 $0x0;
	s21 =	sshll.u32 s7, $0x1;
	s7 =	sadd.s32 s22, s5  }
0x9f: {  	[timem:s9], [sflag:s23] =	dma.local [hbm:s7], s21  }
0xa0: {  	_ =	swait.ge [sflag:s23], s21  }
0xa1: {  	s6 =	ssub.s32 $0x0, s21;
	[sflag:s23] =	ssyncset.done $0x0  }
0xa2: {  	[sflag:s23] =	ssyncadd.s32 s6;
	_ =	sdelay $0x1  }
0xa3: {  	s24 =	simm.s32 $0x1B8B  }
0xa4: {  	_ =	swait.ge [sflag:s24], $0x1  }
0xa5: {  	[sflag:s24] =	ssyncset.done $0x0  }
0xa6: {  	s25 =	simm.s32 $0x1B8E;
	[sflag:s24] =	ssyncadd.s32 $0xFFFFFFFF  }
0xa7: {  	s26 =	simm.s32 $execute0_lowered;
	[smem:$0x3FD2] =	sst s25  }
0xa8: {  	s6 =	sshll.u32 s26, $0x1;
	_ =	strace $0x80000046;
	[dreg:$0x1] =	wrdreg $0xFFFFFFFF  }
0xa9: {  	s28 =	simm.s32 $_size_execute0_lowered;
	s5 =	sadd.s32 s5, s6;
	[dreg:$0x0] =	wrdreg $0x0  }
0xaa: {  	s6 =	sshll.u32 s28, $0x1;
	[dreg:$0x2] =	wrdreg s5  }
0xab: {  	[dreg:$0x3] =	wrdreg s6  }
0xac: {  	[dreg:$0x4] =	wrdreg $0xC0  }
0xad: {  	_ =	task [dreg:s9], $0x5FFFF  }
0xae: {  	[dreg:$0x1] =	wrdreg $0xFFFFFFFF  }
0xaf: {  	[dreg:$0x0] =	wrdreg $0x60  }
0xb0: {  	[dreg:$0x2] =	wrdreg s2  }
0xb1: {  	[dreg:$0x3] =	wrdreg s19  }
0xb2: {  	[dreg:$0x4] =	wrdreg s4  }
0xb3: {  	[dreg:$0x5] =	wrdreg $0x9  }
0xb4: {  	_ =	task.clear_ibuf [dreg:s9], $0x6FFFF;
	_ =	strace $0x90000046  }
0xb5: {  	s29 =	simm.s32 $0x9;
	_ =	strace $0x80000048  }
0xb6: {  	_ =	swait.ge [sflag:s29], $0x1  }
0xb7: {  	[sflag:s29] =	ssyncadd.s32 $0xFFFFFFFF  }
0xb8: {  	_ =	strace $0x90000048  }
0xb9: {  	_ =	sfence  }
0xba: {  	s30 =	sld [smem:$0x0];
	_ =	sdelay $0x2  }
0xbb: {  	s31 =	sshll.u32 s1, $0xD;
	s1 =	sshrl.u32 s1, $0x2  }
0xbc: {  	s3 =	sand.u32 $0x4000, s31;
	s1 =	sadd.s32 s1, s30  }
0xbd: {  	s0 =	sor.u32 s3, s0;
	s1 =	sshll.u32 s1, $0x11  }
0xbe: {  	s0 =	sor.u32 s1, s0  }
0xbf: {  	s0 =	sadd.s32 $0x8F2B, s0  }
0xc0: {  	[sflag:s0] =	ssyncadd.remote.s32 $0x1  }
0xc1: {  	_ =	sfence.sel $0xFFFF  }
0xc2: {  	[dreg:$0x0] =	wrdreg $0xFFFFFFFF;
	(pc) =	sbr.abs _section_cstart, $3  }
0xc3: {  	[dreg:$0x1] =	wrdreg $0xFFFFFFFF  }
0xc4: {  	_ =	task.clear_ibuf [dreg:s9], $0x2FFFF;
	_ =	strace $0x9FFFFFFF  }
0xc5: {  	(tm) =	ssettm $0x7FFFFFFF  }
tec
execute0_lowered:
.L_overlay_start_1:
0x0: {  	(tag) =	ssettag $0x1  }
0x1: {  	s0 =	rddreg [dreg:$0x0]  }
0x2: {  	s1 =	rddreg [dreg:$0x1]  }
0x3: {  	s3 =	rddreg [dreg:$0x2];
	s2 =	simm.s32 $0x0  }
0x4: {  	s4 =	simm.s32 $0x14200;
	[smem:$0x7FF] =	sst s2  }
0x5: {  	s13 =	simm.s32 $0x10600;
	_ =	strace $0x80000047;
	[dreg:$0x4] =	wrdreg s4  }
0x6: {  	s14 =	simm.s32 $0x14600;
	[dreg:$0x5] =	wrdreg s13  }
0x7: {  	s15 =	simm.s32 $0x10A00;
	[dreg:$0x6] =	wrdreg s14  }
0x8: {  	s16 =	simm.s32 $0x14A00;
	[dreg:$0x7] =	wrdreg s15  }
0x9: {  	s17 =	simm.s32 $0x10E00;
	[dreg:$0x8] =	wrdreg s16  }
0xa: {  	s18 =	simm.s32 $0x14E00;
	[dreg:$0x9] =	wrdreg s17  }
0xb: {  	s20 =	simm.s32 $0x11200;
	[dreg:$0xa] =	wrdreg s18  }
0xc: {  	s5 =	srdreg.scid;
	s21 =	simm.s32 $0x15200;
	[dreg:$0xb] =	wrdreg s20  }
0xd: {  	s8 =	stileid.u32;
	s22 =	simm.s32 $0x11600;
	[dreg:$0xc] =	wrdreg s21  }
0xe: {  	s23 =	simm.s32 $0x15600;
	s24 =	simm.s32 $0x11A00;
	[dreg:$0xd] =	wrdreg s22  }
0xf: {  	s25 =	simm.s32 $0x15A00;
	s9 =	simm.s32 $0x12600;
	[dreg:$0xe] =	wrdreg s23  }
0x10: {  	s10 =	simm.s32 $0x16600;
	s28 =	simm.s32 $0xA00;
	[dreg:$0xf] =	wrdreg s24  }
0x11: {  	s11 =	simm.s32 $0x12A00;
	s29 =	simm.s32 $0x4A00;
	[dreg:$0x10] =	wrdreg s25  }
0x12: {  	s12 =	simm.s32 $0x16A00;
	s30 =	simm.s32 $0xE00;
	[dreg:$0x15] =	wrdreg s9  }
0x13: {  	s31 =	simm.s32 $0x4E00;
	s5 =	sand.u32 $0x1, s5;
	[dreg:$0x16] =	wrdreg s10  }
0x14: {  	s19 =	sshll.u32 s8, $0xA;
	s8 =	simm.s32 $0x200;
	[dreg:$0x17] =	wrdreg s11  }
0x15: {  	s6 =	ssub.s32 $0x2, s5;
	s4 =	simm.s32 $0x11E00;
	[dreg:$0x18] =	wrdreg s12  }
0x16: {  	s5 =	sshll.u32 s5, $0x9;
	s13 =	simm.s32 $0x12E00;
	[dreg:$0x11] =	wrdreg s4  }
0x17: {  	s23 =	simm.s32 $0x4;
	s14 =	simm.s32 $0x16E00;
	[dreg:$0x19] =	wrdreg s13  }
0x18: {  	s25 =	simm.s32 $0x4200;
	s15 =	simm.s32 $0x13200;
	[dreg:$0x1a] =	wrdreg s14  }
0x19: {  	s24 =	simm.s32 $0x4600;
	s16 =	simm.s32 $0x17200;
	[dreg:$0x1b] =	wrdreg s15  }
0x1a: {  	s17 =	simm.s32 $0x13600;
	s18 =	simm.s32 $0x17600;
	[dreg:$0x1c] =	wrdreg s16  }
0x1b: {  	s20 =	simm.s32 $0x17A00;
	s21 =	simm.s32 $0x13E00;
	[dreg:$0x1d] =	wrdreg s17  }
0x1c: {  	s22 =	simm.s32 $0x17E00;
	s9 =	simm.s32 $0x7200;
	[dreg:$0x1e] =	wrdreg s18  }
0x1d: {  	s10 =	simm.s32 $0x3600;
	s11 =	simm.s32 $0x7600;
	[smem:$0x7FA] =	sst s20  }
0x1e: {  	s12 =	simm.s32 $0x8200;
	s7 =	sshrl.u32 s6, $0x1;
	[smem:$0x7FB] =	sst s21  }
0x1f: {  	s5 =	sor.u32 s5, s19;
	s19 =	simm.s32 $0x13A00;
	[smem:$0x7FC] =	sst s22  }
0x20: {  	s14 =	simm.s32 $0x2600;
	s15 =	simm.s32 $0x6600;
	s4 =	simm.s32 $0x6A00  }
0x21: {  	s13 =	simm.s32 $0x3A00;
	s16 =	simm.s32 $0x7A00;
	s17 =	simm.s32 $0x1  }
0x22: {  	s18 =	simm.s32 $0x18200;
	s22 =	simm.s32 $0x0;
	[dreg:$0x1f] =	wrdreg s19  }
0x23: {  	v0 =	vlaneseq.u32;
	s6 =	ssub.s32 s6, s7;
	s3 =	sadd.s32 s3, s5;
	[smem:$0x7FD] =	sst s22  }
0x24: {  	v1 =	vmul.u32 $0x400, v0;
	s7 =	sshrl.u32 s5, $0x3;
	s5 =	simm.s32 $0x15E00;
	[smem:$0x7F8] =	sst s3  }
0x25: {  	s20 =	simm.s32 $0x2;
	s0 =	sadd.s32 s0, s7;
	[dreg:$0x12] =	wrdreg s5  }
0x26: {  	v2 =	vor.u32 $0x80, v1;
	v3 =	vor.u32 $0x100, v1;
	v4 =	vor.u32 $0x180, v1;
	s21 =	simm.s32 $0x3;
	s26 =	smax.u32 s6, $0x1;
	[smem:$0x7F7] =	sst s0  }
0x27: {  	v5 =	vor.u32 $0x200, v1;
	v6 =	vor.u32 $0x280, v1;
	v7 =	vor.u32 $0x300, v1;
	s19 =	simm.s32 $0x10200;
	s6 =	simm.s32 $0x12200;
	[smem:$0x7F9] =	sst s26  }
0x28: {  	v8 =	vor.u32 $0x380, v1;
	v9 =	vor.u32 $0x4000, v1;
	v10 =	vor.u32 $0x4080, v1;
	s7 =	simm.s32 $0x16200;
	s3 =	simm.s32 $0x2A00;
	[dreg:$0x13] =	wrdreg s6  }
0x29: {  	v11 =	vor.u32 $0x4100, v1;
	v12 =	vor.u32 $0x4180, v1;
	v13 =	vor.u32 $0x4200, v1;
	s5 =	simm.s32 $0x2E00;
	s26 =	simm.s32 $0x600;
	[dreg:$0x14] =	wrdreg s7  }
0x2a: {  	v14 =	vor.u32 $0x4280, v1;
	v15 =	vor.u32 $0x4300, v1;
	v16 =	vor.u32 $0x4380, v1;
	s0 =	simm.s32 $0x6200;
	s6 =	simm.s32 $0x6E00;
	s7 =	simm.s32 $0x3200  }
.LBB2_1:
0x2b: {  	s22 =	sld [smem:$0x7F7];
	_ =	sdelay $0x2  }
0x2c: {  	[tilespmem:s2], [sflag:$0x4] =	stream.linear.gather [hbm4b:s22+s2], $0x200, $0x38;
	[tilespmem:$0x1A200] =	vst v63  }
0x2d: {  	_ =	swait.ge [sflag:s23], $0x200  }
0x2e: {  	[sflag:s23] =	ssyncset.done $0x0  }
0x2f: {  	[sflag:s23] =	ssyncadd.s32 $0xFFFFFE00  }
0x30: {  	v17 =	vld [tilespmem:$0x0];
	_ =	sdelay $0x4  }
0x31: {  	v17 =	vshrl.u32 v17, $0x7  }
0x32: {  	v17 =	vshll.u32 v17, $0x7  }
0x33: {  	(v2sf) =	vpush v17, $0x0;
	_ =	sdelay $0x5  }
0x34: {  	(v2sf) =	vpush v17, $0x1;
	_ =	sdelay $0x3  }
0x35: {  	(v2sf) =	vpush v17, $0x2;
	_ =	sdelay $0x4  }
0x36: {  	s23 =	spop (v2sf)  }
0x37: {  	s22 =	sand.u32 $0x1FFFFF80, s23  }
0x38: {  	(v2sf) =	vpush v17, $0x3;
	s22 =	sadd.s32 s1, s22  }
0x39: {  	[tilespmem:s8], [sflag:$0x1] =	stream.linear.gather [hbm4b:s22+s2], $0x400, $0x38;
	[tilespmem:$0x1A200] =	vst v63  }
0x3a: {  	s22 =	sadd.s32 $0xF4280, s22  }
0x3b: {  	[tilespmem:s25], [sflag:$0x1] =	stream.linear.gather [hbm4b:s22+s2], $0x400, $0x38;
	[tilespmem:$0x1A200] =	vst v63  }
0x3c: {  	s25 =	spop (v2sf)  }
0x3d: {  	s22 =	sand.u32 $0x1FFFFF80, s25  }
0x3e: {  	(v2sf) =	vpush v17, $0x4;
	s22 =	sadd.s32 s1, s22  }
0x3f: {  	[tilespmem:s26], [sflag:$0x1] =	stream.linear.gather [hbm4b:s22+s2], $0x400, $0x38;
	[tilespmem:$0x1A200] =	vst v63  }
0x40: {  	s22 =	sadd.s32 $0xF4280, s22;
	s26 =	spop (v2sf)  }
0x41: {  	[tilespmem:s24], [sflag:$0x1] =	stream.linear.gather [hbm4b:s22+s2], $0x400, $0x38;
	[tilespmem:$0x1A200] =	vst v63  }
0x42: {  	(v2sf) =	vpush v17, $0x5;
	s22 =	sand.u32 $0x1FFFFF80, s26  }
0x43: {  	s22 =	sadd.s32 s1, s22  }
0x44: {  	[tilespmem:s28], [sflag:$0x1] =	stream.linear.gather [hbm4b:s22+s2], $0x400, $0x38;
	[tilespmem:$0x1A200] =	vst v63  }
0x45: {  	s22 =	sadd.s32 $0xF4280, s22  }
0x46: {  	[tilespmem:s29], [sflag:$0x1] =	stream.linear.gather [hbm4b:s22+s2], $0x400, $0x38;
	[tilespmem:$0x1A200] =	vst v63  }
0x47: {  	s23 =	spop (v2sf)  }
0x48: {  	s22 =	sand.u32 $0x1FFFFF80, s23  }
0x49: {  	(v2sf) =	vpush v17, $0x6;
	s22 =	sadd.s32 s1, s22  }
0x4a: {  	[tilespmem:s30], [sflag:$0x1] =	stream.linear.gather [hbm4b:s22+s2], $0x400, $0x38;
	[tilespmem:$0x1A200] =	vst v63  }
0x4b: {  	s22 =	sadd.s32 $0xF4280, s22  }
0x4c: {  	[tilespmem:s31], [sflag:$0x1] =	stream.linear.gather [hbm4b:s22+s2], $0x400, $0x38;
	[tilespmem:$0x1A200] =	vst v63  }
0x4d: {  	s24 =	spop (v2sf)  }
0x4e: {  	s22 =	sand.u32 $0x1FFFFF80, s24  }
0x4f: {  	s25 =	simm.s32 $0x1200;
	(v2sf) =	vpush v17, $0x7;
	s22 =	sadd.s32 s1, s22  }
0x50: {  	[tilespmem:s25], [sflag:$0x1] =	stream.linear.gather [hbm4b:s22+s2], $0x400, $0x38;
	[tilespmem:$0x1A200] =	vst v63  }
0x51: {  	s26 =	simm.s32 $0x5200;
	s22 =	sadd.s32 $0xF4280, s22;
	s24 =	spop (v2sf)  }
0x52: {  	[tilespmem:s26], [sflag:$0x1] =	stream.linear.gather [hbm4b:s22+s2], $0x400, $0x38;
	[tilespmem:$0x1A200] =	vst v63  }
0x53: {  	(v2sf) =	vpush v17, $0x8;
	s22 =	sand.u32 $0x1FFFFF80, s24  }
0x54: {  	s25 =	simm.s32 $0x1600;
	s22 =	sadd.s32 s1, s22  }
0x55: {  	[tilespmem:s25], [sflag:$0x1] =	stream.linear.gather [hbm4b:s22+s2], $0x400, $0x38;
	[tilespmem:$0x1A200] =	vst v63  }
0x56: {  	s26 =	simm.s32 $0x5600;
	s22 =	sadd.s32 $0xF4280, s22  }
0x57: {  	[tilespmem:s26], [sflag:$0x1] =	stream.linear.gather [hbm4b:s22+s2], $0x400, $0x38;
	[tilespmem:$0x1A200] =	vst v63  }
0x58: {  	s24 =	spop (v2sf)  }
0x59: {  	s22 =	sand.u32 $0x1FFFFF80, s24  }
0x5a: {  	s25 =	simm.s32 $0x1A00;
	(v2sf) =	vpush v17, $0x9;
	s22 =	sadd.s32 s1, s22  }
0x5b: {  	[tilespmem:s25], [sflag:$0x1] =	stream.linear.gather [hbm4b:s22+s2], $0x400, $0x38;
	[tilespmem:$0x1A200] =	vst v63  }
0x5c: {  	s26 =	simm.s32 $0x5A00;
	s22 =	sadd.s32 $0xF4280, s22  }
0x5d: {  	[tilespmem:s26], [sflag:$0x1] =	stream.linear.gather [hbm4b:s22+s2], $0x400, $0x38;
	[tilespmem:$0x1A200] =	vst v63  }
0x5e: {  	s24 =	spop (v2sf)  }
0x5f: {  	s22 =	sand.u32 $0x1FFFFF80, s24  }
0x60: {  	s25 =	simm.s32 $0x1E00;
	(v2sf) =	vpush v17, $0xA;
	s22 =	sadd.s32 s1, s22  }
0x61: {  	[tilespmem:s25], [sflag:$0x1] =	stream.linear.gather [hbm4b:s22+s2], $0x400, $0x38;
	[tilespmem:$0x1A200] =	vst v63  }
0x62: {  	s26 =	simm.s32 $0x5E00;
	s22 =	sadd.s32 $0xF4280, s22;
	s24 =	spop (v2sf)  }
0x63: {  	[tilespmem:s26], [sflag:$0x1] =	stream.linear.gather [hbm4b:s22+s2], $0x400, $0x38;
	[tilespmem:$0x1A200] =	vst v63  }
0x64: {  	s22 =	sand.u32 $0x1FFFFF80, s24  }
0x65: {  	s25 =	simm.s32 $0x2200;
	s22 =	sadd.s32 s1, s22  }
0x66: {  	(v2sf) =	vpush v17, $0xB;
	[tilespmem:s25], [sflag:$0x1] =	stream.linear.gather [hbm4b:s22+s2], $0x400, $0x38;
	[tilespmem:$0x1A200] =	vst v63  }
0x67: {  	s22 =	sadd.s32 $0xF4280, s22  }
0x68: {  	[tilespmem:s0], [sflag:$0x1] =	stream.linear.gather [hbm4b:s22+s2], $0x400, $0x38;
	[tilespmem:$0x1A200] =	vst v63  }
0x69: {  	s26 =	spop (v2sf)  }
0x6a: {  	s22 =	sand.u32 $0x1FFFFF80, s26  }
0x6b: {  	s22 =	sadd.s32 s1, s22  }
0x6c: {  	(v2sf) =	vpush v17, $0xC;
	[tilespmem:s14], [sflag:$0x1] =	stream.linear.gather [hbm4b:s22+s2], $0x400, $0x38;
	[tilespmem:$0x1A200] =	vst v63  }
0x6d: {  	s22 =	sadd.s32 $0xF4280, s22  }
0x6e: {  	[tilespmem:s15], [sflag:$0x1] =	stream.linear.gather [hbm4b:s22+s2], $0x400, $0x38;
	[tilespmem:$0x1A200] =	vst v63  }
0x6f: {  	s0 =	spop (v2sf)  }
0x70: {  	s22 =	sand.u32 $0x1FFFFF80, s0  }
0x71: {  	s22 =	sadd.s32 s1, s22  }
0x72: {  	(v2sf) =	vpush v17, $0xD;
	[tilespmem:s3], [sflag:$0x1] =	stream.linear.gather [hbm4b:s22+s2], $0x400, $0x38;
	[tilespmem:$0x1A200] =	vst v63  }
0x73: {  	s22 =	sadd.s32 $0xF4280, s22  }
0x74: {  	[tilespmem:s4], [sflag:$0x1] =	stream.linear.gather [hbm4b:s22+s2], $0x400, $0x38;
	[tilespmem:$0x1A200] =	vst v63  }
0x75: {  	s4 =	spop (v2sf)  }
0x76: {  	s22 =	sand.u32 $0x1FFFFF80, s4  }
0x77: {  	s22 =	sadd.s32 s1, s22  }
0x78: {  	(v2sf) =	vpush v17, $0xE;
	[tilespmem:s5], [sflag:$0x1] =	stream.linear.gather [hbm4b:s22+s2], $0x400, $0x38;
	[tilespmem:$0x1A200] =	vst v63  }
0x79: {  	s22 =	sadd.s32 $0xF4280, s22  }
0x7a: {  	[tilespmem:s6], [sflag:$0x1] =	stream.linear.gather [hbm4b:s22+s2], $0x400, $0x38;
	[tilespmem:$0x1A200] =	vst v63  }
0x7b: {  	s5 =	spop (v2sf)  }
0x7c: {  	s22 =	sand.u32 $0x1FFFFF80, s5  }
0x7d: {  	s22 =	sadd.s32 s1, s22  }
0x7e: {  	(v2sf) =	vpush v17, $0xF;
	[tilespmem:s7], [sflag:$0x1] =	stream.linear.gather [hbm4b:s22+s2], $0x400, $0x38;
	[tilespmem:$0x1A200] =	vst v63  }
0x7f: {  	s22 =	sadd.s32 $0xF4280, s22  }
0x80: {  	[tilespmem:s9], [sflag:$0x1] =	stream.linear.gather [hbm4b:s22+s2], $0x400, $0x38;
	[tilespmem:$0x1A200] =	vst v63  }
0x81: {  	s6 =	spop (v2sf)  }
0x82: {  	s22 =	sand.u32 $0x1FFFFF80, s6  }
0x83: {  	s22 =	sadd.s32 s1, s22  }
0x84: {  	[tilespmem:s10], [sflag:$0x1] =	stream.linear.gather [hbm4b:s22+s2], $0x400, $0x38;
	[tilespmem:$0x1A200] =	vst v63  }
0x85: {  	s22 =	sadd.s32 $0xF4280, s22  }
0x86: {  	[tilespmem:s11], [sflag:$0x1] =	stream.linear.gather [hbm4b:s22+s2], $0x400, $0x38;
	[tilespmem:$0x1A200] =	vst v63  }
0x87: {  	s7 =	spop (v2sf)  }
0x88: {  	s22 =	sand.u32 $0x1FFFFF80, s7  }
0x89: {  	s22 =	sadd.s32 s1, s22  }
0x8a: {  	[tilespmem:s13], [sflag:$0x1] =	stream.linear.gather [hbm4b:s22+s2], $0x400, $0x38;
	[tilespmem:$0x1A200] =	vst v63  }
0x8b: {  	s22 =	sadd.s32 $0xF4280, s22  }
0x8c: {  	[tilespmem:s16], [sflag:$0x1] =	stream.linear.gather [hbm4b:s22+s2], $0x400, $0x38;
	[tilespmem:$0x1A200] =	vst v63  }
0x8d: {  	s9 =	spop (v2sf)  }
0x8e: {  	s22 =	sand.u32 $0x1FFFFF80, s9  }
0x8f: {  	s10 =	simm.s32 $0x3E00;
	s22 =	sadd.s32 s1, s22  }
0x90: {  	[tilespmem:s10], [sflag:$0x1] =	stream.linear.gather [hbm4b:s22+s2], $0x400, $0x38;
	[tilespmem:$0x1A200] =	vst v63  }
0x91: {  	s11 =	simm.s32 $0x7E00;
	s22 =	sadd.s32 $0xF4280, s22  }
0x92: {  	[tilespmem:s11], [sflag:$0x1] =	stream.linear.gather [hbm4b:s22+s2], $0x400, $0x38;
	[tilespmem:$0x1A200] =	vst v63  }
0x93: {  	v17 =	vld [tilespmem:$0x10];
	_ =	sdelay $0x4  }
0x94: {  	v17 =	vshrl.u32 v17, $0x7  }
0x95: {  	v17 =	vshll.u32 v17, $0x7  }
0x96: {  	(v2sf) =	vpush v17, $0x0;
	_ =	sdelay $0x2  }
0x97: {  	(v2sf) =	vpush v17, $0x1;
	_ =	sdelay $0x3  }
0x98: {  	(v2sf) =	vpush v17, $0x2;
	_ =	sdelay $0x7  }
0x99: {  	s13 =	spop (v2sf);
	(v2sf) =	vpush v17, $0x3;
	_ =	sdelay $0x1  }
0x9a: {  	s22 =	sand.u32 $0x1FFFFF80, s13  }
0x9b: {  	s15 =	spop (v2sf);
	(v2sf) =	vpush v17, $0x4;
	s22 =	sadd.s32 s1, s22  }
0x9c: {  	[tilespmem:s12], [sflag:$0x2] =	stream.linear.gather [hbm4b:s22+s2], $0x400, $0x38;
	[tilespmem:$0x1A200] =	vst v63  }
0x9d: {  	s14 =	simm.s32 $0xC200;
	s22 =	sadd.s32 $0xF4280, s22  }
0x9e: {  	[tilespmem:s14], [sflag:$0x2] =	stream.linear.gather [hbm4b:s22+s2], $0x400, $0x38;
	[tilespmem:$0x1A200] =	vst v63  }
0x9f: {  	s24 =	spop (v2sf);
	(v2sf) =	vpush v17, $0x5;
	s22 =	sand.u32 $0x1FFFFF80, s15  }
0xa0: {  	s16 =	simm.s32 $0x8600;
	s22 =	sadd.s32 s1, s22  }
0xa1: {  	[tilespmem:s16], [sflag:$0x2] =	stream.linear.gather [hbm4b:s22+s2], $0x400, $0x38;
	[tilespmem:$0x1A200] =	vst v63  }
0xa2: {  	s23 =	simm.s32 $0xC600;
	s22 =	sadd.s32 $0xF4280, s22  }
0xa3: {  	[tilespmem:s23], [sflag:$0x2] =	stream.linear.gather [hbm4b:s22+s2], $0x400, $0x38;
	[tilespmem:$0x1A200] =	vst v63  }
0xa4: {  	s22 =	sand.u32 $0x1FFFFF80, s24  }
0xa5: {  	s25 =	simm.s32 $0x8A00;
	s22 =	sadd.s32 s1, s22  }
0xa6: {  	[tilespmem:s25], [sflag:$0x2] =	stream.linear.gather [hbm4b:s22+s2], $0x400, $0x38;
	[tilespmem:$0x1A200] =	vst v63  }
0xa7: {  	s26 =	simm.s32 $0xCA00;
	s22 =	sadd.s32 $0xF4280, s22;
	s0 =	spop (v2sf);
	(v2sf) =	vpush v17, $0x6  }
0xa8: {  	[tilespmem:s26], [sflag:$0x2] =	stream.linear.gather [hbm4b:s22+s2], $0x400, $0x38;
	[tilespmem:$0x1A200] =	vst v63  }
0xa9: {  	s22 =	sand.u32 $0x1FFFFF80, s0  }
0xaa: {  	s3 =	simm.s32 $0x8E00;
	s5 =	spop (v2sf);
	(v2sf) =	vpush v17, $0x7;
	s22 =	sadd.s32 s1, s22  }
0xab: {  	[tilespmem:s3], [sflag:$0x2] =	stream.linear.gather [hbm4b:s22+s2], $0x400, $0x38;
	[tilespmem:$0x1A200] =	vst v63  }
0xac: {  	s4 =	simm.s32 $0xCE00;
	s22 =	sadd.s32 $0xF4280, s22  }
0xad: {  	[tilespmem:s4], [sflag:$0x2] =	stream.linear.gather [hbm4b:s22+s2], $0x400, $0x38;
	[tilespmem:$0x1A200] =	vst v63  }
0xae: {  	s9 =	spop (v2sf);
	(v2sf) =	vpush v17, $0x8;
	s22 =	sand.u32 $0x1FFFFF80, s5  }
0xaf: {  	s6 =	simm.s32 $0x9200;
	s22 =	sadd.s32 s1, s22  }
0xb0: {  	[tilespmem:s6], [sflag:$0x2] =	stream.linear.gather [hbm4b:s22+s2], $0x400, $0x38;
	[tilespmem:$0x1A200] =	vst v63  }
0xb1: {  	s7 =	simm.s32 $0xD200;
	s22 =	sadd.s32 $0xF4280, s22  }
0xb2: {  	[tilespmem:s7], [sflag:$0x2] =	stream.linear.gather [hbm4b:s22+s2], $0x400, $0x38;
	[tilespmem:$0x1A200] =	vst v63  }
0xb3: {  	s22 =	sand.u32 $0x1FFFFF80, s9  }
0xb4: {  	s10 =	simm.s32 $0x9600;
	s22 =	sadd.s32 s1, s22  }
0xb5: {  	[tilespmem:s10], [sflag:$0x2] =	stream.linear.gather [hbm4b:s22+s2], $0x400, $0x38;
	[tilespmem:$0x1A200] =	vst v63  }
0xb6: {  	s11 =	simm.s32 $0xD600;
	s22 =	sadd.s32 $0xF4280, s22;
	s13 =	spop (v2sf);
	(v2sf) =	vpush v17, $0x9  }
0xb7: {  	[tilespmem:s11], [sflag:$0x2] =	stream.linear.gather [hbm4b:s22+s2], $0x400, $0x38;
	[tilespmem:$0x1A200] =	vst v63  }
0xb8: {  	s22 =	sand.u32 $0x1FFFFF80, s13  }
0xb9: {  	s14 =	simm.s32 $0x9A00;
	s16 =	spop (v2sf);
	(v2sf) =	vpush v17, $0xA;
	s22 =	sadd.s32 s1, s22  }
0xba: {  	[tilespmem:s14], [sflag:$0x2] =	stream.linear.gather [hbm4b:s22+s2], $0x400, $0x38;
	[tilespmem:$0x1A200] =	vst v63  }
0xbb: {  	s15 =	simm.s32 $0xDA00;
	s22 =	sadd.s32 $0xF4280, s22  }
0xbc: {  	[tilespmem:s15], [sflag:$0x2] =	stream.linear.gather [hbm4b:s22+s2], $0x400, $0x38;
	[tilespmem:$0x1A200] =	vst v63  }
0xbd: {  	s25 =	spop (v2sf);
	(v2sf) =	vpush v17, $0xB;
	s22 =	sand.u32 $0x1FFFFF80, s16  }
0xbe: {  	s23 =	simm.s32 $0x9E00;
	s22 =	sadd.s32 s1, s22  }
0xbf: {  	[tilespmem:s23], [sflag:$0x2] =	stream.linear.gather [hbm4b:s22+s2], $0x400, $0x38;
	[tilespmem:$0x1A200] =	vst v63  }
0xc0: {  	s24 =	simm.s32 $0xDE00;
	s22 =	sadd.s32 $0xF4280, s22  }
0xc1: {  	[tilespmem:s24], [sflag:$0x2] =	stream.linear.gather [hbm4b:s22+s2], $0x400, $0x38;
	[tilespmem:$0x1A200] =	vst v63  }
0xc2: {  	s22 =	sand.u32 $0x1FFFFF80, s25  }
0xc3: {  	s26 =	simm.s32 $0xA200;
	s22 =	sadd.s32 s1, s22  }
0xc4: {  	[tilespmem:s26], [sflag:$0x2] =	stream.linear.gather [hbm4b:s22+s2], $0x400, $0x38;
	[tilespmem:$0x1A200] =	vst v63  }
0xc5: {  	s3 =	simm.s32 $0xE200;
	s22 =	sadd.s32 $0xF4280, s22;
	s4 =	spop (v2sf);
	(v2sf) =	vpush v17, $0xC  }
0xc6: {  	[tilespmem:s3], [sflag:$0x2] =	stream.linear.gather [hbm4b:s22+s2], $0x400, $0x38;
	[tilespmem:$0x1A200] =	vst v63  }
0xc7: {  	s22 =	sand.u32 $0x1FFFFF80, s4  }
0xc8: {  	s5 =	simm.s32 $0xA600;
	s7 =	spop (v2sf);
	(v2sf) =	vpush v17, $0xD;
	s22 =	sadd.s32 s1, s22  }
0xc9: {  	[tilespmem:s5], [sflag:$0x2] =	stream.linear.gather [hbm4b:s22+s2], $0x400, $0x38;
	[tilespmem:$0x1A200] =	vst v63  }
0xca: {  	s6 =	simm.s32 $0xE600;
	s22 =	sadd.s32 $0xF4280, s22  }
0xcb: {  	[tilespmem:s6], [sflag:$0x2] =	stream.linear.gather [hbm4b:s22+s2], $0x400, $0x38;
	[tilespmem:$0x1A200] =	vst v63  }
0xcc: {  	s11 =	spop (v2sf);
	(v2sf) =	vpush v17, $0xE;
	s22 =	sand.u32 $0x1FFFFF80, s7  }
0xcd: {  	s9 =	simm.s32 $0xAA00;
	s22 =	sadd.s32 s1, s22  }
0xce: {  	[tilespmem:s9], [sflag:$0x2] =	stream.linear.gather [hbm4b:s22+s2], $0x400, $0x38;
	[tilespmem:$0x1A200] =	vst v63  }
0xcf: {  	s10 =	simm.s32 $0xEA00;
	s22 =	sadd.s32 $0xF4280, s22  }
0xd0: {  	[tilespmem:s10], [sflag:$0x2] =	stream.linear.gather [hbm4b:s22+s2], $0x400, $0x38;
	[tilespmem:$0x1A200] =	vst v63  }
0xd1: {  	s22 =	sand.u32 $0x1FFFFF80, s11  }
0xd2: {  	s13 =	simm.s32 $0xAE00;
	s22 =	sadd.s32 s1, s22  }
0xd3: {  	[tilespmem:s13], [sflag:$0x2] =	stream.linear.gather [hbm4b:s22+s2], $0x400, $0x38;
	[tilespmem:$0x1A200] =	vst v63  }
0xd4: {  	s16 =	simm.s32 $0xEE00;
	s22 =	sadd.s32 $0xF4280, s22;
	s14 =	spop (v2sf);
	(v2sf) =	vpush v17, $0xF  }
0xd5: {  	[tilespmem:s16], [sflag:$0x2] =	stream.linear.gather [hbm4b:s22+s2], $0x400, $0x38;
	[tilespmem:$0x1A200] =	vst v63  }
0xd6: {  	s22 =	sand.u32 $0x1FFFFF80, s14  }
0xd7: {  	s29 =	simm.s32 $0xB200;
	s15 =	spop (v2sf);
	s22 =	sadd.s32 s1, s22  }
0xd8: {  	[tilespmem:s29], [sflag:$0x2] =	stream.linear.gather [hbm4b:s22+s2], $0x400, $0x38;
	[tilespmem:$0x1A200] =	vst v63  }
0xd9: {  	s31 =	simm.s32 $0xF200;
	s23 =	sand.u32 $0x1FFFFF80, s15;
	s22 =	sadd.s32 $0xF4280, s22  }
0xda: {  	[tilespmem:s31], [sflag:$0x2] =	stream.linear.gather [hbm4b:s22+s2], $0x400, $0x38;
	[tilespmem:$0x1A200] =	vst v63  }
0xdb: {  	s0 =	simm.s32 $0xB600;
	s24 =	spop (v2sf);
	s22 =	sadd.s32 s1, s23  }
0xdc: {  	[tilespmem:s0], [sflag:$0x2] =	stream.linear.gather [hbm4b:s22+s2], $0x400, $0x38;
	[tilespmem:$0x1A200] =	vst v63  }
0xdd: {  	s3 =	simm.s32 $0xF600;
	s25 =	sand.u32 $0x1FFFFF80, s24;
	s22 =	sadd.s32 $0xF4280, s22  }
0xde: {  	[tilespmem:s3], [sflag:$0x2] =	stream.linear.gather [hbm4b:s22+s2], $0x400, $0x38;
	[tilespmem:$0x1A200] =	vst v63  }
0xdf: {  	s15 =	simm.s32 $0xBA00;
	s22 =	sadd.s32 s1, s25  }
0xe0: {  	[tilespmem:s15], [sflag:$0x2] =	stream.linear.gather [hbm4b:s22+s2], $0x400, $0x38;
	[tilespmem:$0x1A200] =	vst v63  }
0xe1: {  	s28 =	simm.s32 $0xFA00;
	s22 =	sadd.s32 $0xF4280, s22  }
0xe2: {  	[tilespmem:s28], [sflag:$0x2] =	stream.linear.gather [hbm4b:s22+s2], $0x400, $0x38;
	[tilespmem:$0x1A200] =	vst v63  }
0xe3: {  	s30 =	simm.s32 $0xBE00;
	s4 =	simm.s32 $0xFE00;
	s26 =	spop (v2sf)  }
0xe4: {  	s6 =	simm.s32 $0x6E00;
	s7 =	simm.s32 $0x3200;
	s22 =	sand.u32 $0x1FFFFF80, s26  }
0xe5: {  	s9 =	simm.s32 $0x7200;
	s10 =	simm.s32 $0x3600;
	s22 =	sadd.s32 s1, s22  }
0xe6: {  	[tilespmem:s30], [sflag:$0x2] =	stream.linear.gather [hbm4b:s22+s2], $0x400, $0x38;
	[tilespmem:$0x1A200] =	vst v63  }
0xe7: {  	s11 =	simm.s32 $0x7600;
	s13 =	simm.s32 $0x3A00;
	s22 =	sadd.s32 $0xF4280, s22  }
0xe8: {  	[tilespmem:s4], [sflag:$0x2] =	stream.linear.gather [hbm4b:s22+s2], $0x400, $0x38;
	[tilespmem:$0x1A200] =	vst v63  }
0xe9: {  	s14 =	simm.s32 $0x7A00;
	s23 =	simm.s32 $0x20;
	s22 =	simm.s32 $0x20  }
.LBB2_2:
0xea: {  	_ =	swait.ge [sflag:s17], $0x8000  }
0xeb: {  	[sflag:s17] =	ssyncset.done $0x0  }
0xec: {  	[sflag:s17] =	ssyncadd.s32 $0xFFFF8000  }
0xed: {  	v17 =	vld [tilespmem:s22+$0xFFFFFFE0];
	_ =	sdelay $0x4  }
0xee: {  	v17 =	vand.u32 $0x7F, v17  }
0xef: {  	v18 =	vor.u32 v1, v17  }
0xf0: {  	v19 =	vor.u32 v2, v17  }
0xf1: {  	v20 =	vor.u32 v3, v17  }
0xf2: {  	v21 =	vor.u32 v4, v17  }
0xf3: {  	v22 =	vor.u32 v5, v17  }
0xf4: {  	v23 =	vor.u32 v6, v17;
	v18 =	vld.idx.msk [tilespmem:v18+s8+$0x0], $0xffff  }
0xf5: {  	v24 =	vor.u32 v7, v17;
	v19 =	vld.idx.msk [tilespmem:v19+s8+$0x0], $0xffff  }
0xf6: {  	v25 =	vor.u32 v8, v17;
	v20 =	vld.idx.msk [tilespmem:v20+s8+$0x0], $0xffff  }
0xf7: {  	v26 =	vor.u32 v9, v17;
	v21 =	vld.idx.msk [tilespmem:v21+s8+$0x0], $0xffff  }
0xf8: {  	v27 =	vor.u32 v10, v17;
	v22 =	vld.idx.msk [tilespmem:v22+s8+$0x0], $0xffff  }
0xf9: {  	v28 =	vor.u32 v11, v17;
	v23 =	vld.idx.msk [tilespmem:v23+s8+$0x0], $0xffff  }
0xfa: {  	v29 =	vor.u32 v12, v17;
	v24 =	vld.idx.msk [tilespmem:v24+s8+$0x0], $0xffff;
	v30 =	vmax.f32 v18, v19  }
0xfb: {  	v31 =	vor.u32 v13, v17;
	v25 =	vld.idx.msk [tilespmem:v25+s8+$0x0], $0xffff;
	v30 =	vmax.f32 v30, v20  }
0xfc: {  	v32 =	vor.u32 v14, v17;
	v26 =	vld.idx.msk [tilespmem:v26+s8+$0x0], $0xffff;
	v30 =	vmax.f32 v30, v21  }
0xfd: {  	v33 =	vor.u32 v15, v17;
	v27 =	vld.idx.msk [tilespmem:v27+s8+$0x0], $0xffff;
	v30 =	vmax.f32 v30, v22  }
0xfe: {  	v17 =	vor.u32 v16, v17;
	v28 =	vld.idx.msk [tilespmem:v28+s8+$0x0], $0xffff;
	v30 =	vmax.f32 v30, v23  }
0xff: {  	v29 =	vld.idx.msk [tilespmem:v29+s8+$0x0], $0xffff;
	v30 =	vmax.f32 v30, v24  }
0x100: {  	v31 =	vld.idx.msk [tilespmem:v31+s8+$0x0], $0xffff;
	v30 =	vmax.f32 v30, v25  }
0x101: {  	v32 =	vld.idx.msk [tilespmem:v32+s8+$0x0], $0xffff;
	v30 =	vmax.f32 v30, v26  }
0x102: {  	v33 =	vld.idx.msk [tilespmem:v33+s8+$0x0], $0xffff;
	v30 =	vmax.f32 v30, v27  }
0x103: {  	v17 =	vld.idx.msk [tilespmem:v17+s8+$0x0], $0xffff;
	v30 =	vmax.f32 v30, v28  }
0x104: {  	v30 =	vmax.f32 v30, v29  }
0x105: {  	v30 =	vmax.f32 v30, v31  }
0x106: {  	v30 =	vmax.f32 v30, v32  }
0x107: {  	v30 =	vmax.f32 v30, v33  }
0x108: {  	v30 =	vmax.f32 v30, v17  }
0x109: {  	v18 =	vsub.f32 v18, v30  }
0x10a: {  	v19 =	vsub.f32 v19, v30  }
0x10b: {  	v18 =	vmul.f32 $1.442695020e+00, v18  }
0x10c: {  	v20 =	vsub.f32 v20, v30;
	v19 =	vmul.f32 $1.442695020e+00, v19  }
0x10d: {  	(erf) = vpow2.f32 v18  }
0x10e: {  	v18 =	vmul.f32 $1.442695020e+00, v20;
	(erf) = vpow2.f32 v19;
	v19 =	vsub.f32 v21, v30;
	_ =	sdelay $0x1  }
0x10f: {  	(erf) = vpow2.f32 v18;
	v18 =	vmul.f32 $1.442695020e+00, v19;
	v19 =	vsub.f32 v22, v30;
	_ =	sdelay $0x1  }
0x110: {  	(erf) = vpow2.f32 v18;
	v18 =	vmul.f32 $1.442695020e+00, v19;
	v19 =	vsub.f32 v23, v30;
	_ =	sdelay $0x1  }
0x111: {  	(erf) = vpow2.f32 v18;
	v18 =	vmul.f32 $1.442695020e+00, v19;
	v19 =	vsub.f32 v24, v30;
	_ =	sdelay $0x1  }
0x112: {  	v54 =	vsub.f32 v25, v30  }
0x113: {  	v55 =	vpop (erf);
	(erf) = vpow2.f32 v18;
	v18 =	vmul.f32 $1.442695020e+00, v19  }
0x114: {  	v20 =	vmul.f32 $1.442695020e+00, v54;
	v19 =	vpop (erf)  }
0x115: {  	(erf) = vpow2.f32 v18;
	v18 =	vsub.f32 v26, v30;
	v56 =	vadd.f32 v19, v55  }
0x116: {  	v58 =	vsub.f32 v27, v30;
	v57 =	vpop (erf)  }
0x117: {  	(erf) = vpow2.f32 v20;
	v18 =	vmul.f32 $1.442695020e+00, v18;
	v22 =	vadd.f32 v56, v57  }
0x118: {  	v59 =	vpop (erf)  }
0x119: {  	(erf) = vpow2.f32 v18;
	v18 =	vmul.f32 $1.442695020e+00, v58;
	v61 =	vadd.f32 v22, v59  }
0x11a: {  	v60 =	vsub.f32 v28, v30;
	v62 =	vpop (erf)  }
0x11b: {  	(erf) = vpow2.f32 v18;
	v18 =	vsub.f32 v29, v30;
	v20 =	vadd.f32 v61, v62  }
0x11c: {  	v25 =	vmul.f32 $1.442695020e+00, v60;
	v63 =	vpop (erf)  }
0x11d: {  	v43 =	vsub.f32 v31, v30;
	v18 =	vmul.f32 $1.442695020e+00, v18;
	v20 =	vadd.f32 v20, v63  }
0x11e: {  	(erf) = vpow2.f32 v25;
	v44 =	vpop (erf)  }
0x11f: {  	(erf) = vpow2.f32 v18;
	v18 =	vmul.f32 $1.442695020e+00, v43;
	v20 =	vadd.f32 v20, v44  }
0x120: {  	v45 =	vsub.f32 v32, v30;
	v46 =	vpop (erf)  }
0x121: {  	(erf) = vpow2.f32 v18;
	v18 =	vsub.f32 v33, v30;
	v20 =	vadd.f32 v20, v46  }
0x122: {  	v28 =	vmul.f32 $1.442695020e+00, v45;
	v47 =	vpop (erf)  }
0x123: {  	v18 =	vmul.f32 $1.442695020e+00, v18;
	v20 =	vadd.f32 v20, v47  }
0x124: {  	v17 =	vsub.f32 v17, v30;
	(erf) = vpow2.f32 v28;
	v48 =	vpop (erf)  }
0x125: {  	(erf) = vpow2.f32 v18;
	v18 =	vadd.f32 v20, v48  }
0x126: {  	v17 =	vmul.f32 $1.442695020e+00, v17  }
0x127: {  	v49 =	vpop (erf)  }
0x128: {  	(erf) = vpow2.f32 v17;
	v17 =	vadd.f32 v18, v49  }
0x129: {  	v18 =	vpop (erf)  }
0x12a: {  	v17 =	vadd.f32 v17, v18  }
0x12b: {  	v50 =	vpop (erf)  }
0x12c: {  	v17 =	vadd.f32 v17, v50  }
0x12d: {  	v51 =	vpop (erf)  }
0x12e: {  	v17 =	vadd.f32 v17, v51  }
0x12f: {  	v52 =	vpop (erf)  }
0x130: {  	v17 =	vadd.f32 v17, v52  }
0x131: {  	v53 =	vpop (erf)  }
0x132: {  	v17 =	vadd.f32 v17, v53;
	_ =	sdelay $0x1  }
0x133: {  	(erf) = vrcp.f32 v17;
	_ =	sdelay $0x2  }
0x134: {  	s24 =	sadd.s32 $0xFFFFFFE0, s23  }
0x135: {  	v17 =	vmov s24  }
0x136: {  	v34 =	vor.u32 s24, v0;
	v17 =	vshll.u32 v17, $0x3  }
0x137: {  	v34 =	vand.u32 $0x7F, v34;
	v35 =	vand.u32 $0x1C00, v17  }
0x138: {  	v35 =	vor.u32 v34, v35  }
0x139: {  	v36 =	vor.u32 $0x80, v35  }
0x13a: {  	v38 =	vor.u32 $0x100, v35;
	v37 =	vpop (erf)  }
0x13b: {  	v39 =	vor.u32 $0x180, v35;
	v21 =	vmul.f32 v37, v55  }
0x13c: {  	v40 =	vor.u32 $0x200, v35;
	v19 =	vmul.f32 v37, v19  }
0x13d: {  	v54 =	vmul.f32 v37, v57;
	v55 =	vor.u32 $0x280, v35;
	[tilespmem:v35+s18+$0x0] =	vst.idx.msk $0xffff, v21  }
0x13e: {  	v17 =	vor.u32 v34, v17;
	v56 =	vor.u32 $0x300, v35;
	[tilespmem:v36+s18+$0x0] =	vst.idx.msk $0xffff, v19;
	v19 =	vmul.f32 v37, v59  }
0x13f: {  	v17 =	vor.u32 $0x380, v17;
	v57 =	vmul.f32 v37, v62;
	[tilespmem:v38+s18+$0x0] =	vst.idx.msk $0xffff, v54  }
0x140: {  	v58 =	vadd.s32 $0x1000, v35;
	[tilespmem:v39+s18+$0x0] =	vst.idx.msk $0xffff, v19;
	v19 =	vmul.f32 v37, v63  }
0x141: {  	v60 =	vadd.s32 $0x1080, v35;
	v59 =	vmul.f32 v37, v44;
	[tilespmem:v40+s18+$0x0] =	vst.idx.msk $0xffff, v57  }
0x142: {  	v61 =	vadd.s32 $0x1100, v35;
	[tilespmem:v55+s18+$0x0] =	vst.idx.msk $0xffff, v19;
	v19 =	vmul.f32 v37, v46  }
0x143: {  	v62 =	vmul.f32 v37, v47;
	v63 =	vadd.s32 $0x1180, v35;
	[tilespmem:v56+s18+$0x0] =	vst.idx.msk $0xffff, v59  }
0x144: {  	[tilespmem:v17+s18+$0x0] =	vst.idx.msk $0xffff, v19;
	v17 =	vmul.f32 v37, v48;
	v19 =	vadd.s32 $0x1200, v35  }
0x145: {  	v29 =	vadd.s32 $0x1280, v35;
	v20 =	vmul.f32 v37, v49;
	[tilespmem:v58+s18+$0x0] =	vst.idx.msk $0xffff, v62  }
0x146: {  	[tilespmem:v60+s18+$0x0] =	vst.idx.msk $0xffff, v17;
	v17 =	vmul.f32 v37, v18;
	v18 =	vadd.s32 $0x1300, v35  }
0x147: {  	v34 =	vmul.f32 v37, v50;
	v36 =	vadd.s32 $0x1380, v35;
	[tilespmem:v61+s18+$0x0] =	vst.idx.msk $0xffff, v20  }
0x148: {  	[tilespmem:v63+s18+$0x0] =	vst.idx.msk $0xffff, v17;
	v17 =	vmul.f32 v37, v51  }
0x149: {  	[tilespmem:v19+s18+$0x0] =	vst.idx.msk $0xffff, v34;
	v19 =	vmul.f32 v37, v52  }
0x14a: {  	[tilespmem:v29+s18+$0x0] =	vst.idx.msk $0xffff, v17;
	v17 =	vmul.f32 v37, v53  }
0x14b: {  	[tilespmem:v18+s18+$0x0] =	vst.idx.msk $0xffff, v19  }
0x14c: {  	[tilespmem:v36+s18+$0x0] =	vst.idx.msk $0xffff, v17  }
0x14d: {  	v17 =	vld [tilespmem:s22+$0x0];
	_ =	sdelay $0x4  }
0x14e: {  	v17 =	vshrl.u32 v17, $0x7  }
0x14f: {  	v17 =	vshll.u32 v17, $0x7  }
0x150: {  	(v2sf) =	vpush v17, $0x0;
	_ =	sdelay $0x3  }
0x151: {  	(v2sf) =	vpush v17, $0x1;
	_ =	sdelay $0x4  }
0x152: {  	(v2sf) =	vpush v17, $0x2;
	_ =	sdelay $0x5  }
0x153: {  	s25 =	spop (v2sf)  }
0x154: {  	(v2sf) =	vpush v17, $0x3;
	s24 =	sand.u32 $0x1FFFFF80, s25  }
0x155: {  	s24 =	sadd.s32 s1, s24  }
0x156: {  	[tilespmem:s19], [sflag:$0x3] =	stream.linear.gather [hbm4b:s24+s2], $0x400, $0x38;
	[tilespmem:$0x1A200] =	vst v63  }
0x157: {  	s25 =	rddreg [dreg:$0x4];
	s26 =	spop (v2sf);
	s24 =	sadd.s32 $0xF4280, s24  }
0x158: {  	(v2sf) =	vpush v17, $0x4;
	[tilespmem:s25], [sflag:$0x3] =	stream.linear.gather [hbm4b:s24+s2], $0x400, $0x38;
	[tilespmem:$0x1A200] =	vst v63  }
0x159: {  	s24 =	sand.u32 $0x1FFFFF80, s26  }
0x15a: {  	s5 =	rddreg [dreg:$0x5];
	s24 =	sadd.s32 s1, s24  }
0x15b: {  	[tilespmem:s5], [sflag:$0x3] =	stream.linear.gather [hbm4b:s24+s2], $0x400, $0x38;
	[tilespmem:$0x1A200] =	vst v63  }
0x15c: {  	s26 =	rddreg [dreg:$0x6];
	s25 =	spop (v2sf);
	s24 =	sadd.s32 $0xF4280, s24  }
0x15d: {  	(v2sf) =	vpush v17, $0x5;
	[tilespmem:s26], [sflag:$0x3] =	stream.linear.gather [hbm4b:s24+s2], $0x400, $0x38;
	[tilespmem:$0x1A200] =	vst v63  }
0x15e: {  	s24 =	sand.u32 $0x1FFFFF80, s25  }
0x15f: {  	s26 =	rddreg [dreg:$0x7];
	s24 =	sadd.s32 s1, s24  }
0x160: {  	[tilespmem:s26], [sflag:$0x3] =	stream.linear.gather [hbm4b:s24+s2], $0x400, $0x38;
	[tilespmem:$0x1A200] =	vst v63  }
0x161: {  	s5 =	rddreg [dreg:$0x8];
	s24 =	sadd.s32 $0xF4280, s24  }
0x162: {  	[tilespmem:s5], [sflag:$0x3] =	stream.linear.gather [hbm4b:s24+s2], $0x400, $0x38;
	[tilespmem:$0x1A200] =	vst v63  }
0x163: {  	s25 =	spop (v2sf)  }
0x164: {  	(v2sf) =	vpush v17, $0x6;
	s24 =	sand.u32 $0x1FFFFF80, s25  }
0x165: {  	s26 =	rddreg [dreg:$0x9];
	s24 =	sadd.s32 s1, s24  }
0x166: {  	[tilespmem:s26], [sflag:$0x3] =	stream.linear.gather [hbm4b:s24+s2], $0x400, $0x38;
	[tilespmem:$0x1A200] =	vst v63  }
0x167: {  	s5 =	rddreg [dreg:$0xa];
	s25 =	spop (v2sf);
	s24 =	sadd.s32 $0xF4280, s24  }
0x168: {  	(v2sf) =	vpush v17, $0x7;
	[tilespmem:s5], [sflag:$0x3] =	stream.linear.gather [hbm4b:s24+s2], $0x400, $0x38;
	[tilespmem:$0x1A200] =	vst v63  }
0x169: {  	s24 =	sand.u32 $0x1FFFFF80, s25  }
0x16a: {  	s26 =	rddreg [dreg:$0xb];
	s24 =	sadd.s32 s1, s24  }
0x16b: {  	[tilespmem:s26], [sflag:$0x3] =	stream.linear.gather [hbm4b:s24+s2], $0x400, $0x38;
	[tilespmem:$0x1A200] =	vst v63  }
0x16c: {  	s5 =	rddreg [dreg:$0xc];
	s25 =	spop (v2sf);
	s24 =	sadd.s32 $0xF4280, s24  }
0x16d: {  	(v2sf) =	vpush v17, $0x8;
	[tilespmem:s5], [sflag:$0x3] =	stream.linear.gather [hbm4b:s24+s2], $0x400, $0x38;
	[tilespmem:$0x1A200] =	vst v63  }
0x16e: {  	s24 =	sand.u32 $0x1FFFFF80, s25  }
0x16f: {  	s26 =	rddreg [dreg:$0xd];
	s24 =	sadd.s32 s1, s24  }
0x170: {  	[tilespmem:s26], [sflag:$0x3] =	stream.linear.gather [hbm4b:s24+s2], $0x400, $0x38;
	[tilespmem:$0x1A200] =	vst v63  }
0x171: {  	s5 =	rddreg [dreg:$0xe];
	s24 =	sadd.s32 $0xF4280, s24  }
0x172: {  	[tilespmem:s5], [sflag:$0x3] =	stream.linear.gather [hbm4b:s24+s2], $0x400, $0x38;
	[tilespmem:$0x1A200] =	vst v63  }
0x173: {  	s25 =	spop (v2sf)  }
0x174: {  	(v2sf) =	vpush v17, $0x9;
	s24 =	sand.u32 $0x1FFFFF80, s25  }
0x175: {  	s26 =	rddreg [dreg:$0xf];
	s24 =	sadd.s32 s1, s24  }
0x176: {  	[tilespmem:s26], [sflag:$0x3] =	stream.linear.gather [hbm4b:s24+s2], $0x400, $0x38;
	[tilespmem:$0x1A200] =	vst v63  }
0x177: {  	s5 =	rddreg [dreg:$0x10];
	s25 =	spop (v2sf);
	s24 =	sadd.s32 $0xF4280, s24  }
0x178: {  	(v2sf) =	vpush v17, $0xA;
	[tilespmem:s5], [sflag:$0x3] =	stream.linear.gather [hbm4b:s24+s2], $0x400, $0x38;
	[tilespmem:$0x1A200] =	vst v63  }
0x179: {  	s24 =	sand.u32 $0x1FFFFF80, s25  }
0x17a: {  	s26 =	rddreg [dreg:$0x11];
	s24 =	sadd.s32 s1, s24  }
0x17b: {  	[tilespmem:s26], [sflag:$0x3] =	stream.linear.gather [hbm4b:s24+s2], $0x400, $0x38;
	[tilespmem:$0x1A200] =	vst v63  }
0x17c: {  	s5 =	rddreg [dreg:$0x12];
	s25 =	spop (v2sf);
	s24 =	sadd.s32 $0xF4280, s24  }
0x17d: {  	(v2sf) =	vpush v17, $0xB;
	[tilespmem:s5], [sflag:$0x3] =	stream.linear.gather [hbm4b:s24+s2], $0x400, $0x38;
	[tilespmem:$0x1A200] =	vst v63  }
0x17e: {  	s24 =	sand.u32 $0x1FFFFF80, s25  }
0x17f: {  	s26 =	rddreg [dreg:$0x13];
	s24 =	sadd.s32 s1, s24  }
0x180: {  	[tilespmem:s26], [sflag:$0x3] =	stream.linear.gather [hbm4b:s24+s2], $0x400, $0x38;
	[tilespmem:$0x1A200] =	vst v63  }
0x181: {  	s5 =	rddreg [dreg:$0x14];
	s24 =	sadd.s32 $0xF4280, s24  }
0x182: {  	[tilespmem:s5], [sflag:$0x3] =	stream.linear.gather [hbm4b:s24+s2], $0x400, $0x38;
	[tilespmem:$0x1A200] =	vst v63  }
0x183: {  	s25 =	spop (v2sf)  }
0x184: {  	(v2sf) =	vpush v17, $0xC;
	s24 =	sand.u32 $0x1FFFFF80, s25  }
0x185: {  	s26 =	rddreg [dreg:$0x15];
	s24 =	sadd.s32 s1, s24  }
0x186: {  	[tilespmem:s26], [sflag:$0x3] =	stream.linear.gather [hbm4b:s24+s2], $0x400, $0x38;
	[tilespmem:$0x1A200] =	vst v63  }
0x187: {  	s5 =	rddreg [dreg:$0x16];
	s25 =	spop (v2sf);
	s24 =	sadd.s32 $0xF4280, s24  }
0x188: {  	(v2sf) =	vpush v17, $0xD;
	[tilespmem:s5], [sflag:$0x3] =	stream.linear.gather [hbm4b:s24+s2], $0x400, $0x38;
	[tilespmem:$0x1A200] =	vst v63  }
0x189: {  	s24 =	sand.u32 $0x1FFFFF80, s25  }
0x18a: {  	s26 =	rddreg [dreg:$0x17];
	s24 =	sadd.s32 s1, s24  }
0x18b: {  	[tilespmem:s26], [sflag:$0x3] =	stream.linear.gather [hbm4b:s24+s2], $0x400, $0x38;
	[tilespmem:$0x1A200] =	vst v63  }
0x18c: {  	s5 =	rddreg [dreg:$0x18];
	s25 =	spop (v2sf);
	s24 =	sadd.s32 $0xF4280, s24  }
0x18d: {  	(v2sf) =	vpush v17, $0xE;
	[tilespmem:s5], [sflag:$0x3] =	stream.linear.gather [hbm4b:s24+s2], $0x400, $0x38;
	[tilespmem:$0x1A200] =	vst v63  }
0x18e: {  	s24 =	sand.u32 $0x1FFFFF80, s25  }
0x18f: {  	s26 =	rddreg [dreg:$0x19];
	s24 =	sadd.s32 s1, s24  }
0x190: {  	[tilespmem:s26], [sflag:$0x3] =	stream.linear.gather [hbm4b:s24+s2], $0x400, $0x38;
	[tilespmem:$0x1A200] =	vst v63  }
0x191: {  	s5 =	rddreg [dreg:$0x1a];
	s24 =	sadd.s32 $0xF4280, s24  }
0x192: {  	[tilespmem:s5], [sflag:$0x3] =	stream.linear.gather [hbm4b:s24+s2], $0x400, $0x38;
	[tilespmem:$0x1A200] =	vst v63  }
0x193: {  	s25 =	spop (v2sf)  }
0x194: {  	(v2sf) =	vpush v17, $0xF;
	s24 =	sand.u32 $0x1FFFFF80, s25  }
0x195: {  	s26 =	rddreg [dreg:$0x1b];
	s24 =	sadd.s32 s1, s24  }
0x196: {  	[tilespmem:s26], [sflag:$0x3] =	stream.linear.gather [hbm4b:s24+s2], $0x400, $0x38;
	[tilespmem:$0x1A200] =	vst v63  }
0x197: {  	s5 =	rddreg [dreg:$0x1c];
	s25 =	spop (v2sf);
	s24 =	sadd.s32 $0xF4280, s24  }
0x198: {  	[tilespmem:s5], [sflag:$0x3] =	stream.linear.gather [hbm4b:s24+s2], $0x400, $0x38;
	[tilespmem:$0x1A200] =	vst v63  }
0x199: {  	s24 =	sand.u32 $0x1FFFFF80, s25  }
0x19a: {  	s26 =	rddreg [dreg:$0x1d];
	s24 =	sadd.s32 s1, s24  }
0x19b: {  	[tilespmem:s26], [sflag:$0x3] =	stream.linear.gather [hbm4b:s24+s2], $0x400, $0x38;
	[tilespmem:$0x1A200] =	vst v63  }
0x19c: {  	s5 =	rddreg [dreg:$0x1e];
	s25 =	spop (v2sf);
	s24 =	sadd.s32 $0xF4280, s24  }
0x19d: {  	[tilespmem:s5], [sflag:$0x3] =	stream.linear.gather [hbm4b:s24+s2], $0x400, $0x38;
	[tilespmem:$0x1A200] =	vst v63  }
0x19e: {  	s26 =	rddreg [dreg:$0x1f];
	s24 =	sand.u32 $0x1FFFFF80, s25  }
0x19f: {  	s5 =	sld [smem:$0x7FA];
	s24 =	sadd.s32 s1, s24  }
0x1a0: {  	[tilespmem:s26], [sflag:$0x3] =	stream.linear.gather [hbm4b:s24+s2], $0x400, $0x38;
	[tilespmem:$0x1A200] =	vst v63  }
0x1a1: {  	s24 =	sadd.s32 $0xF4280, s24  }
0x1a2: {  	[tilespmem:s5], [sflag:$0x3] =	stream.linear.gather [hbm4b:s24+s2], $0x400, $0x38;
	[tilespmem:$0x1A200] =	vst v63  }
0x1a3: {  	s26 =	sld [smem:$0x7FB];
	s25 =	spop (v2sf)  }
0x1a4: {  	s24 =	sand.u32 $0x1FFFFF80, s25  }
0x1a5: {  	s5 =	sld [smem:$0x7FC];
	s24 =	sadd.s32 s1, s24  }
0x1a6: {  	[tilespmem:s26], [sflag:$0x3] =	stream.linear.gather [hbm4b:s24+s2], $0x400, $0x38;
	[tilespmem:$0x1A200] =	vst v63  }
0x1a7: {  	s24 =	sadd.s32 $0xF4280, s24  }
0x1a8: {  	[tilespmem:s5], [sflag:$0x3] =	stream.linear.gather [hbm4b:s24+s2], $0x400, $0x38;
	[tilespmem:$0x1A200] =	vst v63  }
0x1a9: {  	_ =	swait.ge [sflag:s20], $0x8000  }
0x1aa: {  	[sflag:s20] =	ssyncset.done $0x0  }
0x1ab: {  	[sflag:s20] =	ssyncadd.s32 $0xFFFF8000  }
0x1ac: {  	v17 =	vld [tilespmem:s22+$0xFFFFFFF0];
	_ =	sdelay $0x4  }
0x1ad: {  	v17 =	vand.u32 $0x7F, v17  }
0x1ae: {  	v18 =	vor.u32 v1, v17  }
0x1af: {  	v19 =	vor.u32 v2, v17  }
0x1b0: {  	v37 =	vor.u32 v3, v17  }
0x1b1: {  	v38 =	vor.u32 v4, v17  }
0x1b2: {  	v39 =	vor.u32 v5, v17  }
0x1b3: {  	v40 =	vor.u32 v6, v17;
	v18 =	vld.idx.msk [tilespmem:v18+s12+$0x0], $0xffff  }
0x1b4: {  	v41 =	vor.u32 v7, v17;
	v19 =	vld.idx.msk [tilespmem:v19+s12+$0x0], $0xffff  }
0x1b5: {  	v42 =	vor.u32 v8, v17;
	v20 =	vld.idx.msk [tilespmem:v37+s12+$0x0], $0xffff  }
0x1b6: {  	v43 =	vor.u32 v9, v17;
	v21 =	vld.idx.msk [tilespmem:v38+s12+$0x0], $0xffff  }
0x1b7: {  	v44 =	vor.u32 v10, v17;
	v22 =	vld.idx.msk [tilespmem:v39+s12+$0x0], $0xffff  }
0x1b8: {  	v45 =	vor.u32 v11, v17;
	v23 =	vld.idx.msk [tilespmem:v40+s12+$0x0], $0xffff  }
0x1b9: {  	v46 =	vor.u32 v12, v17;
	v24 =	vld.idx.msk [tilespmem:v41+s12+$0x0], $0xffff;
	v47 =	vmax.f32 v18, v19  }
0x1ba: {  	v48 =	vor.u32 v13, v17;
	v25 =	vld.idx.msk [tilespmem:v42+s12+$0x0], $0xffff;
	v30 =	vmax.f32 v47, v20  }
0x1bb: {  	v49 =	vor.u32 v14, v17;
	v26 =	vld.idx.msk [tilespmem:v43+s12+$0x0], $0xffff;
	v30 =	vmax.f32 v30, v21  }
0x1bc: {  	v50 =	vor.u32 v15, v17;
	v27 =	vld.idx.msk [tilespmem:v44+s12+$0x0], $0xffff;
	v30 =	vmax.f32 v30, v22  }
0x1bd: {  	v17 =	vor.u32 v16, v17;
	v28 =	vld.idx.msk [tilespmem:v45+s12+$0x0], $0xffff;
	v30 =	vmax.f32 v30, v23  }
0x1be: {  	v29 =	vld.idx.msk [tilespmem:v46+s12+$0x0], $0xffff;
	v30 =	vmax.f32 v30, v24  }
0x1bf: {  	v31 =	vld.idx.msk [tilespmem:v48+s12+$0x0], $0xffff;
	v30 =	vmax.f32 v30, v25  }
0x1c0: {  	v32 =	vld.idx.msk [tilespmem:v49+s12+$0x0], $0xffff;
	v30 =	vmax.f32 v30, v26  }
0x1c1: {  	v33 =	vld.idx.msk [tilespmem:v50+s12+$0x0], $0xffff;
	v30 =	vmax.f32 v30, v27  }
0x1c2: {  	v17 =	vld.idx.msk [tilespmem:v17+s12+$0x0], $0xffff;
	v30 =	vmax.f32 v30, v28  }
0x1c3: {  	v30 =	vmax.f32 v30, v29  }
0x1c4: {  	v30 =	vmax.f32 v30, v31  }
0x1c5: {  	v30 =	vmax.f32 v30, v32  }
0x1c6: {  	v30 =	vmax.f32 v30, v33  }
0x1c7: {  	v30 =	vmax.f32 v30, v17  }
0x1c8: {  	v18 =	vsub.f32 v18, v30  }
0x1c9: {  	v19 =	vsub.f32 v19, v30  }
0x1ca: {  	v18 =	vmul.f32 $1.442695020e+00, v18  }
0x1cb: {  	v20 =	vsub.f32 v20, v30;
	v19 =	vmul.f32 $1.442695020e+00, v19  }
0x1cc: {  	(erf) = vpow2.f32 v18  }
0x1cd: {  	v18 =	vmul.f32 $1.442695020e+00, v20;
	(erf) = vpow2.f32 v19;
	v19 =	vsub.f32 v21, v30;
	_ =	sdelay $0x1  }
0x1ce: {  	(erf) = vpow2.f32 v18;
	v18 =	vmul.f32 $1.442695020e+00, v19;
	v19 =	vsub.f32 v22, v30;
	_ =	sdelay $0x1  }
0x1cf: {  	(erf) = vpow2.f32 v18;
	v18 =	vmul.f32 $1.442695020e+00, v19;
	v19 =	vsub.f32 v23, v30;
	_ =	sdelay $0x1  }
0x1d0: {  	(erf) = vpow2.f32 v18;
	v18 =	vmul.f32 $1.442695020e+00, v19;
	v19 =	vsub.f32 v24, v30;
	_ =	sdelay $0x1  }
0x1d1: {  	v51 =	vsub.f32 v25, v30  }
0x1d2: {  	v52 =	vpop (erf);
	(erf) = vpow2.f32 v18;
	v18 =	vmul.f32 $1.442695020e+00, v19  }
0x1d3: {  	v20 =	vmul.f32 $1.442695020e+00, v51;
	v19 =	vpop (erf)  }
0x1d4: {  	(erf) = vpow2.f32 v18;
	v18 =	vsub.f32 v26, v30;
	v53 =	vadd.f32 v19, v52  }
0x1d5: {  	v54 =	vsub.f32 v27, v30;
	v23 =	vpop (erf)  }
0x1d6: {  	(erf) = vpow2.f32 v20;
	v18 =	vmul.f32 $1.442695020e+00, v18;
	v22 =	vadd.f32 v53, v23  }
0x1d7: {  	v24 =	vpop (erf)  }
0x1d8: {  	(erf) = vpow2.f32 v18;
	v18 =	vmul.f32 $1.442695020e+00, v54;
	v56 =	vadd.f32 v22, v24  }
0x1d9: {  	v55 =	vsub.f32 v28, v30;
	v57 =	vpop (erf)  }
0x1da: {  	(erf) = vpow2.f32 v18;
	v18 =	vsub.f32 v29, v30;
	v20 =	vadd.f32 v56, v57  }
0x1db: {  	v25 =	vmul.f32 $1.442695020e+00, v55;
	v58 =	vpop (erf)  }
0x1dc: {  	v59 =	vsub.f32 v31, v30;
	v18 =	vmul.f32 $1.442695020e+00, v18;
	v20 =	vadd.f32 v20, v58  }
0x1dd: {  	v61 =	vsub.f32 v32, v30;
	(erf) = vpow2.f32 v25;
	v60 =	vpop (erf)  }
0x1de: {  	(erf) = vpow2.f32 v18;
	v18 =	vmul.f32 $1.442695020e+00, v59;
	v20 =	vadd.f32 v20, v60  }
0x1df: {  	v28 =	vmul.f32 $1.442695020e+00, v61;
	v62 =	vpop (erf)  }
0x1e0: {  	(erf) = vpow2.f32 v18;
	v18 =	vsub.f32 v33, v30;
	v20 =	vadd.f32 v20, v62  }
0x1e1: {  	v63 =	vpop (erf)  }
0x1e2: {  	v18 =	vmul.f32 $1.442695020e+00, v18;
	v20 =	vadd.f32 v20, v63  }
0x1e3: {  	v17 =	vsub.f32 v17, v30;
	(erf) = vpow2.f32 v28;
	v28 =	vpop (erf)  }
0x1e4: {  	(erf) = vpow2.f32 v18;
	v18 =	vadd.f32 v20, v28  }
0x1e5: {  	v17 =	vmul.f32 $1.442695020e+00, v17  }
0x1e6: {  	v20 =	vpop (erf)  }
0x1e7: {  	(erf) = vpow2.f32 v17;
	v17 =	vadd.f32 v18, v20  }
0x1e8: {  	v18 =	vpop (erf)  }
0x1e9: {  	v17 =	vadd.f32 v17, v18  }
0x1ea: {  	v30 =	vpop (erf)  }
0x1eb: {  	v17 =	vadd.f32 v17, v30  }
0x1ec: {  	v44 =	vpop (erf)  }
0x1ed: {  	v17 =	vadd.f32 v17, v44  }
0x1ee: {  	v45 =	vpop (erf)  }
0x1ef: {  	v17 =	vadd.f32 v17, v45  }
0x1f0: {  	v46 =	vpop (erf)  }
0x1f1: {  	v17 =	vadd.f32 v17, v46;
	_ =	sdelay $0x1  }
0x1f2: {  	(erf) = vrcp.f32 v17;
	_ =	sdelay $0x2  }
0x1f3: {  	s5 =	sadd.s32 $0xFFFFFFF0, s23  }
0x1f4: {  	v17 =	vmov s5  }
0x1f5: {  	v47 =	vor.u32 s5, v0;
	v17 =	vshll.u32 v17, $0x3  }
0x1f6: {  	v34 =	vand.u32 $0x7F, v47;
	v48 =	vand.u32 $0x3C00, v17  }
0x1f7: {  	v35 =	vor.u32 v34, v48  }
0x1f8: {  	v49 =	vor.u32 $0x80, v35  }
0x1f9: {  	v51 =	vor.u32 $0x100, v35;
	v50 =	vpop (erf)  }
0x1fa: {  	v21 =	vmul.f32 v50, v52;
	v52 =	vor.u32 $0x180, v35  }
0x1fb: {  	v53 =	vor.u32 $0x200, v35;
	v19 =	vmul.f32 v50, v19  }
0x1fc: {  	v55 =	vor.u32 $0x280, v35;
	v54 =	vmul.f32 v50, v23;
	[tilespmem:v35+s18+$0x0] =	vst.idx.msk $0xffff, v21  }
0x1fd: {  	v17 =	vor.u32 v34, v17;
	v56 =	vor.u32 $0x300, v35;
	[tilespmem:v49+s18+$0x0] =	vst.idx.msk $0xffff, v19;
	v19 =	vmul.f32 v50, v24  }
0x1fe: {  	v17 =	vor.u32 $0x380, v17;
	v57 =	vmul.f32 v50, v57;
	[tilespmem:v51+s18+$0x0] =	vst.idx.msk $0xffff, v54  }
0x1ff: {  	[tilespmem:v52+s18+$0x0] =	vst.idx.msk $0xffff, v19;
	v19 =	vmul.f32 v50, v58;
	v58 =	vadd.s32 $0x1000, v35  }
0x200: {  	v59 =	vmul.f32 v50, v60;
	v60 =	vadd.s32 $0x1080, v35;
	[tilespmem:v53+s18+$0x0] =	vst.idx.msk $0xffff, v57  }
0x201: {  	v61 =	vadd.s32 $0x1100, v35;
	[tilespmem:v55+s18+$0x0] =	vst.idx.msk $0xffff, v19;
	v19 =	vmul.f32 v50, v62  }
0x202: {  	v62 =	vmul.f32 v50, v63;
	v63 =	vadd.s32 $0x1180, v35;
	[tilespmem:v56+s18+$0x0] =	vst.idx.msk $0xffff, v59  }
0x203: {  	[tilespmem:v17+s18+$0x0] =	vst.idx.msk $0xffff, v19;
	v17 =	vmul.f32 v50, v28;
	v19 =	vadd.s32 $0x1200, v35  }
0x204: {  	v20 =	vmul.f32 v50, v20;
	v28 =	vadd.s32 $0x1280, v35;
	[tilespmem:v58+s18+$0x0] =	vst.idx.msk $0xffff, v62  }
0x205: {  	[tilespmem:v60+s18+$0x0] =	vst.idx.msk $0xffff, v17;
	v17 =	vmul.f32 v50, v18;
	v18 =	vadd.s32 $0x1300, v35  }
0x206: {  	v29 =	vmul.f32 v50, v30;
	v30 =	vadd.s32 $0x1380, v35;
	[tilespmem:v61+s18+$0x0] =	vst.idx.msk $0xffff, v20  }
0x207: {  	[tilespmem:v63+s18+$0x0] =	vst.idx.msk $0xffff, v17;
	v17 =	vmul.f32 v50, v44  }
0x208: {  	[tilespmem:v19+s18+$0x0] =	vst.idx.msk $0xffff, v29;
	v19 =	vmul.f32 v50, v45  }
0x209: {  	[tilespmem:v28+s18+$0x0] =	vst.idx.msk $0xffff, v17;
	v17 =	vmul.f32 v50, v46  }
0x20a: {  	[tilespmem:v18+s18+$0x0] =	vst.idx.msk $0xffff, v19  }
0x20b: {  	[tilespmem:v30+s18+$0x0] =	vst.idx.msk $0xffff, v17  }
0x20c: {  	v17 =	vld [tilespmem:s22+$0x10];
	_ =	sdelay $0x4  }
0x20d: {  	v17 =	vshrl.u32 v17, $0x7  }
0x20e: {  	v17 =	vshll.u32 v17, $0x7  }
0x20f: {  	(v2sf) =	vpush v17, $0x0;
	_ =	sdelay $0x3  }
0x210: {  	(v2sf) =	vpush v17, $0x1;
	_ =	sdelay $0x6  }
0x211: {  	(v2sf) =	vpush v17, $0x2;
	_ =	sdelay $0x3  }
0x212: {  	s5 =	spop (v2sf)  }
0x213: {  	s24 =	sand.u32 $0x1FFFFF80, s5  }
0x214: {  	(v2sf) =	vpush v17, $0x3;
	s24 =	sadd.s32 s1, s24  }
0x215: {  	[tilespmem:s8], [sflag:$0x1] =	stream.linear.gather [hbm4b:s24+s2], $0x400, $0x38;
	[tilespmem:$0x1A200] =	vst v63  }
0x216: {  	s25 =	simm.s32 $0x4200;
	s5 =	spop (v2sf);
	s24 =	sadd.s32 $0xF4280, s24  }
0x217: {  	[tilespmem:s25], [sflag:$0x1] =	stream.linear.gather [hbm4b:s24+s2], $0x400, $0x38;
	[tilespmem:$0x1A200] =	vst v63  }
0x218: {  	s24 =	sand.u32 $0x1FFFFF80, s5  }
0x219: {  	s26 =	simm.s32 $0x600;
	s24 =	sadd.s32 s1, s24  }
0x21a: {  	(v2sf) =	vpush v17, $0x4;
	[tilespmem:s26], [sflag:$0x1] =	stream.linear.gather [hbm4b:s24+s2], $0x400, $0x38;
	[tilespmem:$0x1A200] =	vst v63  }
0x21b: {  	s5 =	simm.s32 $0x4600;
	s24 =	sadd.s32 $0xF4280, s24  }
0x21c: {  	[tilespmem:s5], [sflag:$0x1] =	stream.linear.gather [hbm4b:s24+s2], $0x400, $0x38;
	[tilespmem:$0x1A200] =	vst v63  }
0x21d: {  	s5 =	spop (v2sf)  }
0x21e: {  	s24 =	sand.u32 $0x1FFFFF80, s5  }
0x21f: {  	s5 =	simm.s32 $0xA00;
	s24 =	sadd.s32 s1, s24  }
0x220: {  	(v2sf) =	vpush v17, $0x5;
	[tilespmem:s5], [sflag:$0x1] =	stream.linear.gather [hbm4b:s24+s2], $0x400, $0x38;
	[tilespmem:$0x1A200] =	vst v63  }
0x221: {  	s24 =	sadd.s32 $0xF4280, s24;
	s5 =	simm.s32 $0x4A00  }
0x222: {  	[tilespmem:s5], [sflag:$0x1] =	stream.linear.gather [hbm4b:s24+s2], $0x400, $0x38;
	[tilespmem:$0x1A200] =	vst v63  }
0x223: {  	s5 =	spop (v2sf)  }
0x224: {  	s24 =	sand.u32 $0x1FFFFF80, s5  }
0x225: {  	s5 =	simm.s32 $0xE00;
	s24 =	sadd.s32 s1, s24  }
0x226: {  	(v2sf) =	vpush v17, $0x6;
	[tilespmem:s5], [sflag:$0x1] =	stream.linear.gather [hbm4b:s24+s2], $0x400, $0x38;
	[tilespmem:$0x1A200] =	vst v63  }
0x227: {  	s24 =	sadd.s32 $0xF4280, s24;
	s5 =	simm.s32 $0x4E00  }
0x228: {  	[tilespmem:s5], [sflag:$0x1] =	stream.linear.gather [hbm4b:s24+s2], $0x400, $0x38;
	[tilespmem:$0x1A200] =	vst v63  }
0x229: {  	s5 =	spop (v2sf)  }
0x22a: {  	s24 =	sand.u32 $0x1FFFFF80, s5  }
0x22b: {  	s5 =	simm.s32 $0x1200;
	s24 =	sadd.s32 s1, s24  }
0x22c: {  	(v2sf) =	vpush v17, $0x7;
	[tilespmem:s5], [sflag:$0x1] =	stream.linear.gather [hbm4b:s24+s2], $0x400, $0x38;
	[tilespmem:$0x1A200] =	vst v63  }
0x22d: {  	s24 =	sadd.s32 $0xF4280, s24;
	s5 =	simm.s32 $0x5200  }
0x22e: {  	[tilespmem:s5], [sflag:$0x1] =	stream.linear.gather [hbm4b:s24+s2], $0x400, $0x38;
	[tilespmem:$0x1A200] =	vst v63  }
0x22f: {  	s5 =	spop (v2sf)  }
0x230: {  	s24 =	sand.u32 $0x1FFFFF80, s5  }
0x231: {  	s5 =	simm.s32 $0x1600;
	s24 =	sadd.s32 s1, s24  }
0x232: {  	(v2sf) =	vpush v17, $0x8;
	[tilespmem:s5], [sflag:$0x1] =	stream.linear.gather [hbm4b:s24+s2], $0x400, $0x38;
	[tilespmem:$0x1A200] =	vst v63  }
0x233: {  	s24 =	sadd.s32 $0xF4280, s24;
	s5 =	simm.s32 $0x5600  }
0x234: {  	[tilespmem:s5], [sflag:$0x1] =	stream.linear.gather [hbm4b:s24+s2], $0x400, $0x38;
	[tilespmem:$0x1A200] =	vst v63  }
0x235: {  	s5 =	spop (v2sf)  }
0x236: {  	s24 =	sand.u32 $0x1FFFFF80, s5  }
0x237: {  	s5 =	simm.s32 $0x1A00;
	s24 =	sadd.s32 s1, s24  }
0x238: {  	(v2sf) =	vpush v17, $0x9;
	[tilespmem:s5], [sflag:$0x1] =	stream.linear.gather [hbm4b:s24+s2], $0x400, $0x38;
	[tilespmem:$0x1A200] =	vst v63  }
0x239: {  	s24 =	sadd.s32 $0xF4280, s24;
	s5 =	simm.s32 $0x5A00  }
0x23a: {  	[tilespmem:s5], [sflag:$0x1] =	stream.linear.gather [hbm4b:s24+s2], $0x400, $0x38;
	[tilespmem:$0x1A200] =	vst v63  }
0x23b: {  	s5 =	spop (v2sf)  }
0x23c: {  	s24 =	sand.u32 $0x1FFFFF80, s5  }
0x23d: {  	s5 =	simm.s32 $0x1E00;
	s24 =	sadd.s32 s1, s24  }
0x23e: {  	(v2sf) =	vpush v17, $0xA;
	[tilespmem:s5], [sflag:$0x1] =	stream.linear.gather [hbm4b:s24+s2], $0x400, $0x38;
	[tilespmem:$0x1A200] =	vst v63  }
0x23f: {  	s24 =	sadd.s32 $0xF4280, s24;
	s5 =	simm.s32 $0x5E00  }
0x240: {  	[tilespmem:s5], [sflag:$0x1] =	stream.linear.gather [hbm4b:s24+s2], $0x400, $0x38;
	[tilespmem:$0x1A200] =	vst v63  }
0x241: {  	s5 =	spop (v2sf)  }
0x242: {  	s24 =	sand.u32 $0x1FFFFF80, s5  }
0x243: {  	s5 =	simm.s32 $0x2200;
	s24 =	sadd.s32 s1, s24  }
0x244: {  	(v2sf) =	vpush v17, $0xB;
	[tilespmem:s5], [sflag:$0x1] =	stream.linear.gather [hbm4b:s24+s2], $0x400, $0x38;
	[tilespmem:$0x1A200] =	vst v63  }
0x245: {  	s24 =	sadd.s32 $0xF4280, s24;
	s5 =	simm.s32 $0x6200  }
0x246: {  	[tilespmem:s5], [sflag:$0x1] =	stream.linear.gather [hbm4b:s24+s2], $0x400, $0x38;
	[tilespmem:$0x1A200] =	vst v63  }
0x247: {  	s5 =	spop (v2sf)  }
0x248: {  	s24 =	sand.u32 $0x1FFFFF80, s5  }
0x249: {  	s5 =	simm.s32 $0x2600;
	s24 =	sadd.s32 s1, s24  }
0x24a: {  	(v2sf) =	vpush v17, $0xC;
	[tilespmem:s5], [sflag:$0x1] =	stream.linear.gather [hbm4b:s24+s2], $0x400, $0x38;
	[tilespmem:$0x1A200] =	vst v63  }
0x24b: {  	s24 =	sadd.s32 $0xF4280, s24;
	s5 =	simm.s32 $0x6600  }
0x24c: {  	[tilespmem:s5], [sflag:$0x1] =	stream.linear.gather [hbm4b:s24+s2], $0x400, $0x38;
	[tilespmem:$0x1A200] =	vst v63  }
0x24d: {  	s5 =	spop (v2sf)  }
0x24e: {  	s24 =	sand.u32 $0x1FFFFF80, s5  }
0x24f: {  	s5 =	simm.s32 $0x2A00;
	s24 =	sadd.s32 s1, s24  }
0x250: {  	(v2sf) =	vpush v17, $0xD;
	[tilespmem:s5], [sflag:$0x1] =	stream.linear.gather [hbm4b:s24+s2], $0x400, $0x38;
	[tilespmem:$0x1A200] =	vst v63  }
0x251: {  	s24 =	sadd.s32 $0xF4280, s24;
	s5 =	simm.s32 $0x6A00  }
0x252: {  	[tilespmem:s5], [sflag:$0x1] =	stream.linear.gather [hbm4b:s24+s2], $0x400, $0x38;
	[tilespmem:$0x1A200] =	vst v63  }
0x253: {  	s5 =	spop (v2sf)  }
0x254: {  	s24 =	sand.u32 $0x1FFFFF80, s5  }
0x255: {  	s5 =	simm.s32 $0x2E00;
	s24 =	sadd.s32 s1, s24  }
0x256: {  	(v2sf) =	vpush v17, $0xE;
	[tilespmem:s5], [sflag:$0x1] =	stream.linear.gather [hbm4b:s24+s2], $0x400, $0x38;
	[tilespmem:$0x1A200] =	vst v63  }
0x257: {  	s24 =	sadd.s32 $0xF4280, s24  }
0x258: {  	[tilespmem:s6], [sflag:$0x1] =	stream.linear.gather [hbm4b:s24+s2], $0x400, $0x38;
	[tilespmem:$0x1A200] =	vst v63  }
0x259: {  	s5 =	spop (v2sf)  }
0x25a: {  	s24 =	sand.u32 $0x1FFFFF80, s5  }
0x25b: {  	s24 =	sadd.s32 s1, s24  }
0x25c: {  	(v2sf) =	vpush v17, $0xF;
	[tilespmem:s7], [sflag:$0x1] =	stream.linear.gather [hbm4b:s24+s2], $0x400, $0x38;
	[tilespmem:$0x1A200] =	vst v63  }
0x25d: {  	s24 =	sadd.s32 $0xF4280, s24  }
0x25e: {  	[tilespmem:s9], [sflag:$0x1] =	stream.linear.gather [hbm4b:s24+s2], $0x400, $0x38;
	[tilespmem:$0x1A200] =	vst v63  }
0x25f: {  	s5 =	spop (v2sf)  }
0x260: {  	s24 =	sand.u32 $0x1FFFFF80, s5  }
0x261: {  	s24 =	sadd.s32 s1, s24  }
0x262: {  	[tilespmem:s10], [sflag:$0x1] =	stream.linear.gather [hbm4b:s24+s2], $0x400, $0x38;
	[tilespmem:$0x1A200] =	vst v63  }
0x263: {  	s24 =	sadd.s32 $0xF4280, s24  }
0x264: {  	[tilespmem:s11], [sflag:$0x1] =	stream.linear.gather [hbm4b:s24+s2], $0x400, $0x38;
	[tilespmem:$0x1A200] =	vst v63  }
0x265: {  	s5 =	spop (v2sf)  }
0x266: {  	s24 =	sand.u32 $0x1FFFFF80, s5  }
0x267: {  	s24 =	sadd.s32 s1, s24  }
0x268: {  	[tilespmem:s13], [sflag:$0x1] =	stream.linear.gather [hbm4b:s24+s2], $0x400, $0x38;
	[tilespmem:$0x1A200] =	vst v63  }
0x269: {  	s24 =	sadd.s32 $0xF4280, s24  }
0x26a: {  	[tilespmem:s14], [sflag:$0x1] =	stream.linear.gather [hbm4b:s24+s2], $0x400, $0x38;
	[tilespmem:$0x1A200] =	vst v63  }
0x26b: {  	s5 =	spop (v2sf)  }
0x26c: {  	s24 =	sand.u32 $0x1FFFFF80, s5  }
0x26d: {  	s5 =	simm.s32 $0x3E00;
	s24 =	sadd.s32 s1, s24  }
0x26e: {  	[tilespmem:s5], [sflag:$0x1] =	stream.linear.gather [hbm4b:s24+s2], $0x400, $0x38;
	[tilespmem:$0x1A200] =	vst v63  }
0x26f: {  	s24 =	sadd.s32 $0xF4280, s24;
	s5 =	simm.s32 $0x7E00  }
0x270: {  	[tilespmem:s5], [sflag:$0x1] =	stream.linear.gather [hbm4b:s24+s2], $0x400, $0x38;
	[tilespmem:$0x1A200] =	vst v63  }
0x271: {  	_ =	swait.ge [sflag:s21], $0x8000  }
0x272: {  	[sflag:s21] =	ssyncset.done $0x0  }
0x273: {  	[sflag:s21] =	ssyncadd.s32 $0xFFFF8000  }
0x274: {  	v17 =	vld [tilespmem:s22+$0x0];
	_ =	sdelay $0x4  }
0x275: {  	v17 =	vand.u32 $0x7F, v17  }
0x276: {  	v18 =	vor.u32 v1, v17  }
0x277: {  	v19 =	vor.u32 v2, v17  }
0x278: {  	v34 =	vor.u32 v3, v17  }
0x279: {  	v35 =	vor.u32 v4, v17  }
0x27a: {  	v36 =	vor.u32 v5, v17  }
0x27b: {  	v37 =	vor.u32 v6, v17;
	v18 =	vld.idx.msk [tilespmem:v18+s19+$0x0], $0xffff  }
0x27c: {  	v38 =	vor.u32 v7, v17;
	v19 =	vld.idx.msk [tilespmem:v19+s19+$0x0], $0xffff  }
0x27d: {  	v39 =	vor.u32 v8, v17;
	v20 =	vld.idx.msk [tilespmem:v34+s19+$0x0], $0xffff  }
0x27e: {  	v40 =	vor.u32 v9, v17;
	v21 =	vld.idx.msk [tilespmem:v35+s19+$0x0], $0xffff  }
0x27f: {  	v41 =	vor.u32 v10, v17;
	v22 =	vld.idx.msk [tilespmem:v36+s19+$0x0], $0xffff  }
0x280: {  	v42 =	vor.u32 v11, v17;
	v23 =	vld.idx.msk [tilespmem:v37+s19+$0x0], $0xffff  }
0x281: {  	v43 =	vor.u32 v12, v17;
	v24 =	vld.idx.msk [tilespmem:v38+s19+$0x0], $0xffff;
	v44 =	vmax.f32 v18, v19  }
0x282: {  	v45 =	vor.u32 v13, v17;
	v25 =	vld.idx.msk [tilespmem:v39+s19+$0x0], $0xffff;
	v30 =	vmax.f32 v44, v20  }
0x283: {  	v46 =	vor.u32 v14, v17;
	v26 =	vld.idx.msk [tilespmem:v40+s19+$0x0], $0xffff;
	v30 =	vmax.f32 v30, v21  }
0x284: {  	v47 =	vor.u32 v15, v17;
	v27 =	vld.idx.msk [tilespmem:v41+s19+$0x0], $0xffff;
	v30 =	vmax.f32 v30, v22  }
0x285: {  	v17 =	vor.u32 v16, v17;
	v28 =	vld.idx.msk [tilespmem:v42+s19+$0x0], $0xffff;
	v30 =	vmax.f32 v30, v23  }
0x286: {  	v29 =	vld.idx.msk [tilespmem:v43+s19+$0x0], $0xffff;
	v30 =	vmax.f32 v30, v24  }
0x287: {  	v31 =	vld.idx.msk [tilespmem:v45+s19+$0x0], $0xffff;
	v30 =	vmax.f32 v30, v25  }
0x288: {  	v32 =	vld.idx.msk [tilespmem:v46+s19+$0x0], $0xffff;
	v30 =	vmax.f32 v30, v26  }
0x289: {  	v33 =	vld.idx.msk [tilespmem:v47+s19+$0x0], $0xffff;
	v30 =	vmax.f32 v30, v27  }
0x28a: {  	v17 =	vld.idx.msk [tilespmem:v17+s19+$0x0], $0xffff;
	v30 =	vmax.f32 v30, v28  }
0x28b: {  	v30 =	vmax.f32 v30, v29  }
0x28c: {  	v30 =	vmax.f32 v30, v31  }
0x28d: {  	v30 =	vmax.f32 v30, v32  }
0x28e: {  	v30 =	vmax.f32 v30, v33  }
0x28f: {  	v30 =	vmax.f32 v30, v17  }
0x290: {  	v18 =	vsub.f32 v18, v30  }
0x291: {  	v19 =	vsub.f32 v19, v30  }
0x292: {  	v18 =	vmul.f32 $1.442695020e+00, v18  }
0x293: {  	v20 =	vsub.f32 v20, v30;
	v19 =	vmul.f32 $1.442695020e+00, v19  }
0x294: {  	(erf) = vpow2.f32 v18  }
0x295: {  	v18 =	vmul.f32 $1.442695020e+00, v20;
	(erf) = vpow2.f32 v19;
	v19 =	vsub.f32 v21, v30;
	_ =	sdelay $0x1  }
0x296: {  	(erf) = vpow2.f32 v18;
	v18 =	vmul.f32 $1.442695020e+00, v19;
	v19 =	vsub.f32 v22, v30;
	_ =	sdelay $0x1  }
0x297: {  	(erf) = vpow2.f32 v18;
	v18 =	vmul.f32 $1.442695020e+00, v19;
	v19 =	vsub.f32 v23, v30;
	_ =	sdelay $0x1  }
0x298: {  	(erf) = vpow2.f32 v18;
	v18 =	vmul.f32 $1.442695020e+00, v19;
	v19 =	vsub.f32 v24, v30;
	_ =	sdelay $0x1  }
0x299: {  	v48 =	vsub.f32 v25, v30  }
0x29a: {  	v49 =	vpop (erf);
	(erf) = vpow2.f32 v18;
	v18 =	vmul.f32 $1.442695020e+00, v19  }
0x29b: {  	v20 =	vmul.f32 $1.442695020e+00, v48;
	v19 =	vpop (erf)  }
0x29c: {  	(erf) = vpow2.f32 v18;
	v18 =	vsub.f32 v26, v30;
	v50 =	vadd.f32 v19, v49  }
0x29d: {  	v51 =	vsub.f32 v27, v30;
	v23 =	vpop (erf)  }
0x29e: {  	(erf) = vpow2.f32 v20;
	v18 =	vmul.f32 $1.442695020e+00, v18;
	v22 =	vadd.f32 v50, v23  }
0x29f: {  	v24 =	vpop (erf)  }
0x2a0: {  	(erf) = vpow2.f32 v18;
	v18 =	vmul.f32 $1.442695020e+00, v51;
	v53 =	vadd.f32 v22, v24  }
0x2a1: {  	v52 =	vsub.f32 v28, v30;
	v54 =	vpop (erf)  }
0x2a2: {  	(erf) = vpow2.f32 v18;
	v18 =	vsub.f32 v29, v30;
	v20 =	vadd.f32 v53, v54  }
0x2a3: {  	v25 =	vmul.f32 $1.442695020e+00, v52;
	v55 =	vpop (erf)  }
0x2a4: {  	v56 =	vsub.f32 v31, v30;
	v18 =	vmul.f32 $1.442695020e+00, v18;
	v20 =	vadd.f32 v20, v55  }
0x2a5: {  	(erf) = vpow2.f32 v25;
	v57 =	vpop (erf)  }
0x2a6: {  	(erf) = vpow2.f32 v18;
	v18 =	vmul.f32 $1.442695020e+00, v56;
	v20 =	vadd.f32 v20, v57  }
0x2a7: {  	v58 =	vsub.f32 v32, v30;
	v59 =	vpop (erf)  }
0x2a8: {  	(erf) = vpow2.f32 v18;
	v18 =	vsub.f32 v33, v30;
	v20 =	vadd.f32 v20, v59  }
0x2a9: {  	v28 =	vmul.f32 $1.442695020e+00, v58;
	v60 =	vpop (erf)  }
0x2aa: {  	v18 =	vmul.f32 $1.442695020e+00, v18;
	v20 =	vadd.f32 v20, v60  }
0x2ab: {  	v17 =	vsub.f32 v17, v30;
	(erf) = vpow2.f32 v28;
	v61 =	vpop (erf)  }
0x2ac: {  	(erf) = vpow2.f32 v18;
	v18 =	vadd.f32 v20, v61  }
0x2ad: {  	v17 =	vmul.f32 $1.442695020e+00, v17  }
0x2ae: {  	v62 =	vpop (erf)  }
0x2af: {  	(erf) = vpow2.f32 v17;
	v17 =	vadd.f32 v18, v62  }
0x2b0: {  	v18 =	vpop (erf)  }
0x2b1: {  	v17 =	vadd.f32 v17, v18  }
0x2b2: {  	v63 =	vpop (erf)  }
0x2b3: {  	v17 =	vadd.f32 v17, v63  }
0x2b4: {  	v31 =	vpop (erf)  }
0x2b5: {  	v17 =	vadd.f32 v17, v31  }
0x2b6: {  	v32 =	vpop (erf)  }
0x2b7: {  	v17 =	vadd.f32 v17, v32  }
0x2b8: {  	v33 =	vpop (erf)  }
0x2b9: {  	v17 =	vadd.f32 v17, v33;
	_ =	sdelay $0x1  }
0x2ba: {  	(erf) = vrcp.f32 v17;
	_ =	sdelay $0x3  }
0x2bb: {  	v17 =	vmov s23  }
0x2bc: {  	v44 =	vor.u32 s23, v0;
	v17 =	vshll.u32 v17, $0x3  }
0x2bd: {  	v34 =	vand.u32 $0x7F, v44;
	v45 =	vand.u32 $0x3C00, v17  }
0x2be: {  	v35 =	vor.u32 v34, v45  }
0x2bf: {  	v46 =	vor.u32 $0x80, v35  }
0x2c0: {  	v48 =	vor.u32 $0x100, v35;
	v47 =	vpop (erf)  }
0x2c1: {  	v21 =	vmul.f32 v47, v49;
	v49 =	vor.u32 $0x180, v35  }
0x2c2: {  	v50 =	vor.u32 $0x200, v35;
	v19 =	vmul.f32 v47, v19  }
0x2c3: {  	v52 =	vor.u32 $0x280, v35;
	v51 =	vmul.f32 v47, v23;
	[tilespmem:v35+s18+$0x0] =	vst.idx.msk $0xffff, v21  }
0x2c4: {  	v17 =	vor.u32 v34, v17;
	v53 =	vor.u32 $0x300, v35;
	[tilespmem:v46+s18+$0x0] =	vst.idx.msk $0xffff, v19;
	v19 =	vmul.f32 v47, v24  }
0x2c5: {  	v17 =	vor.u32 $0x380, v17;
	v54 =	vmul.f32 v47, v54;
	[tilespmem:v48+s18+$0x0] =	vst.idx.msk $0xffff, v51  }
0x2c6: {  	[tilespmem:v49+s18+$0x0] =	vst.idx.msk $0xffff, v19;
	v19 =	vmul.f32 v47, v55;
	v55 =	vadd.s32 $0x1000, v35  }
0x2c7: {  	v56 =	vmul.f32 v47, v57;
	v57 =	vadd.s32 $0x1080, v35;
	[tilespmem:v50+s18+$0x0] =	vst.idx.msk $0xffff, v54  }
0x2c8: {  	v58 =	vadd.s32 $0x1100, v35;
	[tilespmem:v52+s18+$0x0] =	vst.idx.msk $0xffff, v19;
	v19 =	vmul.f32 v47, v59  }
0x2c9: {  	v59 =	vmul.f32 v47, v60;
	v60 =	vadd.s32 $0x1180, v35;
	[tilespmem:v53+s18+$0x0] =	vst.idx.msk $0xffff, v56  }
0x2ca: {  	[tilespmem:v17+s18+$0x0] =	vst.idx.msk $0xffff, v19;
	v17 =	vmul.f32 v47, v61;
	v19 =	vadd.s32 $0x1200, v35  }
0x2cb: {  	v20 =	vmul.f32 v47, v62;
	v61 =	vadd.s32 $0x1280, v35;
	[tilespmem:v55+s18+$0x0] =	vst.idx.msk $0xffff, v59  }
0x2cc: {  	[tilespmem:v57+s18+$0x0] =	vst.idx.msk $0xffff, v17;
	v17 =	vmul.f32 v47, v18;
	v18 =	vadd.s32 $0x1300, v35  }
0x2cd: {  	v62 =	vmul.f32 v47, v63;
	v63 =	vadd.s32 $0x1380, v35;
	[tilespmem:v58+s18+$0x0] =	vst.idx.msk $0xffff, v20  }
0x2ce: {  	[tilespmem:v60+s18+$0x0] =	vst.idx.msk $0xffff, v17;
	v17 =	vmul.f32 v47, v31  }
0x2cf: {  	[tilespmem:v19+s18+$0x0] =	vst.idx.msk $0xffff, v62;
	v19 =	vmul.f32 v47, v32  }
0x2d0: {  	[tilespmem:v61+s18+$0x0] =	vst.idx.msk $0xffff, v17;
	v17 =	vmul.f32 v47, v33  }
0x2d1: {  	[tilespmem:v18+s18+$0x0] =	vst.idx.msk $0xffff, v19  }
0x2d2: {  	[tilespmem:v63+s18+$0x0] =	vst.idx.msk $0xffff, v17  }
0x2d3: {  	v17 =	vld [tilespmem:s22+$0x20];
	_ =	sdelay $0x4  }
0x2d4: {  	v17 =	vshrl.u32 v17, $0x7  }
0x2d5: {  	v17 =	vshll.u32 v17, $0x7  }
0x2d6: {  	(v2sf) =	vpush v17, $0x0;
	_ =	sdelay $0x5  }
0x2d7: {  	(v2sf) =	vpush v17, $0x1;
	_ =	sdelay $0x5  }
0x2d8: {  	(v2sf) =	vpush v17, $0x2;
	_ =	sdelay $0x2  }
0x2d9: {  	s5 =	spop (v2sf)  }
0x2da: {  	s24 =	sand.u32 $0x1FFFFF80, s5  }
0x2db: {  	s24 =	sadd.s32 s1, s24  }
0x2dc: {  	(v2sf) =	vpush v17, $0x3;
	[tilespmem:s12], [sflag:$0x2] =	stream.linear.gather [hbm4b:s24+s2], $0x400, $0x38;
	[tilespmem:$0x1A200] =	vst v63  }
0x2dd: {  	s5 =	simm.s32 $0xC200;
	s24 =	sadd.s32 $0xF4280, s24  }
0x2de: {  	[tilespmem:s5], [sflag:$0x2] =	stream.linear.gather [hbm4b:s24+s2], $0x400, $0x38;
	[tilespmem:$0x1A200] =	vst v63  }
0x2df: {  	s5 =	spop (v2sf)  }
0x2e0: {  	s24 =	sand.u32 $0x1FFFFF80, s5  }
0x2e1: {  	s5 =	simm.s32 $0x8600;
	s24 =	sadd.s32 s1, s24  }
0x2e2: {  	(v2sf) =	vpush v17, $0x4;
	[tilespmem:s5], [sflag:$0x2] =	stream.linear.gather [hbm4b:s24+s2], $0x400, $0x38;
	[tilespmem:$0x1A200] =	vst v63  }
0x2e3: {  	s24 =	sadd.s32 $0xF4280, s24;
	s5 =	simm.s32 $0xC600  }
0x2e4: {  	[tilespmem:s5], [sflag:$0x2] =	stream.linear.gather [hbm4b:s24+s2], $0x400, $0x38;
	[tilespmem:$0x1A200] =	vst v63  }
0x2e5: {  	s5 =	spop (v2sf)  }
0x2e6: {  	s24 =	sand.u32 $0x1FFFFF80, s5  }
0x2e7: {  	s5 =	simm.s32 $0x8A00;
	s24 =	sadd.s32 s1, s24  }
0x2e8: {  	(v2sf) =	vpush v17, $0x5;
	[tilespmem:s5], [sflag:$0x2] =	stream.linear.gather [hbm4b:s24+s2], $0x400, $0x38;
	[tilespmem:$0x1A200] =	vst v63  }
0x2e9: {  	s24 =	sadd.s32 $0xF4280, s24;
	s5 =	simm.s32 $0xCA00  }
0x2ea: {  	[tilespmem:s5], [sflag:$0x2] =	stream.linear.gather [hbm4b:s24+s2], $0x400, $0x38;
	[tilespmem:$0x1A200] =	vst v63  }
0x2eb: {  	s5 =	spop (v2sf)  }
0x2ec: {  	s24 =	sand.u32 $0x1FFFFF80, s5  }
0x2ed: {  	s5 =	simm.s32 $0x8E00;
	s24 =	sadd.s32 s1, s24  }
0x2ee: {  	(v2sf) =	vpush v17, $0x6;
	[tilespmem:s5], [sflag:$0x2] =	stream.linear.gather [hbm4b:s24+s2], $0x400, $0x38;
	[tilespmem:$0x1A200] =	vst v63  }
0x2ef: {  	s24 =	sadd.s32 $0xF4280, s24;
	s5 =	simm.s32 $0xCE00  }
0x2f0: {  	[tilespmem:s5], [sflag:$0x2] =	stream.linear.gather [hbm4b:s24+s2], $0x400, $0x38;
	[tilespmem:$0x1A200] =	vst v63  }
0x2f1: {  	s5 =	spop (v2sf)  }
0x2f2: {  	s24 =	sand.u32 $0x1FFFFF80, s5  }
0x2f3: {  	s5 =	simm.s32 $0x9200;
	s24 =	sadd.s32 s1, s24  }
0x2f4: {  	(v2sf) =	vpush v17, $0x7;
	[tilespmem:s5], [sflag:$0x2] =	stream.linear.gather [hbm4b:s24+s2], $0x400, $0x38;
	[tilespmem:$0x1A200] =	vst v63  }
0x2f5: {  	s24 =	sadd.s32 $0xF4280, s24;
	s5 =	simm.s32 $0xD200  }
0x2f6: {  	[tilespmem:s5], [sflag:$0x2] =	stream.linear.gather [hbm4b:s24+s2], $0x400, $0x38;
	[tilespmem:$0x1A200] =	vst v63  }
0x2f7: {  	s5 =	spop (v2sf)  }
0x2f8: {  	s24 =	sand.u32 $0x1FFFFF80, s5  }
0x2f9: {  	s5 =	simm.s32 $0x9600;
	s24 =	sadd.s32 s1, s24  }
0x2fa: {  	(v2sf) =	vpush v17, $0x8;
	[tilespmem:s5], [sflag:$0x2] =	stream.linear.gather [hbm4b:s24+s2], $0x400, $0x38;
	[tilespmem:$0x1A200] =	vst v63  }
0x2fb: {  	s24 =	sadd.s32 $0xF4280, s24;
	s5 =	simm.s32 $0xD600  }
0x2fc: {  	[tilespmem:s5], [sflag:$0x2] =	stream.linear.gather [hbm4b:s24+s2], $0x400, $0x38;
	[tilespmem:$0x1A200] =	vst v63  }
0x2fd: {  	s5 =	spop (v2sf)  }
0x2fe: {  	s24 =	sand.u32 $0x1FFFFF80, s5  }
0x2ff: {  	s5 =	simm.s32 $0x9A00;
	s24 =	sadd.s32 s1, s24  }
0x300: {  	(v2sf) =	vpush v17, $0x9;
	[tilespmem:s5], [sflag:$0x2] =	stream.linear.gather [hbm4b:s24+s2], $0x400, $0x38;
	[tilespmem:$0x1A200] =	vst v63  }
0x301: {  	s24 =	sadd.s32 $0xF4280, s24;
	s5 =	simm.s32 $0xDA00  }
0x302: {  	[tilespmem:s5], [sflag:$0x2] =	stream.linear.gather [hbm4b:s24+s2], $0x400, $0x38;
	[tilespmem:$0x1A200] =	vst v63  }
0x303: {  	s5 =	spop (v2sf)  }
0x304: {  	s24 =	sand.u32 $0x1FFFFF80, s5  }
0x305: {  	s5 =	simm.s32 $0x9E00;
	s24 =	sadd.s32 s1, s24  }
0x306: {  	(v2sf) =	vpush v17, $0xA;
	[tilespmem:s5], [sflag:$0x2] =	stream.linear.gather [hbm4b:s24+s2], $0x400, $0x38;
	[tilespmem:$0x1A200] =	vst v63  }
0x307: {  	s24 =	sadd.s32 $0xF4280, s24;
	s5 =	simm.s32 $0xDE00  }
0x308: {  	[tilespmem:s5], [sflag:$0x2] =	stream.linear.gather [hbm4b:s24+s2], $0x400, $0x38;
	[tilespmem:$0x1A200] =	vst v63  }
0x309: {  	s5 =	spop (v2sf)  }
0x30a: {  	s24 =	sand.u32 $0x1FFFFF80, s5  }
0x30b: {  	s5 =	simm.s32 $0xA200;
	s24 =	sadd.s32 s1, s24  }
0x30c: {  	(v2sf) =	vpush v17, $0xB;
	[tilespmem:s5], [sflag:$0x2] =	stream.linear.gather [hbm4b:s24+s2], $0x400, $0x38;
	[tilespmem:$0x1A200] =	vst v63  }
0x30d: {  	s24 =	sadd.s32 $0xF4280, s24;
	s5 =	simm.s32 $0xE200  }
0x30e: {  	[tilespmem:s5], [sflag:$0x2] =	stream.linear.gather [hbm4b:s24+s2], $0x400, $0x38;
	[tilespmem:$0x1A200] =	vst v63  }
0x30f: {  	s5 =	spop (v2sf)  }
0x310: {  	s24 =	sand.u32 $0x1FFFFF80, s5  }
0x311: {  	s5 =	simm.s32 $0xA600;
	s24 =	sadd.s32 s1, s24  }
0x312: {  	(v2sf) =	vpush v17, $0xC;
	[tilespmem:s5], [sflag:$0x2] =	stream.linear.gather [hbm4b:s24+s2], $0x400, $0x38;
	[tilespmem:$0x1A200] =	vst v63  }
0x313: {  	s24 =	sadd.s32 $0xF4280, s24;
	s5 =	simm.s32 $0xE600  }
0x314: {  	[tilespmem:s5], [sflag:$0x2] =	stream.linear.gather [hbm4b:s24+s2], $0x400, $0x38;
	[tilespmem:$0x1A200] =	vst v63  }
0x315: {  	s5 =	spop (v2sf)  }
0x316: {  	s24 =	sand.u32 $0x1FFFFF80, s5  }
0x317: {  	s5 =	simm.s32 $0xAA00;
	s24 =	sadd.s32 s1, s24  }
0x318: {  	(v2sf) =	vpush v17, $0xD;
	[tilespmem:s5], [sflag:$0x2] =	stream.linear.gather [hbm4b:s24+s2], $0x400, $0x38;
	[tilespmem:$0x1A200] =	vst v63  }
0x319: {  	s24 =	sadd.s32 $0xF4280, s24;
	s5 =	simm.s32 $0xEA00  }
0x31a: {  	[tilespmem:s5], [sflag:$0x2] =	stream.linear.gather [hbm4b:s24+s2], $0x400, $0x38;
	[tilespmem:$0x1A200] =	vst v63  }
0x31b: {  	s5 =	spop (v2sf)  }
0x31c: {  	s24 =	sand.u32 $0x1FFFFF80, s5  }
0x31d: {  	s5 =	simm.s32 $0xAE00;
	s24 =	sadd.s32 s1, s24  }
0x31e: {  	(v2sf) =	vpush v17, $0xE;
	[tilespmem:s5], [sflag:$0x2] =	stream.linear.gather [hbm4b:s24+s2], $0x400, $0x38;
	[tilespmem:$0x1A200] =	vst v63  }
0x31f: {  	s24 =	sadd.s32 $0xF4280, s24  }
0x320: {  	[tilespmem:s16], [sflag:$0x2] =	stream.linear.gather [hbm4b:s24+s2], $0x400, $0x38;
	[tilespmem:$0x1A200] =	vst v63  }
0x321: {  	s5 =	spop (v2sf)  }
0x322: {  	s24 =	sand.u32 $0x1FFFFF80, s5  }
0x323: {  	s24 =	sadd.s32 s1, s24  }
0x324: {  	(v2sf) =	vpush v17, $0xF;
	[tilespmem:s29], [sflag:$0x2] =	stream.linear.gather [hbm4b:s24+s2], $0x400, $0x38;
	[tilespmem:$0x1A200] =	vst v63  }
0x325: {  	s24 =	sadd.s32 $0xF4280, s24  }
0x326: {  	[tilespmem:s31], [sflag:$0x2] =	stream.linear.gather [hbm4b:s24+s2], $0x400, $0x38;
	[tilespmem:$0x1A200] =	vst v63  }
0x327: {  	s5 =	spop (v2sf)  }
0x328: {  	s24 =	sand.u32 $0x1FFFFF80, s5  }
0x329: {  	s24 =	sadd.s32 s1, s24  }
0x32a: {  	[tilespmem:s0], [sflag:$0x2] =	stream.linear.gather [hbm4b:s24+s2], $0x400, $0x38;
	[tilespmem:$0x1A200] =	vst v63  }
0x32b: {  	s24 =	sadd.s32 $0xF4280, s24  }
0x32c: {  	[tilespmem:s3], [sflag:$0x2] =	stream.linear.gather [hbm4b:s24+s2], $0x400, $0x38;
	[tilespmem:$0x1A200] =	vst v63  }
0x32d: {  	s5 =	spop (v2sf)  }
0x32e: {  	s24 =	sand.u32 $0x1FFFFF80, s5  }
0x32f: {  	s24 =	sadd.s32 s1, s24  }
0x330: {  	[tilespmem:s15], [sflag:$0x2] =	stream.linear.gather [hbm4b:s24+s2], $0x400, $0x38;
	[tilespmem:$0x1A200] =	vst v63  }
0x331: {  	s24 =	sadd.s32 $0xF4280, s24  }
0x332: {  	[tilespmem:s28], [sflag:$0x2] =	stream.linear.gather [hbm4b:s24+s2], $0x400, $0x38;
	[tilespmem:$0x1A200] =	vst v63  }
0x333: {  	p0 =	sne.s32 s23, $0x1D0;
	s5 =	spop (v2sf)  }
.Ltmp0:
0x334: {  	s24 =	sand.u32 $0x1FFFFF80, s5;
	(pc) =	sbr.rel @p0 .LBB2_2-.Ltmp0, $4  }
0x335: {  	s24 =	sadd.s32 s1, s24  }
0x336: {  	[tilespmem:s30], [sflag:$0x2] =	stream.linear.gather [hbm4b:s24+s2], $0x400, $0x38;
	[tilespmem:$0x1A200] =	vst v63  }
0x337: {  	s23 =	sadd.s32 $0x30, s23;
	s22 =	sadd.s32 $0x30, s22;
	s24 =	sadd.s32 $0xF4280, s24  }
0x338: {  	[tilespmem:s4], [sflag:$0x2] =	stream.linear.gather [hbm4b:s24+s2], $0x400, $0x38;
	[tilespmem:$0x1A200] =	vst v63  }
0x339: {  	_ =	swait.ge [sflag:s17], $0x8000  }
0x33a: {  	[sflag:s17] =	ssyncset.done $0x0  }
0x33b: {  	[sflag:s17] =	ssyncadd.s32 $0xFFFF8000  }
0x33c: {  	v17 =	vld [tilespmem:$0x1E0];
	_ =	sdelay $0x4  }
0x33d: {  	v17 =	vand.u32 $0x7F, v17  }
0x33e: {  	v18 =	vor.u32 v1, v17  }
0x33f: {  	v19 =	vor.u32 v2, v17  }
0x340: {  	v20 =	vor.u32 v3, v17  }
0x341: {  	v21 =	vor.u32 v4, v17  }
0x342: {  	v22 =	vor.u32 v5, v17  }
0x343: {  	v23 =	vor.u32 v6, v17;
	v18 =	vld.idx.msk [tilespmem:v18+s8+$0x0], $0xffff  }
0x344: {  	v24 =	vor.u32 v7, v17;
	v19 =	vld.idx.msk [tilespmem:v19+s8+$0x0], $0xffff  }
0x345: {  	v25 =	vor.u32 v8, v17;
	v20 =	vld.idx.msk [tilespmem:v20+s8+$0x0], $0xffff  }
0x346: {  	v26 =	vor.u32 v9, v17;
	v21 =	vld.idx.msk [tilespmem:v21+s8+$0x0], $0xffff  }
0x347: {  	v27 =	vor.u32 v10, v17;
	v22 =	vld.idx.msk [tilespmem:v22+s8+$0x0], $0xffff  }
0x348: {  	v28 =	vor.u32 v11, v17;
	v23 =	vld.idx.msk [tilespmem:v23+s8+$0x0], $0xffff  }
0x349: {  	v29 =	vor.u32 v12, v17;
	v24 =	vld.idx.msk [tilespmem:v24+s8+$0x0], $0xffff;
	v30 =	vmax.f32 v18, v19  }
0x34a: {  	v31 =	vor.u32 v13, v17;
	v25 =	vld.idx.msk [tilespmem:v25+s8+$0x0], $0xffff;
	v30 =	vmax.f32 v30, v20  }
0x34b: {  	v32 =	vor.u32 v14, v17;
	v26 =	vld.idx.msk [tilespmem:v26+s8+$0x0], $0xffff;
	v30 =	vmax.f32 v30, v21  }
0x34c: {  	v33 =	vor.u32 v15, v17;
	v27 =	vld.idx.msk [tilespmem:v27+s8+$0x0], $0xffff;
	v30 =	vmax.f32 v30, v22  }
0x34d: {  	v17 =	vor.u32 v16, v17;
	v28 =	vld.idx.msk [tilespmem:v28+s8+$0x0], $0xffff;
	v30 =	vmax.f32 v30, v23  }
0x34e: {  	v29 =	vld.idx.msk [tilespmem:v29+s8+$0x0], $0xffff;
	v30 =	vmax.f32 v30, v24  }
0x34f: {  	v31 =	vld.idx.msk [tilespmem:v31+s8+$0x0], $0xffff;
	v30 =	vmax.f32 v30, v25  }
0x350: {  	v32 =	vld.idx.msk [tilespmem:v32+s8+$0x0], $0xffff;
	v30 =	vmax.f32 v30, v26  }
0x351: {  	v33 =	vld.idx.msk [tilespmem:v33+s8+$0x0], $0xffff;
	v30 =	vmax.f32 v30, v27  }
0x352: {  	v17 =	vld.idx.msk [tilespmem:v17+s8+$0x0], $0xffff;
	v30 =	vmax.f32 v30, v28  }
0x353: {  	v30 =	vmax.f32 v30, v29  }
0x354: {  	v30 =	vmax.f32 v30, v31  }
0x355: {  	v30 =	vmax.f32 v30, v32  }
0x356: {  	v30 =	vmax.f32 v30, v33  }
0x357: {  	v30 =	vmax.f32 v30, v17  }
0x358: {  	v18 =	vsub.f32 v18, v30  }
0x359: {  	v19 =	vsub.f32 v19, v30  }
0x35a: {  	v18 =	vmul.f32 $1.442695020e+00, v18  }
0x35b: {  	v20 =	vsub.f32 v20, v30;
	v19 =	vmul.f32 $1.442695020e+00, v19  }
0x35c: {  	(erf) = vpow2.f32 v18  }
0x35d: {  	v18 =	vmul.f32 $1.442695020e+00, v20;
	(erf) = vpow2.f32 v19;
	v19 =	vsub.f32 v21, v30;
	_ =	sdelay $0x1  }
0x35e: {  	(erf) = vpow2.f32 v18;
	v18 =	vmul.f32 $1.442695020e+00, v19;
	v19 =	vsub.f32 v22, v30;
	_ =	sdelay $0x1  }
0x35f: {  	(erf) = vpow2.f32 v18;
	v18 =	vmul.f32 $1.442695020e+00, v19;
	v19 =	vsub.f32 v23, v30;
	_ =	sdelay $0x1  }
0x360: {  	(erf) = vpow2.f32 v18;
	v18 =	vmul.f32 $1.442695020e+00, v19;
	v19 =	vsub.f32 v24, v30;
	_ =	sdelay $0x1  }
0x361: {  	v62 =	vsub.f32 v25, v30  }
0x362: {  	v63 =	vpop (erf);
	(erf) = vpow2.f32 v18;
	v18 =	vmul.f32 $1.442695020e+00, v19  }
0x363: {  	v20 =	vmul.f32 $1.442695020e+00, v62;
	v19 =	vpop (erf)  }
0x364: {  	(erf) = vpow2.f32 v18;
	v18 =	vsub.f32 v26, v30;
	v40 =	vadd.f32 v19, v63  }
0x365: {  	v42 =	vsub.f32 v27, v30;
	v41 =	vpop (erf)  }
0x366: {  	(erf) = vpow2.f32 v20;
	v18 =	vmul.f32 $1.442695020e+00, v18;
	v22 =	vadd.f32 v40, v41  }
0x367: {  	v43 =	vpop (erf)  }
0x368: {  	(erf) = vpow2.f32 v18;
	v18 =	vmul.f32 $1.442695020e+00, v42;
	v45 =	vadd.f32 v22, v43  }
0x369: {  	v44 =	vsub.f32 v28, v30;
	v46 =	vpop (erf)  }
0x36a: {  	(erf) = vpow2.f32 v18;
	v18 =	vsub.f32 v29, v30;
	v20 =	vadd.f32 v45, v46  }
0x36b: {  	v25 =	vmul.f32 $1.442695020e+00, v44;
	v47 =	vpop (erf)  }
0x36c: {  	v48 =	vsub.f32 v31, v30;
	v18 =	vmul.f32 $1.442695020e+00, v18;
	v20 =	vadd.f32 v20, v47  }
0x36d: {  	(erf) = vpow2.f32 v25;
	v49 =	vpop (erf)  }
0x36e: {  	(erf) = vpow2.f32 v18;
	v18 =	vmul.f32 $1.442695020e+00, v48;
	v20 =	vadd.f32 v20, v49  }
0x36f: {  	v50 =	vsub.f32 v32, v30;
	v51 =	vpop (erf)  }
0x370: {  	(erf) = vpow2.f32 v18;
	v18 =	vsub.f32 v33, v30;
	v20 =	vadd.f32 v20, v51  }
0x371: {  	v28 =	vmul.f32 $1.442695020e+00, v50;
	v52 =	vpop (erf)  }
0x372: {  	v18 =	vmul.f32 $1.442695020e+00, v18;
	v20 =	vadd.f32 v20, v52  }
0x373: {  	v17 =	vsub.f32 v17, v30;
	(erf) = vpow2.f32 v28;
	v53 =	vpop (erf)  }
0x374: {  	(erf) = vpow2.f32 v18;
	v18 =	vadd.f32 v20, v53  }
0x375: {  	v17 =	vmul.f32 $1.442695020e+00, v17  }
0x376: {  	v54 =	vpop (erf)  }
0x377: {  	(erf) = vpow2.f32 v17;
	v17 =	vadd.f32 v18, v54  }
0x378: {  	v18 =	vpop (erf)  }
0x379: {  	v17 =	vadd.f32 v17, v18  }
0x37a: {  	v55 =	vpop (erf)  }
0x37b: {  	v17 =	vadd.f32 v17, v55  }
0x37c: {  	v56 =	vpop (erf)  }
0x37d: {  	v17 =	vadd.f32 v17, v56  }
0x37e: {  	v57 =	vpop (erf)  }
0x37f: {  	v17 =	vadd.f32 v17, v57  }
0x380: {  	v58 =	vpop (erf)  }
0x381: {  	v17 =	vadd.f32 v17, v58;
	_ =	sdelay $0x1  }
0x382: {  	(erf) = vrcp.f32 v17;
	_ =	sdelay $0x6  }
0x383: {  	v17 =	vor.u32 $0xC60, v0  }
0x384: {  	v34 =	vor.u32 $0xCE0, v0  }
0x385: {  	v36 =	vor.u32 $0xD60, v0;
	v35 =	vpop (erf)  }
0x386: {  	v37 =	vor.u32 $0xDE0, v0;
	v21 =	vmul.f32 v35, v63  }
0x387: {  	v38 =	vor.u32 $0xE60, v0;
	v19 =	vmul.f32 v35, v19  }
0x388: {  	v59 =	vor.u32 $0xEE0, v0;
	[tilespmem:v17+s18+$0x0] =	vst.idx.msk $0xffff, v21;
	v17 =	vmul.f32 v35, v41  }
0x389: {  	v60 =	vor.u32 $0xF60, v0;
	[tilespmem:v34+s18+$0x0] =	vst.idx.msk $0xffff, v19;
	v19 =	vmul.f32 v35, v43  }
0x38a: {  	v61 =	vor.u32 $0xFE0, v0;
	[tilespmem:v36+s18+$0x0] =	vst.idx.msk $0xffff, v17;
	v17 =	vmul.f32 v35, v46  }
0x38b: {  	v62 =	vor.u32 $0x1C60, v0;
	[tilespmem:v37+s18+$0x0] =	vst.idx.msk $0xffff, v19;
	v19 =	vmul.f32 v35, v47  }
0x38c: {  	v63 =	vor.u32 $0x1CE0, v0;
	[tilespmem:v38+s18+$0x0] =	vst.idx.msk $0xffff, v17;
	v17 =	vmul.f32 v35, v49  }
0x38d: {  	v27 =	vor.u32 $0x1D60, v0;
	[tilespmem:v59+s18+$0x0] =	vst.idx.msk $0xffff, v19;
	v19 =	vmul.f32 v35, v51  }
0x38e: {  	v29 =	vor.u32 $0x1DE0, v0;
	[tilespmem:v60+s18+$0x0] =	vst.idx.msk $0xffff, v17;
	v17 =	vmul.f32 v35, v52  }
0x38f: {  	v34 =	vor.u32 $0x1E60, v0;
	[tilespmem:v61+s18+$0x0] =	vst.idx.msk $0xffff, v19;
	v19 =	vmul.f32 v35, v53  }
0x390: {  	v36 =	vor.u32 $0x1EE0, v0;
	[tilespmem:v62+s18+$0x0] =	vst.idx.msk $0xffff, v17;
	v17 =	vmul.f32 v35, v54  }
0x391: {  	v18 =	vmul.f32 v35, v18;
	[tilespmem:v63+s18+$0x0] =	vst.idx.msk $0xffff, v19;
	v19 =	vor.u32 $0x1F60, v0  }
0x392: {  	v37 =	vor.u32 $0x1FE0, v0;
	[tilespmem:v27+s18+$0x0] =	vst.idx.msk $0xffff, v17;
	v17 =	vmul.f32 v35, v55  }
0x393: {  	[tilespmem:v29+s18+$0x0] =	vst.idx.msk $0xffff, v18;
	v18 =	vmul.f32 v35, v56  }
0x394: {  	[tilespmem:v34+s18+$0x0] =	vst.idx.msk $0xffff, v17;
	v17 =	vmul.f32 v35, v57  }
0x395: {  	[tilespmem:v36+s18+$0x0] =	vst.idx.msk $0xffff, v18;
	v18 =	vmul.f32 v35, v58  }
0x396: {  	[tilespmem:v19+s18+$0x0] =	vst.idx.msk $0xffff, v17  }
0x397: {  	[tilespmem:v37+s18+$0x0] =	vst.idx.msk $0xffff, v18  }
0x398: {  	_ =	swait.ge [sflag:s20], $0x8000  }
0x399: {  	[sflag:s20] =	ssyncset.done $0x0  }
0x39a: {  	[sflag:s20] =	ssyncadd.s32 $0xFFFF8000  }
0x39b: {  	v17 =	vld [tilespmem:$0x1F0];
	_ =	sdelay $0x4  }
0x39c: {  	v17 =	vand.u32 $0x7F, v17  }
0x39d: {  	v18 =	vor.u32 v1, v17  }
0x39e: {  	v19 =	vor.u32 v2, v17  }
0x39f: {  	v38 =	vor.u32 v3, v17  }
0x3a0: {  	v39 =	vor.u32 v4, v17  }
0x3a1: {  	v40 =	vor.u32 v5, v17  }
0x3a2: {  	v41 =	vor.u32 v6, v17;
	v18 =	vld.idx.msk [tilespmem:v18+s12+$0x0], $0xffff  }
0x3a3: {  	v42 =	vor.u32 v7, v17;
	v19 =	vld.idx.msk [tilespmem:v19+s12+$0x0], $0xffff  }
0x3a4: {  	v43 =	vor.u32 v8, v17;
	v20 =	vld.idx.msk [tilespmem:v38+s12+$0x0], $0xffff  }
0x3a5: {  	v44 =	vor.u32 v9, v17;
	v21 =	vld.idx.msk [tilespmem:v39+s12+$0x0], $0xffff  }
0x3a6: {  	v45 =	vor.u32 v10, v17;
	v22 =	vld.idx.msk [tilespmem:v40+s12+$0x0], $0xffff  }
0x3a7: {  	v46 =	vor.u32 v11, v17;
	v23 =	vld.idx.msk [tilespmem:v41+s12+$0x0], $0xffff  }
0x3a8: {  	v47 =	vor.u32 v12, v17;
	v24 =	vld.idx.msk [tilespmem:v42+s12+$0x0], $0xffff;
	v48 =	vmax.f32 v18, v19  }
0x3a9: {  	v49 =	vor.u32 v13, v17;
	v25 =	vld.idx.msk [tilespmem:v43+s12+$0x0], $0xffff;
	v30 =	vmax.f32 v48, v20  }
0x3aa: {  	v50 =	vor.u32 v14, v17;
	v26 =	vld.idx.msk [tilespmem:v44+s12+$0x0], $0xffff;
	v30 =	vmax.f32 v30, v21  }
0x3ab: {  	v51 =	vor.u32 v15, v17;
	v27 =	vld.idx.msk [tilespmem:v45+s12+$0x0], $0xffff;
	v30 =	vmax.f32 v30, v22  }
0x3ac: {  	v17 =	vor.u32 v16, v17;
	v28 =	vld.idx.msk [tilespmem:v46+s12+$0x0], $0xffff;
	v30 =	vmax.f32 v30, v23  }
0x3ad: {  	v29 =	vld.idx.msk [tilespmem:v47+s12+$0x0], $0xffff;
	v30 =	vmax.f32 v30, v24  }
0x3ae: {  	v31 =	vld.idx.msk [tilespmem:v49+s12+$0x0], $0xffff;
	v30 =	vmax.f32 v30, v25  }
0x3af: {  	v32 =	vld.idx.msk [tilespmem:v50+s12+$0x0], $0xffff;
	v30 =	vmax.f32 v30, v26  }
0x3b0: {  	v33 =	vld.idx.msk [tilespmem:v51+s12+$0x0], $0xffff;
	v30 =	vmax.f32 v30, v27  }
0x3b1: {  	v17 =	vld.idx.msk [tilespmem:v17+s12+$0x0], $0xffff;
	v30 =	vmax.f32 v30, v28  }
0x3b2: {  	v30 =	vmax.f32 v30, v29  }
0x3b3: {  	v30 =	vmax.f32 v30, v31  }
0x3b4: {  	v30 =	vmax.f32 v30, v32  }
0x3b5: {  	v30 =	vmax.f32 v30, v33  }
0x3b6: {  	v30 =	vmax.f32 v30, v17  }
0x3b7: {  	v18 =	vsub.f32 v18, v30  }
0x3b8: {  	v19 =	vsub.f32 v19, v30  }
0x3b9: {  	v18 =	vmul.f32 $1.442695020e+00, v18  }
0x3ba: {  	v20 =	vsub.f32 v20, v30;
	v19 =	vmul.f32 $1.442695020e+00, v19  }
0x3bb: {  	(erf) = vpow2.f32 v18  }
0x3bc: {  	v18 =	vmul.f32 $1.442695020e+00, v20;
	(erf) = vpow2.f32 v19;
	v19 =	vsub.f32 v21, v30;
	_ =	sdelay $0x1  }
0x3bd: {  	(erf) = vpow2.f32 v18;
	v18 =	vmul.f32 $1.442695020e+00, v19;
	v19 =	vsub.f32 v22, v30;
	_ =	sdelay $0x1  }
0x3be: {  	(erf) = vpow2.f32 v18;
	v18 =	vmul.f32 $1.442695020e+00, v19;
	v19 =	vsub.f32 v23, v30;
	_ =	sdelay $0x1  }
0x3bf: {  	(erf) = vpow2.f32 v18;
	v18 =	vmul.f32 $1.442695020e+00, v19;
	v19 =	vsub.f32 v24, v30;
	_ =	sdelay $0x1  }
0x3c0: {  	v52 =	vsub.f32 v25, v30  }
0x3c1: {  	v53 =	vpop (erf);
	(erf) = vpow2.f32 v18;
	v18 =	vmul.f32 $1.442695020e+00, v19  }
0x3c2: {  	v20 =	vmul.f32 $1.442695020e+00, v52;
	v19 =	vpop (erf)  }
0x3c3: {  	(erf) = vpow2.f32 v18;
	v18 =	vsub.f32 v26, v30;
	v54 =	vadd.f32 v19, v53  }
0x3c4: {  	v56 =	vsub.f32 v27, v30;
	v55 =	vpop (erf)  }
0x3c5: {  	(erf) = vpow2.f32 v20;
	v18 =	vmul.f32 $1.442695020e+00, v18;
	v22 =	vadd.f32 v54, v55  }
0x3c6: {  	v57 =	vpop (erf)  }
0x3c7: {  	(erf) = vpow2.f32 v18;
	v18 =	vmul.f32 $1.442695020e+00, v56;
	v59 =	vadd.f32 v22, v57  }
0x3c8: {  	v58 =	vsub.f32 v28, v30;
	v60 =	vpop (erf)  }
0x3c9: {  	(erf) = vpow2.f32 v18;
	v18 =	vsub.f32 v29, v30;
	v20 =	vadd.f32 v59, v60  }
0x3ca: {  	v25 =	vmul.f32 $1.442695020e+00, v58;
	v61 =	vpop (erf)  }
0x3cb: {  	v62 =	vsub.f32 v31, v30;
	v18 =	vmul.f32 $1.442695020e+00, v18;
	v20 =	vadd.f32 v20, v61  }
0x3cc: {  	(erf) = vpow2.f32 v25;
	v63 =	vpop (erf)  }
0x3cd: {  	(erf) = vpow2.f32 v18;
	v18 =	vmul.f32 $1.442695020e+00, v62;
	v20 =	vadd.f32 v20, v63  }
0x3ce: {  	v40 =	vsub.f32 v32, v30;
	v41 =	vpop (erf)  }
0x3cf: {  	(erf) = vpow2.f32 v18;
	v18 =	vsub.f32 v33, v30;
	v20 =	vadd.f32 v20, v41  }
0x3d0: {  	v28 =	vmul.f32 $1.442695020e+00, v40;
	v42 =	vpop (erf)  }
0x3d1: {  	v18 =	vmul.f32 $1.442695020e+00, v18;
	v20 =	vadd.f32 v20, v42  }
0x3d2: {  	v17 =	vsub.f32 v17, v30;
	(erf) = vpow2.f32 v28;
	v43 =	vpop (erf)  }
0x3d3: {  	(erf) = vpow2.f32 v18;
	v18 =	vadd.f32 v20, v43  }
0x3d4: {  	v17 =	vmul.f32 $1.442695020e+00, v17  }
0x3d5: {  	v44 =	vpop (erf)  }
0x3d6: {  	(erf) = vpow2.f32 v17;
	v17 =	vadd.f32 v18, v44  }
0x3d7: {  	v18 =	vpop (erf)  }
0x3d8: {  	v17 =	vadd.f32 v17, v18  }
0x3d9: {  	v45 =	vpop (erf)  }
0x3da: {  	v17 =	vadd.f32 v17, v45  }
0x3db: {  	v46 =	vpop (erf)  }
0x3dc: {  	v17 =	vadd.f32 v17, v46  }
0x3dd: {  	v47 =	vpop (erf)  }
0x3de: {  	v17 =	vadd.f32 v17, v47  }
0x3df: {  	v48 =	vpop (erf)  }
0x3e0: {  	v17 =	vadd.f32 v17, v48;
	_ =	sdelay $0x1  }
0x3e1: {  	(erf) = vrcp.f32 v17;
	_ =	sdelay $0x6  }
0x3e2: {  	v17 =	vor.u32 $0xC70, v0  }
0x3e3: {  	v49 =	vor.u32 $0xCF0, v0  }
0x3e4: {  	v51 =	vor.u32 $0xD70, v0;
	v50 =	vpop (erf)  }
0x3e5: {  	v52 =	vor.u32 $0xDF0, v0;
	v21 =	vmul.f32 v50, v53  }
0x3e6: {  	v19 =	vmul.f32 v50, v19;
	v53 =	vor.u32 $0xE70, v0  }
0x3e7: {  	v54 =	vor.u32 $0xEF0, v0;
	[tilespmem:v17+s18+$0x0] =	vst.idx.msk $0xffff, v21;
	v17 =	vmul.f32 v50, v55  }
0x3e8: {  	v55 =	vor.u32 $0xF70, v0;
	[tilespmem:v49+s18+$0x0] =	vst.idx.msk $0xffff, v19;
	v19 =	vmul.f32 v50, v57  }
0x3e9: {  	v56 =	vor.u32 $0xFF0, v0;
	[tilespmem:v51+s18+$0x0] =	vst.idx.msk $0xffff, v17;
	v17 =	vmul.f32 v50, v60  }
0x3ea: {  	v57 =	vor.u32 $0x1C70, v0;
	[tilespmem:v52+s18+$0x0] =	vst.idx.msk $0xffff, v19;
	v19 =	vmul.f32 v50, v61  }
0x3eb: {  	v58 =	vor.u32 $0x1CF0, v0;
	[tilespmem:v53+s18+$0x0] =	vst.idx.msk $0xffff, v17;
	v17 =	vmul.f32 v50, v63  }
0x3ec: {  	v59 =	vor.u32 $0x1D70, v0;
	[tilespmem:v54+s18+$0x0] =	vst.idx.msk $0xffff, v19;
	v19 =	vmul.f32 v50, v41  }
0x3ed: {  	v60 =	vor.u32 $0x1DF0, v0;
	[tilespmem:v55+s18+$0x0] =	vst.idx.msk $0xffff, v17;
	v17 =	vmul.f32 v50, v42  }
0x3ee: {  	v61 =	vor.u32 $0x1E70, v0;
	[tilespmem:v56+s18+$0x0] =	vst.idx.msk $0xffff, v19;
	v19 =	vmul.f32 v50, v43  }
0x3ef: {  	v62 =	vor.u32 $0x1EF0, v0;
	[tilespmem:v57+s18+$0x0] =	vst.idx.msk $0xffff, v17;
	v17 =	vmul.f32 v50, v44  }
0x3f0: {  	v18 =	vmul.f32 v50, v18;
	[tilespmem:v58+s18+$0x0] =	vst.idx.msk $0xffff, v19;
	v19 =	vor.u32 $0x1F70, v0  }
0x3f1: {  	v63 =	vor.u32 $0x1FF0, v0;
	[tilespmem:v59+s18+$0x0] =	vst.idx.msk $0xffff, v17;
	v17 =	vmul.f32 v50, v45  }
0x3f2: {  	[tilespmem:v60+s18+$0x0] =	vst.idx.msk $0xffff, v18;
	v18 =	vmul.f32 v50, v46  }
0x3f3: {  	[tilespmem:v61+s18+$0x0] =	vst.idx.msk $0xffff, v17;
	v17 =	vmul.f32 v50, v47  }
0x3f4: {  	s22 =	sld [smem:$0x7F8];
	[tilespmem:v62+s18+$0x0] =	vst.idx.msk $0xffff, v18;
	v18 =	vmul.f32 v50, v48  }
0x3f5: {  	[tilespmem:v19+s18+$0x0] =	vst.idx.msk $0xffff, v17  }
0x3f6: {  	s0 =	simm.s32 $0x1000;
	s3 =	simm.s32 $0x20000;
	s23 =	simm.s32 $0x4;
	[tilespmem:v63+s18+$0x0] =	vst.idx.msk $0xffff, v18  }
0x3f7: {  	[hbm4b:s22+s0] =	stream.strided.scatter [tilespmem:s18], [sflag:$0x4], $0x2000, s3, s0, $0x38;
	[tilespmem:$0x1A200] =	vst v63  }
0x3f8: {  	_ =	swait.ge [sflag:s23], $0x2000  }
0x3f9: {  	s22 =	sld [smem:$0x7FD]  }
0x3fa: {  	s24 =	sld [smem:$0x7F9]  }
0x3fb: {  	s28 =	simm.s32 $0xA00;
	s29 =	simm.s32 $0x4A00;
	s30 =	simm.s32 $0xE00  }
0x3fc: {  	s31 =	simm.s32 $0x4E00;
	s14 =	simm.s32 $0x2600;
	s0 =	sadd.s32 $0x1, s22  }
0x3fd: {  	s15 =	simm.s32 $0x6600;
	s4 =	simm.s32 $0x6A00;
	p0 =	sne.s32 s0, s24  }
.Ltmp1:
0x3fe: {  	s5 =	simm.s32 $0x2E00;
	s6 =	simm.s32 $0x6E00;
	(pc) =	sbr.rel @p0 .LBB2_1-.Ltmp1, $4  }
0x3ff: {  	s7 =	simm.s32 $0x3200;
	s9 =	simm.s32 $0x7200;
	s10 =	simm.s32 $0x3600  }
0x400: {  	s11 =	simm.s32 $0x7600;
	s13 =	simm.s32 $0x3A00;
	[sflag:s23] =	ssyncset.done $0x0  }
0x401: {  	s16 =	simm.s32 $0x7A00;
	s3 =	simm.s32 $0x2A00;
	[sflag:s23] =	ssyncadd.s32 $0xFFFFE000  }
0x402: {  	[smem:$0x7FD] =	sst s0;
	s24 =	simm.s32 $0x4600;
	s0 =	simm.s32 $0x6200  }
0x403: {  	_ =	sfence.sel $0x180000  }
0x404: {  	[bflag:$0x0] =	sbarrier.arrive $0xFFFF  }
0x405: {  	_ =	strace $0x90000047  }
0x406: {  	s0 =	stileid.u32;
	[bflag:$0x2] =	sbarrier.arrive $0xFFFF  }
0x407: {  	p0 =	sne.s32 s0, $0x0;
	s0 =	rddreg [dreg:$0x3]  }
0x408: {  	s0 =	sadd.s32 @!p0 $0x100000, s0  }
0x409: {  	[sflag:s0] =	ssyncadd.tile.s32 @!p0 $0x1;
	_ =	shalt  }
.Lfunc_end2:
_tile_overlayer_lowered:
.L_overlay_start_2:
0x40a: {  	(tag) =	ssettag $0x2  }
0x40b: {  	s0 =	rddreg [dreg:$0x0];
	s2 =	stileid.u32  }
0x40c: {  	s1 =	rddreg [dreg:$0x1];
	p0 =	sne.s32 s2, $0x0  }
0x40d: {  	s3 =	rddreg [dreg:$0x2];
	[bflag:$0x3] =	sbarrier.arrive $0xFFFF;
	s2 =	simm.s32 @!p0 $0x1C04  }
0x40e: {  	[timem:s3], [sflag:s2] =	dma.local @!p0 [hbm:s0], s1  }
0x40f: {  	s0 =	simm.s32 @!p0 $0x4  }
0x410: {  	_ =	swait.ge @!p0 [sflag:s0], s1  }
0x411: {  	s1 =	ssub.s32 @!p0 $0x0, s1;
	[sflag:s0] =	ssyncset.done @!p0 $0x0  }
0x412: {  	[sflag:s0] =	ssyncadd.s32 @!p0 s1  }
0x413: {  	[bflag:$0x3] =	sbarrier.arrive $0xFFFF  }
0x414: {  	_ =	shalt  }

</sc_bundles>
